<compile_context>
chip_gen: v7x
topology: tpu7x:2x2x1
jax: 0.10.2.dev20260603
libtpu: 0.0.44.dev20260713+nightly
codegen_flags: <defaults>
</compile_context>

<pallas_src>
import functools

import jax
import jax.numpy as jnp
from jax import lax
from jax.experimental import pallas as pl
from jax.experimental.pallas import tpu as pltpu
from jax.experimental.pallas import tpu_sc as plsc

_LAYERS = [(256, 128, 4), (512, 128, 4), (512, 128, 4), (512, 256, 1)]
_KN = 40
_EB = 64
_NW = 32



def _mm(x, w, bm):
    m, k = x.shape
    f = w.shape[1]
    assert m % bm == 0

    def body(x_ref, w_ref, o_ref):
        o_ref[...] = jnp.dot(x_ref[...], w_ref[...],
                             preferred_element_type=jnp.float32)

    return pl.pallas_call(
        body,
        grid=(m // bm,),
        in_specs=[
            pl.BlockSpec((bm, k), lambda i: (i, 0)),
            pl.BlockSpec((k, f), lambda i: (0, 0)),
        ],
        out_specs=pl.BlockSpec((bm, f), lambda i: (i, 0)),
        out_shape=jax.ShapeDtypeStruct((m, f), jnp.float32),
    )(x, w)


def _bias_act(x, b, act, bm):
    m, f = x.shape

    def body(x_ref, b_ref, o_ref):
        t = x_ref[...] + b_ref[...]
        if act == "elu":
            t = jnp.where(t > 0, t, jnp.exp(jnp.minimum(t, 0.0)) - 1.0)
        elif act == "relu":
            t = jnp.maximum(t, 0.0)
        o_ref[...] = t

    return pl.pallas_call(
        body,
        grid=(m // bm,),
        in_specs=[
            pl.BlockSpec((bm, f), lambda i: (i, 0)),
            pl.BlockSpec((1, f), lambda i: (0, 0)),
        ],
        out_specs=pl.BlockSpec((bm, f), lambda i: (i, 0)),
        out_shape=jax.ShapeDtypeStruct((m, f), jnp.float32),
    )(x, b.reshape(1, f))



def _lane_iota():
    return lax.broadcasted_iota(jnp.int32, (16,), 0)


def _bfly_max(v):
    iot = _lane_iota()
    for sh in (8, 4, 2, 1):
        v = jnp.maximum(v, jnp.take(v, (iot + sh) % 16))
    return v


def _bfly_sum(v):
    iot = _lane_iota()
    for sh in (8, 4, 2, 1):
        v = v + jnp.take(v, (iot + sh) % 16)
    return v


def _ext_i32_dyn(vec_i32, lane):
    vf = jnp.where(_lane_iota() == lane, vec_i32.astype(jnp.float32),
                   jnp.float32(-1e30))
    return _bfly_max(vf)[0].astype(jnp.int32)


@functools.partial(jax.jit, static_argnames=("h", "c", "n", "e"))
def _gat_edge_sc(xl, xr_flat, e_flat, src_s, dst_s, c0_arr, nc_arr, att_flat,
                 h, c, n, e):
    f = h * c
    cv = c // 16
    nv = f // 16
    nb = n // _KN
    nblk = (nb + _NW - 1) // _NW
    mesh = plsc.VectorSubcoreMesh(core_axis_name="c", subcore_axis_name="s")

    @functools.partial(
        pl.kernel,
        out_type=jax.ShapeDtypeStruct((n * f,), jnp.float32),
        mesh=mesh,
        scratch_types=[
            pltpu.VMEM((_KN * f,), jnp.float32),
            pltpu.VMEM((_KN * f,), jnp.float32),
            pltpu.VMEM((_EB, f), jnp.float32),
            pltpu.VMEM((_EB * f,), jnp.float32),
            pltpu.VMEM((_KN * 16,), jnp.float32),
            pltpu.VMEM((_KN * 16,), jnp.float32),
            pltpu.VMEM((_EB,), jnp.int32),
            pltpu.VMEM((_EB + 16,), jnp.int32),
            pltpu.VMEM((f,), jnp.float32),
            pltpu.VMEM((32,), jnp.int32),
            pltpu.VMEM((32,), jnp.int32),
            pltpu.SemaphoreType.DMA,
            pltpu.SemaphoreType.DMA,
            pltpu.SemaphoreType.DMA,
        ],
    )
    def kern(xl_hbm, xr_hbm, e_hbm, src_hbm, dst_hbm, c0_hbm, nc_hbm, att_hbm,
             out_hbm, acc, xrb, xlc, ec, mx, dn, srcv, dstv, attv, c0v, ncv,
             sem_i, sem_e, sem_g):
        wid = lax.axis_index("s") * 2 + lax.axis_index("c")
        pltpu.sync_copy(att_hbm, attv)

        def do_block(b):
            n0 = b * _KN
            base = pl.multiple_of((b // 16) * 16, 8)
            pltpu.sync_copy(c0_hbm.at[pl.ds(base, 16)], c0v.at[pl.ds(0, 16)])
            pltpu.sync_copy(nc_hbm.at[pl.ds(base, 16)], ncv.at[pl.ds(0, 16)])
            lane_b = b - base
            c0 = jnp.clip(c0v[pl.ds(lane_b, 16)][0], 0, e // _EB - 1)
            nc = jnp.clip(ncv[pl.ds(lane_b, 16)][0], 0, e // _EB - c0)
            pltpu.sync_copy(
                xr_hbm.at[pl.ds(pl.multiple_of(n0 * f, 8), _KN * f)], xrb)

            def zero_acc(i, carry):
                acc[pl.ds(i * 16, 16)] = jnp.zeros((16,), jnp.float32)
                return carry
            lax.fori_loop(0, _KN * nv, zero_acc, 0)

            def zero_md(i, carry):
                mx[pl.ds(i * 16, 16)] = jnp.full((16,), -1e30, jnp.float32)
                dn[pl.ds(i * 16, 16)] = jnp.zeros((16,), jnp.float32)
                return carry
            lax.fori_loop(0, _KN, zero_md, 0)

            def chunk_body(kk, carry):
                eb0 = pl.multiple_of((c0 + kk) * _EB, 8)
                cp_s = pltpu.async_copy(src_hbm.at[pl.ds(eb0, _EB)], srcv,
                                        sem_i)
                cp_d = pltpu.async_copy(dst_hbm.at[pl.ds(eb0, _EB)],
                                        dstv.at[pl.ds(0, _EB)], sem_i)
                cp_e = pltpu.async_copy(
                    e_hbm.at[pl.ds(pl.multiple_of(eb0 * f, 8), _EB * f)], ec,
                    sem_e)
                cp_s.wait()
                cp_g = pltpu.async_copy(xl_hbm.at[srcv], xlc, sem_g)
                cp_d.wait()
                cp_e.wait()
                cp_g.wait()

                def edge_body(el, carry2):
                    d = dstv[pl.ds(el, 16)][0]
                    loc = d - n0
                    iot = _lane_iota()

                    @pl.when((loc >= 0) & (loc < _KN))
                    def _():
                        rowb = loc * f
                        avec = jnp.full((16,), -1e30, jnp.float32)
                        xlv = []
                        for hh in range(h):
                            ph = jnp.zeros((16,), jnp.float32)
                            for j2 in range(cv):
                                j = hh * cv + j2
                                xv = xlc[el, pl.ds(j * 16, 16)]
                                xlv.append(xv)
                                m = (xv + xrb[pl.ds(rowb + j * 16, 16)]
                                     + ec[pl.ds(el * f + j * 16, 16)])
                                lr = jnp.where(m > 0, m, m * jnp.float32(0.2))
                                ph = ph + lr * attv[pl.ds(j * 16, 16)]
                            tot = _bfly_sum(ph)
                            avec = jnp.where(iot == hh, tot, avec)
                        mv = mx[pl.ds(loc * 16, 16)]
                        nm = jnp.maximum(mv, avec)
                        sc = jnp.exp(mv - nm)
                        w = jnp.exp(avec - nm)
                        dn[pl.ds(loc * 16, 16)] = (
                            dn[pl.ds(loc * 16, 16)] * sc + w)
                        mx[pl.ds(loc * 16, 16)] = nm
                        for hh in range(h):
                            vsc = jnp.full((16,), sc[hh], jnp.float32)
                            vw = jnp.full((16,), w[hh], jnp.float32)
                            for j2 in range(cv):
                                j = hh * cv + j2
                                o = rowb + j * 16
                                acc[pl.ds(o, 16)] = (
                                    acc[pl.ds(o, 16)] * vsc
                                    + xlv[j] * vw)
                    return carry2
                lax.fori_loop(0, _EB, edge_body, 0)
                return carry
            lax.fori_loop(0, nc, chunk_body, 0)

            def fin(nl, carry):
                dnv = dn[pl.ds(nl * 16, 16)]
                inv = jnp.float32(1.0) / (dnv + jnp.float32(1e-16))
                for hh in range(h):
                    iv = jnp.full((16,), inv[hh], jnp.float32)
                    for j2 in range(cv):
                        o = nl * f + (hh * cv + j2) * 16
                        acc[pl.ds(o, 16)] = acc[pl.ds(o, 16)] * iv
                return carry
            lax.fori_loop(0, _KN, fin, 0)
            pltpu.sync_copy(
                acc, out_hbm.at[pl.ds(pl.multiple_of(n0 * f, 8), _KN * f)])

        def block_body(kb, carry):
            b = wid + _NW * kb

            @pl.when(b < nb)
            def _():
                do_block(b)
            return carry
        lax.fori_loop(0, nblk, block_body, 0)

    return kern(xl, xr_flat, e_flat, src_s, dst_s, c0_arr, nc_arr, att_flat)



def kernel(inp, edge_index, edge_feats,
           Wl0, Wr0, We0, att0, b0,
           Wl1, Wr1, We1, att1, b1,
           Wl2, Wr2, We2, att2, b2,
           Wl3, Wr3, We3, att3, b3):
    n = inp.shape[0]
    e = edge_index.shape[1]
    nb = n // _KN

    src = edge_index[0].astype(jnp.int32)
    dst = edge_index[1].astype(jnp.int32)
    perm = jnp.argsort(dst)
    src_s = src[perm]
    dst_s = dst[perm]
    ea_s = edge_feats[perm]
    bounds = jnp.searchsorted(
        dst_s, jnp.arange(0, n + 1, _KN, dtype=jnp.int32)).astype(jnp.int32)
    c0 = bounds[:-1] // _EB
    nch = jnp.maximum((bounds[1:] + _EB - 1) // _EB - c0, 0)
    pad = (-nb) % 16
    c0_arr = jnp.concatenate([c0, jnp.zeros((pad,), jnp.int32)])
    nc_arr = jnp.concatenate([nch, jnp.zeros((pad,), jnp.int32)])

    params = [
        (Wl0, Wr0, We0, att0, b0),
        (Wl1, Wr1, We1, att1, b1),
        (Wl2, Wr2, We2, att2, b2),
        (Wl3, Wr3, We3, att3, b3),
    ]
    h = inp
    for i, (din, c, hh) in enumerate(_LAYERS):
        wl, wr, we, att, b = params[i]
        f = hh * c
        xl = _mm(h, wl, 400)
        xr = _mm(h, wr, 400)
        em = _mm(ea_s, we, 2000)
        out_flat = _gat_edge_sc(
            xl, xr.reshape(-1), em.reshape(-1), src_s, dst_s,
            c0_arr, nc_arr, att.reshape(-1), hh, c, n, e)
        h = _bias_act(out_flat.reshape(n, f), b,
                      "elu" if i < 3 else "relu", 400)
    return h

# --- scband reference (transcript-rebuilt; emitter-appended) ---
"""Pipeline reference for scband-gats-8538394985168 (READ-ONLY COPY).

The authoritative reference and input builder live on the scoring server;
editing this copy changes nothing except your own understanding.
"""

import jax, jax.numpy as jnp
import numpy as np

N = 10000
E = 160000
D_IN = 256
D_EDGE = 16
# (in_dim, out_channels, heads) for gat1, two middle GATv2 layers, gat2
LAYERS = [(256, 128, 4), (512, 128, 4), (512, 128, 4), (512, 256, 1)]


def _glorot(key, shape):
    fan_in, fan_out = shape[0], shape[-1]
    s = float(np.sqrt(6.0 / (fan_in + fan_out)))
    return jax.random.uniform(key, shape, dtype=jnp.float32, minval=-s, maxval=s)


def setup_inputs(seed: int = 0) -> dict:
    key = jax.random.key(seed)
    inp = jax.random.normal(jax.random.fold_in(key, 0), (N, D_IN), dtype=jnp.float32)
    edge_index = jax.random.randint(jax.random.fold_in(key, 1), (2, E), 0, N, dtype=jnp.int32)
    edge_feats = jax.random.normal(jax.random.fold_in(key, 2), (E, D_EDGE), dtype=jnp.float32)
    d = {"inp": inp, "edge_index": edge_index, "edge_feats": edge_feats}
    for i, (din, c, h) in enumerate(LAYERS):
        ks = jax.random.split(jax.random.fold_in(key, 10 + i), 4)
        d["Wl%d" % i] = _glorot(ks[0], (din, h * c))
        d["Wr%d" % i] = _glorot(ks[1], (din, h * c))
        d["We%d" % i] = _glorot(ks[2], (D_EDGE, h * c))
        d["att%d" % i] = _glorot(ks[3], (h, c))
        d["b%d" % i] = jnp.zeros((h * c,), dtype=jnp.float32)
    return d


def _gat_layer(x, src, dst, ea, Wl, Wr, We, att, b, H, C):
    # Faithful GATv2Conv: lin_l on source, lin_r on target, lin_edge on edge_attr,
    # alpha = softmax_dst( (leaky_relu(x_l[src] + x_r[dst] + e, 0.2) * att).sum(-1) ),
    # out = scatter_add(alpha * x_l[src], dst), heads concatenated, plus bias.
    n = x.shape[0]
    xl = (x @ Wl).reshape(-1, H, C)
    xr = (x @ Wr).reshape(-1, H, C)
    e = (ea @ We).reshape(-1, H, C)
    m = xl[src] + xr[dst] + e
    a = jnp.sum(jax.nn.leaky_relu(m, 0.2) * att[None], axis=-1)  # [E, H]
    amax = jax.ops.segment_max(a, dst, num_segments=n)
    amax = jnp.where(jnp.isfinite(amax), amax, 0.0)
    ex = jnp.exp(a - amax[dst])
    den = jax.ops.segment_sum(ex, dst, num_segments=n)
    alpha = ex / (den[dst] + 1e-16)
    out = jax.ops.segment_sum(xl[src] * alpha[..., None], dst, num_segments=n)
    return out.reshape(n, H * C) + b


def reference(inp, edge_index, edge_feats,
              Wl0, Wr0, We0, att0, b0,
              Wl1, Wr1, We1, att1, b1,
              Wl2, Wr2, We2, att2, b2,
              Wl3, Wr3, We3, att3, b3):
    p = {
        "Wl0": Wl0, "Wr0": Wr0, "We0": We0, "att0": att0, "b0": b0,
        "Wl1": Wl1, "Wr1": Wr1, "We1": We1, "att1": att1, "b1": b1,
        "Wl2": Wl2, "Wr2": Wr2, "We2": We2, "att2": att2, "b2": b2,
        "Wl3": Wl3, "Wr3": Wr3, "We3": We3, "att3": att3, "b3": b3,
    }
    src, dst = edge_index[0], edge_index[1]
    h = inp
    for i, (din, c, hh) in enumerate(LAYERS):
        h = _gat_layer(h, src, dst, edge_feats, p["Wl%d" % i], p["Wr%d" % i], p["We%d" % i], p["att%d" % i], p["b%d" % i], hh, c)
        if i < len(LAYERS) - 1:
            h = jax.nn.elu(h)  # dropout_rate=0.0 -> identity
        else:
            h = jax.nn.relu(h)
    return h

if __name__ == "__main__":
    import jax
    _d = setup_inputs()
    print(jax.jit(kernel)(*tuple(_d.values())))

</pallas_src>

<mosaic_0001>
#map = affine_map<(d0, d1) -> (0, 0)>
#map1 = affine_map<(d0, d1) -> (0)>
module attributes {stable_mosaic.version = 14 : i64} {
  func.func @kern(%arg0: i32, %arg1: i32, %arg2: memref<10000x512xf32, #tpu.memory_space<hbm>>, %arg3: memref<5120000xf32, #tpu.memory_space<hbm>>, %arg4: memref<81920000xf32, #tpu.memory_space<hbm>>, %arg5: memref<160000xi32, #tpu.memory_space<hbm>>, %arg6: memref<160000xi32, #tpu.memory_space<hbm>>, %arg7: memref<256xi32, #tpu.memory_space<hbm>>, %arg8: memref<256xi32, #tpu.memory_space<hbm>>, %arg9: memref<512xf32, #tpu.memory_space<hbm>>, %arg10: memref<5120000xf32, #tpu.memory_space<hbm>>, %arg11: memref<20480xf32, #tpu.memory_space<vmem>>, %arg12: memref<20480xf32, #tpu.memory_space<vmem>>, %arg13: memref<64x512xf32, #tpu.memory_space<vmem>>, %arg14: memref<32768xf32, #tpu.memory_space<vmem>>, %arg15: memref<640xf32, #tpu.memory_space<vmem>>, %arg16: memref<640xf32, #tpu.memory_space<vmem>>, %arg17: memref<64xi32, #tpu.memory_space<vmem>>, %arg18: memref<80xi32, #tpu.memory_space<vmem>>, %arg19: memref<512xf32, #tpu.memory_space<vmem>>, %arg20: memref<32xi32, #tpu.memory_space<vmem>>, %arg21: memref<32xi32, #tpu.memory_space<vmem>>, %arg22: memref<!tpu.dma_semaphore, #tpu.memory_space<semaphore_mem>>, %arg23: memref<!tpu.dma_semaphore, #tpu.memory_space<semaphore_mem>>, %arg24: memref<!tpu.dma_semaphore, #tpu.memory_space<semaphore_mem>>) attributes {dimension_semantics = [#tpu.dimension_semantics<core_parallel>, #tpu.dimension_semantics<subcore_parallel>], iteration_bounds = array<i64: 2, 16>, scalar_prefetch = 0 : i64, scratch_operands = 14 : i64, tpu.core_type = #tpu.core_type<sc_vector_subcore>, window_params = [{transform_indices = #map}, {transform_indices = #map1}, {transform_indices = #map1}, {transform_indices = #map1}, {transform_indices = #map1}, {transform_indices = #map1}, {transform_indices = #map1}, {transform_indices = #map1}, {transform_indices = #map1}]} {
    %mul3A = arith.constant 2 : i32
    %mul3A_0 = arith.muli %arg1, %mul3A : i32
    %add3A = arith.addi %mul3A_0, %arg0 : i32
    "tpu.region"() ({
      %run_scoped3A = tpu.sem_alloc : memref<!tpu.dma_semaphore, #tpu.memory_space<semaphore_mem>>
      tpu.enqueue_dma source(%arg9 : memref<512xf32, #tpu.memory_space<hbm>>) target(%arg19 : memref<512xf32, #tpu.memory_space<vmem>>) target_semaphore(%run_scoped3A : memref<!tpu.dma_semaphore, #tpu.memory_space<semaphore_mem>>)
      tpu.wait_dma2 semaphore(%run_scoped3A : memref<!tpu.dma_semaphore, #tpu.memory_space<semaphore_mem>>) src(%arg9 : memref<512xf32, #tpu.memory_space<hbm>>) dst(%arg19 : memref<512xf32, #tpu.memory_space<vmem>>)
      tpu.yield
    }) : () -> ()
    %scan3A = arith.constant 0 : i32
    %scan3A_1 = arith.constant 0 : i32
    %scan3A_2 = arith.constant 8 : i32
    %scan3A_3 = arith.addi %scan3A_1, %scan3A_2 : i32
    %scan3A_4 = arith.constant 1 : i32
    scf.for %scan3A_6 = %scan3A_1 to %scan3A_3 step %scan3A_4  : i32 {
      %mul3A_7 = arith.constant 32 : i32
      %mul3A_8 = arith.muli %mul3A_7, %scan3A_6 : i32
      %add3A_9 = arith.addi %add3A, %mul3A_8 : i32
      %lt3A = arith.constant 250 : i32
      %lt3A_10 = arith.cmpi slt, %add3A_9, %lt3A : i32
      %convert_element_type3A = arith.extui %lt3A_10 : i1 to i32
      %cond3A = arith.constant 0 : i32
      %cond3A_11 = arith.cmpi ne, %convert_element_type3A, %cond3A : i32
      scf.if %cond3A_11 {
        %mul3A_12 = arith.constant 40 : i32
        %mul3A_13 = arith.muli %add3A_9, %mul3A_12 : i32
        %jit3A = arith.constant 16 : i32
        %div3A = arith.divsi %add3A_9, %jit3A : i32
        %sign3A = arith.constant 0 : i32
        %sign3A_14 = arith.cmpi sgt, %add3A_9, %sign3A : i32
        %sign3A_15 = arith.extui %sign3A_14 : i1 to i32
        %sign3A_16 = arith.constant 0 : i32
        %sign3A_17 = arith.cmpi slt, %add3A_9, %sign3A_16 : i32
        %sign3A_18 = arith.extui %sign3A_17 : i1 to i32
        %sign3A_19 = arith.subi %sign3A_15, %sign3A_18 : i32
        %sign3A_20 = arith.constant 0 : i32
        %sign3A_21 = arith.cmpi sgt, %jit3A, %sign3A_20 : i32
        %sign3A_22 = arith.extui %sign3A_21 : i1 to i32
        %sign3A_23 = arith.constant 0 : i32
        %sign3A_24 = arith.cmpi slt, %jit3A, %sign3A_23 : i32
        %sign3A_25 = arith.extui %sign3A_24 : i1 to i32
        %sign3A_26 = arith.subi %sign3A_22, %sign3A_25 : i32
        %ne3A = arith.cmpi ne, %sign3A_19, %sign3A_26 : i32
        %rem3A = arith.remsi %add3A_9, %jit3A : i32
        %ne3A_27 = arith.constant 0 : i32
        %ne3A_28 = arith.cmpi ne, %rem3A, %ne3A_27 : i32
        %and3A = arith.andi %ne3A, %ne3A_28 : i1
        %sub3A = arith.constant 1 : i32
        %sub3A_29 = arith.subi %div3A, %sub3A : i32
        %select_n3A = arith.select %and3A, %sub3A_29, %div3A : i32
        %mul3A_30 = arith.constant 16 : i32
        %mul3A_31 = arith.muli %select_n3A, %mul3A_30 : i32
        %multiple_of3A = tpu.assume_multiple %mul3A_31, 8 : i32
        "tpu.region"() ({
          %run_scoped3A = tpu.sem_alloc : memref<!tpu.dma_semaphore, #tpu.memory_space<semaphore_mem>>
          %dma_start3A = arith.constant 0 : i32
          %dma_start3A_80 = tpu.memref_slice %arg20[%dma_start3A] : memref<32xi32, #tpu.memory_space<vmem>> -> memref<16xi32, #tpu.memory_space<vmem>>
          %dma_start3A_81 = tpu.memref_slice %arg7[%multiple_of3A] : memref<256xi32, #tpu.memory_space<hbm>> -> memref<16xi32, #tpu.memory_space<hbm>>
          %dma_start3A_82 = arith.constant 0 : i32
          %dma_start3A_83 = tpu.memref_slice %arg20[%dma_start3A_82] : memref<32xi32, #tpu.memory_space<vmem>> -> memref<16xi32, #tpu.memory_space<vmem>>
          %dma_start3A_84 = tpu.memref_slice %arg7[%multiple_of3A] : memref<256xi32, #tpu.memory_space<hbm>> -> memref<16xi32, #tpu.memory_space<hbm>>
          tpu.enqueue_dma source(%dma_start3A_84 : memref<16xi32, #tpu.memory_space<hbm>>) target(%dma_start3A_83 : memref<16xi32, #tpu.memory_space<vmem>>) target_semaphore(%run_scoped3A : memref<!tpu.dma_semaphore, #tpu.memory_space<semaphore_mem>>)
          %dma_wait3A = arith.constant 0 : i32
          %dma_wait3A_85 = tpu.memref_slice %arg20[%dma_wait3A] : memref<32xi32, #tpu.memory_space<vmem>> -> memref<16xi32, #tpu.memory_space<vmem>>
          %dma_wait3A_86 = tpu.memref_slice %arg7[%multiple_of3A] : memref<256xi32, #tpu.memory_space<hbm>> -> memref<16xi32, #tpu.memory_space<hbm>>
          %dma_wait3A_87 = arith.constant 0 : i32
          %dma_wait3A_88 = tpu.memref_slice %arg20[%dma_wait3A_87] : memref<32xi32, #tpu.memory_space<vmem>> -> memref<16xi32, #tpu.memory_space<vmem>>
          %dma_wait3A_89 = tpu.memref_slice %arg7[%multiple_of3A] : memref<256xi32, #tpu.memory_space<hbm>> -> memref<16xi32, #tpu.memory_space<hbm>>
          tpu.wait_dma2 semaphore(%run_scoped3A : memref<!tpu.dma_semaphore, #tpu.memory_space<semaphore_mem>>) src(%dma_wait3A_89 : memref<16xi32, #tpu.memory_space<hbm>>) dst(%dma_wait3A_88 : memref<16xi32, #tpu.memory_space<vmem>>)
          tpu.yield
        }) : () -> ()
        "tpu.region"() ({
          %run_scoped3A = tpu.sem_alloc : memref<!tpu.dma_semaphore, #tpu.memory_space<semaphore_mem>>
          %dma_start3A = arith.constant 0 : i32
          %dma_start3A_80 = tpu.memref_slice %arg21[%dma_start3A] : memref<32xi32, #tpu.memory_space<vmem>> -> memref<16xi32, #tpu.memory_space<vmem>>
          %dma_start3A_81 = tpu.memref_slice %arg8[%multiple_of3A] : memref<256xi32, #tpu.memory_space<hbm>> -> memref<16xi32, #tpu.memory_space<hbm>>
          %dma_start3A_82 = arith.constant 0 : i32
          %dma_start3A_83 = tpu.memref_slice %arg21[%dma_start3A_82] : memref<32xi32, #tpu.memory_space<vmem>> -> memref<16xi32, #tpu.memory_space<vmem>>
          %dma_start3A_84 = tpu.memref_slice %arg8[%multiple_of3A] : memref<256xi32, #tpu.memory_space<hbm>> -> memref<16xi32, #tpu.memory_space<hbm>>
          tpu.enqueue_dma source(%dma_start3A_84 : memref<16xi32, #tpu.memory_space<hbm>>) target(%dma_start3A_83 : memref<16xi32, #tpu.memory_space<vmem>>) target_semaphore(%run_scoped3A : memref<!tpu.dma_semaphore, #tpu.memory_space<semaphore_mem>>)
          %dma_wait3A = arith.constant 0 : i32
          %dma_wait3A_85 = tpu.memref_slice %arg21[%dma_wait3A] : memref<32xi32, #tpu.memory_space<vmem>> -> memref<16xi32, #tpu.memory_space<vmem>>
          %dma_wait3A_86 = tpu.memref_slice %arg8[%multiple_of3A] : memref<256xi32, #tpu.memory_space<hbm>> -> memref<16xi32, #tpu.memory_space<hbm>>
          %dma_wait3A_87 = arith.constant 0 : i32
          %dma_wait3A_88 = tpu.memref_slice %arg21[%dma_wait3A_87] : memref<32xi32, #tpu.memory_space<vmem>> -> memref<16xi32, #tpu.memory_space<vmem>>
          %dma_wait3A_89 = tpu.memref_slice %arg8[%multiple_of3A] : memref<256xi32, #tpu.memory_space<hbm>> -> memref<16xi32, #tpu.memory_space<hbm>>
          tpu.wait_dma2 semaphore(%run_scoped3A : memref<!tpu.dma_semaphore, #tpu.memory_space<semaphore_mem>>) src(%dma_wait3A_89 : memref<16xi32, #tpu.memory_space<hbm>>) dst(%dma_wait3A_88 : memref<16xi32, #tpu.memory_space<vmem>>)
          tpu.yield
        }) : () -> ()
        %sub3A_32 = arith.subi %add3A_9, %multiple_of3A : i32
        %get3A = arith.index_cast %sub3A_32 : i32 to index
        %get3A_33 = tpu.vector_load %arg20[%get3A] {strides = array<i32>} : memref<32xi32, #tpu.memory_space<vmem>>, vector<16xi32>,
        %get3A_34 = vector.shape_cast %get3A_33 : vector<16xi32> to vector<16xi32>
        %slice3A = vector.extract_strided_slice %get3A_34 {offsets = [0], sizes = [1], strides = [1]} : vector<16xi32> to vector<1xi32>
        %squeeze3A = vector.extract %slice3A[0] : i32 from vector<1xi32>
        %jit3A_35 = arith.constant 0 : i32
        %jit3A_36 = arith.constant 2499 : i32
        %max3A = arith.maxsi %jit3A_35, %squeeze3A : i32
        %min3A = arith.minsi %jit3A_36, %max3A : i32
        %get3A_37 = arith.index_cast %sub3A_32 : i32 to index
        %get3A_38 = tpu.vector_load %arg21[%get3A_37] {strides = array<i32>} : memref<32xi32, #tpu.memory_space<vmem>>, vector<16xi32>,
        %get3A_39 = vector.shape_cast %get3A_38 : vector<16xi32> to vector<16xi32>
        %slice3A_40 = vector.extract_strided_slice %get3A_39 {offsets = [0], sizes = [1], strides = [1]} : vector<16xi32> to vector<1xi32>
        %squeeze3A_41 = vector.extract %slice3A_40[0] : i32 from vector<1xi32>
        %sub3A_42 = arith.constant 2500 : i32
        %sub3A_43 = arith.subi %sub3A_42, %min3A : i32
        %jit3A_44 = arith.constant 0 : i32
        %max3A_45 = arith.maxsi %jit3A_44, %squeeze3A_41 : i32
        %min3A_46 = arith.minsi %sub3A_43, %max3A_45 : i32
        %mul3A_47 = arith.constant 512 : i32
        %mul3A_48 = arith.muli %mul3A_13, %mul3A_47 : i32
        %multiple_of3A_49 = tpu.assume_multiple %mul3A_48, 8 : i32
        "tpu.region"() ({
          %run_scoped3A = tpu.sem_alloc : memref<!tpu.dma_semaphore, #tpu.memory_space<semaphore_mem>>
          %dma_start3A = tpu.memref_slice %arg3[%multiple_of3A_49] : memref<5120000xf32, #tpu.memory_space<hbm>> -> memref<20480xf32, #tpu.memory_space<hbm>>
          %dma_start3A_80 = tpu.memref_slice %arg3[%multiple_of3A_49] : memref<5120000xf32, #tpu.memory_space<hbm>> -> memref<20480xf32, #tpu.memory_space<hbm>>
          tpu.enqueue_dma source(%dma_start3A_80 : memref<20480xf32, #tpu.memory_space<hbm>>) target(%arg12 : memref<20480xf32, #tpu.memory_space<vmem>>) target_semaphore(%run_scoped3A : memref<!tpu.dma_semaphore, #tpu.memory_space<semaphore_mem>>)
          %dma_wait3A = tpu.memref_slice %arg3[%multiple_of3A_49] : memref<5120000xf32, #tpu.memory_space<hbm>> -> memref<20480xf32, #tpu.memory_space<hbm>>
          %dma_wait3A_81 = tpu.memref_slice %arg3[%multiple_of3A_49] : memref<5120000xf32, #tpu.memory_space<hbm>> -> memref<20480xf32, #tpu.memory_space<hbm>>
          tpu.wait_dma2 semaphore(%run_scoped3A : memref<!tpu.dma_semaphore, #tpu.memory_space<semaphore_mem>>) src(%dma_wait3A_81 : memref<20480xf32, #tpu.memory_space<hbm>>) dst(%arg12 : memref<20480xf32, #tpu.memory_space<vmem>>)
          tpu.yield
        }) : () -> ()
        %scan3A_50 = arith.constant 0 : i32
        %scan3A_51 = arith.constant 0 : i32
        %scan3A_52 = arith.constant 1280 : i32
        %scan3A_53 = arith.addi %scan3A_51, %scan3A_52 : i32
        %scan3A_54 = arith.constant 1 : i32
        scf.for %scan3A_80 = %scan3A_51 to %scan3A_53 step %scan3A_54  : i32 {
          %broadcast_in_dim3A = arith.constant 0.000000e+00 : f32
          %broadcast_in_dim3A_81 = vector.broadcast %broadcast_in_dim3A : f32 to vector<16xf32>
          %mul3A_82 = arith.constant 16 : i32
          %mul3A_83 = arith.muli %scan3A_80, %mul3A_82 : i32
          %swap3A = arith.index_cast %mul3A_83 : i32 to index
          %swap3A_84 = tpu.vector_load %arg11[%swap3A] {strides = array<i32>} : memref<20480xf32, #tpu.memory_space<vmem>>, vector<16xf32>,
          %swap3A_85 = vector.shape_cast %swap3A_84 : vector<16xf32> to vector<16xf32>
          %swap3A_86 = vector.shape_cast %broadcast_in_dim3A_81 : vector<16xf32> to vector<16xf32>
          tpu.vector_store %arg11[%swap3A], %swap3A_86 {strides = array<i32>} : memref<20480xf32, #tpu.memory_space<vmem>>, vector<16xf32>,
        }
        %scan3A_55 = arith.constant 1280 : i32
        %scan3A_56 = arith.constant 0 : i32
        %scan3A_57 = arith.constant 0 : i32
        %scan3A_58 = arith.constant 40 : i32
        %scan3A_59 = arith.addi %scan3A_57, %scan3A_58 : i32
        %scan3A_60 = arith.constant 1 : i32
        scf.for %scan3A_80 = %scan3A_57 to %scan3A_59 step %scan3A_60  : i32 {
          %broadcast_in_dim3A = arith.constant -1.000000e+30 : f32
          %broadcast_in_dim3A_81 = vector.broadcast %broadcast_in_dim3A : f32 to vector<16xf32>
          %mul3A_82 = arith.constant 16 : i32
          %mul3A_83 = arith.muli %scan3A_80, %mul3A_82 : i32
          %swap3A = arith.index_cast %mul3A_83 : i32 to index
          %swap3A_84 = tpu.vector_load %arg15[%swap3A] {strides = array<i32>} : memref<640xf32, #tpu.memory_space<vmem>>, vector<16xf32>,
          %swap3A_85 = vector.shape_cast %swap3A_84 : vector<16xf32> to vector<16xf32>
          %swap3A_86 = vector.shape_cast %broadcast_in_dim3A_81 : vector<16xf32> to vector<16xf32>
          tpu.vector_store %arg15[%swap3A], %swap3A_86 {strides = array<i32>} : memref<640xf32, #tpu.memory_space<vmem>>, vector<16xf32>,
          %broadcast_in_dim3A_87 = arith.constant 0.000000e+00 : f32
          %broadcast_in_dim3A_88 = vector.broadcast %broadcast_in_dim3A_87 : f32 to vector<16xf32>
          %mul3A_89 = arith.constant 16 : i32
          %mul3A_90 = arith.muli %scan3A_80, %mul3A_89 : i32
          %swap3A_91 = arith.index_cast %mul3A_90 : i32 to index
          %swap3A_92 = tpu.vector_load %arg16[%swap3A_91] {strides = array<i32>} : memref<640xf32, #tpu.memory_space<vmem>>, vector<16xf32>,
          %swap3A_93 = vector.shape_cast %swap3A_92 : vector<16xf32> to vector<16xf32>
          %swap3A_94 = vector.shape_cast %broadcast_in_dim3A_88 : vector<16xf32> to vector<16xf32>
          tpu.vector_store %arg16[%swap3A_91], %swap3A_94 {strides = array<i32>} : memref<640xf32, #tpu.memory_space<vmem>>, vector<16xf32>,
        }
        %scan3A_61 = arith.constant 40 : i32
        %while3A = arith.constant 0 : i32
        %while3A_62 = arith.constant 0 : i32
        %while3A_63 = arith.subi %min3A_46, %while3A_62 : i32
        %while3A_64 = arith.addi %while3A_62, %while3A_63 : i32
        %while3A_65 = arith.constant 1 : i32
        %while3A_66 = arith.divsi %while3A_63, %while3A_65 : i32
        %while3A_67 = arith.muli %while3A_66, %while3A_65 : i32
        %while3A_68 = arith.addi %while3A_62, %while3A_67 : i32
        %while3A_69 = arith.constant 1 : i32
        scf.for %while3A_80 = %while3A_62 to %while3A_68 step %while3A_69  : i32 {
          %add3A_81 = arith.addi %min3A, %while3A_80 : i32
          %mul3A_82 = arith.constant 64 : i32
          %mul3A_83 = arith.muli %add3A_81, %mul3A_82 : i32
          %multiple_of3A_84 = tpu.assume_multiple %mul3A_83, 8 : i32
          %dma_start3A = tpu.memref_slice %arg5[%multiple_of3A_84] : memref<160000xi32, #tpu.memory_space<hbm>> -> memref<64xi32, #tpu.memory_space<hbm>>
          %dma_start3A_85 = tpu.memref_slice %arg5[%multiple_of3A_84] : memref<160000xi32, #tpu.memory_space<hbm>> -> memref<64xi32, #tpu.memory_space<hbm>>
          tpu.enqueue_dma source(%dma_start3A_85 : memref<64xi32, #tpu.memory_space<hbm>>) target(%arg17 : memref<64xi32, #tpu.memory_space<vmem>>) target_semaphore(%arg22 : memref<!tpu.dma_semaphore, #tpu.memory_space<semaphore_mem>>)
          %dma_start3A_86 = arith.constant 0 : i32
          %dma_start3A_87 = tpu.memref_slice %arg18[%dma_start3A_86] : memref<80xi32, #tpu.memory_space<vmem>> -> memref<64xi32, #tpu.memory_space<vmem>>
          %dma_start3A_88 = tpu.memref_slice %arg6[%multiple_of3A_84] : memref<160000xi32, #tpu.memory_space<hbm>> -> memref<64xi32, #tpu.memory_space<hbm>>
          %dma_start3A_89 = arith.constant 0 : i32
          %dma_start3A_90 = tpu.memref_slice %arg18[%dma_start3A_89] : memref<80xi32, #tpu.memory_space<vmem>> -> memref<64xi32, #tpu.memory_space<vmem>>
          %dma_start3A_91 = tpu.memref_slice %arg6[%multiple_of3A_84] : memref<160000xi32, #tpu.memory_space<hbm>> -> memref<64xi32, #tpu.memory_space<hbm>>
          tpu.enqueue_dma source(%dma_start3A_91 : memref<64xi32, #tpu.memory_space<hbm>>) target(%dma_start3A_90 : memref<64xi32, #tpu.memory_space<vmem>>) target_semaphore(%arg22 : memref<!tpu.dma_semaphore, #tpu.memory_space<semaphore_mem>>)
          %mul3A_92 = arith.constant 512 : i32
          %mul3A_93 = arith.muli %multiple_of3A_84, %mul3A_92 : i32
          %multiple_of3A_94 = tpu.assume_multiple %mul3A_93, 8 : i32
          %dma_start3A_95 = tpu.memref_slice %arg4[%multiple_of3A_94] : memref<81920000xf32, #tpu.memory_space<hbm>> -> memref<32768xf32, #tpu.memory_space<hbm>>
          %dma_start3A_96 = tpu.memref_slice %arg4[%multiple_of3A_94] : memref<81920000xf32, #tpu.memory_space<hbm>> -> memref<32768xf32, #tpu.memory_space<hbm>>
          tpu.enqueue_dma source(%dma_start3A_96 : memref<32768xf32, #tpu.memory_space<hbm>>) target(%arg14 : memref<32768xf32, #tpu.memory_space<vmem>>) target_semaphore(%arg23 : memref<!tpu.dma_semaphore, #tpu.memory_space<semaphore_mem>>)
          %dma_wait3A = tpu.memref_slice %arg5[%multiple_of3A_84] : memref<160000xi32, #tpu.memory_space<hbm>> -> memref<64xi32, #tpu.memory_space<hbm>>
          %dma_wait3A_97 = tpu.memref_slice %arg5[%multiple_of3A_84] : memref<160000xi32, #tpu.memory_space<hbm>> -> memref<64xi32, #tpu.memory_space<hbm>>
          tpu.wait_dma2 semaphore(%arg22 : memref<!tpu.dma_semaphore, #tpu.memory_space<semaphore_mem>>) src(%dma_wait3A_97 : memref<64xi32, #tpu.memory_space<hbm>>) dst(%arg17 : memref<64xi32, #tpu.memory_space<vmem>>)
          %dma_start3A_98 = arith.constant 0 : i32
          %dma_start3A_99 = arith.constant 0 : i32
          %dma_start3A_100 = tpu.memref_slice %arg2[%dma_start3A_98, %dma_start3A_99] : memref<10000x512xf32, #tpu.memory_space<hbm>> -> memref<10000x512xf32, #tpu.memory_space<hbm>>
          tpu.enqueue_indirect_dma source(%dma_start3A_100 : memref<10000x512xf32, #tpu.memory_space<hbm>>) target(%arg13 : memref<64x512xf32, #tpu.memory_space<vmem>>) offsets(%arg17 : memref<64xi32, #tpu.memory_space<vmem>>) semaphore(%arg24 : memref<!tpu.dma_semaphore, #tpu.memory_space<semaphore_mem>>)
          %dma_wait3A_101 = arith.constant 0 : i32
          %dma_wait3A_102 = tpu.memref_slice %arg18[%dma_wait3A_101] : memref<80xi32, #tpu.memory_space<vmem>> -> memref<64xi32, #tpu.memory_space<vmem>>
          %dma_wait3A_103 = tpu.memref_slice %arg6[%multiple_of3A_84] : memref<160000xi32, #tpu.memory_space<hbm>> -> memref<64xi32, #tpu.memory_space<hbm>>
          %dma_wait3A_104 = arith.constant 0 : i32
          %dma_wait3A_105 = tpu.memref_slice %arg18[%dma_wait3A_104] : memref<80xi32, #tpu.memory_space<vmem>> -> memref<64xi32, #tpu.memory_space<vmem>>
          %dma_wait3A_106 = tpu.memref_slice %arg6[%multiple_of3A_84] : memref<160000xi32, #tpu.memory_space<hbm>> -> memref<64xi32, #tpu.memory_space<hbm>>
          tpu.wait_dma2 semaphore(%arg22 : memref<!tpu.dma_semaphore, #tpu.memory_space<semaphore_mem>>) src(%dma_wait3A_106 : memref<64xi32, #tpu.memory_space<hbm>>) dst(%dma_wait3A_105 : memref<64xi32, #tpu.memory_space<vmem>>)
          %dma_wait3A_107 = tpu.memref_slice %arg4[%multiple_of3A_94] : memref<81920000xf32, #tpu.memory_space<hbm>> -> memref<32768xf32, #tpu.memory_space<hbm>>
          %dma_wait3A_108 = tpu.memref_slice %arg4[%multiple_of3A_94] : memref<81920000xf32, #tpu.memory_space<hbm>> -> memref<32768xf32, #tpu.memory_space<hbm>>
          tpu.wait_dma2 semaphore(%arg23 : memref<!tpu.dma_semaphore, #tpu.memory_space<semaphore_mem>>) src(%dma_wait3A_108 : memref<32768xf32, #tpu.memory_space<hbm>>) dst(%arg14 : memref<32768xf32, #tpu.memory_space<vmem>>)
          %dma_wait3A_109 = arith.constant 0 : i32
          %dma_wait3A_110 = arith.constant 0 : i32
          %dma_wait3A_111 = tpu.memref_slice %arg2[%dma_wait3A_109, %dma_wait3A_110] : memref<10000x512xf32, #tpu.memory_space<hbm>> -> memref<10000x512xf32, #tpu.memory_space<hbm>>
          tpu.wait_indirect_dma semaphore(%arg24 : memref<!tpu.dma_semaphore, #tpu.memory_space<semaphore_mem>>) src(%dma_wait3A_111 : memref<10000x512xf32, #tpu.memory_space<hbm>>) dst(%arg13 : memref<64x512xf32, #tpu.memory_space<vmem>>)
          %scan3A_112 = arith.constant 0 : i32
          %scan3A_113 = arith.constant 0 : i32
          %scan3A_114 = arith.constant 64 : i32
          %scan3A_115 = arith.addi %scan3A_113, %scan3A_114 : i32
          %scan3A_116 = arith.constant 1 : i32
          scf.for %scan3A_118 = %scan3A_113 to %scan3A_115 step %scan3A_116  : i32 {
            %get3A_119 = arith.index_cast %scan3A_118 : i32 to index
            %get3A_120 = tpu.vector_load %arg18[%get3A_119] {strides = array<i32>} : memref<80xi32, #tpu.memory_space<vmem>>, vector<16xi32>,
            %get3A_121 = vector.shape_cast %get3A_120 : vector<16xi32> to vector<16xi32>
            %slice3A_122 = vector.extract_strided_slice %get3A_121 {offsets = [0], sizes = [1], strides = [1]} : vector<16xi32> to vector<1xi32>
            %squeeze3A_123 = vector.extract %slice3A_122[0] : i32 from vector<1xi32>
            %sub3A_124 = arith.subi %squeeze3A_123, %mul3A_13 : i32
            %iota3A = tpu.iota {dimensions = array<i32: 0>} : vector<16xi32>
            %ge3A = arith.constant 0 : i32
            %ge3A_125 = arith.cmpi sge, %sub3A_124, %ge3A : i32
            %lt3A_126 = arith.constant 40 : i32
            %lt3A_127 = arith.cmpi slt, %sub3A_124, %lt3A_126 : i32
            %and3A_128 = arith.andi %ge3A_125, %lt3A_127 : i1
            %convert_element_type3A_129 = arith.extui %and3A_128 : i1 to i32
            %cond3A_130 = arith.constant 0 : i32
            %cond3A_131 = arith.cmpi ne, %convert_element_type3A_129, %cond3A_130 : i32
            scf.if %cond3A_131 {
              %mul3A_132 = arith.constant 512 : i32
              %mul3A_133 = arith.muli %sub3A_124, %mul3A_132 : i32
              %broadcast_in_dim3A = arith.constant -1.000000e+30 : f32
              %broadcast_in_dim3A_134 = vector.broadcast %broadcast_in_dim3A : f32 to vector<16xf32>
              %broadcast_in_dim3A_135 = arith.constant 0.000000e+00 : f32
              %broadcast_in_dim3A_136 = vector.broadcast %broadcast_in_dim3A_135 : f32 to vector<16xf32>
              %get3A_137 = arith.index_cast %scan3A_118 : i32 to index
              %get3A_138 = arith.constant 0 : index
              %get3A_139 = tpu.vector_load %arg13[%get3A_137, %get3A_138] {strides = array<i32>} : memref<64x512xf32, #tpu.memory_space<vmem>>, vector<1x16xf32>,
              %get3A_140 = vector.shape_cast %get3A_139 : vector<1x16xf32> to vector<16xf32>
              %add3A_141 = arith.constant 0 : i32
              %add3A_142 = arith.addi %mul3A_133, %add3A_141 : i32
              %get3A_143 = arith.index_cast %add3A_142 : i32 to index
              %get3A_144 = tpu.vector_load %arg12[%get3A_143] {strides = array<i32>} : memref<20480xf32, #tpu.memory_space<vmem>>, vector<16xf32>,
              %get3A_145 = vector.shape_cast %get3A_144 : vector<16xf32> to vector<16xf32>
              %add3A_146 = arith.addf %get3A_140, %get3A_145 : vector<16xf32>
              %mul3A_147 = arith.constant 512 : i32
              %mul3A_148 = arith.muli %scan3A_118, %mul3A_147 : i32
              %add3A_149 = arith.constant 0 : i32
              %add3A_150 = arith.addi %mul3A_148, %add3A_149 : i32
              %get3A_151 = arith.index_cast %add3A_150 : i32 to index
              %get3A_152 = tpu.vector_load %arg14[%get3A_151] {strides = array<i32>} : memref<32768xf32, #tpu.memory_space<vmem>>, vector<16xf32>,
              %get3A_153 = vector.shape_cast %get3A_152 : vector<16xf32> to vector<16xf32>
              %add3A_154 = arith.addf %add3A_146, %get3A_153 : vector<16xf32>
              %gt3A = arith.constant 0.000000e+00 : f32
              %gt3A_155 = vector.broadcast %gt3A : f32 to vector<16xf32>
              %gt3A_156 = arith.cmpf ogt, %add3A_154, %gt3A_155 : vector<16xf32>
              %mul3A_157 = arith.constant 2.000000e-01 : f32
              %mul3A_158 = vector.broadcast %mul3A_157 : f32 to vector<16xf32>
              %mul3A_159 = arith.mulf %add3A_154, %mul3A_158 : vector<16xf32>
              %select_n3A_160 = arith.select %gt3A_156, %add3A_154, %mul3A_159 : vector<16xi1>, vector<16xf32>
              %get3A_161 = arith.constant 0 : index
              %get3A_162 = tpu.vector_load %arg19[%get3A_161] {strides = array<i32>} : memref<512xf32, #tpu.memory_space<vmem>>, vector<16xf32>,
              %get3A_163 = vector.shape_cast %get3A_162 : vector<16xf32> to vector<16xf32>
              %mul3A_164 = arith.mulf %select_n3A_160, %get3A_163 : vector<16xf32>
              %add3A_165 = arith.addf %broadcast_in_dim3A_136, %mul3A_164 : vector<16xf32>
              %get3A_166 = arith.index_cast %scan3A_118 : i32 to index
              %get3A_167 = arith.constant 16 : index
              %get3A_168 = tpu.vector_load %arg13[%get3A_166, %get3A_167] {strides = array<i32>} : memref<64x512xf32, #tpu.memory_space<vmem>>, vector<1x16xf32>,
              %get3A_169 = vector.shape_cast %get3A_168 : vector<1x16xf32> to vector<16xf32>
              %add3A_170 = arith.constant 16 : i32
              %add3A_171 = arith.addi %mul3A_133, %add3A_170 : i32
              %get3A_172 = arith.index_cast %add3A_171 : i32 to index
              %get3A_173 = tpu.vector_load %arg12[%get3A_172] {strides = array<i32>} : memref<20480xf32, #tpu.memory_space<vmem>>, vector<16xf32>,
              %get3A_174 = vector.shape_cast %get3A_173 : vector<16xf32> to vector<16xf32>
              %add3A_175 = arith.addf %get3A_169, %get3A_174 : vector<16xf32>
              %mul3A_176 = arith.constant 512 : i32
              %mul3A_177 = arith.muli %scan3A_118, %mul3A_176 : i32
              %add3A_178 = arith.constant 16 : i32
              %add3A_179 = arith.addi %mul3A_177, %add3A_178 : i32
              %get3A_180 = arith.index_cast %add3A_179 : i32 to index
              %get3A_181 = tpu.vector_load %arg14[%get3A_180] {strides = array<i32>} : memref<32768xf32, #tpu.memory_space<vmem>>, vector<16xf32>,
              %get3A_182 = vector.shape_cast %get3A_181 : vector<16xf32> to vector<16xf32>
              %add3A_183 = arith.addf %add3A_175, %get3A_182 : vector<16xf32>
              %gt3A_184 = arith.constant 0.000000e+00 : f32
              %gt3A_185 = vector.broadcast %gt3A_184 : f32 to vector<16xf32>
              %gt3A_186 = arith.cmpf ogt, %add3A_183, %gt3A_185 : vector<16xf32>
              %mul3A_187 = arith.constant 2.000000e-01 : f32
              %mul3A_188 = vector.broadcast %mul3A_187 : f32 to vector<16xf32>
              %mul3A_189 = arith.mulf %add3A_183, %mul3A_188 : vector<16xf32>
              %select_n3A_190 = arith.select %gt3A_186, %add3A_183, %mul3A_189 : vector<16xi1>, vector<16xf32>
              %get3A_191 = arith.constant 16 : index
              %get3A_192 = tpu.vector_load %arg19[%get3A_191] {strides = array<i32>} : memref<512xf32, #tpu.memory_space<vmem>>, vector<16xf32>,
              %get3A_193 = vector.shape_cast %get3A_192 : vector<16xf32> to vector<16xf32>
              %mul3A_194 = arith.mulf %select_n3A_190, %get3A_193 : vector<16xf32>
              %add3A_195 = arith.addf %add3A_165, %mul3A_194 : vector<16xf32>
              %get3A_196 = arith.index_cast %scan3A_118 : i32 to index
              %get3A_197 = arith.constant 32 : index
              %get3A_198 = tpu.vector_load %arg13[%get3A_196, %get3A_197] {strides = array<i32>} : memref<64x512xf32, #tpu.memory_space<vmem>>, vector<1x16xf32>,
              %get3A_199 = vector.shape_cast %get3A_198 : vector<1x16xf32> to vector<16xf32>
              %add3A_200 = arith.constant 32 : i32
              %add3A_201 = arith.addi %mul3A_133, %add3A_200 : i32
              %get3A_202 = arith.index_cast %add3A_201 : i32 to index
              %get3A_203 = tpu.vector_load %arg12[%get3A_202] {strides = array<i32>} : memref<20480xf32, #tpu.memory_space<vmem>>, vector<16xf32>,
              %get3A_204 = vector.shape_cast %get3A_203 : vector<16xf32> to vector<16xf32>
              %add3A_205 = arith.addf %get3A_199, %get3A_204 : vector<16xf32>
              %mul3A_206 = arith.constant 512 : i32
              %mul3A_207 = arith.muli %scan3A_118, %mul3A_206 : i32
              %add3A_208 = arith.constant 32 : i32
              %add3A_209 = arith.addi %mul3A_207, %add3A_208 : i32
              %get3A_210 = arith.index_cast %add3A_209 : i32 to index
              %get3A_211 = tpu.vector_load %arg14[%get3A_210] {strides = array<i32>} : memref<32768xf32, #tpu.memory_space<vmem>>, vector<16xf32>,
              %get3A_212 = vector.shape_cast %get3A_211 : vector<16xf32> to vector<16xf32>
              %add3A_213 = arith.addf %add3A_205, %get3A_212 : vector<16xf32>
              %gt3A_214 = arith.constant 0.000000e+00 : f32
              %gt3A_215 = vector.broadcast %gt3A_214 : f32 to vector<16xf32>
              %gt3A_216 = arith.cmpf ogt, %add3A_213, %gt3A_215 : vector<16xf32>
              %mul3A_217 = arith.constant 2.000000e-01 : f32
              %mul3A_218 = vector.broadcast %mul3A_217 : f32 to vector<16xf32>
              %mul3A_219 = arith.mulf %add3A_213, %mul3A_218 : vector<16xf32>
              %select_n3A_220 = arith.select %gt3A_216, %add3A_213, %mul3A_219 : vector<16xi1>, vector<16xf32>
              %get3A_221 = arith.constant 32 : index
              %get3A_222 = tpu.vector_load %arg19[%get3A_221] {strides = array<i32>} : memref<512xf32, #tpu.memory_space<vmem>>, vector<16xf32>,
              %get3A_223 = vector.shape_cast %get3A_222 : vector<16xf32> to vector<16xf32>
              %mul3A_224 = arith.mulf %select_n3A_220, %get3A_223 : vector<16xf32>
              %add3A_225 = arith.addf %add3A_195, %mul3A_224 : vector<16xf32>
              %get3A_226 = arith.index_cast %scan3A_118 : i32 to index
              %get3A_227 = arith.constant 48 : index
              %get3A_228 = tpu.vector_load %arg13[%get3A_226, %get3A_227] {strides = array<i32>} : memref<64x512xf32, #tpu.memory_space<vmem>>, vector<1x16xf32>,
              %get3A_229 = vector.shape_cast %get3A_228 : vector<1x16xf32> to vector<16xf32>
              %add3A_230 = arith.constant 48 : i32
              %add3A_231 = arith.addi %mul3A_133, %add3A_230 : i32
              %get3A_232 = arith.index_cast %add3A_231 : i32 to index
              %get3A_233 = tpu.vector_load %arg12[%get3A_232] {strides = array<i32>} : memref<20480xf32, #tpu.memory_space<vmem>>, vector<16xf32>,
              %get3A_234 = vector.shape_cast %get3A_233 : vector<16xf32> to vector<16xf32>
              %add3A_235 = arith.addf %get3A_229, %get3A_234 : vector<16xf32>
              %mul3A_236 = arith.constant 512 : i32
              %mul3A_237 = arith.muli %scan3A_118, %mul3A_236 : i32
              %add3A_238 = arith.constant 48 : i32
              %add3A_239 = arith.addi %mul3A_237, %add3A_238 : i32
              %get3A_240 = arith.index_cast %add3A_239 : i32 to index
              %get3A_241 = tpu.vector_load %arg14[%get3A_240] {strides = array<i32>} : memref<32768xf32, #tpu.memory_space<vmem>>, vector<16xf32>,
              %get3A_242 = vector.shape_cast %get3A_241 : vector<16xf32> to vector<16xf32>
              %add3A_243 = arith.addf %add3A_235, %get3A_242 : vector<16xf32>
              %gt3A_244 = arith.constant 0.000000e+00 : f32
              %gt3A_245 = vector.broadcast %gt3A_244 : f32 to vector<16xf32>
              %gt3A_246 = arith.cmpf ogt, %add3A_243, %gt3A_245 : vector<16xf32>
              %mul3A_247 = arith.constant 2.000000e-01 : f32
              %mul3A_248 = vector.broadcast %mul3A_247 : f32 to vector<16xf32>
              %mul3A_249 = arith.mulf %add3A_243, %mul3A_248 : vector<16xf32>
              %select_n3A_250 = arith.select %gt3A_246, %add3A_243, %mul3A_249 : vector<16xi1>, vector<16xf32>
              %get3A_251 = arith.constant 48 : index
              %get3A_252 = tpu.vector_load %arg19[%get3A_251] {strides = array<i32>} : memref<512xf32, #tpu.memory_space<vmem>>, vector<16xf32>,
              %get3A_253 = vector.shape_cast %get3A_252 : vector<16xf32> to vector<16xf32>
              %mul3A_254 = arith.mulf %select_n3A_250, %get3A_253 : vector<16xf32>
              %add3A_255 = arith.addf %add3A_225, %mul3A_254 : vector<16xf32>
              %get3A_256 = arith.index_cast %scan3A_118 : i32 to index
              %get3A_257 = arith.constant 64 : index
              %get3A_258 = tpu.vector_load %arg13[%get3A_256, %get3A_257] {strides = array<i32>} : memref<64x512xf32, #tpu.memory_space<vmem>>, vector<1x16xf32>,
              %get3A_259 = vector.shape_cast %get3A_258 : vector<1x16xf32> to vector<16xf32>
              %add3A_260 = arith.constant 64 : i32
              %add3A_261 = arith.addi %mul3A_133, %add3A_260 : i32
              %get3A_262 = arith.index_cast %add3A_261 : i32 to index
              %get3A_263 = tpu.vector_load %arg12[%get3A_262] {strides = array<i32>} : memref<20480xf32, #tpu.memory_space<vmem>>, vector<16xf32>,
              %get3A_264 = vector.shape_cast %get3A_263 : vector<16xf32> to vector<16xf32>
              %add3A_265 = arith.addf %get3A_259, %get3A_264 : vector<16xf32>
              %mul3A_266 = arith.constant 512 : i32
              %mul3A_267 = arith.muli %scan3A_118, %mul3A_266 : i32
              %add3A_268 = arith.constant 64 : i32
              %add3A_269 = arith.addi %mul3A_267, %add3A_268 : i32
              %get3A_270 = arith.index_cast %add3A_269 : i32 to index
              %get3A_271 = tpu.vector_load %arg14[%get3A_270] {strides = array<i32>} : memref<32768xf32, #tpu.memory_space<vmem>>, vector<16xf32>,
              %get3A_272 = vector.shape_cast %get3A_271 : vector<16xf32> to vector<16xf32>
              %add3A_273 = arith.addf %add3A_265, %get3A_272 : vector<16xf32>
              %gt3A_274 = arith.constant 0.000000e+00 : f32
              %gt3A_275 = vector.broadcast %gt3A_274 : f32 to vector<16xf32>
              %gt3A_276 = arith.cmpf ogt, %add3A_273, %gt3A_275 : vector<16xf32>
              %mul3A_277 = arith.constant 2.000000e-01 : f32
              %mul3A_278 = vector.broadcast %mul3A_277 : f32 to vector<16xf32>
              %mul3A_279 = arith.mulf %add3A_273, %mul3A_278 : vector<16xf32>
              %select_n3A_280 = arith.select %gt3A_276, %add3A_273, %mul3A_279 : vector<16xi1>, vector<16xf32>
              %get3A_281 = arith.constant 64 : index
              %get3A_282 = tpu.vector_load %arg19[%get3A_281] {strides = array<i32>} : memref<512xf32, #tpu.memory_space<vmem>>, vector<16xf32>,
              %get3A_283 = vector.shape_cast %get3A_282 : vector<16xf32> to vector<16xf32>
              %mul3A_284 = arith.mulf %select_n3A_280, %get3A_283 : vector<16xf32>
              %add3A_285 = arith.addf %add3A_255, %mul3A_284 : vector<16xf32>
              %get3A_286 = arith.index_cast %scan3A_118 : i32 to index
              %get3A_287 = arith.constant 80 : index
              %get3A_288 = tpu.vector_load %arg13[%get3A_286, %get3A_287] {strides = array<i32>} : memref<64x512xf32, #tpu.memory_space<vmem>>, vector<1x16xf32>,
              %get3A_289 = vector.shape_cast %get3A_288 : vector<1x16xf32> to vector<16xf32>
              %add3A_290 = arith.constant 80 : i32
              %add3A_291 = arith.addi %mul3A_133, %add3A_290 : i32
              %get3A_292 = arith.index_cast %add3A_291 : i32 to index
              %get3A_293 = tpu.vector_load %arg12[%get3A_292] {strides = array<i32>} : memref<20480xf32, #tpu.memory_space<vmem>>, vector<16xf32>,
              %get3A_294 = vector.shape_cast %get3A_293 : vector<16xf32> to vector<16xf32>
              %add3A_295 = arith.addf %get3A_289, %get3A_294 : vector<16xf32>
              %mul3A_296 = arith.constant 512 : i32
              %mul3A_297 = arith.muli %scan3A_118, %mul3A_296 : i32
              %add3A_298 = arith.constant 80 : i32
              %add3A_299 = arith.addi %mul3A_297, %add3A_298 : i32
              %get3A_300 = arith.index_cast %add3A_299 : i32 to index
              %get3A_301 = tpu.vector_load %arg14[%get3A_300] {strides = array<i32>} : memref<32768xf32, #tpu.memory_space<vmem>>, vector<16xf32>,
              %get3A_302 = vector.shape_cast %get3A_301 : vector<16xf32> to vector<16xf32>
              %add3A_303 = arith.addf %add3A_295, %get3A_302 : vector<16xf32>
              %gt3A_304 = arith.constant 0.000000e+00 : f32
              %gt3A_305 = vector.broadcast %gt3A_304 : f32 to vector<16xf32>
              %gt3A_306 = arith.cmpf ogt, %add3A_303, %gt3A_305 : vector<16xf32>
              %mul3A_307 = arith.constant 2.000000e-01 : f32
              %mul3A_308 = vector.broadcast %mul3A_307 : f32 to vector<16xf32>
              %mul3A_309 = arith.mulf %add3A_303, %mul3A_308 : vector<16xf32>
              %select_n3A_310 = arith.select %gt3A_306, %add3A_303, %mul3A_309 : vector<16xi1>, vector<16xf32>
              %get3A_311 = arith.constant 80 : index
              %get3A_312 = tpu.vector_load %arg19[%get3A_311] {strides = array<i32>} : memref<512xf32, #tpu.memory_space<vmem>>, vector<16xf32>,
              %get3A_313 = vector.shape_cast %get3A_312 : vector<16xf32> to vector<16xf32>
              %mul3A_314 = arith.mulf %select_n3A_310, %get3A_313 : vector<16xf32>
              %add3A_315 = arith.addf %add3A_285, %mul3A_314 : vector<16xf32>
              %get3A_316 = arith.index_cast %scan3A_118 : i32 to index
              %get3A_317 = arith.constant 96 : index
              %get3A_318 = tpu.vector_load %arg13[%get3A_316, %get3A_317] {strides = array<i32>} : memref<64x512xf32, #tpu.memory_space<vmem>>, vector<1x16xf32>,
              %get3A_319 = vector.shape_cast %get3A_318 : vector<1x16xf32> to vector<16xf32>
              %add3A_320 = arith.constant 96 : i32
              %add3A_321 = arith.addi %mul3A_133, %add3A_320 : i32
              %get3A_322 = arith.index_cast %add3A_321 : i32 to index
              %get3A_323 = tpu.vector_load %arg12[%get3A_322] {strides = array<i32>} : memref<20480xf32, #tpu.memory_space<vmem>>, vector<16xf32>,
              %get3A_324 = vector.shape_cast %get3A_323 : vector<16xf32> to vector<16xf32>
              %add3A_325 = arith.addf %get3A_319, %get3A_324 : vector<16xf32>
              %mul3A_326 = arith.constant 512 : i32
              %mul3A_327 = arith.muli %scan3A_118, %mul3A_326 : i32
              %add3A_328 = arith.constant 96 : i32
              %add3A_329 = arith.addi %mul3A_327, %add3A_328 : i32
              %get3A_330 = arith.index_cast %add3A_329 : i32 to index
              %get3A_331 = tpu.vector_load %arg14[%get3A_330] {strides = array<i32>} : memref<32768xf32, #tpu.memory_space<vmem>>, vector<16xf32>,
              %get3A_332 = vector.shape_cast %get3A_331 : vector<16xf32> to vector<16xf32>
              %add3A_333 = arith.addf %add3A_325, %get3A_332 : vector<16xf32>
              %gt3A_334 = arith.constant 0.000000e+00 : f32
              %gt3A_335 = vector.broadcast %gt3A_334 : f32 to vector<16xf32>
              %gt3A_336 = arith.cmpf ogt, %add3A_333, %gt3A_335 : vector<16xf32>
              %mul3A_337 = arith.constant 2.000000e-01 : f32
              %mul3A_338 = vector.broadcast %mul3A_337 : f32 to vector<16xf32>
              %mul3A_339 = arith.mulf %add3A_333, %mul3A_338 : vector<16xf32>
              %select_n3A_340 = arith.select %gt3A_336, %add3A_333, %mul3A_339 : vector<16xi1>, vector<16xf32>
              %get3A_341 = arith.constant 96 : index
              %get3A_342 = tpu.vector_load %arg19[%get3A_341] {strides = array<i32>} : memref<512xf32, #tpu.memory_space<vmem>>, vector<16xf32>,
              %get3A_343 = vector.shape_cast %get3A_342 : vector<16xf32> to vector<16xf32>
              %mul3A_344 = arith.mulf %select_n3A_340, %get3A_343 : vector<16xf32>
              %add3A_345 = arith.addf %add3A_315, %mul3A_344 : vector<16xf32>
              %get3A_346 = arith.index_cast %scan3A_118 : i32 to index
              %get3A_347 = arith.constant 112 : index
              %get3A_348 = tpu.vector_load %arg13[%get3A_346, %get3A_347] {strides = array<i32>} : memref<64x512xf32, #tpu.memory_space<vmem>>, vector<1x16xf32>,
              %get3A_349 = vector.shape_cast %get3A_348 : vector<1x16xf32> to vector<16xf32>
              %add3A_350 = arith.constant 112 : i32
              %add3A_351 = arith.addi %mul3A_133, %add3A_350 : i32
              %get3A_352 = arith.index_cast %add3A_351 : i32 to index
              %get3A_353 = tpu.vector_load %arg12[%get3A_352] {strides = array<i32>} : memref<20480xf32, #tpu.memory_space<vmem>>, vector<16xf32>,
              %get3A_354 = vector.shape_cast %get3A_353 : vector<16xf32> to vector<16xf32>
              %add3A_355 = arith.addf %get3A_349, %get3A_354 : vector<16xf32>
              %mul3A_356 = arith.constant 512 : i32
              %mul3A_357 = arith.muli %scan3A_118, %mul3A_356 : i32
              %add3A_358 = arith.constant 112 : i32
              %add3A_359 = arith.addi %mul3A_357, %add3A_358 : i32
              %get3A_360 = arith.index_cast %add3A_359 : i32 to index
              %get3A_361 = tpu.vector_load %arg14[%get3A_360] {strides = array<i32>} : memref<32768xf32, #tpu.memory_space<vmem>>, vector<16xf32>,
              %get3A_362 = vector.shape_cast %get3A_361 : vector<16xf32> to vector<16xf32>
              %add3A_363 = arith.addf %add3A_355, %get3A_362 : vector<16xf32>
              %gt3A_364 = arith.constant 0.000000e+00 : f32
              %gt3A_365 = vector.broadcast %gt3A_364 : f32 to vector<16xf32>
              %gt3A_366 = arith.cmpf ogt, %add3A_363, %gt3A_365 : vector<16xf32>
              %mul3A_367 = arith.constant 2.000000e-01 : f32
              %mul3A_368 = vector.broadcast %mul3A_367 : f32 to vector<16xf32>
              %mul3A_369 = arith.mulf %add3A_363, %mul3A_368 : vector<16xf32>
              %select_n3A_370 = arith.select %gt3A_366, %add3A_363, %mul3A_369 : vector<16xi1>, vector<16xf32>
              %get3A_371 = arith.constant 112 : index
              %get3A_372 = tpu.vector_load %arg19[%get3A_371] {strides = array<i32>} : memref<512xf32, #tpu.memory_space<vmem>>, vector<16xf32>,
              %get3A_373 = vector.shape_cast %get3A_372 : vector<16xf32> to vector<16xf32>
              %mul3A_374 = arith.mulf %select_n3A_370, %get3A_373 : vector<16xf32>
              %add3A_375 = arith.addf %add3A_345, %mul3A_374 : vector<16xf32>
              %iota3A_376 = tpu.iota {dimensions = array<i32: 0>} : vector<16xi32>
              %add3A_377 = arith.constant 8 : i32
              %add3A_378 = vector.broadcast %add3A_377 : i32 to vector<16xi32>
              %add3A_379 = arith.addi %iota3A_376, %add3A_378 : vector<16xi32>
              %jit3A_380 = arith.constant 16 : i32
              %eq3A = arith.constant 0 : i32
              %eq3A_381 = arith.cmpi eq, %jit3A_380, %eq3A : i32
              %jit3A_382 = arith.constant 1 : i32
              %select_n3A_383 = arith.select %eq3A_381, %jit3A_382, %jit3A_380 : i32
              %rem3A_384 = vector.broadcast %select_n3A_383 : i32 to vector<16xi32>
              %rem3A_385 = arith.remsi %add3A_379, %rem3A_384 : vector<16xi32>
              %ne3A_386 = arith.constant 0 : i32
              %ne3A_387 = vector.broadcast %ne3A_386 : i32 to vector<16xi32>
              %ne3A_388 = arith.cmpi ne, %rem3A_385, %ne3A_387 : vector<16xi32>
              %lt3A_389 = arith.constant 0 : i32
              %lt3A_390 = vector.broadcast %lt3A_389 : i32 to vector<16xi32>
              %lt3A_391 = arith.cmpi slt, %rem3A_385, %lt3A_390 : vector<16xi32>
              %lt3A_392 = arith.constant 0 : i32
              %lt3A_393 = arith.cmpi slt, %select_n3A_383, %lt3A_392 : i32
              %ne3A_394 = vector.broadcast %lt3A_393 : i1 to vector<16xi1>
              %ne3A_395 = vector.broadcast %ne3A_394 : vector<16xi1> to vector<16xi1>
              %ne3A_396 = arith.xori %lt3A_391, %ne3A_395 : vector<16xi1>
              %and3A_397 = arith.andi %ne3A_396, %ne3A_388 : vector<16xi1>
              %add3A_398 = vector.broadcast %select_n3A_383 : i32 to vector<16xi32>
              %add3A_399 = arith.addi %rem3A_385, %add3A_398 : vector<16xi32>
              %select_n3A_400 = arith.select %and3A_397, %add3A_399, %rem3A_385 : vector<16xi1>, vector<16xi32>
              %lt3A_401 = arith.constant 0 : i32
              %lt3A_402 = vector.broadcast %lt3A_401 : i32 to vector<16xi32>
              %lt3A_403 = arith.cmpi slt, %select_n3A_400, %lt3A_402 : vector<16xi32>
              %add3A_404 = arith.constant 16 : i32
              %add3A_405 = vector.broadcast %add3A_404 : i32 to vector<16xi32>
              %add3A_406 = arith.addi %select_n3A_400, %add3A_405 : vector<16xi32>
              %select_n3A_407 = arith.select %lt3A_403, %add3A_406, %select_n3A_400 : vector<16xi1>, vector<16xi32>
              %broadcast_in_dim3A_408 = vector.shape_cast %select_n3A_407 : vector<16xi32> to vector<16x1xi32>
              %gather3A = vector.shape_cast %broadcast_in_dim3A_408 : vector<16x1xi32> to vector<16xi32>
              %gather3A_409 = tpu.dynamic_gather %add3A_375[%gather3A] in [0] : vector<16xf32>, vector<16xi32> -> vector<16xf32>
              %add3A_410 = arith.addf %add3A_375, %gather3A_409 : vector<16xf32>
              %add3A_411 = arith.constant 4 : i32
              %add3A_412 = vector.broadcast %add3A_411 : i32 to vector<16xi32>
              %add3A_413 = arith.addi %iota3A_376, %add3A_412 : vector<16xi32>
              %jit3A_414 = arith.constant 16 : i32
              %eq3A_415 = arith.constant 0 : i32
              %eq3A_416 = arith.cmpi eq, %jit3A_414, %eq3A_415 : i32
              %jit3A_417 = arith.constant 1 : i32
              %select_n3A_418 = arith.select %eq3A_416, %jit3A_417, %jit3A_414 : i32
              %rem3A_419 = vector.broadcast %select_n3A_418 : i32 to vector<16xi32>
              %rem3A_420 = arith.remsi %add3A_413, %rem3A_419 : vector<16xi32>
              %ne3A_421 = arith.constant 0 : i32
              %ne3A_422 = vector.broadcast %ne3A_421 : i32 to vector<16xi32>
              %ne3A_423 = arith.cmpi ne, %rem3A_420, %ne3A_422 : vector<16xi32>
              %lt3A_424 = arith.constant 0 : i32
              %lt3A_425 = vector.broadcast %lt3A_424 : i32 to vector<16xi32>
              %lt3A_426 = arith.cmpi slt, %rem3A_420, %lt3A_425 : vector<16xi32>
              %lt3A_427 = arith.constant 0 : i32
              %lt3A_428 = arith.cmpi slt, %select_n3A_418, %lt3A_427 : i32
              %ne3A_429 = vector.broadcast %lt3A_428 : i1 to vector<16xi1>
              %ne3A_430 = vector.broadcast %ne3A_429 : vector<16xi1> to vector<16xi1>
              %ne3A_431 = arith.xori %lt3A_426, %ne3A_430 : vector<16xi1>
              %and3A_432 = arith.andi %ne3A_431, %ne3A_423 : vector<16xi1>
              %add3A_433 = vector.broadcast %select_n3A_418 : i32 to vector<16xi32>
              %add3A_434 = arith.addi %rem3A_420, %add3A_433 : vector<16xi32>
              %select_n3A_435 = arith.select %and3A_432, %add3A_434, %rem3A_420 : vector<16xi1>, vector<16xi32>
              %lt3A_436 = arith.constant 0 : i32
              %lt3A_437 = vector.broadcast %lt3A_436 : i32 to vector<16xi32>
              %lt3A_438 = arith.cmpi slt, %select_n3A_435, %lt3A_437 : vector<16xi32>
              %add3A_439 = arith.constant 16 : i32
              %add3A_440 = vector.broadcast %add3A_439 : i32 to vector<16xi32>
              %add3A_441 = arith.addi %select_n3A_435, %add3A_440 : vector<16xi32>
              %select_n3A_442 = arith.select %lt3A_438, %add3A_441, %select_n3A_435 : vector<16xi1>, vector<16xi32>
              %broadcast_in_dim3A_443 = vector.shape_cast %select_n3A_442 : vector<16xi32> to vector<16x1xi32>
              %gather3A_444 = vector.shape_cast %broadcast_in_dim3A_443 : vector<16x1xi32> to vector<16xi32>
              %gather3A_445 = tpu.dynamic_gather %add3A_410[%gather3A_444] in [0] : vector<16xf32>, vector<16xi32> -> vector<16xf32>
              %add3A_446 = arith.addf %add3A_410, %gather3A_445 : vector<16xf32>
              %add3A_447 = arith.constant 2 : i32
              %add3A_448 = vector.broadcast %add3A_447 : i32 to vector<16xi32>
              %add3A_449 = arith.addi %iota3A_376, %add3A_448 : vector<16xi32>
              %jit3A_450 = arith.constant 16 : i32
              %eq3A_451 = arith.constant 0 : i32
              %eq3A_452 = arith.cmpi eq, %jit3A_450, %eq3A_451 : i32
              %jit3A_453 = arith.constant 1 : i32
              %select_n3A_454 = arith.select %eq3A_452, %jit3A_453, %jit3A_450 : i32
              %rem3A_455 = vector.broadcast %select_n3A_454 : i32 to vector<16xi32>
              %rem3A_456 = arith.remsi %add3A_449, %rem3A_455 : vector<16xi32>
              %ne3A_457 = arith.constant 0 : i32
              %ne3A_458 = vector.broadcast %ne3A_457 : i32 to vector<16xi32>
              %ne3A_459 = arith.cmpi ne, %rem3A_456, %ne3A_458 : vector<16xi32>
              %lt3A_460 = arith.constant 0 : i32
              %lt3A_461 = vector.broadcast %lt3A_460 : i32 to vector<16xi32>
              %lt3A_462 = arith.cmpi slt, %rem3A_456, %lt3A_461 : vector<16xi32>
              %lt3A_463 = arith.constant 0 : i32
              %lt3A_464 = arith.cmpi slt, %select_n3A_454, %lt3A_463 : i32
              %ne3A_465 = vector.broadcast %lt3A_464 : i1 to vector<16xi1>
              %ne3A_466 = vector.broadcast %ne3A_465 : vector<16xi1> to vector<16xi1>
              %ne3A_467 = arith.xori %lt3A_462, %ne3A_466 : vector<16xi1>
              %and3A_468 = arith.andi %ne3A_467, %ne3A_459 : vector<16xi1>
              %add3A_469 = vector.broadcast %select_n3A_454 : i32 to vector<16xi32>
              %add3A_470 = arith.addi %rem3A_456, %add3A_469 : vector<16xi32>
              %select_n3A_471 = arith.select %and3A_468, %add3A_470, %rem3A_456 : vector<16xi1>, vector<16xi32>
              %lt3A_472 = arith.constant 0 : i32
              %lt3A_473 = vector.broadcast %lt3A_472 : i32 to vector<16xi32>
              %lt3A_474 = arith.cmpi slt, %select_n3A_471, %lt3A_473 : vector<16xi32>
              %add3A_475 = arith.constant 16 : i32
              %add3A_476 = vector.broadcast %add3A_475 : i32 to vector<16xi32>
              %add3A_477 = arith.addi %select_n3A_471, %add3A_476 : vector<16xi32>
              %select_n3A_478 = arith.select %lt3A_474, %add3A_477, %select_n3A_471 : vector<16xi1>, vector<16xi32>
              %broadcast_in_dim3A_479 = vector.shape_cast %select_n3A_478 : vector<16xi32> to vector<16x1xi32>
              %gather3A_480 = vector.shape_cast %broadcast_in_dim3A_479 : vector<16x1xi32> to vector<16xi32>
              %gather3A_481 = tpu.dynamic_gather %add3A_446[%gather3A_480] in [0] : vector<16xf32>, vector<16xi32> -> vector<16xf32>
              %add3A_482 = arith.addf %add3A_446, %gather3A_481 : vector<16xf32>
              %add3A_483 = arith.constant 1 : i32
              %add3A_484 = vector.broadcast %add3A_483 : i32 to vector<16xi32>
              %add3A_485 = arith.addi %iota3A_376, %add3A_484 : vector<16xi32>
              %jit3A_486 = arith.constant 16 : i32
              %eq3A_487 = arith.constant 0 : i32
              %eq3A_488 = arith.cmpi eq, %jit3A_486, %eq3A_487 : i32
              %jit3A_489 = arith.constant 1 : i32
              %select_n3A_490 = arith.select %eq3A_488, %jit3A_489, %jit3A_486 : i32
              %rem3A_491 = vector.broadcast %select_n3A_490 : i32 to vector<16xi32>
              %rem3A_492 = arith.remsi %add3A_485, %rem3A_491 : vector<16xi32>
              %ne3A_493 = arith.constant 0 : i32
              %ne3A_494 = vector.broadcast %ne3A_493 : i32 to vector<16xi32>
              %ne3A_495 = arith.cmpi ne, %rem3A_492, %ne3A_494 : vector<16xi32>
              %lt3A_496 = arith.constant 0 : i32
              %lt3A_497 = vector.broadcast %lt3A_496 : i32 to vector<16xi32>
              %lt3A_498 = arith.cmpi slt, %rem3A_492, %lt3A_497 : vector<16xi32>
              %lt3A_499 = arith.constant 0 : i32
              %lt3A_500 = arith.cmpi slt, %select_n3A_490, %lt3A_499 : i32
              %ne3A_501 = vector.broadcast %lt3A_500 : i1 to vector<16xi1>
              %ne3A_502 = vector.broadcast %ne3A_501 : vector<16xi1> to vector<16xi1>
              %ne3A_503 = arith.xori %lt3A_498, %ne3A_502 : vector<16xi1>
              %and3A_504 = arith.andi %ne3A_503, %ne3A_495 : vector<16xi1>
              %add3A_505 = vector.broadcast %select_n3A_490 : i32 to vector<16xi32>
              %add3A_506 = arith.addi %rem3A_492, %add3A_505 : vector<16xi32>
              %select_n3A_507 = arith.select %and3A_504, %add3A_506, %rem3A_492 : vector<16xi1>, vector<16xi32>
              %lt3A_508 = arith.constant 0 : i32
              %lt3A_509 = vector.broadcast %lt3A_508 : i32 to vector<16xi32>
              %lt3A_510 = arith.cmpi slt, %select_n3A_507, %lt3A_509 : vector<16xi32>
              %add3A_511 = arith.constant 16 : i32
              %add3A_512 = vector.broadcast %add3A_511 : i32 to vector<16xi32>
              %add3A_513 = arith.addi %select_n3A_507, %add3A_512 : vector<16xi32>
              %select_n3A_514 = arith.select %lt3A_510, %add3A_513, %select_n3A_507 : vector<16xi1>, vector<16xi32>
              %broadcast_in_dim3A_515 = vector.shape_cast %select_n3A_514 : vector<16xi32> to vector<16x1xi32>
              %gather3A_516 = vector.shape_cast %broadcast_in_dim3A_515 : vector<16x1xi32> to vector<16xi32>
              %gather3A_517 = tpu.dynamic_gather %add3A_482[%gather3A_516] in [0] : vector<16xf32>, vector<16xi32> -> vector<16xf32>
              %add3A_518 = arith.addf %add3A_482, %gather3A_517 : vector<16xf32>
              %eq3A_519 = arith.constant 0 : i32
              %eq3A_520 = vector.broadcast %eq3A_519 : i32 to vector<16xi32>
              %eq3A_521 = arith.cmpi eq, %iota3A, %eq3A_520 : vector<16xi32>
              %select_n3A_522 = arith.select %eq3A_521, %add3A_518, %broadcast_in_dim3A_134 : vector<16xi1>, vector<16xf32>
              %broadcast_in_dim3A_523 = arith.constant 0.000000e+00 : f32
              %broadcast_in_dim3A_524 = vector.broadcast %broadcast_in_dim3A_523 : f32 to vector<16xf32>
              %get3A_525 = arith.index_cast %scan3A_118 : i32 to index
              %get3A_526 = arith.constant 128 : index
              %get3A_527 = tpu.vector_load %arg13[%get3A_525, %get3A_526] {strides = array<i32>} : memref<64x512xf32, #tpu.memory_space<vmem>>, vector<1x16xf32>,
              %get3A_528 = vector.shape_cast %get3A_527 : vector<1x16xf32> to vector<16xf32>
              %add3A_529 = arith.constant 128 : i32
              %add3A_530 = arith.addi %mul3A_133, %add3A_529 : i32
              %get3A_531 = arith.index_cast %add3A_530 : i32 to index
              %get3A_532 = tpu.vector_load %arg12[%get3A_531] {strides = array<i32>} : memref<20480xf32, #tpu.memory_space<vmem>>, vector<16xf32>,
              %get3A_533 = vector.shape_cast %get3A_532 : vector<16xf32> to vector<16xf32>
              %add3A_534 = arith.addf %get3A_528, %get3A_533 : vector<16xf32>
              %mul3A_535 = arith.constant 512 : i32
              %mul3A_536 = arith.muli %scan3A_118, %mul3A_535 : i32
              %add3A_537 = arith.constant 128 : i32
              %add3A_538 = arith.addi %mul3A_536, %add3A_537 : i32
              %get3A_539 = arith.index_cast %add3A_538 : i32 to index
              %get3A_540 = tpu.vector_load %arg14[%get3A_539] {strides = array<i32>} : memref<32768xf32, #tpu.memory_space<vmem>>, vector<16xf32>,
              %get3A_541 = vector.shape_cast %get3A_540 : vector<16xf32> to vector<16xf32>
              %add3A_542 = arith.addf %add3A_534, %get3A_541 : vector<16xf32>
              %gt3A_543 = arith.constant 0.000000e+00 : f32
              %gt3A_544 = vector.broadcast %gt3A_543 : f32 to vector<16xf32>
              %gt3A_545 = arith.cmpf ogt, %add3A_542, %gt3A_544 : vector<16xf32>
              %mul3A_546 = arith.constant 2.000000e-01 : f32
              %mul3A_547 = vector.broadcast %mul3A_546 : f32 to vector<16xf32>
              %mul3A_548 = arith.mulf %add3A_542, %mul3A_547 : vector<16xf32>
              %select_n3A_549 = arith.select %gt3A_545, %add3A_542, %mul3A_548 : vector<16xi1>, vector<16xf32>
              %get3A_550 = arith.constant 128 : index
              %get3A_551 = tpu.vector_load %arg19[%get3A_550] {strides = array<i32>} : memref<512xf32, #tpu.memory_space<vmem>>, vector<16xf32>,
              %get3A_552 = vector.shape_cast %get3A_551 : vector<16xf32> to vector<16xf32>
              %mul3A_553 = arith.mulf %select_n3A_549, %get3A_552 : vector<16xf32>
              %add3A_554 = arith.addf %broadcast_in_dim3A_524, %mul3A_553 : vector<16xf32>
              %get3A_555 = arith.index_cast %scan3A_118 : i32 to index
              %get3A_556 = arith.constant 144 : index
              %get3A_557 = tpu.vector_load %arg13[%get3A_555, %get3A_556] {strides = array<i32>} : memref<64x512xf32, #tpu.memory_space<vmem>>, vector<1x16xf32>,
              %get3A_558 = vector.shape_cast %get3A_557 : vector<1x16xf32> to vector<16xf32>
              %add3A_559 = arith.constant 144 : i32
              %add3A_560 = arith.addi %mul3A_133, %add3A_559 : i32
              %get3A_561 = arith.index_cast %add3A_560 : i32 to index
              %get3A_562 = tpu.vector_load %arg12[%get3A_561] {strides = array<i32>} : memref<20480xf32, #tpu.memory_space<vmem>>, vector<16xf32>,
              %get3A_563 = vector.shape_cast %get3A_562 : vector<16xf32> to vector<16xf32>
              %add3A_564 = arith.addf %get3A_558, %get3A_563 : vector<16xf32>
              %mul3A_565 = arith.constant 512 : i32
              %mul3A_566 = arith.muli %scan3A_118, %mul3A_565 : i32
              %add3A_567 = arith.constant 144 : i32
              %add3A_568 = arith.addi %mul3A_566, %add3A_567 : i32
              %get3A_569 = arith.index_cast %add3A_568 : i32 to index
              %get3A_570 = tpu.vector_load %arg14[%get3A_569] {strides = array<i32>} : memref<32768xf32, #tpu.memory_space<vmem>>, vector<16xf32>,
              %get3A_571 = vector.shape_cast %get3A_570 : vector<16xf32> to vector<16xf32>
              %add3A_572 = arith.addf %add3A_564, %get3A_571 : vector<16xf32>
              %gt3A_573 = arith.constant 0.000000e+00 : f32
              %gt3A_574 = vector.broadcast %gt3A_573 : f32 to vector<16xf32>
              %gt3A_575 = arith.cmpf ogt, %add3A_572, %gt3A_574 : vector<16xf32>
              %mul3A_576 = arith.constant 2.000000e-01 : f32
              %mul3A_577 = vector.broadcast %mul3A_576 : f32 to vector<16xf32>
              %mul3A_578 = arith.mulf %add3A_572, %mul3A_577 : vector<16xf32>
              %select_n3A_579 = arith.select %gt3A_575, %add3A_572, %mul3A_578 : vector<16xi1>, vector<16xf32>
              %get3A_580 = arith.constant 144 : index
              %get3A_581 = tpu.vector_load %arg19[%get3A_580] {strides = array<i32>} : memref<512xf32, #tpu.memory_space<vmem>>, vector<16xf32>,
              %get3A_582 = vector.shape_cast %get3A_581 : vector<16xf32> to vector<16xf32>
              %mul3A_583 = arith.mulf %select_n3A_579, %get3A_582 : vector<16xf32>
              %add3A_584 = arith.addf %add3A_554, %mul3A_583 : vector<16xf32>
              %get3A_585 = arith.index_cast %scan3A_118 : i32 to index
              %get3A_586 = arith.constant 160 : index
              %get3A_587 = tpu.vector_load %arg13[%get3A_585, %get3A_586] {strides = array<i32>} : memref<64x512xf32, #tpu.memory_space<vmem>>, vector<1x16xf32>,
              %get3A_588 = vector.shape_cast %get3A_587 : vector<1x16xf32> to vector<16xf32>
              %add3A_589 = arith.constant 160 : i32
              %add3A_590 = arith.addi %mul3A_133, %add3A_589 : i32
              %get3A_591 = arith.index_cast %add3A_590 : i32 to index
              %get3A_592 = tpu.vector_load %arg12[%get3A_591] {strides = array<i32>} : memref<20480xf32, #tpu.memory_space<vmem>>, vector<16xf32>,
              %get3A_593 = vector.shape_cast %get3A_592 : vector<16xf32> to vector<16xf32>
              %add3A_594 = arith.addf %get3A_588, %get3A_593 : vector<16xf32>
              %mul3A_595 = arith.constant 512 : i32
              %mul3A_596 = arith.muli %scan3A_118, %mul3A_595 : i32
              %add3A_597 = arith.constant 160 : i32
              %add3A_598 = arith.addi %mul3A_596, %add3A_597 : i32
              %get3A_599 = arith.index_cast %add3A_598 : i32 to index
              %get3A_600 = tpu.vector_load %arg14[%get3A_599] {strides = array<i32>} : memref<32768xf32, #tpu.memory_space<vmem>>, vector<16xf32>,
              %get3A_601 = vector.shape_cast %get3A_600 : vector<16xf32> to vector<16xf32>
              %add3A_602 = arith.addf %add3A_594, %get3A_601 : vector<16xf32>
              %gt3A_603 = arith.constant 0.000000e+00 : f32
              %gt3A_604 = vector.broadcast %gt3A_603 : f32 to vector<16xf32>
              %gt3A_605 = arith.cmpf ogt, %add3A_602, %gt3A_604 : vector<16xf32>
              %mul3A_606 = arith.constant 2.000000e-01 : f32
              %mul3A_607 = vector.broadcast %mul3A_606 : f32 to vector<16xf32>
              %mul3A_608 = arith.mulf %add3A_602, %mul3A_607 : vector<16xf32>
              %select_n3A_609 = arith.select %gt3A_605, %add3A_602, %mul3A_608 : vector<16xi1>, vector<16xf32>
              %get3A_610 = arith.constant 160 : index
              %get3A_611 = tpu.vector_load %arg19[%get3A_610] {strides = array<i32>} : memref<512xf32, #tpu.memory_space<vmem>>, vector<16xf32>,
              %get3A_612 = vector.shape_cast %get3A_611 : vector<16xf32> to vector<16xf32>
              %mul3A_613 = arith.mulf %select_n3A_609, %get3A_612 : vector<16xf32>
              %add3A_614 = arith.addf %add3A_584, %mul3A_613 : vector<16xf32>
              %get3A_615 = arith.index_cast %scan3A_118 : i32 to index
              %get3A_616 = arith.constant 176 : index
              %get3A_617 = tpu.vector_load %arg13[%get3A_615, %get3A_616] {strides = array<i32>} : memref<64x512xf32, #tpu.memory_space<vmem>>, vector<1x16xf32>,
              %get3A_618 = vector.shape_cast %get3A_617 : vector<1x16xf32> to vector<16xf32>
              %add3A_619 = arith.constant 176 : i32
              %add3A_620 = arith.addi %mul3A_133, %add3A_619 : i32
              %get3A_621 = arith.index_cast %add3A_620 : i32 to index
              %get3A_622 = tpu.vector_load %arg12[%get3A_621] {strides = array<i32>} : memref<20480xf32, #tpu.memory_space<vmem>>, vector<16xf32>,
              %get3A_623 = vector.shape_cast %get3A_622 : vector<16xf32> to vector<16xf32>
              %add3A_624 = arith.addf %get3A_618, %get3A_623 : vector<16xf32>
              %mul3A_625 = arith.constant 512 : i32
              %mul3A_626 = arith.muli %scan3A_118, %mul3A_625 : i32
              %add3A_627 = arith.constant 176 : i32
              %add3A_628 = arith.addi %mul3A_626, %add3A_627 : i32
              %get3A_629 = arith.index_cast %add3A_628 : i32 to index
              %get3A_630 = tpu.vector_load %arg14[%get3A_629] {strides = array<i32>} : memref<32768xf32, #tpu.memory_space<vmem>>, vector<16xf32>,
              %get3A_631 = vector.shape_cast %get3A_630 : vector<16xf32> to vector<16xf32>
              %add3A_632 = arith.addf %add3A_624, %get3A_631 : vector<16xf32>
              %gt3A_633 = arith.constant 0.000000e+00 : f32
              %gt3A_634 = vector.broadcast %gt3A_633 : f32 to vector<16xf32>
              %gt3A_635 = arith.cmpf ogt, %add3A_632, %gt3A_634 : vector<16xf32>
              %mul3A_636 = arith.constant 2.000000e-01 : f32
              %mul3A_637 = vector.broadcast %mul3A_636 : f32 to vector<16xf32>
              %mul3A_638 = arith.mulf %add3A_632, %mul3A_637 : vector<16xf32>
              %select_n3A_639 = arith.select %gt3A_635, %add3A_632, %mul3A_638 : vector<16xi1>, vector<16xf32>
              %get3A_640 = arith.constant 176 : index
              %get3A_641 = tpu.vector_load %arg19[%get3A_640] {strides = array<i32>} : memref<512xf32, #tpu.memory_space<vmem>>, vector<16xf32>,
              %get3A_642 = vector.shape_cast %get3A_641 : vector<16xf32> to vector<16xf32>
              %mul3A_643 = arith.mulf %select_n3A_639, %get3A_642 : vector<16xf32>
              %add3A_644 = arith.addf %add3A_614, %mul3A_643 : vector<16xf32>
              %get3A_645 = arith.index_cast %scan3A_118 : i32 to index
              %get3A_646 = arith.constant 192 : index
              %get3A_647 = tpu.vector_load %arg13[%get3A_645, %get3A_646] {strides = array<i32>} : memref<64x512xf32, #tpu.memory_space<vmem>>, vector<1x16xf32>,
              %get3A_648 = vector.shape_cast %get3A_647 : vector<1x16xf32> to vector<16xf32>
              %add3A_649 = arith.constant 192 : i32
              %add3A_650 = arith.addi %mul3A_133, %add3A_649 : i32
              %get3A_651 = arith.index_cast %add3A_650 : i32 to index
              %get3A_652 = tpu.vector_load %arg12[%get3A_651] {strides = array<i32>} : memref<20480xf32, #tpu.memory_space<vmem>>, vector<16xf32>,
              %get3A_653 = vector.shape_cast %get3A_652 : vector<16xf32> to vector<16xf32>
              %add3A_654 = arith.addf %get3A_648, %get3A_653 : vector<16xf32>
              %mul3A_655 = arith.constant 512 : i32
              %mul3A_656 = arith.muli %scan3A_118, %mul3A_655 : i32
              %add3A_657 = arith.constant 192 : i32
              %add3A_658 = arith.addi %mul3A_656, %add3A_657 : i32
              %get3A_659 = arith.index_cast %add3A_658 : i32 to index
              %get3A_660 = tpu.vector_load %arg14[%get3A_659] {strides = array<i32>} : memref<32768xf32, #tpu.memory_space<vmem>>, vector<16xf32>,
              %get3A_661 = vector.shape_cast %get3A_660 : vector<16xf32> to vector<16xf32>
              %add3A_662 = arith.addf %add3A_654, %get3A_661 : vector<16xf32>
              %gt3A_663 = arith.constant 0.000000e+00 : f32
              %gt3A_664 = vector.broadcast %gt3A_663 : f32 to vector<16xf32>
              %gt3A_665 = arith.cmpf ogt, %add3A_662, %gt3A_664 : vector<16xf32>
              %mul3A_666 = arith.constant 2.000000e-01 : f32
              %mul3A_667 = vector.broadcast %mul3A_666 : f32 to vector<16xf32>
              %mul3A_668 = arith.mulf %add3A_662, %mul3A_667 : vector<16xf32>
              %select_n3A_669 = arith.select %gt3A_665, %add3A_662, %mul3A_668 : vector<16xi1>, vector<16xf32>
              %get3A_670 = arith.constant 192 : index
              %get3A_671 = tpu.vector_load %arg19[%get3A_670] {strides = array<i32>} : memref<512xf32, #tpu.memory_space<vmem>>, vector<16xf32>,
              %get3A_672 = vector.shape_cast %get3A_671 : vector<16xf32> to vector<16xf32>
              %mul3A_673 = arith.mulf %select_n3A_669, %get3A_672 : vector<16xf32>
              %add3A_674 = arith.addf %add3A_644, %mul3A_673 : vector<16xf32>
              %get3A_675 = arith.index_cast %scan3A_118 : i32 to index
              %get3A_676 = arith.constant 208 : index
              %get3A_677 = tpu.vector_load %arg13[%get3A_675, %get3A_676] {strides = array<i32>} : memref<64x512xf32, #tpu.memory_space<vmem>>, vector<1x16xf32>,
              %get3A_678 = vector.shape_cast %get3A_677 : vector<1x16xf32> to vector<16xf32>
              %add3A_679 = arith.constant 208 : i32
              %add3A_680 = arith.addi %mul3A_133, %add3A_679 : i32
              %get3A_681 = arith.index_cast %add3A_680 : i32 to index
              %get3A_682 = tpu.vector_load %arg12[%get3A_681] {strides = array<i32>} : memref<20480xf32, #tpu.memory_space<vmem>>, vector<16xf32>,
              %get3A_683 = vector.shape_cast %get3A_682 : vector<16xf32> to vector<16xf32>
              %add3A_684 = arith.addf %get3A_678, %get3A_683 : vector<16xf32>
              %mul3A_685 = arith.constant 512 : i32
              %mul3A_686 = arith.muli %scan3A_118, %mul3A_685 : i32
              %add3A_687 = arith.constant 208 : i32
              %add3A_688 = arith.addi %mul3A_686, %add3A_687 : i32
              %get3A_689 = arith.index_cast %add3A_688 : i32 to index
              %get3A_690 = tpu.vector_load %arg14[%get3A_689] {strides = array<i32>} : memref<32768xf32, #tpu.memory_space<vmem>>, vector<16xf32>,
              %get3A_691 = vector.shape_cast %get3A_690 : vector<16xf32> to vector<16xf32>
              %add3A_692 = arith.addf %add3A_684, %get3A_691 : vector<16xf32>
              %gt3A_693 = arith.constant 0.000000e+00 : f32
              %gt3A_694 = vector.broadcast %gt3A_693 : f32 to vector<16xf32>
              %gt3A_695 = arith.cmpf ogt, %add3A_692, %gt3A_694 : vector<16xf32>
              %mul3A_696 = arith.constant 2.000000e-01 : f32
              %mul3A_697 = vector.broadcast %mul3A_696 : f32 to vector<16xf32>
              %mul3A_698 = arith.mulf %add3A_692, %mul3A_697 : vector<16xf32>
              %select_n3A_699 = arith.select %gt3A_695, %add3A_692, %mul3A_698 : vector<16xi1>, vector<16xf32>
              %get3A_700 = arith.constant 208 : index
              %get3A_701 = tpu.vector_load %arg19[%get3A_700] {strides = array<i32>} : memref<512xf32, #tpu.memory_space<vmem>>, vector<16xf32>,
              %get3A_702 = vector.shape_cast %get3A_701 : vector<16xf32> to vector<16xf32>
              %mul3A_703 = arith.mulf %select_n3A_699, %get3A_702 : vector<16xf32>
              %add3A_704 = arith.addf %add3A_674, %mul3A_703 : vector<16xf32>
              %get3A_705 = arith.index_cast %scan3A_118 : i32 to index
              %get3A_706 = arith.constant 224 : index
              %get3A_707 = tpu.vector_load %arg13[%get3A_705, %get3A_706] {strides = array<i32>} : memref<64x512xf32, #tpu.memory_space<vmem>>, vector<1x16xf32>,
              %get3A_708 = vector.shape_cast %get3A_707 : vector<1x16xf32> to vector<16xf32>
              %add3A_709 = arith.constant 224 : i32
              %add3A_710 = arith.addi %mul3A_133, %add3A_709 : i32
              %get3A_711 = arith.index_cast %add3A_710 : i32 to index
              %get3A_712 = tpu.vector_load %arg12[%get3A_711] {strides = array<i32>} : memref<20480xf32, #tpu.memory_space<vmem>>, vector<16xf32>,
              %get3A_713 = vector.shape_cast %get3A_712 : vector<16xf32> to vector<16xf32>
              %add3A_714 = arith.addf %get3A_708, %get3A_713 : vector<16xf32>
              %mul3A_715 = arith.constant 512 : i32
              %mul3A_716 = arith.muli %scan3A_118, %mul3A_715 : i32
              %add3A_717 = arith.constant 224 : i32
              %add3A_718 = arith.addi %mul3A_716, %add3A_717 : i32
              %get3A_719 = arith.index_cast %add3A_718 : i32 to index
              %get3A_720 = tpu.vector_load %arg14[%get3A_719] {strides = array<i32>} : memref<32768xf32, #tpu.memory_space<vmem>>, vector<16xf32>,
              %get3A_721 = vector.shape_cast %get3A_720 : vector<16xf32> to vector<16xf32>
              %add3A_722 = arith.addf %add3A_714, %get3A_721 : vector<16xf32>
              %gt3A_723 = arith.constant 0.000000e+00 : f32
              %gt3A_724 = vector.broadcast %gt3A_723 : f32 to vector<16xf32>
              %gt3A_725 = arith.cmpf ogt, %add3A_722, %gt3A_724 : vector<16xf32>
              %mul3A_726 = arith.constant 2.000000e-01 : f32
              %mul3A_727 = vector.broadcast %mul3A_726 : f32 to vector<16xf32>
              %mul3A_728 = arith.mulf %add3A_722, %mul3A_727 : vector<16xf32>
              %select_n3A_729 = arith.select %gt3A_725, %add3A_722, %mul3A_728 : vector<16xi1>, vector<16xf32>
              %get3A_730 = arith.constant 224 : index
              %get3A_731 = tpu.vector_load %arg19[%get3A_730] {strides = array<i32>} : memref<512xf32, #tpu.memory_space<vmem>>, vector<16xf32>,
              %get3A_732 = vector.shape_cast %get3A_731 : vector<16xf32> to vector<16xf32>
              %mul3A_733 = arith.mulf %select_n3A_729, %get3A_732 : vector<16xf32>
              %add3A_734 = arith.addf %add3A_704, %mul3A_733 : vector<16xf32>
              %get3A_735 = arith.index_cast %scan3A_118 : i32 to index
              %get3A_736 = arith.constant 240 : index
              %get3A_737 = tpu.vector_load %arg13[%get3A_735, %get3A_736] {strides = array<i32>} : memref<64x512xf32, #tpu.memory_space<vmem>>, vector<1x16xf32>,
              %get3A_738 = vector.shape_cast %get3A_737 : vector<1x16xf32> to vector<16xf32>
              %add3A_739 = arith.constant 240 : i32
              %add3A_740 = arith.addi %mul3A_133, %add3A_739 : i32
              %get3A_741 = arith.index_cast %add3A_740 : i32 to index
              %get3A_742 = tpu.vector_load %arg12[%get3A_741] {strides = array<i32>} : memref<20480xf32, #tpu.memory_space<vmem>>, vector<16xf32>,
              %get3A_743 = vector.shape_cast %get3A_742 : vector<16xf32> to vector<16xf32>
              %add3A_744 = arith.addf %get3A_738, %get3A_743 : vector<16xf32>
              %mul3A_745 = arith.constant 512 : i32
              %mul3A_746 = arith.muli %scan3A_118, %mul3A_745 : i32
              %add3A_747 = arith.constant 240 : i32
              %add3A_748 = arith.addi %mul3A_746, %add3A_747 : i32
              %get3A_749 = arith.index_cast %add3A_748 : i32 to index
              %get3A_750 = tpu.vector_load %arg14[%get3A_749] {strides = array<i32>} : memref<32768xf32, #tpu.memory_space<vmem>>, vector<16xf32>,
              %get3A_751 = vector.shape_cast %get3A_750 : vector<16xf32> to vector<16xf32>
              %add3A_752 = arith.addf %add3A_744, %get3A_751 : vector<16xf32>
              %gt3A_753 = arith.constant 0.000000e+00 : f32
              %gt3A_754 = vector.broadcast %gt3A_753 : f32 to vector<16xf32>
              %gt3A_755 = arith.cmpf ogt, %add3A_752, %gt3A_754 : vector<16xf32>
              %mul3A_756 = arith.constant 2.000000e-01 : f32
              %mul3A_757 = vector.broadcast %mul3A_756 : f32 to vector<16xf32>
              %mul3A_758 = arith.mulf %add3A_752, %mul3A_757 : vector<16xf32>
              %select_n3A_759 = arith.select %gt3A_755, %add3A_752, %mul3A_758 : vector<16xi1>, vector<16xf32>
              %get3A_760 = arith.constant 240 : index
              %get3A_761 = tpu.vector_load %arg19[%get3A_760] {strides = array<i32>} : memref<512xf32, #tpu.memory_space<vmem>>, vector<16xf32>,
              %get3A_762 = vector.shape_cast %get3A_761 : vector<16xf32> to vector<16xf32>
              %mul3A_763 = arith.mulf %select_n3A_759, %get3A_762 : vector<16xf32>
              %add3A_764 = arith.addf %add3A_734, %mul3A_763 : vector<16xf32>
              %iota3A_765 = tpu.iota {dimensions = array<i32: 0>} : vector<16xi32>
              %add3A_766 = arith.constant 8 : i32
              %add3A_767 = vector.broadcast %add3A_766 : i32 to vector<16xi32>
              %add3A_768 = arith.addi %iota3A_765, %add3A_767 : vector<16xi32>
              %jit3A_769 = arith.constant 16 : i32
              %eq3A_770 = arith.constant 0 : i32
              %eq3A_771 = arith.cmpi eq, %jit3A_769, %eq3A_770 : i32
              %jit3A_772 = arith.constant 1 : i32
              %select_n3A_773 = arith.select %eq3A_771, %jit3A_772, %jit3A_769 : i32
              %rem3A_774 = vector.broadcast %select_n3A_773 : i32 to vector<16xi32>
              %rem3A_775 = arith.remsi %add3A_768, %rem3A_774 : vector<16xi32>
              %ne3A_776 = arith.constant 0 : i32
              %ne3A_777 = vector.broadcast %ne3A_776 : i32 to vector<16xi32>
              %ne3A_778 = arith.cmpi ne, %rem3A_775, %ne3A_777 : vector<16xi32>
              %lt3A_779 = arith.constant 0 : i32
              %lt3A_780 = vector.broadcast %lt3A_779 : i32 to vector<16xi32>
              %lt3A_781 = arith.cmpi slt, %rem3A_775, %lt3A_780 : vector<16xi32>
              %lt3A_782 = arith.constant 0 : i32
              %lt3A_783 = arith.cmpi slt, %select_n3A_773, %lt3A_782 : i32
              %ne3A_784 = vector.broadcast %lt3A_783 : i1 to vector<16xi1>
              %ne3A_785 = vector.broadcast %ne3A_784 : vector<16xi1> to vector<16xi1>
              %ne3A_786 = arith.xori %lt3A_781, %ne3A_785 : vector<16xi1>
              %and3A_787 = arith.andi %ne3A_786, %ne3A_778 : vector<16xi1>
              %add3A_788 = vector.broadcast %select_n3A_773 : i32 to vector<16xi32>
              %add3A_789 = arith.addi %rem3A_775, %add3A_788 : vector<16xi32>
              %select_n3A_790 = arith.select %and3A_787, %add3A_789, %rem3A_775 : vector<16xi1>, vector<16xi32>
              %lt3A_791 = arith.constant 0 : i32
              %lt3A_792 = vector.broadcast %lt3A_791 : i32 to vector<16xi32>
              %lt3A_793 = arith.cmpi slt, %select_n3A_790, %lt3A_792 : vector<16xi32>
              %add3A_794 = arith.constant 16 : i32
              %add3A_795 = vector.broadcast %add3A_794 : i32 to vector<16xi32>
              %add3A_796 = arith.addi %select_n3A_790, %add3A_795 : vector<16xi32>
              %select_n3A_797 = arith.select %lt3A_793, %add3A_796, %select_n3A_790 : vector<16xi1>, vector<16xi32>
              %broadcast_in_dim3A_798 = vector.shape_cast %select_n3A_797 : vector<16xi32> to vector<16x1xi32>
              %gather3A_799 = vector.shape_cast %broadcast_in_dim3A_798 : vector<16x1xi32> to vector<16xi32>
              %gather3A_800 = tpu.dynamic_gather %add3A_764[%gather3A_799] in [0] : vector<16xf32>, vector<16xi32> -> vector<16xf32>
              %add3A_801 = arith.addf %add3A_764, %gather3A_800 : vector<16xf32>
              %add3A_802 = arith.constant 4 : i32
              %add3A_803 = vector.broadcast %add3A_802 : i32 to vector<16xi32>
              %add3A_804 = arith.addi %iota3A_765, %add3A_803 : vector<16xi32>
              %jit3A_805 = arith.constant 16 : i32
              %eq3A_806 = arith.constant 0 : i32
              %eq3A_807 = arith.cmpi eq, %jit3A_805, %eq3A_806 : i32
              %jit3A_808 = arith.constant 1 : i32
              %select_n3A_809 = arith.select %eq3A_807, %jit3A_808, %jit3A_805 : i32
              %rem3A_810 = vector.broadcast %select_n3A_809 : i32 to vector<16xi32>
              %rem3A_811 = arith.remsi %add3A_804, %rem3A_810 : vector<16xi32>
              %ne3A_812 = arith.constant 0 : i32
              %ne3A_813 = vector.broadcast %ne3A_812 : i32 to vector<16xi32>
              %ne3A_814 = arith.cmpi ne, %rem3A_811, %ne3A_813 : vector<16xi32>
              %lt3A_815 = arith.constant 0 : i32
              %lt3A_816 = vector.broadcast %lt3A_815 : i32 to vector<16xi32>
              %lt3A_817 = arith.cmpi slt, %rem3A_811, %lt3A_816 : vector<16xi32>
              %lt3A_818 = arith.constant 0 : i32
              %lt3A_819 = arith.cmpi slt, %select_n3A_809, %lt3A_818 : i32
              %ne3A_820 = vector.broadcast %lt3A_819 : i1 to vector<16xi1>
              %ne3A_821 = vector.broadcast %ne3A_820 : vector<16xi1> to vector<16xi1>
              %ne3A_822 = arith.xori %lt3A_817, %ne3A_821 : vector<16xi1>
              %and3A_823 = arith.andi %ne3A_822, %ne3A_814 : vector<16xi1>
              %add3A_824 = vector.broadcast %select_n3A_809 : i32 to vector<16xi32>
              %add3A_825 = arith.addi %rem3A_811, %add3A_824 : vector<16xi32>
              %select_n3A_826 = arith.select %and3A_823, %add3A_825, %rem3A_811 : vector<16xi1>, vector<16xi32>
              %lt3A_827 = arith.constant 0 : i32
              %lt3A_828 = vector.broadcast %lt3A_827 : i32 to vector<16xi32>
              %lt3A_829 = arith.cmpi slt, %select_n3A_826, %lt3A_828 : vector<16xi32>
              %add3A_830 = arith.constant 16 : i32
              %add3A_831 = vector.broadcast %add3A_830 : i32 to vector<16xi32>
              %add3A_832 = arith.addi %select_n3A_826, %add3A_831 : vector<16xi32>
              %select_n3A_833 = arith.select %lt3A_829, %add3A_832, %select_n3A_826 : vector<16xi1>, vector<16xi32>
              %broadcast_in_dim3A_834 = vector.shape_cast %select_n3A_833 : vector<16xi32> to vector<16x1xi32>
              %gather3A_835 = vector.shape_cast %broadcast_in_dim3A_834 : vector<16x1xi32> to vector<16xi32>
              %gather3A_836 = tpu.dynamic_gather %add3A_801[%gather3A_835] in [0] : vector<16xf32>, vector<16xi32> -> vector<16xf32>
              %add3A_837 = arith.addf %add3A_801, %gather3A_836 : vector<16xf32>
              %add3A_838 = arith.constant 2 : i32
              %add3A_839 = vector.broadcast %add3A_838 : i32 to vector<16xi32>
              %add3A_840 = arith.addi %iota3A_765, %add3A_839 : vector<16xi32>
              %jit3A_841 = arith.constant 16 : i32
              %eq3A_842 = arith.constant 0 : i32
              %eq3A_843 = arith.cmpi eq, %jit3A_841, %eq3A_842 : i32
              %jit3A_844 = arith.constant 1 : i32
              %select_n3A_845 = arith.select %eq3A_843, %jit3A_844, %jit3A_841 : i32
              %rem3A_846 = vector.broadcast %select_n3A_845 : i32 to vector<16xi32>
              %rem3A_847 = arith.remsi %add3A_840, %rem3A_846 : vector<16xi32>
              %ne3A_848 = arith.constant 0 : i32
              %ne3A_849 = vector.broadcast %ne3A_848 : i32 to vector<16xi32>
              %ne3A_850 = arith.cmpi ne, %rem3A_847, %ne3A_849 : vector<16xi32>
              %lt3A_851 = arith.constant 0 : i32
              %lt3A_852 = vector.broadcast %lt3A_851 : i32 to vector<16xi32>
              %lt3A_853 = arith.cmpi slt, %rem3A_847, %lt3A_852 : vector<16xi32>
              %lt3A_854 = arith.constant 0 : i32
              %lt3A_855 = arith.cmpi slt, %select_n3A_845, %lt3A_854 : i32
              %ne3A_856 = vector.broadcast %lt3A_855 : i1 to vector<16xi1>
              %ne3A_857 = vector.broadcast %ne3A_856 : vector<16xi1> to vector<16xi1>
              %ne3A_858 = arith.xori %lt3A_853, %ne3A_857 : vector<16xi1>
              %and3A_859 = arith.andi %ne3A_858, %ne3A_850 : vector<16xi1>
              %add3A_860 = vector.broadcast %select_n3A_845 : i32 to vector<16xi32>
              %add3A_861 = arith.addi %rem3A_847, %add3A_860 : vector<16xi32>
              %select_n3A_862 = arith.select %and3A_859, %add3A_861, %rem3A_847 : vector<16xi1>, vector<16xi32>
              %lt3A_863 = arith.constant 0 : i32
              %lt3A_864 = vector.broadcast %lt3A_863 : i32 to vector<16xi32>
              %lt3A_865 = arith.cmpi slt, %select_n3A_862, %lt3A_864 : vector<16xi32>
              %add3A_866 = arith.constant 16 : i32
              %add3A_867 = vector.broadcast %add3A_866 : i32 to vector<16xi32>
              %add3A_868 = arith.addi %select_n3A_862, %add3A_867 : vector<16xi32>
              %select_n3A_869 = arith.select %lt3A_865, %add3A_868, %select_n3A_862 : vector<16xi1>, vector<16xi32>
              %broadcast_in_dim3A_870 = vector.shape_cast %select_n3A_869 : vector<16xi32> to vector<16x1xi32>
              %gather3A_871 = vector.shape_cast %broadcast_in_dim3A_870 : vector<16x1xi32> to vector<16xi32>
              %gather3A_872 = tpu.dynamic_gather %add3A_837[%gather3A_871] in [0] : vector<16xf32>, vector<16xi32> -> vector<16xf32>
              %add3A_873 = arith.addf %add3A_837, %gather3A_872 : vector<16xf32>
              %add3A_874 = arith.constant 1 : i32
              %add3A_875 = vector.broadcast %add3A_874 : i32 to vector<16xi32>
              %add3A_876 = arith.addi %iota3A_765, %add3A_875 : vector<16xi32>
              %jit3A_877 = arith.constant 16 : i32
              %eq3A_878 = arith.constant 0 : i32
              %eq3A_879 = arith.cmpi eq, %jit3A_877, %eq3A_878 : i32
              %jit3A_880 = arith.constant 1 : i32
              %select_n3A_881 = arith.select %eq3A_879, %jit3A_880, %jit3A_877 : i32
              %rem3A_882 = vector.broadcast %select_n3A_881 : i32 to vector<16xi32>
              %rem3A_883 = arith.remsi %add3A_876, %rem3A_882 : vector<16xi32>
              %ne3A_884 = arith.constant 0 : i32
              %ne3A_885 = vector.broadcast %ne3A_884 : i32 to vector<16xi32>
              %ne3A_886 = arith.cmpi ne, %rem3A_883, %ne3A_885 : vector<16xi32>
              %lt3A_887 = arith.constant 0 : i32
              %lt3A_888 = vector.broadcast %lt3A_887 : i32 to vector<16xi32>
              %lt3A_889 = arith.cmpi slt, %rem3A_883, %lt3A_888 : vector<16xi32>
              %lt3A_890 = arith.constant 0 : i32
              %lt3A_891 = arith.cmpi slt, %select_n3A_881, %lt3A_890 : i32
              %ne3A_892 = vector.broadcast %lt3A_891 : i1 to vector<16xi1>
              %ne3A_893 = vector.broadcast %ne3A_892 : vector<16xi1> to vector<16xi1>
              %ne3A_894 = arith.xori %lt3A_889, %ne3A_893 : vector<16xi1>
              %and3A_895 = arith.andi %ne3A_894, %ne3A_886 : vector<16xi1>
              %add3A_896 = vector.broadcast %select_n3A_881 : i32 to vector<16xi32>
              %add3A_897 = arith.addi %rem3A_883, %add3A_896 : vector<16xi32>
              %select_n3A_898 = arith.select %and3A_895, %add3A_897, %rem3A_883 : vector<16xi1>, vector<16xi32>
              %lt3A_899 = arith.constant 0 : i32
              %lt3A_900 = vector.broadcast %lt3A_899 : i32 to vector<16xi32>
              %lt3A_901 = arith.cmpi slt, %select_n3A_898, %lt3A_900 : vector<16xi32>
              %add3A_902 = arith.constant 16 : i32
              %add3A_903 = vector.broadcast %add3A_902 : i32 to vector<16xi32>
              %add3A_904 = arith.addi %select_n3A_898, %add3A_903 : vector<16xi32>
              %select_n3A_905 = arith.select %lt3A_901, %add3A_904, %select_n3A_898 : vector<16xi1>, vector<16xi32>
              %broadcast_in_dim3A_906 = vector.shape_cast %select_n3A_905 : vector<16xi32> to vector<16x1xi32>
              %gather3A_907 = vector.shape_cast %broadcast_in_dim3A_906 : vector<16x1xi32> to vector<16xi32>
              %gather3A_908 = tpu.dynamic_gather %add3A_873[%gather3A_907] in [0] : vector<16xf32>, vector<16xi32> -> vector<16xf32>
              %add3A_909 = arith.addf %add3A_873, %gather3A_908 : vector<16xf32>
              %eq3A_910 = arith.constant 1 : i32
              %eq3A_911 = vector.broadcast %eq3A_910 : i32 to vector<16xi32>
              %eq3A_912 = arith.cmpi eq, %iota3A, %eq3A_911 : vector<16xi32>
              %select_n3A_913 = arith.select %eq3A_912, %add3A_909, %select_n3A_522 : vector<16xi1>, vector<16xf32>
              %broadcast_in_dim3A_914 = arith.constant 0.000000e+00 : f32
              %broadcast_in_dim3A_915 = vector.broadcast %broadcast_in_dim3A_914 : f32 to vector<16xf32>
              %get3A_916 = arith.index_cast %scan3A_118 : i32 to index
              %get3A_917 = arith.constant 256 : index
              %get3A_918 = tpu.vector_load %arg13[%get3A_916, %get3A_917] {strides = array<i32>} : memref<64x512xf32, #tpu.memory_space<vmem>>, vector<1x16xf32>,
              %get3A_919 = vector.shape_cast %get3A_918 : vector<1x16xf32> to vector<16xf32>
              %add3A_920 = arith.constant 256 : i32
              %add3A_921 = arith.addi %mul3A_133, %add3A_920 : i32
              %get3A_922 = arith.index_cast %add3A_921 : i32 to index
              %get3A_923 = tpu.vector_load %arg12[%get3A_922] {strides = array<i32>} : memref<20480xf32, #tpu.memory_space<vmem>>, vector<16xf32>,
              %get3A_924 = vector.shape_cast %get3A_923 : vector<16xf32> to vector<16xf32>
              %add3A_925 = arith.addf %get3A_919, %get3A_924 : vector<16xf32>
              %mul3A_926 = arith.constant 512 : i32
              %mul3A_927 = arith.muli %scan3A_118, %mul3A_926 : i32
              %add3A_928 = arith.constant 256 : i32
              %add3A_929 = arith.addi %mul3A_927, %add3A_928 : i32
              %get3A_930 = arith.index_cast %add3A_929 : i32 to index
              %get3A_931 = tpu.vector_load %arg14[%get3A_930] {strides = array<i32>} : memref<32768xf32, #tpu.memory_space<vmem>>, vector<16xf32>,
              %get3A_932 = vector.shape_cast %get3A_931 : vector<16xf32> to vector<16xf32>
              %add3A_933 = arith.addf %add3A_925, %get3A_932 : vector<16xf32>
              %gt3A_934 = arith.constant 0.000000e+00 : f32
              %gt3A_935 = vector.broadcast %gt3A_934 : f32 to vector<16xf32>
              %gt3A_936 = arith.cmpf ogt, %add3A_933, %gt3A_935 : vector<16xf32>
              %mul3A_937 = arith.constant 2.000000e-01 : f32
              %mul3A_938 = vector.broadcast %mul3A_937 : f32 to vector<16xf32>
              %mul3A_939 = arith.mulf %add3A_933, %mul3A_938 : vector<16xf32>
              %select_n3A_940 = arith.select %gt3A_936, %add3A_933, %mul3A_939 : vector<16xi1>, vector<16xf32>
              %get3A_941 = arith.constant 256 : index
              %get3A_942 = tpu.vector_load %arg19[%get3A_941] {strides = array<i32>} : memref<512xf32, #tpu.memory_space<vmem>>, vector<16xf32>,
              %get3A_943 = vector.shape_cast %get3A_942 : vector<16xf32> to vector<16xf32>
              %mul3A_944 = arith.mulf %select_n3A_940, %get3A_943 : vector<16xf32>
              %add3A_945 = arith.addf %broadcast_in_dim3A_915, %mul3A_944 : vector<16xf32>
              %get3A_946 = arith.index_cast %scan3A_118 : i32 to index
              %get3A_947 = arith.constant 272 : index
              %get3A_948 = tpu.vector_load %arg13[%get3A_946, %get3A_947] {strides = array<i32>} : memref<64x512xf32, #tpu.memory_space<vmem>>, vector<1x16xf32>,
              %get3A_949 = vector.shape_cast %get3A_948 : vector<1x16xf32> to vector<16xf32>
              %add3A_950 = arith.constant 272 : i32
              %add3A_951 = arith.addi %mul3A_133, %add3A_950 : i32
              %get3A_952 = arith.index_cast %add3A_951 : i32 to index
              %get3A_953 = tpu.vector_load %arg12[%get3A_952] {strides = array<i32>} : memref<20480xf32, #tpu.memory_space<vmem>>, vector<16xf32>,
              %get3A_954 = vector.shape_cast %get3A_953 : vector<16xf32> to vector<16xf32>
              %add3A_955 = arith.addf %get3A_949, %get3A_954 : vector<16xf32>
              %mul3A_956 = arith.constant 512 : i32
              %mul3A_957 = arith.muli %scan3A_118, %mul3A_956 : i32
              %add3A_958 = arith.constant 272 : i32
              %add3A_959 = arith.addi %mul3A_957, %add3A_958 : i32
              %get3A_960 = arith.index_cast %add3A_959 : i32 to index
              %get3A_961 = tpu.vector_load %arg14[%get3A_960] {strides = array<i32>} : memref<32768xf32, #tpu.memory_space<vmem>>, vector<16xf32>,
              %get3A_962 = vector.shape_cast %get3A_961 : vector<16xf32> to vector<16xf32>
              %add3A_963 = arith.addf %add3A_955, %get3A_962 : vector<16xf32>
              %gt3A_964 = arith.constant 0.000000e+00 : f32
              %gt3A_965 = vector.broadcast %gt3A_964 : f32 to vector<16xf32>
              %gt3A_966 = arith.cmpf ogt, %add3A_963, %gt3A_965 : vector<16xf32>
              %mul3A_967 = arith.constant 2.000000e-01 : f32
              %mul3A_968 = vector.broadcast %mul3A_967 : f32 to vector<16xf32>
              %mul3A_969 = arith.mulf %add3A_963, %mul3A_968 : vector<16xf32>
              %select_n3A_970 = arith.select %gt3A_966, %add3A_963, %mul3A_969 : vector<16xi1>, vector<16xf32>
              %get3A_971 = arith.constant 272 : index
              %get3A_972 = tpu.vector_load %arg19[%get3A_971] {strides = array<i32>} : memref<512xf32, #tpu.memory_space<vmem>>, vector<16xf32>,
              %get3A_973 = vector.shape_cast %get3A_972 : vector<16xf32> to vector<16xf32>
              %mul3A_974 = arith.mulf %select_n3A_970, %get3A_973 : vector<16xf32>
              %add3A_975 = arith.addf %add3A_945, %mul3A_974 : vector<16xf32>
              %get3A_976 = arith.index_cast %scan3A_118 : i32 to index
              %get3A_977 = arith.constant 288 : index
              %get3A_978 = tpu.vector_load %arg13[%get3A_976, %get3A_977] {strides = array<i32>} : memref<64x512xf32, #tpu.memory_space<vmem>>, vector<1x16xf32>,
              %get3A_979 = vector.shape_cast %get3A_978 : vector<1x16xf32> to vector<16xf32>
              %add3A_980 = arith.constant 288 : i32
              %add3A_981 = arith.addi %mul3A_133, %add3A_980 : i32
              %get3A_982 = arith.index_cast %add3A_981 : i32 to index
              %get3A_983 = tpu.vector_load %arg12[%get3A_982] {strides = array<i32>} : memref<20480xf32, #tpu.memory_space<vmem>>, vector<16xf32>,
              %get3A_984 = vector.shape_cast %get3A_983 : vector<16xf32> to vector<16xf32>
              %add3A_985 = arith.addf %get3A_979, %get3A_984 : vector<16xf32>
              %mul3A_986 = arith.constant 512 : i32
              %mul3A_987 = arith.muli %scan3A_118, %mul3A_986 : i32
              %add3A_988 = arith.constant 288 : i32
              %add3A_989 = arith.addi %mul3A_987, %add3A_988 : i32
              %get3A_990 = arith.index_cast %add3A_989 : i32 to index
              %get3A_991 = tpu.vector_load %arg14[%get3A_990] {strides = array<i32>} : memref<32768xf32, #tpu.memory_space<vmem>>, vector<16xf32>,
              %get3A_992 = vector.shape_cast %get3A_991 : vector<16xf32> to vector<16xf32>
              %add3A_993 = arith.addf %add3A_985, %get3A_992 : vector<16xf32>
              %gt3A_994 = arith.constant 0.000000e+00 : f32
              %gt3A_995 = vector.broadcast %gt3A_994 : f32 to vector<16xf32>
              %gt3A_996 = arith.cmpf ogt, %add3A_993, %gt3A_995 : vector<16xf32>
              %mul3A_997 = arith.constant 2.000000e-01 : f32
              %mul3A_998 = vector.broadcast %mul3A_997 : f32 to vector<16xf32>
              %mul3A_999 = arith.mulf %add3A_993, %mul3A_998 : vector<16xf32>
              %select_n3A_1000 = arith.select %gt3A_996, %add3A_993, %mul3A_999 : vector<16xi1>, vector<16xf32>
              %get3A_1001 = arith.constant 288 : index
              %get3A_1002 = tpu.vector_load %arg19[%get3A_1001] {strides = array<i32>} : memref<512xf32, #tpu.memory_space<vmem>>, vector<16xf32>,
              %get3A_1003 = vector.shape_cast %get3A_1002 : vector<16xf32> to vector<16xf32>
              %mul3A_1004 = arith.mulf %select_n3A_1000, %get3A_1003 : vector<16xf32>
              %add3A_1005 = arith.addf %add3A_975, %mul3A_1004 : vector<16xf32>
              %get3A_1006 = arith.index_cast %scan3A_118 : i32 to index
              %get3A_1007 = arith.constant 304 : index
              %get3A_1008 = tpu.vector_load %arg13[%get3A_1006, %get3A_1007] {strides = array<i32>} : memref<64x512xf32, #tpu.memory_space<vmem>>, vector<1x16xf32>,
              %get3A_1009 = vector.shape_cast %get3A_1008 : vector<1x16xf32> to vector<16xf32>
              %add3A_1010 = arith.constant 304 : i32
              %add3A_1011 = arith.addi %mul3A_133, %add3A_1010 : i32
              %get3A_1012 = arith.index_cast %add3A_1011 : i32 to index
              %get3A_1013 = tpu.vector_load %arg12[%get3A_1012] {strides = array<i32>} : memref<20480xf32, #tpu.memory_space<vmem>>, vector<16xf32>,
              %get3A_1014 = vector.shape_cast %get3A_1013 : vector<16xf32> to vector<16xf32>
              %add3A_1015 = arith.addf %get3A_1009, %get3A_1014 : vector<16xf32>
              %mul3A_1016 = arith.constant 512 : i32
              %mul3A_1017 = arith.muli %scan3A_118, %mul3A_1016 : i32
              %add3A_1018 = arith.constant 304 : i32
              %add3A_1019 = arith.addi %mul3A_1017, %add3A_1018 : i32
              %get3A_1020 = arith.index_cast %add3A_1019 : i32 to index
              %get3A_1021 = tpu.vector_load %arg14[%get3A_1020] {strides = array<i32>} : memref<32768xf32, #tpu.memory_space<vmem>>, vector<16xf32>,
              %get3A_1022 = vector.shape_cast %get3A_1021 : vector<16xf32> to vector<16xf32>
              %add3A_1023 = arith.addf %add3A_1015, %get3A_1022 : vector<16xf32>
              %gt3A_1024 = arith.constant 0.000000e+00 : f32
              %gt3A_1025 = vector.broadcast %gt3A_1024 : f32 to vector<16xf32>
              %gt3A_1026 = arith.cmpf ogt, %add3A_1023, %gt3A_1025 : vector<16xf32>
              %mul3A_1027 = arith.constant 2.000000e-01 : f32
              %mul3A_1028 = vector.broadcast %mul3A_1027 : f32 to vector<16xf32>
              %mul3A_1029 = arith.mulf %add3A_1023, %mul3A_1028 : vector<16xf32>
              %select_n3A_1030 = arith.select %gt3A_1026, %add3A_1023, %mul3A_1029 : vector<16xi1>, vector<16xf32>
              %get3A_1031 = arith.constant 304 : index
              %get3A_1032 = tpu.vector_load %arg19[%get3A_1031] {strides = array<i32>} : memref<512xf32, #tpu.memory_space<vmem>>, vector<16xf32>,
              %get3A_1033 = vector.shape_cast %get3A_1032 : vector<16xf32> to vector<16xf32>
              %mul3A_1034 = arith.mulf %select_n3A_1030, %get3A_1033 : vector<16xf32>
              %add3A_1035 = arith.addf %add3A_1005, %mul3A_1034 : vector<16xf32>
              %get3A_1036 = arith.index_cast %scan3A_118 : i32 to index
              %get3A_1037 = arith.constant 320 : index
              %get3A_1038 = tpu.vector_load %arg13[%get3A_1036, %get3A_1037] {strides = array<i32>} : memref<64x512xf32, #tpu.memory_space<vmem>>, vector<1x16xf32>,
              %get3A_1039 = vector.shape_cast %get3A_1038 : vector<1x16xf32> to vector<16xf32>
              %add3A_1040 = arith.constant 320 : i32
              %add3A_1041 = arith.addi %mul3A_133, %add3A_1040 : i32
              %get3A_1042 = arith.index_cast %add3A_1041 : i32 to index
              %get3A_1043 = tpu.vector_load %arg12[%get3A_1042] {strides = array<i32>} : memref<20480xf32, #tpu.memory_space<vmem>>, vector<16xf32>,
              %get3A_1044 = vector.shape_cast %get3A_1043 : vector<16xf32> to vector<16xf32>
              %add3A_1045 = arith.addf %get3A_1039, %get3A_1044 : vector<16xf32>
              %mul3A_1046 = arith.constant 512 : i32
              %mul3A_1047 = arith.muli %scan3A_118, %mul3A_1046 : i32
              %add3A_1048 = arith.constant 320 : i32
              %add3A_1049 = arith.addi %mul3A_1047, %add3A_1048 : i32
              %get3A_1050 = arith.index_cast %add3A_1049 : i32 to index
              %get3A_1051 = tpu.vector_load %arg14[%get3A_1050] {strides = array<i32>} : memref<32768xf32, #tpu.memory_space<vmem>>, vector<16xf32>,
              %get3A_1052 = vector.shape_cast %get3A_1051 : vector<16xf32> to vector<16xf32>
              %add3A_1053 = arith.addf %add3A_1045, %get3A_1052 : vector<16xf32>
              %gt3A_1054 = arith.constant 0.000000e+00 : f32
              %gt3A_1055 = vector.broadcast %gt3A_1054 : f32 to vector<16xf32>
              %gt3A_1056 = arith.cmpf ogt, %add3A_1053, %gt3A_1055 : vector<16xf32>
              %mul3A_1057 = arith.constant 2.000000e-01 : f32
              %mul3A_1058 = vector.broadcast %mul3A_1057 : f32 to vector<16xf32>
              %mul3A_1059 = arith.mulf %add3A_1053, %mul3A_1058 : vector<16xf32>
              %select_n3A_1060 = arith.select %gt3A_1056, %add3A_1053, %mul3A_1059 : vector<16xi1>, vector<16xf32>
              %get3A_1061 = arith.constant 320 : index
              %get3A_1062 = tpu.vector_load %arg19[%get3A_1061] {strides = array<i32>} : memref<512xf32, #tpu.memory_space<vmem>>, vector<16xf32>,
              %get3A_1063 = vector.shape_cast %get3A_1062 : vector<16xf32> to vector<16xf32>
              %mul3A_1064 = arith.mulf %select_n3A_1060, %get3A_1063 : vector<16xf32>
              %add3A_1065 = arith.addf %add3A_1035, %mul3A_1064 : vector<16xf32>
              %get3A_1066 = arith.index_cast %scan3A_118 : i32 to index
              %get3A_1067 = arith.constant 336 : index
              %get3A_1068 = tpu.vector_load %arg13[%get3A_1066, %get3A_1067] {strides = array<i32>} : memref<64x512xf32, #tpu.memory_space<vmem>>, vector<1x16xf32>,
              %get3A_1069 = vector.shape_cast %get3A_1068 : vector<1x16xf32> to vector<16xf32>
              %add3A_1070 = arith.constant 336 : i32
              %add3A_1071 = arith.addi %mul3A_133, %add3A_1070 : i32
              %get3A_1072 = arith.index_cast %add3A_1071 : i32 to index
              %get3A_1073 = tpu.vector_load %arg12[%get3A_1072] {strides = array<i32>} : memref<20480xf32, #tpu.memory_space<vmem>>, vector<16xf32>,
              %get3A_1074 = vector.shape_cast %get3A_1073 : vector<16xf32> to vector<16xf32>
              %add3A_1075 = arith.addf %get3A_1069, %get3A_1074 : vector<16xf32>
              %mul3A_1076 = arith.constant 512 : i32
              %mul3A_1077 = arith.muli %scan3A_118, %mul3A_1076 : i32
              %add3A_1078 = arith.constant 336 : i32
              %add3A_1079 = arith.addi %mul3A_1077, %add3A_1078 : i32
              %get3A_1080 = arith.index_cast %add3A_1079 : i32 to index
              %get3A_1081 = tpu.vector_load %arg14[%get3A_1080] {strides = array<i32>} : memref<32768xf32, #tpu.memory_space<vmem>>, vector<16xf32>,
              %get3A_1082 = vector.shape_cast %get3A_1081 : vector<16xf32> to vector<16xf32>
              %add3A_1083 = arith.addf %add3A_1075, %get3A_1082 : vector<16xf32>
              %gt3A_1084 = arith.constant 0.000000e+00 : f32
              %gt3A_1085 = vector.broadcast %gt3A_1084 : f32 to vector<16xf32>
              %gt3A_1086 = arith.cmpf ogt, %add3A_1083, %gt3A_1085 : vector<16xf32>
              %mul3A_1087 = arith.constant 2.000000e-01 : f32
              %mul3A_1088 = vector.broadcast %mul3A_1087 : f32 to vector<16xf32>
              %mul3A_1089 = arith.mulf %add3A_1083, %mul3A_1088 : vector<16xf32>
              %select_n3A_1090 = arith.select %gt3A_1086, %add3A_1083, %mul3A_1089 : vector<16xi1>, vector<16xf32>
              %get3A_1091 = arith.constant 336 : index
              %get3A_1092 = tpu.vector_load %arg19[%get3A_1091] {strides = array<i32>} : memref<512xf32, #tpu.memory_space<vmem>>, vector<16xf32>,
              %get3A_1093 = vector.shape_cast %get3A_1092 : vector<16xf32> to vector<16xf32>
              %mul3A_1094 = arith.mulf %select_n3A_1090, %get3A_1093 : vector<16xf32>
              %add3A_1095 = arith.addf %add3A_1065, %mul3A_1094 : vector<16xf32>
              %get3A_1096 = arith.index_cast %scan3A_118 : i32 to index
              %get3A_1097 = arith.constant 352 : index
              %get3A_1098 = tpu.vector_load %arg13[%get3A_1096, %get3A_1097] {strides = array<i32>} : memref<64x512xf32, #tpu.memory_space<vmem>>, vector<1x16xf32>,
              %get3A_1099 = vector.shape_cast %get3A_1098 : vector<1x16xf32> to vector<16xf32>
              %add3A_1100 = arith.constant 352 : i32
              %add3A_1101 = arith.addi %mul3A_133, %add3A_1100 : i32
              %get3A_1102 = arith.index_cast %add3A_1101 : i32 to index
              %get3A_1103 = tpu.vector_load %arg12[%get3A_1102] {strides = array<i32>} : memref<20480xf32, #tpu.memory_space<vmem>>, vector<16xf32>,
              %get3A_1104 = vector.shape_cast %get3A_1103 : vector<16xf32> to vector<16xf32>
              %add3A_1105 = arith.addf %get3A_1099, %get3A_1104 : vector<16xf32>
              %mul3A_1106 = arith.constant 512 : i32
              %mul3A_1107 = arith.muli %scan3A_118, %mul3A_1106 : i32
              %add3A_1108 = arith.constant 352 : i32
              %add3A_1109 = arith.addi %mul3A_1107, %add3A_1108 : i32
              %get3A_1110 = arith.index_cast %add3A_1109 : i32 to index
              %get3A_1111 = tpu.vector_load %arg14[%get3A_1110] {strides = array<i32>} : memref<32768xf32, #tpu.memory_space<vmem>>, vector<16xf32>,
              %get3A_1112 = vector.shape_cast %get3A_1111 : vector<16xf32> to vector<16xf32>
              %add3A_1113 = arith.addf %add3A_1105, %get3A_1112 : vector<16xf32>
              %gt3A_1114 = arith.constant 0.000000e+00 : f32
              %gt3A_1115 = vector.broadcast %gt3A_1114 : f32 to vector<16xf32>
              %gt3A_1116 = arith.cmpf ogt, %add3A_1113, %gt3A_1115 : vector<16xf32>
              %mul3A_1117 = arith.constant 2.000000e-01 : f32
              %mul3A_1118 = vector.broadcast %mul3A_1117 : f32 to vector<16xf32>
              %mul3A_1119 = arith.mulf %add3A_1113, %mul3A_1118 : vector<16xf32>
              %select_n3A_1120 = arith.select %gt3A_1116, %add3A_1113, %mul3A_1119 : vector<16xi1>, vector<16xf32>
              %get3A_1121 = arith.constant 352 : index
              %get3A_1122 = tpu.vector_load %arg19[%get3A_1121] {strides = array<i32>} : memref<512xf32, #tpu.memory_space<vmem>>, vector<16xf32>,
              %get3A_1123 = vector.shape_cast %get3A_1122 : vector<16xf32> to vector<16xf32>
              %mul3A_1124 = arith.mulf %select_n3A_1120, %get3A_1123 : vector<16xf32>
              %add3A_1125 = arith.addf %add3A_1095, %mul3A_1124 : vector<16xf32>
              %get3A_1126 = arith.index_cast %scan3A_118 : i32 to index
              %get3A_1127 = arith.constant 368 : index
              %get3A_1128 = tpu.vector_load %arg13[%get3A_1126, %get3A_1127] {strides = array<i32>} : memref<64x512xf32, #tpu.memory_space<vmem>>, vector<1x16xf32>,
              %get3A_1129 = vector.shape_cast %get3A_1128 : vector<1x16xf32> to vector<16xf32>
              %add3A_1130 = arith.constant 368 : i32
              %add3A_1131 = arith.addi %mul3A_133, %add3A_1130 : i32
              %get3A_1132 = arith.index_cast %add3A_1131 : i32 to index
              %get3A_1133 = tpu.vector_load %arg12[%get3A_1132] {strides = array<i32>} : memref<20480xf32, #tpu.memory_space<vmem>>, vector<16xf32>,
              %get3A_1134 = vector.shape_cast %get3A_1133 : vector<16xf32> to vector<16xf32>
              %add3A_1135 = arith.addf %get3A_1129, %get3A_1134 : vector<16xf32>
              %mul3A_1136 = arith.constant 512 : i32
              %mul3A_1137 = arith.muli %scan3A_118, %mul3A_1136 : i32
              %add3A_1138 = arith.constant 368 : i32
              %add3A_1139 = arith.addi %mul3A_1137, %add3A_1138 : i32
              %get3A_1140 = arith.index_cast %add3A_1139 : i32 to index
              %get3A_1141 = tpu.vector_load %arg14[%get3A_1140] {strides = array<i32>} : memref<32768xf32, #tpu.memory_space<vmem>>, vector<16xf32>,
              %get3A_1142 = vector.shape_cast %get3A_1141 : vector<16xf32> to vector<16xf32>
              %add3A_1143 = arith.addf %add3A_1135, %get3A_1142 : vector<16xf32>
              %gt3A_1144 = arith.constant 0.000000e+00 : f32
              %gt3A_1145 = vector.broadcast %gt3A_1144 : f32 to vector<16xf32>
              %gt3A_1146 = arith.cmpf ogt, %add3A_1143, %gt3A_1145 : vector<16xf32>
              %mul3A_1147 = arith.constant 2.000000e-01 : f32
              %mul3A_1148 = vector.broadcast %mul3A_1147 : f32 to vector<16xf32>
              %mul3A_1149 = arith.mulf %add3A_1143, %mul3A_1148 : vector<16xf32>
              %select_n3A_1150 = arith.select %gt3A_1146, %add3A_1143, %mul3A_1149 : vector<16xi1>, vector<16xf32>
              %get3A_1151 = arith.constant 368 : index
              %get3A_1152 = tpu.vector_load %arg19[%get3A_1151] {strides = array<i32>} : memref<512xf32, #tpu.memory_space<vmem>>, vector<16xf32>,
              %get3A_1153 = vector.shape_cast %get3A_1152 : vector<16xf32> to vector<16xf32>
              %mul3A_1154 = arith.mulf %select_n3A_1150, %get3A_1153 : vector<16xf32>
              %add3A_1155 = arith.addf %add3A_1125, %mul3A_1154 : vector<16xf32>
              %iota3A_1156 = tpu.iota {dimensions = array<i32: 0>} : vector<16xi32>
              %add3A_1157 = arith.constant 8 : i32
              %add3A_1158 = vector.broadcast %add3A_1157 : i32 to vector<16xi32>
              %add3A_1159 = arith.addi %iota3A_1156, %add3A_1158 : vector<16xi32>
              %jit3A_1160 = arith.constant 16 : i32
              %eq3A_1161 = arith.constant 0 : i32
              %eq3A_1162 = arith.cmpi eq, %jit3A_1160, %eq3A_1161 : i32
              %jit3A_1163 = arith.constant 1 : i32
              %select_n3A_1164 = arith.select %eq3A_1162, %jit3A_1163, %jit3A_1160 : i32
              %rem3A_1165 = vector.broadcast %select_n3A_1164 : i32 to vector<16xi32>
              %rem3A_1166 = arith.remsi %add3A_1159, %rem3A_1165 : vector<16xi32>
              %ne3A_1167 = arith.constant 0 : i32
              %ne3A_1168 = vector.broadcast %ne3A_1167 : i32 to vector<16xi32>
              %ne3A_1169 = arith.cmpi ne, %rem3A_1166, %ne3A_1168 : vector<16xi32>
              %lt3A_1170 = arith.constant 0 : i32
              %lt3A_1171 = vector.broadcast %lt3A_1170 : i32 to vector<16xi32>
              %lt3A_1172 = arith.cmpi slt, %rem3A_1166, %lt3A_1171 : vector<16xi32>
              %lt3A_1173 = arith.constant 0 : i32
              %lt3A_1174 = arith.cmpi slt, %select_n3A_1164, %lt3A_1173 : i32
              %ne3A_1175 = vector.broadcast %lt3A_1174 : i1 to vector<16xi1>
              %ne3A_1176 = vector.broadcast %ne3A_1175 : vector<16xi1> to vector<16xi1>
              %ne3A_1177 = arith.xori %lt3A_1172, %ne3A_1176 : vector<16xi1>
              %and3A_1178 = arith.andi %ne3A_1177, %ne3A_1169 : vector<16xi1>
              %add3A_1179 = vector.broadcast %select_n3A_1164 : i32 to vector<16xi32>
              %add3A_1180 = arith.addi %rem3A_1166, %add3A_1179 : vector<16xi32>
              %select_n3A_1181 = arith.select %and3A_1178, %add3A_1180, %rem3A_1166 : vector<16xi1>, vector<16xi32>
              %lt3A_1182 = arith.constant 0 : i32
              %lt3A_1183 = vector.broadcast %lt3A_1182 : i32 to vector<16xi32>
              %lt3A_1184 = arith.cmpi slt, %select_n3A_1181, %lt3A_1183 : vector<16xi32>
              %add3A_1185 = arith.constant 16 : i32
              %add3A_1186 = vector.broadcast %add3A_1185 : i32 to vector<16xi32>
              %add3A_1187 = arith.addi %select_n3A_1181, %add3A_1186 : vector<16xi32>
              %select_n3A_1188 = arith.select %lt3A_1184, %add3A_1187, %select_n3A_1181 : vector<16xi1>, vector<16xi32>
              %broadcast_in_dim3A_1189 = vector.shape_cast %select_n3A_1188 : vector<16xi32> to vector<16x1xi32>
              %gather3A_1190 = vector.shape_cast %broadcast_in_dim3A_1189 : vector<16x1xi32> to vector<16xi32>
              %gather3A_1191 = tpu.dynamic_gather %add3A_1155[%gather3A_1190] in [0] : vector<16xf32>, vector<16xi32> -> vector<16xf32>
              %add3A_1192 = arith.addf %add3A_1155, %gather3A_1191 : vector<16xf32>
              %add3A_1193 = arith.constant 4 : i32
              %add3A_1194 = vector.broadcast %add3A_1193 : i32 to vector<16xi32>
              %add3A_1195 = arith.addi %iota3A_1156, %add3A_1194 : vector<16xi32>
              %jit3A_1196 = arith.constant 16 : i32
              %eq3A_1197 = arith.constant 0 : i32
              %eq3A_1198 = arith.cmpi eq, %jit3A_1196, %eq3A_1197 : i32
              %jit3A_1199 = arith.constant 1 : i32
              %select_n3A_1200 = arith.select %eq3A_1198, %jit3A_1199, %jit3A_1196 : i32
              %rem3A_1201 = vector.broadcast %select_n3A_1200 : i32 to vector<16xi32>
              %rem3A_1202 = arith.remsi %add3A_1195, %rem3A_1201 : vector<16xi32>
              %ne3A_1203 = arith.constant 0 : i32
              %ne3A_1204 = vector.broadcast %ne3A_1203 : i32 to vector<16xi32>
              %ne3A_1205 = arith.cmpi ne, %rem3A_1202, %ne3A_1204 : vector<16xi32>
              %lt3A_1206 = arith.constant 0 : i32
              %lt3A_1207 = vector.broadcast %lt3A_1206 : i32 to vector<16xi32>
              %lt3A_1208 = arith.cmpi slt, %rem3A_1202, %lt3A_1207 : vector<16xi32>
              %lt3A_1209 = arith.constant 0 : i32
              %lt3A_1210 = arith.cmpi slt, %select_n3A_1200, %lt3A_1209 : i32
              %ne3A_1211 = vector.broadcast %lt3A_1210 : i1 to vector<16xi1>
              %ne3A_1212 = vector.broadcast %ne3A_1211 : vector<16xi1> to vector<16xi1>
              %ne3A_1213 = arith.xori %lt3A_1208, %ne3A_1212 : vector<16xi1>
              %and3A_1214 = arith.andi %ne3A_1213, %ne3A_1205 : vector<16xi1>
              %add3A_1215 = vector.broadcast %select_n3A_1200 : i32 to vector<16xi32>
              %add3A_1216 = arith.addi %rem3A_1202, %add3A_1215 : vector<16xi32>
              %select_n3A_1217 = arith.select %and3A_1214, %add3A_1216, %rem3A_1202 : vector<16xi1>, vector<16xi32>
              %lt3A_1218 = arith.constant 0 : i32
              %lt3A_1219 = vector.broadcast %lt3A_1218 : i32 to vector<16xi32>
              %lt3A_1220 = arith.cmpi slt, %select_n3A_1217, %lt3A_1219 : vector<16xi32>
              %add3A_1221 = arith.constant 16 : i32
              %add3A_1222 = vector.broadcast %add3A_1221 : i32 to vector<16xi32>
              %add3A_1223 = arith.addi %select_n3A_1217, %add3A_1222 : vector<16xi32>
              %select_n3A_1224 = arith.select %lt3A_1220, %add3A_1223, %select_n3A_1217 : vector<16xi1>, vector<16xi32>
              %broadcast_in_dim3A_1225 = vector.shape_cast %select_n3A_1224 : vector<16xi32> to vector<16x1xi32>
              %gather3A_1226 = vector.shape_cast %broadcast_in_dim3A_1225 : vector<16x1xi32> to vector<16xi32>
              %gather3A_1227 = tpu.dynamic_gather %add3A_1192[%gather3A_1226] in [0] : vector<16xf32>, vector<16xi32> -> vector<16xf32>
              %add3A_1228 = arith.addf %add3A_1192, %gather3A_1227 : vector<16xf32>
              %add3A_1229 = arith.constant 2 : i32
              %add3A_1230 = vector.broadcast %add3A_1229 : i32 to vector<16xi32>
              %add3A_1231 = arith.addi %iota3A_1156, %add3A_1230 : vector<16xi32>
              %jit3A_1232 = arith.constant 16 : i32
              %eq3A_1233 = arith.constant 0 : i32
              %eq3A_1234 = arith.cmpi eq, %jit3A_1232, %eq3A_1233 : i32
              %jit3A_1235 = arith.constant 1 : i32
              %select_n3A_1236 = arith.select %eq3A_1234, %jit3A_1235, %jit3A_1232 : i32
              %rem3A_1237 = vector.broadcast %select_n3A_1236 : i32 to vector<16xi32>
              %rem3A_1238 = arith.remsi %add3A_1231, %rem3A_1237 : vector<16xi32>
              %ne3A_1239 = arith.constant 0 : i32
              %ne3A_1240 = vector.broadcast %ne3A_1239 : i32 to vector<16xi32>
              %ne3A_1241 = arith.cmpi ne, %rem3A_1238, %ne3A_1240 : vector<16xi32>
              %lt3A_1242 = arith.constant 0 : i32
              %lt3A_1243 = vector.broadcast %lt3A_1242 : i32 to vector<16xi32>
              %lt3A_1244 = arith.cmpi slt, %rem3A_1238, %lt3A_1243 : vector<16xi32>
              %lt3A_1245 = arith.constant 0 : i32
              %lt3A_1246 = arith.cmpi slt, %select_n3A_1236, %lt3A_1245 : i32
              %ne3A_1247 = vector.broadcast %lt3A_1246 : i1 to vector<16xi1>
              %ne3A_1248 = vector.broadcast %ne3A_1247 : vector<16xi1> to vector<16xi1>
              %ne3A_1249 = arith.xori %lt3A_1244, %ne3A_1248 : vector<16xi1>
              %and3A_1250 = arith.andi %ne3A_1249, %ne3A_1241 : vector<16xi1>
              %add3A_1251 = vector.broadcast %select_n3A_1236 : i32 to vector<16xi32>
              %add3A_1252 = arith.addi %rem3A_1238, %add3A_1251 : vector<16xi32>
              %select_n3A_1253 = arith.select %and3A_1250, %add3A_1252, %rem3A_1238 : vector<16xi1>, vector<16xi32>
              %lt3A_1254 = arith.constant 0 : i32
              %lt3A_1255 = vector.broadcast %lt3A_1254 : i32 to vector<16xi32>
              %lt3A_1256 = arith.cmpi slt, %select_n3A_1253, %lt3A_1255 : vector<16xi32>
              %add3A_1257 = arith.constant 16 : i32
              %add3A_1258 = vector.broadcast %add3A_1257 : i32 to vector<16xi32>
              %add3A_1259 = arith.addi %select_n3A_1253, %add3A_1258 : vector<16xi32>
              %select_n3A_1260 = arith.select %lt3A_1256, %add3A_1259, %select_n3A_1253 : vector<16xi1>, vector<16xi32>
              %broadcast_in_dim3A_1261 = vector.shape_cast %select_n3A_1260 : vector<16xi32> to vector<16x1xi32>
              %gather3A_1262 = vector.shape_cast %broadcast_in_dim3A_1261 : vector<16x1xi32> to vector<16xi32>
              %gather3A_1263 = tpu.dynamic_gather %add3A_1228[%gather3A_1262] in [0] : vector<16xf32>, vector<16xi32> -> vector<16xf32>
              %add3A_1264 = arith.addf %add3A_1228, %gather3A_1263 : vector<16xf32>
              %add3A_1265 = arith.constant 1 : i32
              %add3A_1266 = vector.broadcast %add3A_1265 : i32 to vector<16xi32>
              %add3A_1267 = arith.addi %iota3A_1156, %add3A_1266 : vector<16xi32>
              %jit3A_1268 = arith.constant 16 : i32
              %eq3A_1269 = arith.constant 0 : i32
              %eq3A_1270 = arith.cmpi eq, %jit3A_1268, %eq3A_1269 : i32
              %jit3A_1271 = arith.constant 1 : i32
              %select_n3A_1272 = arith.select %eq3A_1270, %jit3A_1271, %jit3A_1268 : i32
              %rem3A_1273 = vector.broadcast %select_n3A_1272 : i32 to vector<16xi32>
              %rem3A_1274 = arith.remsi %add3A_1267, %rem3A_1273 : vector<16xi32>
              %ne3A_1275 = arith.constant 0 : i32
              %ne3A_1276 = vector.broadcast %ne3A_1275 : i32 to vector<16xi32>
              %ne3A_1277 = arith.cmpi ne, %rem3A_1274, %ne3A_1276 : vector<16xi32>
              %lt3A_1278 = arith.constant 0 : i32
              %lt3A_1279 = vector.broadcast %lt3A_1278 : i32 to vector<16xi32>
              %lt3A_1280 = arith.cmpi slt, %rem3A_1274, %lt3A_1279 : vector<16xi32>
              %lt3A_1281 = arith.constant 0 : i32
              %lt3A_1282 = arith.cmpi slt, %select_n3A_1272, %lt3A_1281 : i32
              %ne3A_1283 = vector.broadcast %lt3A_1282 : i1 to vector<16xi1>
              %ne3A_1284 = vector.broadcast %ne3A_1283 : vector<16xi1> to vector<16xi1>
              %ne3A_1285 = arith.xori %lt3A_1280, %ne3A_1284 : vector<16xi1>
              %and3A_1286 = arith.andi %ne3A_1285, %ne3A_1277 : vector<16xi1>
              %add3A_1287 = vector.broadcast %select_n3A_1272 : i32 to vector<16xi32>
              %add3A_1288 = arith.addi %rem3A_1274, %add3A_1287 : vector<16xi32>
              %select_n3A_1289 = arith.select %and3A_1286, %add3A_1288, %rem3A_1274 : vector<16xi1>, vector<16xi32>
              %lt3A_1290 = arith.constant 0 : i32
              %lt3A_1291 = vector.broadcast %lt3A_1290 : i32 to vector<16xi32>
              %lt3A_1292 = arith.cmpi slt, %select_n3A_1289, %lt3A_1291 : vector<16xi32>
              %add3A_1293 = arith.constant 16 : i32
              %add3A_1294 = vector.broadcast %add3A_1293 : i32 to vector<16xi32>
              %add3A_1295 = arith.addi %select_n3A_1289, %add3A_1294 : vector<16xi32>
              %select_n3A_1296 = arith.select %lt3A_1292, %add3A_1295, %select_n3A_1289 : vector<16xi1>, vector<16xi32>
              %broadcast_in_dim3A_1297 = vector.shape_cast %select_n3A_1296 : vector<16xi32> to vector<16x1xi32>
              %gather3A_1298 = vector.shape_cast %broadcast_in_dim3A_1297 : vector<16x1xi32> to vector<16xi32>
              %gather3A_1299 = tpu.dynamic_gather %add3A_1264[%gather3A_1298] in [0] : vector<16xf32>, vector<16xi32> -> vector<16xf32>
              %add3A_1300 = arith.addf %add3A_1264, %gather3A_1299 : vector<16xf32>
              %eq3A_1301 = arith.constant 2 : i32
              %eq3A_1302 = vector.broadcast %eq3A_1301 : i32 to vector<16xi32>
              %eq3A_1303 = arith.cmpi eq, %iota3A, %eq3A_1302 : vector<16xi32>
              %select_n3A_1304 = arith.select %eq3A_1303, %add3A_1300, %select_n3A_913 : vector<16xi1>, vector<16xf32>
              %broadcast_in_dim3A_1305 = arith.constant 0.000000e+00 : f32
              %broadcast_in_dim3A_1306 = vector.broadcast %broadcast_in_dim3A_1305 : f32 to vector<16xf32>
              %get3A_1307 = arith.index_cast %scan3A_118 : i32 to index
              %get3A_1308 = arith.constant 384 : index
              %get3A_1309 = tpu.vector_load %arg13[%get3A_1307, %get3A_1308] {strides = array<i32>} : memref<64x512xf32, #tpu.memory_space<vmem>>, vector<1x16xf32>,
              %get3A_1310 = vector.shape_cast %get3A_1309 : vector<1x16xf32> to vector<16xf32>
              %add3A_1311 = arith.constant 384 : i32
              %add3A_1312 = arith.addi %mul3A_133, %add3A_1311 : i32
              %get3A_1313 = arith.index_cast %add3A_1312 : i32 to index
              %get3A_1314 = tpu.vector_load %arg12[%get3A_1313] {strides = array<i32>} : memref<20480xf32, #tpu.memory_space<vmem>>, vector<16xf32>,
              %get3A_1315 = vector.shape_cast %get3A_1314 : vector<16xf32> to vector<16xf32>
              %add3A_1316 = arith.addf %get3A_1310, %get3A_1315 : vector<16xf32>
              %mul3A_1317 = arith.constant 512 : i32
              %mul3A_1318 = arith.muli %scan3A_118, %mul3A_1317 : i32
              %add3A_1319 = arith.constant 384 : i32
              %add3A_1320 = arith.addi %mul3A_1318, %add3A_1319 : i32
              %get3A_1321 = arith.index_cast %add3A_1320 : i32 to index
              %get3A_1322 = tpu.vector_load %arg14[%get3A_1321] {strides = array<i32>} : memref<32768xf32, #tpu.memory_space<vmem>>, vector<16xf32>,
              %get3A_1323 = vector.shape_cast %get3A_1322 : vector<16xf32> to vector<16xf32>
              %add3A_1324 = arith.addf %add3A_1316, %get3A_1323 : vector<16xf32>
              %gt3A_1325 = arith.constant 0.000000e+00 : f32
              %gt3A_1326 = vector.broadcast %gt3A_1325 : f32 to vector<16xf32>
              %gt3A_1327 = arith.cmpf ogt, %add3A_1324, %gt3A_1326 : vector<16xf32>
              %mul3A_1328 = arith.constant 2.000000e-01 : f32
              %mul3A_1329 = vector.broadcast %mul3A_1328 : f32 to vector<16xf32>
              %mul3A_1330 = arith.mulf %add3A_1324, %mul3A_1329 : vector<16xf32>
              %select_n3A_1331 = arith.select %gt3A_1327, %add3A_1324, %mul3A_1330 : vector<16xi1>, vector<16xf32>
              %get3A_1332 = arith.constant 384 : index
              %get3A_1333 = tpu.vector_load %arg19[%get3A_1332] {strides = array<i32>} : memref<512xf32, #tpu.memory_space<vmem>>, vector<16xf32>,
              %get3A_1334 = vector.shape_cast %get3A_1333 : vector<16xf32> to vector<16xf32>
              %mul3A_1335 = arith.mulf %select_n3A_1331, %get3A_1334 : vector<16xf32>
              %add3A_1336 = arith.addf %broadcast_in_dim3A_1306, %mul3A_1335 : vector<16xf32>
              %get3A_1337 = arith.index_cast %scan3A_118 : i32 to index
              %get3A_1338 = arith.constant 400 : index
              %get3A_1339 = tpu.vector_load %arg13[%get3A_1337, %get3A_1338] {strides = array<i32>} : memref<64x512xf32, #tpu.memory_space<vmem>>, vector<1x16xf32>,
              %get3A_1340 = vector.shape_cast %get3A_1339 : vector<1x16xf32> to vector<16xf32>
              %add3A_1341 = arith.constant 400 : i32
              %add3A_1342 = arith.addi %mul3A_133, %add3A_1341 : i32
              %get3A_1343 = arith.index_cast %add3A_1342 : i32 to index
              %get3A_1344 = tpu.vector_load %arg12[%get3A_1343] {strides = array<i32>} : memref<20480xf32, #tpu.memory_space<vmem>>, vector<16xf32>,
              %get3A_1345 = vector.shape_cast %get3A_1344 : vector<16xf32> to vector<16xf32>
              %add3A_1346 = arith.addf %get3A_1340, %get3A_1345 : vector<16xf32>
              %mul3A_1347 = arith.constant 512 : i32
              %mul3A_1348 = arith.muli %scan3A_118, %mul3A_1347 : i32
              %add3A_1349 = arith.constant 400 : i32
              %add3A_1350 = arith.addi %mul3A_1348, %add3A_1349 : i32
              %get3A_1351 = arith.index_cast %add3A_1350 : i32 to index
              %get3A_1352 = tpu.vector_load %arg14[%get3A_1351] {strides = array<i32>} : memref<32768xf32, #tpu.memory_space<vmem>>, vector<16xf32>,
              %get3A_1353 = vector.shape_cast %get3A_1352 : vector<16xf32> to vector<16xf32>
              %add3A_1354 = arith.addf %add3A_1346, %get3A_1353 : vector<16xf32>
              %gt3A_1355 = arith.constant 0.000000e+00 : f32
              %gt3A_1356 = vector.broadcast %gt3A_1355 : f32 to vector<16xf32>
              %gt3A_1357 = arith.cmpf ogt, %add3A_1354, %gt3A_1356 : vector<16xf32>
              %mul3A_1358 = arith.constant 2.000000e-01 : f32
              %mul3A_1359 = vector.broadcast %mul3A_1358 : f32 to vector<16xf32>
              %mul3A_1360 = arith.mulf %add3A_1354, %mul3A_1359 : vector<16xf32>
              %select_n3A_1361 = arith.select %gt3A_1357, %add3A_1354, %mul3A_1360 : vector<16xi1>, vector<16xf32>
              %get3A_1362 = arith.constant 400 : index
              %get3A_1363 = tpu.vector_load %arg19[%get3A_1362] {strides = array<i32>} : memref<512xf32, #tpu.memory_space<vmem>>, vector<16xf32>,
              %get3A_1364 = vector.shape_cast %get3A_1363 : vector<16xf32> to vector<16xf32>
              %mul3A_1365 = arith.mulf %select_n3A_1361, %get3A_1364 : vector<16xf32>
              %add3A_1366 = arith.addf %add3A_1336, %mul3A_1365 : vector<16xf32>
              %get3A_1367 = arith.index_cast %scan3A_118 : i32 to index
              %get3A_1368 = arith.constant 416 : index
              %get3A_1369 = tpu.vector_load %arg13[%get3A_1367, %get3A_1368] {strides = array<i32>} : memref<64x512xf32, #tpu.memory_space<vmem>>, vector<1x16xf32>,
              %get3A_1370 = vector.shape_cast %get3A_1369 : vector<1x16xf32> to vector<16xf32>
              %add3A_1371 = arith.constant 416 : i32
              %add3A_1372 = arith.addi %mul3A_133, %add3A_1371 : i32
              %get3A_1373 = arith.index_cast %add3A_1372 : i32 to index
              %get3A_1374 = tpu.vector_load %arg12[%get3A_1373] {strides = array<i32>} : memref<20480xf32, #tpu.memory_space<vmem>>, vector<16xf32>,
              %get3A_1375 = vector.shape_cast %get3A_1374 : vector<16xf32> to vector<16xf32>
              %add3A_1376 = arith.addf %get3A_1370, %get3A_1375 : vector<16xf32>
              %mul3A_1377 = arith.constant 512 : i32
              %mul3A_1378 = arith.muli %scan3A_118, %mul3A_1377 : i32
              %add3A_1379 = arith.constant 416 : i32
              %add3A_1380 = arith.addi %mul3A_1378, %add3A_1379 : i32
              %get3A_1381 = arith.index_cast %add3A_1380 : i32 to index
              %get3A_1382 = tpu.vector_load %arg14[%get3A_1381] {strides = array<i32>} : memref<32768xf32, #tpu.memory_space<vmem>>, vector<16xf32>,
              %get3A_1383 = vector.shape_cast %get3A_1382 : vector<16xf32> to vector<16xf32>
              %add3A_1384 = arith.addf %add3A_1376, %get3A_1383 : vector<16xf32>
              %gt3A_1385 = arith.constant 0.000000e+00 : f32
              %gt3A_1386 = vector.broadcast %gt3A_1385 : f32 to vector<16xf32>
              %gt3A_1387 = arith.cmpf ogt, %add3A_1384, %gt3A_1386 : vector<16xf32>
              %mul3A_1388 = arith.constant 2.000000e-01 : f32
              %mul3A_1389 = vector.broadcast %mul3A_1388 : f32 to vector<16xf32>
              %mul3A_1390 = arith.mulf %add3A_1384, %mul3A_1389 : vector<16xf32>
              %select_n3A_1391 = arith.select %gt3A_1387, %add3A_1384, %mul3A_1390 : vector<16xi1>, vector<16xf32>
              %get3A_1392 = arith.constant 416 : index
              %get3A_1393 = tpu.vector_load %arg19[%get3A_1392] {strides = array<i32>} : memref<512xf32, #tpu.memory_space<vmem>>, vector<16xf32>,
              %get3A_1394 = vector.shape_cast %get3A_1393 : vector<16xf32> to vector<16xf32>
              %mul3A_1395 = arith.mulf %select_n3A_1391, %get3A_1394 : vector<16xf32>
              %add3A_1396 = arith.addf %add3A_1366, %mul3A_1395 : vector<16xf32>
              %get3A_1397 = arith.index_cast %scan3A_118 : i32 to index
              %get3A_1398 = arith.constant 432 : index
              %get3A_1399 = tpu.vector_load %arg13[%get3A_1397, %get3A_1398] {strides = array<i32>} : memref<64x512xf32, #tpu.memory_space<vmem>>, vector<1x16xf32>,
              %get3A_1400 = vector.shape_cast %get3A_1399 : vector<1x16xf32> to vector<16xf32>
              %add3A_1401 = arith.constant 432 : i32
              %add3A_1402 = arith.addi %mul3A_133, %add3A_1401 : i32
              %get3A_1403 = arith.index_cast %add3A_1402 : i32 to index
              %get3A_1404 = tpu.vector_load %arg12[%get3A_1403] {strides = array<i32>} : memref<20480xf32, #tpu.memory_space<vmem>>, vector<16xf32>,
              %get3A_1405 = vector.shape_cast %get3A_1404 : vector<16xf32> to vector<16xf32>
              %add3A_1406 = arith.addf %get3A_1400, %get3A_1405 : vector<16xf32>
              %mul3A_1407 = arith.constant 512 : i32
              %mul3A_1408 = arith.muli %scan3A_118, %mul3A_1407 : i32
              %add3A_1409 = arith.constant 432 : i32
              %add3A_1410 = arith.addi %mul3A_1408, %add3A_1409 : i32
              %get3A_1411 = arith.index_cast %add3A_1410 : i32 to index
              %get3A_1412 = tpu.vector_load %arg14[%get3A_1411] {strides = array<i32>} : memref<32768xf32, #tpu.memory_space<vmem>>, vector<16xf32>,
              %get3A_1413 = vector.shape_cast %get3A_1412 : vector<16xf32> to vector<16xf32>
              %add3A_1414 = arith.addf %add3A_1406, %get3A_1413 : vector<16xf32>
              %gt3A_1415 = arith.constant 0.000000e+00 : f32
              %gt3A_1416 = vector.broadcast %gt3A_1415 : f32 to vector<16xf32>
              %gt3A_1417 = arith.cmpf ogt, %add3A_1414, %gt3A_1416 : vector<16xf32>
              %mul3A_1418 = arith.constant 2.000000e-01 : f32
              %mul3A_1419 = vector.broadcast %mul3A_1418 : f32 to vector<16xf32>
              %mul3A_1420 = arith.mulf %add3A_1414, %mul3A_1419 : vector<16xf32>
              %select_n3A_1421 = arith.select %gt3A_1417, %add3A_1414, %mul3A_1420 : vector<16xi1>, vector<16xf32>
              %get3A_1422 = arith.constant 432 : index
              %get3A_1423 = tpu.vector_load %arg19[%get3A_1422] {strides = array<i32>} : memref<512xf32, #tpu.memory_space<vmem>>, vector<16xf32>,
              %get3A_1424 = vector.shape_cast %get3A_1423 : vector<16xf32> to vector<16xf32>
              %mul3A_1425 = arith.mulf %select_n3A_1421, %get3A_1424 : vector<16xf32>
              %add3A_1426 = arith.addf %add3A_1396, %mul3A_1425 : vector<16xf32>
              %get3A_1427 = arith.index_cast %scan3A_118 : i32 to index
              %get3A_1428 = arith.constant 448 : index
              %get3A_1429 = tpu.vector_load %arg13[%get3A_1427, %get3A_1428] {strides = array<i32>} : memref<64x512xf32, #tpu.memory_space<vmem>>, vector<1x16xf32>,
              %get3A_1430 = vector.shape_cast %get3A_1429 : vector<1x16xf32> to vector<16xf32>
              %add3A_1431 = arith.constant 448 : i32
              %add3A_1432 = arith.addi %mul3A_133, %add3A_1431 : i32
              %get3A_1433 = arith.index_cast %add3A_1432 : i32 to index
              %get3A_1434 = tpu.vector_load %arg12[%get3A_1433] {strides = array<i32>} : memref<20480xf32, #tpu.memory_space<vmem>>, vector<16xf32>,
              %get3A_1435 = vector.shape_cast %get3A_1434 : vector<16xf32> to vector<16xf32>
              %add3A_1436 = arith.addf %get3A_1430, %get3A_1435 : vector<16xf32>
              %mul3A_1437 = arith.constant 512 : i32
              %mul3A_1438 = arith.muli %scan3A_118, %mul3A_1437 : i32
              %add3A_1439 = arith.constant 448 : i32
              %add3A_1440 = arith.addi %mul3A_1438, %add3A_1439 : i32
              %get3A_1441 = arith.index_cast %add3A_1440 : i32 to index
              %get3A_1442 = tpu.vector_load %arg14[%get3A_1441] {strides = array<i32>} : memref<32768xf32, #tpu.memory_space<vmem>>, vector<16xf32>,
              %get3A_1443 = vector.shape_cast %get3A_1442 : vector<16xf32> to vector<16xf32>
              %add3A_1444 = arith.addf %add3A_1436, %get3A_1443 : vector<16xf32>
              %gt3A_1445 = arith.constant 0.000000e+00 : f32
              %gt3A_1446 = vector.broadcast %gt3A_1445 : f32 to vector<16xf32>
              %gt3A_1447 = arith.cmpf ogt, %add3A_1444, %gt3A_1446 : vector<16xf32>
              %mul3A_1448 = arith.constant 2.000000e-01 : f32
              %mul3A_1449 = vector.broadcast %mul3A_1448 : f32 to vector<16xf32>
              %mul3A_1450 = arith.mulf %add3A_1444, %mul3A_1449 : vector<16xf32>
              %select_n3A_1451 = arith.select %gt3A_1447, %add3A_1444, %mul3A_1450 : vector<16xi1>, vector<16xf32>
              %get3A_1452 = arith.constant 448 : index
              %get3A_1453 = tpu.vector_load %arg19[%get3A_1452] {strides = array<i32>} : memref<512xf32, #tpu.memory_space<vmem>>, vector<16xf32>,
              %get3A_1454 = vector.shape_cast %get3A_1453 : vector<16xf32> to vector<16xf32>
              %mul3A_1455 = arith.mulf %select_n3A_1451, %get3A_1454 : vector<16xf32>
              %add3A_1456 = arith.addf %add3A_1426, %mul3A_1455 : vector<16xf32>
              %get3A_1457 = arith.index_cast %scan3A_118 : i32 to index
              %get3A_1458 = arith.constant 464 : index
              %get3A_1459 = tpu.vector_load %arg13[%get3A_1457, %get3A_1458] {strides = array<i32>} : memref<64x512xf32, #tpu.memory_space<vmem>>, vector<1x16xf32>,
              %get3A_1460 = vector.shape_cast %get3A_1459 : vector<1x16xf32> to vector<16xf32>
              %add3A_1461 = arith.constant 464 : i32
              %add3A_1462 = arith.addi %mul3A_133, %add3A_1461 : i32
              %get3A_1463 = arith.index_cast %add3A_1462 : i32 to index
              %get3A_1464 = tpu.vector_load %arg12[%get3A_1463] {strides = array<i32>} : memref<20480xf32, #tpu.memory_space<vmem>>, vector<16xf32>,
              %get3A_1465 = vector.shape_cast %get3A_1464 : vector<16xf32> to vector<16xf32>
              %add3A_1466 = arith.addf %get3A_1460, %get3A_1465 : vector<16xf32>
              %mul3A_1467 = arith.constant 512 : i32
              %mul3A_1468 = arith.muli %scan3A_118, %mul3A_1467 : i32
              %add3A_1469 = arith.constant 464 : i32
              %add3A_1470 = arith.addi %mul3A_1468, %add3A_1469 : i32
              %get3A_1471 = arith.index_cast %add3A_1470 : i32 to index
              %get3A_1472 = tpu.vector_load %arg14[%get3A_1471] {strides = array<i32>} : memref<32768xf32, #tpu.memory_space<vmem>>, vector<16xf32>,
              %get3A_1473 = vector.shape_cast %get3A_1472 : vector<16xf32> to vector<16xf32>
              %add3A_1474 = arith.addf %add3A_1466, %get3A_1473 : vector<16xf32>
              %gt3A_1475 = arith.constant 0.000000e+00 : f32
              %gt3A_1476 = vector.broadcast %gt3A_1475 : f32 to vector<16xf32>
              %gt3A_1477 = arith.cmpf ogt, %add3A_1474, %gt3A_1476 : vector<16xf32>
              %mul3A_1478 = arith.constant 2.000000e-01 : f32
              %mul3A_1479 = vector.broadcast %mul3A_1478 : f32 to vector<16xf32>
              %mul3A_1480 = arith.mulf %add3A_1474, %mul3A_1479 : vector<16xf32>
              %select_n3A_1481 = arith.select %gt3A_1477, %add3A_1474, %mul3A_1480 : vector<16xi1>, vector<16xf32>
              %get3A_1482 = arith.constant 464 : index
              %get3A_1483 = tpu.vector_load %arg19[%get3A_1482] {strides = array<i32>} : memref<512xf32, #tpu.memory_space<vmem>>, vector<16xf32>,
              %get3A_1484 = vector.shape_cast %get3A_1483 : vector<16xf32> to vector<16xf32>
              %mul3A_1485 = arith.mulf %select_n3A_1481, %get3A_1484 : vector<16xf32>
              %add3A_1486 = arith.addf %add3A_1456, %mul3A_1485 : vector<16xf32>
              %get3A_1487 = arith.index_cast %scan3A_118 : i32 to index
              %get3A_1488 = arith.constant 480 : index
              %get3A_1489 = tpu.vector_load %arg13[%get3A_1487, %get3A_1488] {strides = array<i32>} : memref<64x512xf32, #tpu.memory_space<vmem>>, vector<1x16xf32>,
              %get3A_1490 = vector.shape_cast %get3A_1489 : vector<1x16xf32> to vector<16xf32>
              %add3A_1491 = arith.constant 480 : i32
              %add3A_1492 = arith.addi %mul3A_133, %add3A_1491 : i32
              %get3A_1493 = arith.index_cast %add3A_1492 : i32 to index
              %get3A_1494 = tpu.vector_load %arg12[%get3A_1493] {strides = array<i32>} : memref<20480xf32, #tpu.memory_space<vmem>>, vector<16xf32>,
              %get3A_1495 = vector.shape_cast %get3A_1494 : vector<16xf32> to vector<16xf32>
              %add3A_1496 = arith.addf %get3A_1490, %get3A_1495 : vector<16xf32>
              %mul3A_1497 = arith.constant 512 : i32
              %mul3A_1498 = arith.muli %scan3A_118, %mul3A_1497 : i32
              %add3A_1499 = arith.constant 480 : i32
              %add3A_1500 = arith.addi %mul3A_1498, %add3A_1499 : i32
              %get3A_1501 = arith.index_cast %add3A_1500 : i32 to index
              %get3A_1502 = tpu.vector_load %arg14[%get3A_1501] {strides = array<i32>} : memref<32768xf32, #tpu.memory_space<vmem>>, vector<16xf32>,
              %get3A_1503 = vector.shape_cast %get3A_1502 : vector<16xf32> to vector<16xf32>
              %add3A_1504 = arith.addf %add3A_1496, %get3A_1503 : vector<16xf32>
              %gt3A_1505 = arith.constant 0.000000e+00 : f32
              %gt3A_1506 = vector.broadcast %gt3A_1505 : f32 to vector<16xf32>
              %gt3A_1507 = arith.cmpf ogt, %add3A_1504, %gt3A_1506 : vector<16xf32>
              %mul3A_1508 = arith.constant 2.000000e-01 : f32
              %mul3A_1509 = vector.broadcast %mul3A_1508 : f32 to vector<16xf32>
              %mul3A_1510 = arith.mulf %add3A_1504, %mul3A_1509 : vector<16xf32>
              %select_n3A_1511 = arith.select %gt3A_1507, %add3A_1504, %mul3A_1510 : vector<16xi1>, vector<16xf32>
              %get3A_1512 = arith.constant 480 : index
              %get3A_1513 = tpu.vector_load %arg19[%get3A_1512] {strides = array<i32>} : memref<512xf32, #tpu.memory_space<vmem>>, vector<16xf32>,
              %get3A_1514 = vector.shape_cast %get3A_1513 : vector<16xf32> to vector<16xf32>
              %mul3A_1515 = arith.mulf %select_n3A_1511, %get3A_1514 : vector<16xf32>
              %add3A_1516 = arith.addf %add3A_1486, %mul3A_1515 : vector<16xf32>
              %get3A_1517 = arith.index_cast %scan3A_118 : i32 to index
              %get3A_1518 = arith.constant 496 : index
              %get3A_1519 = tpu.vector_load %arg13[%get3A_1517, %get3A_1518] {strides = array<i32>} : memref<64x512xf32, #tpu.memory_space<vmem>>, vector<1x16xf32>,
              %get3A_1520 = vector.shape_cast %get3A_1519 : vector<1x16xf32> to vector<16xf32>
              %add3A_1521 = arith.constant 496 : i32
              %add3A_1522 = arith.addi %mul3A_133, %add3A_1521 : i32
              %get3A_1523 = arith.index_cast %add3A_1522 : i32 to index
              %get3A_1524 = tpu.vector_load %arg12[%get3A_1523] {strides = array<i32>} : memref<20480xf32, #tpu.memory_space<vmem>>, vector<16xf32>,
              %get3A_1525 = vector.shape_cast %get3A_1524 : vector<16xf32> to vector<16xf32>
              %add3A_1526 = arith.addf %get3A_1520, %get3A_1525 : vector<16xf32>
              %mul3A_1527 = arith.constant 512 : i32
              %mul3A_1528 = arith.muli %scan3A_118, %mul3A_1527 : i32
              %add3A_1529 = arith.constant 496 : i32
              %add3A_1530 = arith.addi %mul3A_1528, %add3A_1529 : i32
              %get3A_1531 = arith.index_cast %add3A_1530 : i32 to index
              %get3A_1532 = tpu.vector_load %arg14[%get3A_1531] {strides = array<i32>} : memref<32768xf32, #tpu.memory_space<vmem>>, vector<16xf32>,
              %get3A_1533 = vector.shape_cast %get3A_1532 : vector<16xf32> to vector<16xf32>
              %add3A_1534 = arith.addf %add3A_1526, %get3A_1533 : vector<16xf32>
              %gt3A_1535 = arith.constant 0.000000e+00 : f32
              %gt3A_1536 = vector.broadcast %gt3A_1535 : f32 to vector<16xf32>
              %gt3A_1537 = arith.cmpf ogt, %add3A_1534, %gt3A_1536 : vector<16xf32>
              %mul3A_1538 = arith.constant 2.000000e-01 : f32
              %mul3A_1539 = vector.broadcast %mul3A_1538 : f32 to vector<16xf32>
              %mul3A_1540 = arith.mulf %add3A_1534, %mul3A_1539 : vector<16xf32>
              %select_n3A_1541 = arith.select %gt3A_1537, %add3A_1534, %mul3A_1540 : vector<16xi1>, vector<16xf32>
              %get3A_1542 = arith.constant 496 : index
              %get3A_1543 = tpu.vector_load %arg19[%get3A_1542] {strides = array<i32>} : memref<512xf32, #tpu.memory_space<vmem>>, vector<16xf32>,
              %get3A_1544 = vector.shape_cast %get3A_1543 : vector<16xf32> to vector<16xf32>
              %mul3A_1545 = arith.mulf %select_n3A_1541, %get3A_1544 : vector<16xf32>
              %add3A_1546 = arith.addf %add3A_1516, %mul3A_1545 : vector<16xf32>
              %iota3A_1547 = tpu.iota {dimensions = array<i32: 0>} : vector<16xi32>
              %add3A_1548 = arith.constant 8 : i32
              %add3A_1549 = vector.broadcast %add3A_1548 : i32 to vector<16xi32>
              %add3A_1550 = arith.addi %iota3A_1547, %add3A_1549 : vector<16xi32>
              %jit3A_1551 = arith.constant 16 : i32
              %eq3A_1552 = arith.constant 0 : i32
              %eq3A_1553 = arith.cmpi eq, %jit3A_1551, %eq3A_1552 : i32
              %jit3A_1554 = arith.constant 1 : i32
              %select_n3A_1555 = arith.select %eq3A_1553, %jit3A_1554, %jit3A_1551 : i32
              %rem3A_1556 = vector.broadcast %select_n3A_1555 : i32 to vector<16xi32>
              %rem3A_1557 = arith.remsi %add3A_1550, %rem3A_1556 : vector<16xi32>
              %ne3A_1558 = arith.constant 0 : i32
              %ne3A_1559 = vector.broadcast %ne3A_1558 : i32 to vector<16xi32>
              %ne3A_1560 = arith.cmpi ne, %rem3A_1557, %ne3A_1559 : vector<16xi32>
              %lt3A_1561 = arith.constant 0 : i32
              %lt3A_1562 = vector.broadcast %lt3A_1561 : i32 to vector<16xi32>
              %lt3A_1563 = arith.cmpi slt, %rem3A_1557, %lt3A_1562 : vector<16xi32>
              %lt3A_1564 = arith.constant 0 : i32
              %lt3A_1565 = arith.cmpi slt, %select_n3A_1555, %lt3A_1564 : i32
              %ne3A_1566 = vector.broadcast %lt3A_1565 : i1 to vector<16xi1>
              %ne3A_1567 = vector.broadcast %ne3A_1566 : vector<16xi1> to vector<16xi1>
              %ne3A_1568 = arith.xori %lt3A_1563, %ne3A_1567 : vector<16xi1>
              %and3A_1569 = arith.andi %ne3A_1568, %ne3A_1560 : vector<16xi1>
              %add3A_1570 = vector.broadcast %select_n3A_1555 : i32 to vector<16xi32>
              %add3A_1571 = arith.addi %rem3A_1557, %add3A_1570 : vector<16xi32>
              %select_n3A_1572 = arith.select %and3A_1569, %add3A_1571, %rem3A_1557 : vector<16xi1>, vector<16xi32>
              %lt3A_1573 = arith.constant 0 : i32
              %lt3A_1574 = vector.broadcast %lt3A_1573 : i32 to vector<16xi32>
              %lt3A_1575 = arith.cmpi slt, %select_n3A_1572, %lt3A_1574 : vector<16xi32>
              %add3A_1576 = arith.constant 16 : i32
              %add3A_1577 = vector.broadcast %add3A_1576 : i32 to vector<16xi32>
              %add3A_1578 = arith.addi %select_n3A_1572, %add3A_1577 : vector<16xi32>
              %select_n3A_1579 = arith.select %lt3A_1575, %add3A_1578, %select_n3A_1572 : vector<16xi1>, vector<16xi32>
              %broadcast_in_dim3A_1580 = vector.shape_cast %select_n3A_1579 : vector<16xi32> to vector<16x1xi32>
              %gather3A_1581 = vector.shape_cast %broadcast_in_dim3A_1580 : vector<16x1xi32> to vector<16xi32>
              %gather3A_1582 = tpu.dynamic_gather %add3A_1546[%gather3A_1581] in [0] : vector<16xf32>, vector<16xi32> -> vector<16xf32>
              %add3A_1583 = arith.addf %add3A_1546, %gather3A_1582 : vector<16xf32>
              %add3A_1584 = arith.constant 4 : i32
              %add3A_1585 = vector.broadcast %add3A_1584 : i32 to vector<16xi32>
              %add3A_1586 = arith.addi %iota3A_1547, %add3A_1585 : vector<16xi32>
              %jit3A_1587 = arith.constant 16 : i32
              %eq3A_1588 = arith.constant 0 : i32
              %eq3A_1589 = arith.cmpi eq, %jit3A_1587, %eq3A_1588 : i32
              %jit3A_1590 = arith.constant 1 : i32
              %select_n3A_1591 = arith.select %eq3A_1589, %jit3A_1590, %jit3A_1587 : i32
              %rem3A_1592 = vector.broadcast %select_n3A_1591 : i32 to vector<16xi32>
              %rem3A_1593 = arith.remsi %add3A_1586, %rem3A_1592 : vector<16xi32>
              %ne3A_1594 = arith.constant 0 : i32
              %ne3A_1595 = vector.broadcast %ne3A_1594 : i32 to vector<16xi32>
              %ne3A_1596 = arith.cmpi ne, %rem3A_1593, %ne3A_1595 : vector<16xi32>
              %lt3A_1597 = arith.constant 0 : i32
              %lt3A_1598 = vector.broadcast %lt3A_1597 : i32 to vector<16xi32>
              %lt3A_1599 = arith.cmpi slt, %rem3A_1593, %lt3A_1598 : vector<16xi32>
              %lt3A_1600 = arith.constant 0 : i32
              %lt3A_1601 = arith.cmpi slt, %select_n3A_1591, %lt3A_1600 : i32
              %ne3A_1602 = vector.broadcast %lt3A_1601 : i1 to vector<16xi1>
              %ne3A_1603 = vector.broadcast %ne3A_1602 : vector<16xi1> to vector<16xi1>
              %ne3A_1604 = arith.xori %lt3A_1599, %ne3A_1603 : vector<16xi1>
              %and3A_1605 = arith.andi %ne3A_1604, %ne3A_1596 : vector<16xi1>
              %add3A_1606 = vector.broadcast %select_n3A_1591 : i32 to vector<16xi32>
              %add3A_1607 = arith.addi %rem3A_1593, %add3A_1606 : vector<16xi32>
              %select_n3A_1608 = arith.select %and3A_1605, %add3A_1607, %rem3A_1593 : vector<16xi1>, vector<16xi32>
              %lt3A_1609 = arith.constant 0 : i32
              %lt3A_1610 = vector.broadcast %lt3A_1609 : i32 to vector<16xi32>
              %lt3A_1611 = arith.cmpi slt, %select_n3A_1608, %lt3A_1610 : vector<16xi32>
              %add3A_1612 = arith.constant 16 : i32
              %add3A_1613 = vector.broadcast %add3A_1612 : i32 to vector<16xi32>
              %add3A_1614 = arith.addi %select_n3A_1608, %add3A_1613 : vector<16xi32>
              %select_n3A_1615 = arith.select %lt3A_1611, %add3A_1614, %select_n3A_1608 : vector<16xi1>, vector<16xi32>
              %broadcast_in_dim3A_1616 = vector.shape_cast %select_n3A_1615 : vector<16xi32> to vector<16x1xi32>
              %gather3A_1617 = vector.shape_cast %broadcast_in_dim3A_1616 : vector<16x1xi32> to vector<16xi32>
              %gather3A_1618 = tpu.dynamic_gather %add3A_1583[%gather3A_1617] in [0] : vector<16xf32>, vector<16xi32> -> vector<16xf32>
              %add3A_1619 = arith.addf %add3A_1583, %gather3A_1618 : vector<16xf32>
              %add3A_1620 = arith.constant 2 : i32
              %add3A_1621 = vector.broadcast %add3A_1620 : i32 to vector<16xi32>
              %add3A_1622 = arith.addi %iota3A_1547, %add3A_1621 : vector<16xi32>
              %jit3A_1623 = arith.constant 16 : i32
              %eq3A_1624 = arith.constant 0 : i32
              %eq3A_1625 = arith.cmpi eq, %jit3A_1623, %eq3A_1624 : i32
              %jit3A_1626 = arith.constant 1 : i32
              %select_n3A_1627 = arith.select %eq3A_1625, %jit3A_1626, %jit3A_1623 : i32
              %rem3A_1628 = vector.broadcast %select_n3A_1627 : i32 to vector<16xi32>
              %rem3A_1629 = arith.remsi %add3A_1622, %rem3A_1628 : vector<16xi32>
              %ne3A_1630 = arith.constant 0 : i32
              %ne3A_1631 = vector.broadcast %ne3A_1630 : i32 to vector<16xi32>
              %ne3A_1632 = arith.cmpi ne, %rem3A_1629, %ne3A_1631 : vector<16xi32>
              %lt3A_1633 = arith.constant 0 : i32
              %lt3A_1634 = vector.broadcast %lt3A_1633 : i32 to vector<16xi32>
              %lt3A_1635 = arith.cmpi slt, %rem3A_1629, %lt3A_1634 : vector<16xi32>
              %lt3A_1636 = arith.constant 0 : i32
              %lt3A_1637 = arith.cmpi slt, %select_n3A_1627, %lt3A_1636 : i32
              %ne3A_1638 = vector.broadcast %lt3A_1637 : i1 to vector<16xi1>
              %ne3A_1639 = vector.broadcast %ne3A_1638 : vector<16xi1> to vector<16xi1>
              %ne3A_1640 = arith.xori %lt3A_1635, %ne3A_1639 : vector<16xi1>
              %and3A_1641 = arith.andi %ne3A_1640, %ne3A_1632 : vector<16xi1>
              %add3A_1642 = vector.broadcast %select_n3A_1627 : i32 to vector<16xi32>
              %add3A_1643 = arith.addi %rem3A_1629, %add3A_1642 : vector<16xi32>
              %select_n3A_1644 = arith.select %and3A_1641, %add3A_1643, %rem3A_1629 : vector<16xi1>, vector<16xi32>
              %lt3A_1645 = arith.constant 0 : i32
              %lt3A_1646 = vector.broadcast %lt3A_1645 : i32 to vector<16xi32>
              %lt3A_1647 = arith.cmpi slt, %select_n3A_1644, %lt3A_1646 : vector<16xi32>
              %add3A_1648 = arith.constant 16 : i32
              %add3A_1649 = vector.broadcast %add3A_1648 : i32 to vector<16xi32>
              %add3A_1650 = arith.addi %select_n3A_1644, %add3A_1649 : vector<16xi32>
              %select_n3A_1651 = arith.select %lt3A_1647, %add3A_1650, %select_n3A_1644 : vector<16xi1>, vector<16xi32>
              %broadcast_in_dim3A_1652 = vector.shape_cast %select_n3A_1651 : vector<16xi32> to vector<16x1xi32>
              %gather3A_1653 = vector.shape_cast %broadcast_in_dim3A_1652 : vector<16x1xi32> to vector<16xi32>
              %gather3A_1654 = tpu.dynamic_gather %add3A_1619[%gather3A_1653] in [0] : vector<16xf32>, vector<16xi32> -> vector<16xf32>
              %add3A_1655 = arith.addf %add3A_1619, %gather3A_1654 : vector<16xf32>
              %add3A_1656 = arith.constant 1 : i32
              %add3A_1657 = vector.broadcast %add3A_1656 : i32 to vector<16xi32>
              %add3A_1658 = arith.addi %iota3A_1547, %add3A_1657 : vector<16xi32>
              %jit3A_1659 = arith.constant 16 : i32
              %eq3A_1660 = arith.constant 0 : i32
              %eq3A_1661 = arith.cmpi eq, %jit3A_1659, %eq3A_1660 : i32
              %jit3A_1662 = arith.constant 1 : i32
              %select_n3A_1663 = arith.select %eq3A_1661, %jit3A_1662, %jit3A_1659 : i32
              %rem3A_1664 = vector.broadcast %select_n3A_1663 : i32 to vector<16xi32>
              %rem3A_1665 = arith.remsi %add3A_1658, %rem3A_1664 : vector<16xi32>
              %ne3A_1666 = arith.constant 0 : i32
              %ne3A_1667 = vector.broadcast %ne3A_1666 : i32 to vector<16xi32>
              %ne3A_1668 = arith.cmpi ne, %rem3A_1665, %ne3A_1667 : vector<16xi32>
              %lt3A_1669 = arith.constant 0 : i32
              %lt3A_1670 = vector.broadcast %lt3A_1669 : i32 to vector<16xi32>
              %lt3A_1671 = arith.cmpi slt, %rem3A_1665, %lt3A_1670 : vector<16xi32>
              %lt3A_1672 = arith.constant 0 : i32
              %lt3A_1673 = arith.cmpi slt, %select_n3A_1663, %lt3A_1672 : i32
              %ne3A_1674 = vector.broadcast %lt3A_1673 : i1 to vector<16xi1>
              %ne3A_1675 = vector.broadcast %ne3A_1674 : vector<16xi1> to vector<16xi1>
              %ne3A_1676 = arith.xori %lt3A_1671, %ne3A_1675 : vector<16xi1>
              %and3A_1677 = arith.andi %ne3A_1676, %ne3A_1668 : vector<16xi1>
              %add3A_1678 = vector.broadcast %select_n3A_1663 : i32 to vector<16xi32>
              %add3A_1679 = arith.addi %rem3A_1665, %add3A_1678 : vector<16xi32>
              %select_n3A_1680 = arith.select %and3A_1677, %add3A_1679, %rem3A_1665 : vector<16xi1>, vector<16xi32>
              %lt3A_1681 = arith.constant 0 : i32
              %lt3A_1682 = vector.broadcast %lt3A_1681 : i32 to vector<16xi32>
              %lt3A_1683 = arith.cmpi slt, %select_n3A_1680, %lt3A_1682 : vector<16xi32>
              %add3A_1684 = arith.constant 16 : i32
              %add3A_1685 = vector.broadcast %add3A_1684 : i32 to vector<16xi32>
              %add3A_1686 = arith.addi %select_n3A_1680, %add3A_1685 : vector<16xi32>
              %select_n3A_1687 = arith.select %lt3A_1683, %add3A_1686, %select_n3A_1680 : vector<16xi1>, vector<16xi32>
              %broadcast_in_dim3A_1688 = vector.shape_cast %select_n3A_1687 : vector<16xi32> to vector<16x1xi32>
              %gather3A_1689 = vector.shape_cast %broadcast_in_dim3A_1688 : vector<16x1xi32> to vector<16xi32>
              %gather3A_1690 = tpu.dynamic_gather %add3A_1655[%gather3A_1689] in [0] : vector<16xf32>, vector<16xi32> -> vector<16xf32>
              %add3A_1691 = arith.addf %add3A_1655, %gather3A_1690 : vector<16xf32>
              %eq3A_1692 = arith.constant 3 : i32
              %eq3A_1693 = vector.broadcast %eq3A_1692 : i32 to vector<16xi32>
              %eq3A_1694 = arith.cmpi eq, %iota3A, %eq3A_1693 : vector<16xi32>
              %select_n3A_1695 = arith.select %eq3A_1694, %add3A_1691, %select_n3A_1304 : vector<16xi1>, vector<16xf32>
              %mul3A_1696 = arith.constant 16 : i32
              %mul3A_1697 = arith.muli %sub3A_124, %mul3A_1696 : i32
              %get3A_1698 = arith.index_cast %mul3A_1697 : i32 to index
              %get3A_1699 = tpu.vector_load %arg15[%get3A_1698] {strides = array<i32>} : memref<640xf32, #tpu.memory_space<vmem>>, vector<16xf32>,
              %get3A_1700 = vector.shape_cast %get3A_1699 : vector<16xf32> to vector<16xf32>
              %max3A_1701 = arith.maximumf %get3A_1700, %select_n3A_1695 : vector<16xf32>
              %sub3A_1702 = arith.subf %get3A_1700, %max3A_1701 : vector<16xf32>
              %exp3A = math.exp %sub3A_1702 : vector<16xf32>
              %sub3A_1703 = arith.subf %select_n3A_1695, %max3A_1701 : vector<16xf32>
              %exp3A_1704 = math.exp %sub3A_1703 : vector<16xf32>
              %mul3A_1705 = arith.constant 16 : i32
              %mul3A_1706 = arith.muli %sub3A_124, %mul3A_1705 : i32
              %get3A_1707 = arith.index_cast %mul3A_1706 : i32 to index
              %get3A_1708 = tpu.vector_load %arg16[%get3A_1707] {strides = array<i32>} : memref<640xf32, #tpu.memory_space<vmem>>, vector<16xf32>,
              %get3A_1709 = vector.shape_cast %get3A_1708 : vector<16xf32> to vector<16xf32>
              %mul3A_1710 = arith.mulf %get3A_1709, %exp3A : vector<16xf32>
              %add3A_1711 = arith.addf %mul3A_1710, %exp3A_1704 : vector<16xf32>
              %mul3A_1712 = arith.constant 16 : i32
              %mul3A_1713 = arith.muli %sub3A_124, %mul3A_1712 : i32
              %swap3A = arith.index_cast %mul3A_1713 : i32 to index
              %swap3A_1714 = tpu.vector_load %arg16[%swap3A] {strides = array<i32>} : memref<640xf32, #tpu.memory_space<vmem>>, vector<16xf32>,
              %swap3A_1715 = vector.shape_cast %swap3A_1714 : vector<16xf32> to vector<16xf32>
              %swap3A_1716 = vector.shape_cast %add3A_1711 : vector<16xf32> to vector<16xf32>
              tpu.vector_store %arg16[%swap3A], %swap3A_1716 {strides = array<i32>} : memref<640xf32, #tpu.memory_space<vmem>>, vector<16xf32>,
              %mul3A_1717 = arith.constant 16 : i32
              %mul3A_1718 = arith.muli %sub3A_124, %mul3A_1717 : i32
              %swap3A_1719 = arith.index_cast %mul3A_1718 : i32 to index
              %swap3A_1720 = tpu.vector_load %arg15[%swap3A_1719] {strides = array<i32>} : memref<640xf32, #tpu.memory_space<vmem>>, vector<16xf32>,
              %swap3A_1721 = vector.shape_cast %swap3A_1720 : vector<16xf32> to vector<16xf32>
              %swap3A_1722 = vector.shape_cast %max3A_1701 : vector<16xf32> to vector<16xf32>
              tpu.vector_store %arg15[%swap3A_1719], %swap3A_1722 {strides = array<i32>} : memref<640xf32, #tpu.memory_space<vmem>>, vector<16xf32>,
              %slice3A_1723 = vector.extract_strided_slice %exp3A {offsets = [0], sizes = [1], strides = [1]} : vector<16xf32> to vector<1xf32>
              %squeeze3A_1724 = vector.extract %slice3A_1723[0] : f32 from vector<1xf32>
              %broadcast_in_dim3A_1725 = vector.broadcast %squeeze3A_1724 : f32 to vector<16xf32>
              %slice3A_1726 = vector.extract_strided_slice %exp3A_1704 {offsets = [0], sizes = [1], strides = [1]} : vector<16xf32> to vector<1xf32>
              %squeeze3A_1727 = vector.extract %slice3A_1726[0] : f32 from vector<1xf32>
              %broadcast_in_dim3A_1728 = vector.broadcast %squeeze3A_1727 : f32 to vector<16xf32>
              %add3A_1729 = arith.constant 0 : i32
              %add3A_1730 = arith.addi %mul3A_133, %add3A_1729 : i32
              %get3A_1731 = arith.index_cast %add3A_1730 : i32 to index
              %get3A_1732 = tpu.vector_load %arg11[%get3A_1731] {strides = array<i32>} : memref<20480xf32, #tpu.memory_space<vmem>>, vector<16xf32>,
              %get3A_1733 = vector.shape_cast %get3A_1732 : vector<16xf32> to vector<16xf32>
              %mul3A_1734 = arith.mulf %get3A_1733, %broadcast_in_dim3A_1725 : vector<16xf32>
              %mul3A_1735 = arith.mulf %get3A_140, %broadcast_in_dim3A_1728 : vector<16xf32>
              %add3A_1736 = arith.addf %mul3A_1734, %mul3A_1735 : vector<16xf32>
              %swap3A_1737 = arith.index_cast %add3A_1730 : i32 to index
              %swap3A_1738 = tpu.vector_load %arg11[%swap3A_1737] {strides = array<i32>} : memref<20480xf32, #tpu.memory_space<vmem>>, vector<16xf32>,
              %swap3A_1739 = vector.shape_cast %swap3A_1738 : vector<16xf32> to vector<16xf32>
              %swap3A_1740 = vector.shape_cast %add3A_1736 : vector<16xf32> to vector<16xf32>
              tpu.vector_store %arg11[%swap3A_1737], %swap3A_1740 {strides = array<i32>} : memref<20480xf32, #tpu.memory_space<vmem>>, vector<16xf32>,
              %add3A_1741 = arith.constant 16 : i32
              %add3A_1742 = arith.addi %mul3A_133, %add3A_1741 : i32
              %get3A_1743 = arith.index_cast %add3A_1742 : i32 to index
              %get3A_1744 = tpu.vector_load %arg11[%get3A_1743] {strides = array<i32>} : memref<20480xf32, #tpu.memory_space<vmem>>, vector<16xf32>,
              %get3A_1745 = vector.shape_cast %get3A_1744 : vector<16xf32> to vector<16xf32>
              %mul3A_1746 = arith.mulf %get3A_1745, %broadcast_in_dim3A_1725 : vector<16xf32>
              %mul3A_1747 = arith.mulf %get3A_169, %broadcast_in_dim3A_1728 : vector<16xf32>
              %add3A_1748 = arith.addf %mul3A_1746, %mul3A_1747 : vector<16xf32>
              %swap3A_1749 = arith.index_cast %add3A_1742 : i32 to index
              %swap3A_1750 = tpu.vector_load %arg11[%swap3A_1749] {strides = array<i32>} : memref<20480xf32, #tpu.memory_space<vmem>>, vector<16xf32>,
              %swap3A_1751 = vector.shape_cast %swap3A_1750 : vector<16xf32> to vector<16xf32>
              %swap3A_1752 = vector.shape_cast %add3A_1748 : vector<16xf32> to vector<16xf32>
              tpu.vector_store %arg11[%swap3A_1749], %swap3A_1752 {strides = array<i32>} : memref<20480xf32, #tpu.memory_space<vmem>>, vector<16xf32>,
              %add3A_1753 = arith.constant 32 : i32
              %add3A_1754 = arith.addi %mul3A_133, %add3A_1753 : i32
              %get3A_1755 = arith.index_cast %add3A_1754 : i32 to index
              %get3A_1756 = tpu.vector_load %arg11[%get3A_1755] {strides = array<i32>} : memref<20480xf32, #tpu.memory_space<vmem>>, vector<16xf32>,
              %get3A_1757 = vector.shape_cast %get3A_1756 : vector<16xf32> to vector<16xf32>
              %mul3A_1758 = arith.mulf %get3A_1757, %broadcast_in_dim3A_1725 : vector<16xf32>
              %mul3A_1759 = arith.mulf %get3A_199, %broadcast_in_dim3A_1728 : vector<16xf32>
              %add3A_1760 = arith.addf %mul3A_1758, %mul3A_1759 : vector<16xf32>
              %swap3A_1761 = arith.index_cast %add3A_1754 : i32 to index
              %swap3A_1762 = tpu.vector_load %arg11[%swap3A_1761] {strides = array<i32>} : memref<20480xf32, #tpu.memory_space<vmem>>, vector<16xf32>,
              %swap3A_1763 = vector.shape_cast %swap3A_1762 : vector<16xf32> to vector<16xf32>
              %swap3A_1764 = vector.shape_cast %add3A_1760 : vector<16xf32> to vector<16xf32>
              tpu.vector_store %arg11[%swap3A_1761], %swap3A_1764 {strides = array<i32>} : memref<20480xf32, #tpu.memory_space<vmem>>, vector<16xf32>,
              %add3A_1765 = arith.constant 48 : i32
              %add3A_1766 = arith.addi %mul3A_133, %add3A_1765 : i32
              %get3A_1767 = arith.index_cast %add3A_1766 : i32 to index
              %get3A_1768 = tpu.vector_load %arg11[%get3A_1767] {strides = array<i32>} : memref<20480xf32, #tpu.memory_space<vmem>>, vector<16xf32>,
              %get3A_1769 = vector.shape_cast %get3A_1768 : vector<16xf32> to vector<16xf32>
              %mul3A_1770 = arith.mulf %get3A_1769, %broadcast_in_dim3A_1725 : vector<16xf32>
              %mul3A_1771 = arith.mulf %get3A_229, %broadcast_in_dim3A_1728 : vector<16xf32>
              %add3A_1772 = arith.addf %mul3A_1770, %mul3A_1771 : vector<16xf32>
              %swap3A_1773 = arith.index_cast %add3A_1766 : i32 to index
              %swap3A_1774 = tpu.vector_load %arg11[%swap3A_1773] {strides = array<i32>} : memref<20480xf32, #tpu.memory_space<vmem>>, vector<16xf32>,
              %swap3A_1775 = vector.shape_cast %swap3A_1774 : vector<16xf32> to vector<16xf32>
              %swap3A_1776 = vector.shape_cast %add3A_1772 : vector<16xf32> to vector<16xf32>
              tpu.vector_store %arg11[%swap3A_1773], %swap3A_1776 {strides = array<i32>} : memref<20480xf32, #tpu.memory_space<vmem>>, vector<16xf32>,
              %add3A_1777 = arith.constant 64 : i32
              %add3A_1778 = arith.addi %mul3A_133, %add3A_1777 : i32
              %get3A_1779 = arith.index_cast %add3A_1778 : i32 to index
              %get3A_1780 = tpu.vector_load %arg11[%get3A_1779] {strides = array<i32>} : memref<20480xf32, #tpu.memory_space<vmem>>, vector<16xf32>,
              %get3A_1781 = vector.shape_cast %get3A_1780 : vector<16xf32> to vector<16xf32>
              %mul3A_1782 = arith.mulf %get3A_1781, %broadcast_in_dim3A_1725 : vector<16xf32>
              %mul3A_1783 = arith.mulf %get3A_259, %broadcast_in_dim3A_1728 : vector<16xf32>
              %add3A_1784 = arith.addf %mul3A_1782, %mul3A_1783 : vector<16xf32>
              %swap3A_1785 = arith.index_cast %add3A_1778 : i32 to index
              %swap3A_1786 = tpu.vector_load %arg11[%swap3A_1785] {strides = array<i32>} : memref<20480xf32, #tpu.memory_space<vmem>>, vector<16xf32>,
              %swap3A_1787 = vector.shape_cast %swap3A_1786 : vector<16xf32> to vector<16xf32>
              %swap3A_1788 = vector.shape_cast %add3A_1784 : vector<16xf32> to vector<16xf32>
              tpu.vector_store %arg11[%swap3A_1785], %swap3A_1788 {strides = array<i32>} : memref<20480xf32, #tpu.memory_space<vmem>>, vector<16xf32>,
              %add3A_1789 = arith.constant 80 : i32
              %add3A_1790 = arith.addi %mul3A_133, %add3A_1789 : i32
              %get3A_1791 = arith.index_cast %add3A_1790 : i32 to index
              %get3A_1792 = tpu.vector_load %arg11[%get3A_1791] {strides = array<i32>} : memref<20480xf32, #tpu.memory_space<vmem>>, vector<16xf32>,
              %get3A_1793 = vector.shape_cast %get3A_1792 : vector<16xf32> to vector<16xf32>
              %mul3A_1794 = arith.mulf %get3A_1793, %broadcast_in_dim3A_1725 : vector<16xf32>
              %mul3A_1795 = arith.mulf %get3A_289, %broadcast_in_dim3A_1728 : vector<16xf32>
              %add3A_1796 = arith.addf %mul3A_1794, %mul3A_1795 : vector<16xf32>
              %swap3A_1797 = arith.index_cast %add3A_1790 : i32 to index
              %swap3A_1798 = tpu.vector_load %arg11[%swap3A_1797] {strides = array<i32>} : memref<20480xf32, #tpu.memory_space<vmem>>, vector<16xf32>,
              %swap3A_1799 = vector.shape_cast %swap3A_1798 : vector<16xf32> to vector<16xf32>
              %swap3A_1800 = vector.shape_cast %add3A_1796 : vector<16xf32> to vector<16xf32>
              tpu.vector_store %arg11[%swap3A_1797], %swap3A_1800 {strides = array<i32>} : memref<20480xf32, #tpu.memory_space<vmem>>, vector<16xf32>,
              %add3A_1801 = arith.constant 96 : i32
              %add3A_1802 = arith.addi %mul3A_133, %add3A_1801 : i32
              %get3A_1803 = arith.index_cast %add3A_1802 : i32 to index
              %get3A_1804 = tpu.vector_load %arg11[%get3A_1803] {strides = array<i32>} : memref<20480xf32, #tpu.memory_space<vmem>>, vector<16xf32>,
              %get3A_1805 = vector.shape_cast %get3A_1804 : vector<16xf32> to vector<16xf32>
              %mul3A_1806 = arith.mulf %get3A_1805, %broadcast_in_dim3A_1725 : vector<16xf32>
              %mul3A_1807 = arith.mulf %get3A_319, %broadcast_in_dim3A_1728 : vector<16xf32>
              %add3A_1808 = arith.addf %mul3A_1806, %mul3A_1807 : vector<16xf32>
              %swap3A_1809 = arith.index_cast %add3A_1802 : i32 to index
              %swap3A_1810 = tpu.vector_load %arg11[%swap3A_1809] {strides = array<i32>} : memref<20480xf32, #tpu.memory_space<vmem>>, vector<16xf32>,
              %swap3A_1811 = vector.shape_cast %swap3A_1810 : vector<16xf32> to vector<16xf32>
              %swap3A_1812 = vector.shape_cast %add3A_1808 : vector<16xf32> to vector<16xf32>
              tpu.vector_store %arg11[%swap3A_1809], %swap3A_1812 {strides = array<i32>} : memref<20480xf32, #tpu.memory_space<vmem>>, vector<16xf32>,
              %add3A_1813 = arith.constant 112 : i32
              %add3A_1814 = arith.addi %mul3A_133, %add3A_1813 : i32
              %get3A_1815 = arith.index_cast %add3A_1814 : i32 to index
              %get3A_1816 = tpu.vector_load %arg11[%get3A_1815] {strides = array<i32>} : memref<20480xf32, #tpu.memory_space<vmem>>, vector<16xf32>,
              %get3A_1817 = vector.shape_cast %get3A_1816 : vector<16xf32> to vector<16xf32>
              %mul3A_1818 = arith.mulf %get3A_1817, %broadcast_in_dim3A_1725 : vector<16xf32>
              %mul3A_1819 = arith.mulf %get3A_349, %broadcast_in_dim3A_1728 : vector<16xf32>
              %add3A_1820 = arith.addf %mul3A_1818, %mul3A_1819 : vector<16xf32>
              %swap3A_1821 = arith.index_cast %add3A_1814 : i32 to index
              %swap3A_1822 = tpu.vector_load %arg11[%swap3A_1821] {strides = array<i32>} : memref<20480xf32, #tpu.memory_space<vmem>>, vector<16xf32>,
              %swap3A_1823 = vector.shape_cast %swap3A_1822 : vector<16xf32> to vector<16xf32>
              %swap3A_1824 = vector.shape_cast %add3A_1820 : vector<16xf32> to vector<16xf32>
              tpu.vector_store %arg11[%swap3A_1821], %swap3A_1824 {strides = array<i32>} : memref<20480xf32, #tpu.memory_space<vmem>>, vector<16xf32>,
              %slice3A_1825 = vector.extract_strided_slice %exp3A {offsets = [1], sizes = [1], strides = [1]} : vector<16xf32> to vector<1xf32>
              %squeeze3A_1826 = vector.extract %slice3A_1825[0] : f32 from vector<1xf32>
              %broadcast_in_dim3A_1827 = vector.broadcast %squeeze3A_1826 : f32 to vector<16xf32>
              %slice3A_1828 = vector.extract_strided_slice %exp3A_1704 {offsets = [1], sizes = [1], strides = [1]} : vector<16xf32> to vector<1xf32>
              %squeeze3A_1829 = vector.extract %slice3A_1828[0] : f32 from vector<1xf32>
              %broadcast_in_dim3A_1830 = vector.broadcast %squeeze3A_1829 : f32 to vector<16xf32>
              %add3A_1831 = arith.constant 128 : i32
              %add3A_1832 = arith.addi %mul3A_133, %add3A_1831 : i32
              %get3A_1833 = arith.index_cast %add3A_1832 : i32 to index
              %get3A_1834 = tpu.vector_load %arg11[%get3A_1833] {strides = array<i32>} : memref<20480xf32, #tpu.memory_space<vmem>>, vector<16xf32>,
              %get3A_1835 = vector.shape_cast %get3A_1834 : vector<16xf32> to vector<16xf32>
              %mul3A_1836 = arith.mulf %get3A_1835, %broadcast_in_dim3A_1827 : vector<16xf32>
              %mul3A_1837 = arith.mulf %get3A_528, %broadcast_in_dim3A_1830 : vector<16xf32>
              %add3A_1838 = arith.addf %mul3A_1836, %mul3A_1837 : vector<16xf32>
              %swap3A_1839 = arith.index_cast %add3A_1832 : i32 to index
              %swap3A_1840 = tpu.vector_load %arg11[%swap3A_1839] {strides = array<i32>} : memref<20480xf32, #tpu.memory_space<vmem>>, vector<16xf32>,
              %swap3A_1841 = vector.shape_cast %swap3A_1840 : vector<16xf32> to vector<16xf32>
              %swap3A_1842 = vector.shape_cast %add3A_1838 : vector<16xf32> to vector<16xf32>
              tpu.vector_store %arg11[%swap3A_1839], %swap3A_1842 {strides = array<i32>} : memref<20480xf32, #tpu.memory_space<vmem>>, vector<16xf32>,
              %add3A_1843 = arith.constant 144 : i32
              %add3A_1844 = arith.addi %mul3A_133, %add3A_1843 : i32
              %get3A_1845 = arith.index_cast %add3A_1844 : i32 to index
              %get3A_1846 = tpu.vector_load %arg11[%get3A_1845] {strides = array<i32>} : memref<20480xf32, #tpu.memory_space<vmem>>, vector<16xf32>,
              %get3A_1847 = vector.shape_cast %get3A_1846 : vector<16xf32> to vector<16xf32>
              %mul3A_1848 = arith.mulf %get3A_1847, %broadcast_in_dim3A_1827 : vector<16xf32>
              %mul3A_1849 = arith.mulf %get3A_558, %broadcast_in_dim3A_1830 : vector<16xf32>
              %add3A_1850 = arith.addf %mul3A_1848, %mul3A_1849 : vector<16xf32>
              %swap3A_1851 = arith.index_cast %add3A_1844 : i32 to index
              %swap3A_1852 = tpu.vector_load %arg11[%swap3A_1851] {strides = array<i32>} : memref<20480xf32, #tpu.memory_space<vmem>>, vector<16xf32>,
              %swap3A_1853 = vector.shape_cast %swap3A_1852 : vector<16xf32> to vector<16xf32>
              %swap3A_1854 = vector.shape_cast %add3A_1850 : vector<16xf32> to vector<16xf32>
              tpu.vector_store %arg11[%swap3A_1851], %swap3A_1854 {strides = array<i32>} : memref<20480xf32, #tpu.memory_space<vmem>>, vector<16xf32>,
              %add3A_1855 = arith.constant 160 : i32
              %add3A_1856 = arith.addi %mul3A_133, %add3A_1855 : i32
              %get3A_1857 = arith.index_cast %add3A_1856 : i32 to index
              %get3A_1858 = tpu.vector_load %arg11[%get3A_1857] {strides = array<i32>} : memref<20480xf32, #tpu.memory_space<vmem>>, vector<16xf32>,
              %get3A_1859 = vector.shape_cast %get3A_1858 : vector<16xf32> to vector<16xf32>
              %mul3A_1860 = arith.mulf %get3A_1859, %broadcast_in_dim3A_1827 : vector<16xf32>
              %mul3A_1861 = arith.mulf %get3A_588, %broadcast_in_dim3A_1830 : vector<16xf32>
              %add3A_1862 = arith.addf %mul3A_1860, %mul3A_1861 : vector<16xf32>
              %swap3A_1863 = arith.index_cast %add3A_1856 : i32 to index
              %swap3A_1864 = tpu.vector_load %arg11[%swap3A_1863] {strides = array<i32>} : memref<20480xf32, #tpu.memory_space<vmem>>, vector<16xf32>,
              %swap3A_1865 = vector.shape_cast %swap3A_1864 : vector<16xf32> to vector<16xf32>
              %swap3A_1866 = vector.shape_cast %add3A_1862 : vector<16xf32> to vector<16xf32>
              tpu.vector_store %arg11[%swap3A_1863], %swap3A_1866 {strides = array<i32>} : memref<20480xf32, #tpu.memory_space<vmem>>, vector<16xf32>,
              %add3A_1867 = arith.constant 176 : i32
              %add3A_1868 = arith.addi %mul3A_133, %add3A_1867 : i32
              %get3A_1869 = arith.index_cast %add3A_1868 : i32 to index
              %get3A_1870 = tpu.vector_load %arg11[%get3A_1869] {strides = array<i32>} : memref<20480xf32, #tpu.memory_space<vmem>>, vector<16xf32>,
              %get3A_1871 = vector.shape_cast %get3A_1870 : vector<16xf32> to vector<16xf32>
              %mul3A_1872 = arith.mulf %get3A_1871, %broadcast_in_dim3A_1827 : vector<16xf32>
              %mul3A_1873 = arith.mulf %get3A_618, %broadcast_in_dim3A_1830 : vector<16xf32>
              %add3A_1874 = arith.addf %mul3A_1872, %mul3A_1873 : vector<16xf32>
              %swap3A_1875 = arith.index_cast %add3A_1868 : i32 to index
              %swap3A_1876 = tpu.vector_load %arg11[%swap3A_1875] {strides = array<i32>} : memref<20480xf32, #tpu.memory_space<vmem>>, vector<16xf32>,
              %swap3A_1877 = vector.shape_cast %swap3A_1876 : vector<16xf32> to vector<16xf32>
              %swap3A_1878 = vector.shape_cast %add3A_1874 : vector<16xf32> to vector<16xf32>
              tpu.vector_store %arg11[%swap3A_1875], %swap3A_1878 {strides = array<i32>} : memref<20480xf32, #tpu.memory_space<vmem>>, vector<16xf32>,
              %add3A_1879 = arith.constant 192 : i32
              %add3A_1880 = arith.addi %mul3A_133, %add3A_1879 : i32
              %get3A_1881 = arith.index_cast %add3A_1880 : i32 to index
              %get3A_1882 = tpu.vector_load %arg11[%get3A_1881] {strides = array<i32>} : memref<20480xf32, #tpu.memory_space<vmem>>, vector<16xf32>,
              %get3A_1883 = vector.shape_cast %get3A_1882 : vector<16xf32> to vector<16xf32>
              %mul3A_1884 = arith.mulf %get3A_1883, %broadcast_in_dim3A_1827 : vector<16xf32>
              %mul3A_1885 = arith.mulf %get3A_648, %broadcast_in_dim3A_1830 : vector<16xf32>
              %add3A_1886 = arith.addf %mul3A_1884, %mul3A_1885 : vector<16xf32>
              %swap3A_1887 = arith.index_cast %add3A_1880 : i32 to index
              %swap3A_1888 = tpu.vector_load %arg11[%swap3A_1887] {strides = array<i32>} : memref<20480xf32, #tpu.memory_space<vmem>>, vector<16xf32>,
              %swap3A_1889 = vector.shape_cast %swap3A_1888 : vector<16xf32> to vector<16xf32>
              %swap3A_1890 = vector.shape_cast %add3A_1886 : vector<16xf32> to vector<16xf32>
              tpu.vector_store %arg11[%swap3A_1887], %swap3A_1890 {strides = array<i32>} : memref<20480xf32, #tpu.memory_space<vmem>>, vector<16xf32>,
              %add3A_1891 = arith.constant 208 : i32
              %add3A_1892 = arith.addi %mul3A_133, %add3A_1891 : i32
              %get3A_1893 = arith.index_cast %add3A_1892 : i32 to index
              %get3A_1894 = tpu.vector_load %arg11[%get3A_1893] {strides = array<i32>} : memref<20480xf32, #tpu.memory_space<vmem>>, vector<16xf32>,
              %get3A_1895 = vector.shape_cast %get3A_1894 : vector<16xf32> to vector<16xf32>
              %mul3A_1896 = arith.mulf %get3A_1895, %broadcast_in_dim3A_1827 : vector<16xf32>
              %mul3A_1897 = arith.mulf %get3A_678, %broadcast_in_dim3A_1830 : vector<16xf32>
              %add3A_1898 = arith.addf %mul3A_1896, %mul3A_1897 : vector<16xf32>
              %swap3A_1899 = arith.index_cast %add3A_1892 : i32 to index
              %swap3A_1900 = tpu.vector_load %arg11[%swap3A_1899] {strides = array<i32>} : memref<20480xf32, #tpu.memory_space<vmem>>, vector<16xf32>,
              %swap3A_1901 = vector.shape_cast %swap3A_1900 : vector<16xf32> to vector<16xf32>
              %swap3A_1902 = vector.shape_cast %add3A_1898 : vector<16xf32> to vector<16xf32>
              tpu.vector_store %arg11[%swap3A_1899], %swap3A_1902 {strides = array<i32>} : memref<20480xf32, #tpu.memory_space<vmem>>, vector<16xf32>,
              %add3A_1903 = arith.constant 224 : i32
              %add3A_1904 = arith.addi %mul3A_133, %add3A_1903 : i32
              %get3A_1905 = arith.index_cast %add3A_1904 : i32 to index
              %get3A_1906 = tpu.vector_load %arg11[%get3A_1905] {strides = array<i32>} : memref<20480xf32, #tpu.memory_space<vmem>>, vector<16xf32>,
              %get3A_1907 = vector.shape_cast %get3A_1906 : vector<16xf32> to vector<16xf32>
              %mul3A_1908 = arith.mulf %get3A_1907, %broadcast_in_dim3A_1827 : vector<16xf32>
              %mul3A_1909 = arith.mulf %get3A_708, %broadcast_in_dim3A_1830 : vector<16xf32>
              %add3A_1910 = arith.addf %mul3A_1908, %mul3A_1909 : vector<16xf32>
              %swap3A_1911 = arith.index_cast %add3A_1904 : i32 to index
              %swap3A_1912 = tpu.vector_load %arg11[%swap3A_1911] {strides = array<i32>} : memref<20480xf32, #tpu.memory_space<vmem>>, vector<16xf32>,
              %swap3A_1913 = vector.shape_cast %swap3A_1912 : vector<16xf32> to vector<16xf32>
              %swap3A_1914 = vector.shape_cast %add3A_1910 : vector<16xf32> to vector<16xf32>
              tpu.vector_store %arg11[%swap3A_1911], %swap3A_1914 {strides = array<i32>} : memref<20480xf32, #tpu.memory_space<vmem>>, vector<16xf32>,
              %add3A_1915 = arith.constant 240 : i32
              %add3A_1916 = arith.addi %mul3A_133, %add3A_1915 : i32
              %get3A_1917 = arith.index_cast %add3A_1916 : i32 to index
              %get3A_1918 = tpu.vector_load %arg11[%get3A_1917] {strides = array<i32>} : memref<20480xf32, #tpu.memory_space<vmem>>, vector<16xf32>,
              %get3A_1919 = vector.shape_cast %get3A_1918 : vector<16xf32> to vector<16xf32>
              %mul3A_1920 = arith.mulf %get3A_1919, %broadcast_in_dim3A_1827 : vector<16xf32>
              %mul3A_1921 = arith.mulf %get3A_738, %broadcast_in_dim3A_1830 : vector<16xf32>
              %add3A_1922 = arith.addf %mul3A_1920, %mul3A_1921 : vector<16xf32>
              %swap3A_1923 = arith.index_cast %add3A_1916 : i32 to index
              %swap3A_1924 = tpu.vector_load %arg11[%swap3A_1923] {strides = array<i32>} : memref<20480xf32, #tpu.memory_space<vmem>>, vector<16xf32>,
              %swap3A_1925 = vector.shape_cast %swap3A_1924 : vector<16xf32> to vector<16xf32>
              %swap3A_1926 = vector.shape_cast %add3A_1922 : vector<16xf32> to vector<16xf32>
              tpu.vector_store %arg11[%swap3A_1923], %swap3A_1926 {strides = array<i32>} : memref<20480xf32, #tpu.memory_space<vmem>>, vector<16xf32>,
              %slice3A_1927 = vector.extract_strided_slice %exp3A {offsets = [2], sizes = [1], strides = [1]} : vector<16xf32> to vector<1xf32>
              %squeeze3A_1928 = vector.extract %slice3A_1927[0] : f32 from vector<1xf32>
              %broadcast_in_dim3A_1929 = vector.broadcast %squeeze3A_1928 : f32 to vector<16xf32>
              %slice3A_1930 = vector.extract_strided_slice %exp3A_1704 {offsets = [2], sizes = [1], strides = [1]} : vector<16xf32> to vector<1xf32>
              %squeeze3A_1931 = vector.extract %slice3A_1930[0] : f32 from vector<1xf32>
              %broadcast_in_dim3A_1932 = vector.broadcast %squeeze3A_1931 : f32 to vector<16xf32>
              %add3A_1933 = arith.constant 256 : i32
              %add3A_1934 = arith.addi %mul3A_133, %add3A_1933 : i32
              %get3A_1935 = arith.index_cast %add3A_1934 : i32 to index
              %get3A_1936 = tpu.vector_load %arg11[%get3A_1935] {strides = array<i32>} : memref<20480xf32, #tpu.memory_space<vmem>>, vector<16xf32>,
              %get3A_1937 = vector.shape_cast %get3A_1936 : vector<16xf32> to vector<16xf32>
              %mul3A_1938 = arith.mulf %get3A_1937, %broadcast_in_dim3A_1929 : vector<16xf32>
              %mul3A_1939 = arith.mulf %get3A_919, %broadcast_in_dim3A_1932 : vector<16xf32>
              %add3A_1940 = arith.addf %mul3A_1938, %mul3A_1939 : vector<16xf32>
              %swap3A_1941 = arith.index_cast %add3A_1934 : i32 to index
              %swap3A_1942 = tpu.vector_load %arg11[%swap3A_1941] {strides = array<i32>} : memref<20480xf32, #tpu.memory_space<vmem>>, vector<16xf32>,
              %swap3A_1943 = vector.shape_cast %swap3A_1942 : vector<16xf32> to vector<16xf32>
              %swap3A_1944 = vector.shape_cast %add3A_1940 : vector<16xf32> to vector<16xf32>
              tpu.vector_store %arg11[%swap3A_1941], %swap3A_1944 {strides = array<i32>} : memref<20480xf32, #tpu.memory_space<vmem>>, vector<16xf32>,
              %add3A_1945 = arith.constant 272 : i32
              %add3A_1946 = arith.addi %mul3A_133, %add3A_1945 : i32
              %get3A_1947 = arith.index_cast %add3A_1946 : i32 to index
              %get3A_1948 = tpu.vector_load %arg11[%get3A_1947] {strides = array<i32>} : memref<20480xf32, #tpu.memory_space<vmem>>, vector<16xf32>,
              %get3A_1949 = vector.shape_cast %get3A_1948 : vector<16xf32> to vector<16xf32>
              %mul3A_1950 = arith.mulf %get3A_1949, %broadcast_in_dim3A_1929 : vector<16xf32>
              %mul3A_1951 = arith.mulf %get3A_949, %broadcast_in_dim3A_1932 : vector<16xf32>
              %add3A_1952 = arith.addf %mul3A_1950, %mul3A_1951 : vector<16xf32>
              %swap3A_1953 = arith.index_cast %add3A_1946 : i32 to index
              %swap3A_1954 = tpu.vector_load %arg11[%swap3A_1953] {strides = array<i32>} : memref<20480xf32, #tpu.memory_space<vmem>>, vector<16xf32>,
              %swap3A_1955 = vector.shape_cast %swap3A_1954 : vector<16xf32> to vector<16xf32>
              %swap3A_1956 = vector.shape_cast %add3A_1952 : vector<16xf32> to vector<16xf32>
              tpu.vector_store %arg11[%swap3A_1953], %swap3A_1956 {strides = array<i32>} : memref<20480xf32, #tpu.memory_space<vmem>>, vector<16xf32>,
              %add3A_1957 = arith.constant 288 : i32
              %add3A_1958 = arith.addi %mul3A_133, %add3A_1957 : i32
              %get3A_1959 = arith.index_cast %add3A_1958 : i32 to index
              %get3A_1960 = tpu.vector_load %arg11[%get3A_1959] {strides = array<i32>} : memref<20480xf32, #tpu.memory_space<vmem>>, vector<16xf32>,
              %get3A_1961 = vector.shape_cast %get3A_1960 : vector<16xf32> to vector<16xf32>
              %mul3A_1962 = arith.mulf %get3A_1961, %broadcast_in_dim3A_1929 : vector<16xf32>
              %mul3A_1963 = arith.mulf %get3A_979, %broadcast_in_dim3A_1932 : vector<16xf32>
              %add3A_1964 = arith.addf %mul3A_1962, %mul3A_1963 : vector<16xf32>
              %swap3A_1965 = arith.index_cast %add3A_1958 : i32 to index
              %swap3A_1966 = tpu.vector_load %arg11[%swap3A_1965] {strides = array<i32>} : memref<20480xf32, #tpu.memory_space<vmem>>, vector<16xf32>,
              %swap3A_1967 = vector.shape_cast %swap3A_1966 : vector<16xf32> to vector<16xf32>
              %swap3A_1968 = vector.shape_cast %add3A_1964 : vector<16xf32> to vector<16xf32>
              tpu.vector_store %arg11[%swap3A_1965], %swap3A_1968 {strides = array<i32>} : memref<20480xf32, #tpu.memory_space<vmem>>, vector<16xf32>,
              %add3A_1969 = arith.constant 304 : i32
              %add3A_1970 = arith.addi %mul3A_133, %add3A_1969 : i32
              %get3A_1971 = arith.index_cast %add3A_1970 : i32 to index
              %get3A_1972 = tpu.vector_load %arg11[%get3A_1971] {strides = array<i32>} : memref<20480xf32, #tpu.memory_space<vmem>>, vector<16xf32>,
              %get3A_1973 = vector.shape_cast %get3A_1972 : vector<16xf32> to vector<16xf32>
              %mul3A_1974 = arith.mulf %get3A_1973, %broadcast_in_dim3A_1929 : vector<16xf32>
              %mul3A_1975 = arith.mulf %get3A_1009, %broadcast_in_dim3A_1932 : vector<16xf32>
              %add3A_1976 = arith.addf %mul3A_1974, %mul3A_1975 : vector<16xf32>
              %swap3A_1977 = arith.index_cast %add3A_1970 : i32 to index
              %swap3A_1978 = tpu.vector_load %arg11[%swap3A_1977] {strides = array<i32>} : memref<20480xf32, #tpu.memory_space<vmem>>, vector<16xf32>,
              %swap3A_1979 = vector.shape_cast %swap3A_1978 : vector<16xf32> to vector<16xf32>
              %swap3A_1980 = vector.shape_cast %add3A_1976 : vector<16xf32> to vector<16xf32>
              tpu.vector_store %arg11[%swap3A_1977], %swap3A_1980 {strides = array<i32>} : memref<20480xf32, #tpu.memory_space<vmem>>, vector<16xf32>,
              %add3A_1981 = arith.constant 320 : i32
              %add3A_1982 = arith.addi %mul3A_133, %add3A_1981 : i32
              %get3A_1983 = arith.index_cast %add3A_1982 : i32 to index
              %get3A_1984 = tpu.vector_load %arg11[%get3A_1983] {strides = array<i32>} : memref<20480xf32, #tpu.memory_space<vmem>>, vector<16xf32>,
              %get3A_1985 = vector.shape_cast %get3A_1984 : vector<16xf32> to vector<16xf32>
              %mul3A_1986 = arith.mulf %get3A_1985, %broadcast_in_dim3A_1929 : vector<16xf32>
              %mul3A_1987 = arith.mulf %get3A_1039, %broadcast_in_dim3A_1932 : vector<16xf32>
              %add3A_1988 = arith.addf %mul3A_1986, %mul3A_1987 : vector<16xf32>
              %swap3A_1989 = arith.index_cast %add3A_1982 : i32 to index
              %swap3A_1990 = tpu.vector_load %arg11[%swap3A_1989] {strides = array<i32>} : memref<20480xf32, #tpu.memory_space<vmem>>, vector<16xf32>,
              %swap3A_1991 = vector.shape_cast %swap3A_1990 : vector<16xf32> to vector<16xf32>
              %swap3A_1992 = vector.shape_cast %add3A_1988 : vector<16xf32> to vector<16xf32>
              tpu.vector_store %arg11[%swap3A_1989], %swap3A_1992 {strides = array<i32>} : memref<20480xf32, #tpu.memory_space<vmem>>, vector<16xf32>,
              %add3A_1993 = arith.constant 336 : i32
              %add3A_1994 = arith.addi %mul3A_133, %add3A_1993 : i32
              %get3A_1995 = arith.index_cast %add3A_1994 : i32 to index
              %get3A_1996 = tpu.vector_load %arg11[%get3A_1995] {strides = array<i32>} : memref<20480xf32, #tpu.memory_space<vmem>>, vector<16xf32>,
              %get3A_1997 = vector.shape_cast %get3A_1996 : vector<16xf32> to vector<16xf32>
              %mul3A_1998 = arith.mulf %get3A_1997, %broadcast_in_dim3A_1929 : vector<16xf32>
              %mul3A_1999 = arith.mulf %get3A_1069, %broadcast_in_dim3A_1932 : vector<16xf32>
              %add3A_2000 = arith.addf %mul3A_1998, %mul3A_1999 : vector<16xf32>
              %swap3A_2001 = arith.index_cast %add3A_1994 : i32 to index
              %swap3A_2002 = tpu.vector_load %arg11[%swap3A_2001] {strides = array<i32>} : memref<20480xf32, #tpu.memory_space<vmem>>, vector<16xf32>,
              %swap3A_2003 = vector.shape_cast %swap3A_2002 : vector<16xf32> to vector<16xf32>
              %swap3A_2004 = vector.shape_cast %add3A_2000 : vector<16xf32> to vector<16xf32>
              tpu.vector_store %arg11[%swap3A_2001], %swap3A_2004 {strides = array<i32>} : memref<20480xf32, #tpu.memory_space<vmem>>, vector<16xf32>,
              %add3A_2005 = arith.constant 352 : i32
              %add3A_2006 = arith.addi %mul3A_133, %add3A_2005 : i32
              %get3A_2007 = arith.index_cast %add3A_2006 : i32 to index
              %get3A_2008 = tpu.vector_load %arg11[%get3A_2007] {strides = array<i32>} : memref<20480xf32, #tpu.memory_space<vmem>>, vector<16xf32>,
              %get3A_2009 = vector.shape_cast %get3A_2008 : vector<16xf32> to vector<16xf32>
              %mul3A_2010 = arith.mulf %get3A_2009, %broadcast_in_dim3A_1929 : vector<16xf32>
              %mul3A_2011 = arith.mulf %get3A_1099, %broadcast_in_dim3A_1932 : vector<16xf32>
              %add3A_2012 = arith.addf %mul3A_2010, %mul3A_2011 : vector<16xf32>
              %swap3A_2013 = arith.index_cast %add3A_2006 : i32 to index
              %swap3A_2014 = tpu.vector_load %arg11[%swap3A_2013] {strides = array<i32>} : memref<20480xf32, #tpu.memory_space<vmem>>, vector<16xf32>,
              %swap3A_2015 = vector.shape_cast %swap3A_2014 : vector<16xf32> to vector<16xf32>
              %swap3A_2016 = vector.shape_cast %add3A_2012 : vector<16xf32> to vector<16xf32>
              tpu.vector_store %arg11[%swap3A_2013], %swap3A_2016 {strides = array<i32>} : memref<20480xf32, #tpu.memory_space<vmem>>, vector<16xf32>,
              %add3A_2017 = arith.constant 368 : i32
              %add3A_2018 = arith.addi %mul3A_133, %add3A_2017 : i32
              %get3A_2019 = arith.index_cast %add3A_2018 : i32 to index
              %get3A_2020 = tpu.vector_load %arg11[%get3A_2019] {strides = array<i32>} : memref<20480xf32, #tpu.memory_space<vmem>>, vector<16xf32>,
              %get3A_2021 = vector.shape_cast %get3A_2020 : vector<16xf32> to vector<16xf32>
              %mul3A_2022 = arith.mulf %get3A_2021, %broadcast_in_dim3A_1929 : vector<16xf32>
              %mul3A_2023 = arith.mulf %get3A_1129, %broadcast_in_dim3A_1932 : vector<16xf32>
              %add3A_2024 = arith.addf %mul3A_2022, %mul3A_2023 : vector<16xf32>
              %swap3A_2025 = arith.index_cast %add3A_2018 : i32 to index
              %swap3A_2026 = tpu.vector_load %arg11[%swap3A_2025] {strides = array<i32>} : memref<20480xf32, #tpu.memory_space<vmem>>, vector<16xf32>,
              %swap3A_2027 = vector.shape_cast %swap3A_2026 : vector<16xf32> to vector<16xf32>
              %swap3A_2028 = vector.shape_cast %add3A_2024 : vector<16xf32> to vector<16xf32>
              tpu.vector_store %arg11[%swap3A_2025], %swap3A_2028 {strides = array<i32>} : memref<20480xf32, #tpu.memory_space<vmem>>, vector<16xf32>,
              %slice3A_2029 = vector.extract_strided_slice %exp3A {offsets = [3], sizes = [1], strides = [1]} : vector<16xf32> to vector<1xf32>
              %squeeze3A_2030 = vector.extract %slice3A_2029[0] : f32 from vector<1xf32>
              %broadcast_in_dim3A_2031 = vector.broadcast %squeeze3A_2030 : f32 to vector<16xf32>
              %slice3A_2032 = vector.extract_strided_slice %exp3A_1704 {offsets = [3], sizes = [1], strides = [1]} : vector<16xf32> to vector<1xf32>
              %squeeze3A_2033 = vector.extract %slice3A_2032[0] : f32 from vector<1xf32>
              %broadcast_in_dim3A_2034 = vector.broadcast %squeeze3A_2033 : f32 to vector<16xf32>
              %add3A_2035 = arith.constant 384 : i32
              %add3A_2036 = arith.addi %mul3A_133, %add3A_2035 : i32
              %get3A_2037 = arith.index_cast %add3A_2036 : i32 to index
              %get3A_2038 = tpu.vector_load %arg11[%get3A_2037] {strides = array<i32>} : memref<20480xf32, #tpu.memory_space<vmem>>, vector<16xf32>,
              %get3A_2039 = vector.shape_cast %get3A_2038 : vector<16xf32> to vector<16xf32>
              %mul3A_2040 = arith.mulf %get3A_2039, %broadcast_in_dim3A_2031 : vector<16xf32>
              %mul3A_2041 = arith.mulf %get3A_1310, %broadcast_in_dim3A_2034 : vector<16xf32>
              %add3A_2042 = arith.addf %mul3A_2040, %mul3A_2041 : vector<16xf32>
              %swap3A_2043 = arith.index_cast %add3A_2036 : i32 to index
              %swap3A_2044 = tpu.vector_load %arg11[%swap3A_2043] {strides = array<i32>} : memref<20480xf32, #tpu.memory_space<vmem>>, vector<16xf32>,
              %swap3A_2045 = vector.shape_cast %swap3A_2044 : vector<16xf32> to vector<16xf32>
              %swap3A_2046 = vector.shape_cast %add3A_2042 : vector<16xf32> to vector<16xf32>
              tpu.vector_store %arg11[%swap3A_2043], %swap3A_2046 {strides = array<i32>} : memref<20480xf32, #tpu.memory_space<vmem>>, vector<16xf32>,
              %add3A_2047 = arith.constant 400 : i32
              %add3A_2048 = arith.addi %mul3A_133, %add3A_2047 : i32
              %get3A_2049 = arith.index_cast %add3A_2048 : i32 to index
              %get3A_2050 = tpu.vector_load %arg11[%get3A_2049] {strides = array<i32>} : memref<20480xf32, #tpu.memory_space<vmem>>, vector<16xf32>,
              %get3A_2051 = vector.shape_cast %get3A_2050 : vector<16xf32> to vector<16xf32>
              %mul3A_2052 = arith.mulf %get3A_2051, %broadcast_in_dim3A_2031 : vector<16xf32>
              %mul3A_2053 = arith.mulf %get3A_1340, %broadcast_in_dim3A_2034 : vector<16xf32>
              %add3A_2054 = arith.addf %mul3A_2052, %mul3A_2053 : vector<16xf32>
              %swap3A_2055 = arith.index_cast %add3A_2048 : i32 to index
              %swap3A_2056 = tpu.vector_load %arg11[%swap3A_2055] {strides = array<i32>} : memref<20480xf32, #tpu.memory_space<vmem>>, vector<16xf32>,
              %swap3A_2057 = vector.shape_cast %swap3A_2056 : vector<16xf32> to vector<16xf32>
              %swap3A_2058 = vector.shape_cast %add3A_2054 : vector<16xf32> to vector<16xf32>
              tpu.vector_store %arg11[%swap3A_2055], %swap3A_2058 {strides = array<i32>} : memref<20480xf32, #tpu.memory_space<vmem>>, vector<16xf32>,
              %add3A_2059 = arith.constant 416 : i32
              %add3A_2060 = arith.addi %mul3A_133, %add3A_2059 : i32
              %get3A_2061 = arith.index_cast %add3A_2060 : i32 to index
              %get3A_2062 = tpu.vector_load %arg11[%get3A_2061] {strides = array<i32>} : memref<20480xf32, #tpu.memory_space<vmem>>, vector<16xf32>,
              %get3A_2063 = vector.shape_cast %get3A_2062 : vector<16xf32> to vector<16xf32>
              %mul3A_2064 = arith.mulf %get3A_2063, %broadcast_in_dim3A_2031 : vector<16xf32>
              %mul3A_2065 = arith.mulf %get3A_1370, %broadcast_in_dim3A_2034 : vector<16xf32>
              %add3A_2066 = arith.addf %mul3A_2064, %mul3A_2065 : vector<16xf32>
              %swap3A_2067 = arith.index_cast %add3A_2060 : i32 to index
              %swap3A_2068 = tpu.vector_load %arg11[%swap3A_2067] {strides = array<i32>} : memref<20480xf32, #tpu.memory_space<vmem>>, vector<16xf32>,
              %swap3A_2069 = vector.shape_cast %swap3A_2068 : vector<16xf32> to vector<16xf32>
              %swap3A_2070 = vector.shape_cast %add3A_2066 : vector<16xf32> to vector<16xf32>
              tpu.vector_store %arg11[%swap3A_2067], %swap3A_2070 {strides = array<i32>} : memref<20480xf32, #tpu.memory_space<vmem>>, vector<16xf32>,
              %add3A_2071 = arith.constant 432 : i32
              %add3A_2072 = arith.addi %mul3A_133, %add3A_2071 : i32
              %get3A_2073 = arith.index_cast %add3A_2072 : i32 to index
              %get3A_2074 = tpu.vector_load %arg11[%get3A_2073] {strides = array<i32>} : memref<20480xf32, #tpu.memory_space<vmem>>, vector<16xf32>,
              %get3A_2075 = vector.shape_cast %get3A_2074 : vector<16xf32> to vector<16xf32>
              %mul3A_2076 = arith.mulf %get3A_2075, %broadcast_in_dim3A_2031 : vector<16xf32>
              %mul3A_2077 = arith.mulf %get3A_1400, %broadcast_in_dim3A_2034 : vector<16xf32>
              %add3A_2078 = arith.addf %mul3A_2076, %mul3A_2077 : vector<16xf32>
              %swap3A_2079 = arith.index_cast %add3A_2072 : i32 to index
              %swap3A_2080 = tpu.vector_load %arg11[%swap3A_2079] {strides = array<i32>} : memref<20480xf32, #tpu.memory_space<vmem>>, vector<16xf32>,
              %swap3A_2081 = vector.shape_cast %swap3A_2080 : vector<16xf32> to vector<16xf32>
              %swap3A_2082 = vector.shape_cast %add3A_2078 : vector<16xf32> to vector<16xf32>
              tpu.vector_store %arg11[%swap3A_2079], %swap3A_2082 {strides = array<i32>} : memref<20480xf32, #tpu.memory_space<vmem>>, vector<16xf32>,
              %add3A_2083 = arith.constant 448 : i32
              %add3A_2084 = arith.addi %mul3A_133, %add3A_2083 : i32
              %get3A_2085 = arith.index_cast %add3A_2084 : i32 to index
              %get3A_2086 = tpu.vector_load %arg11[%get3A_2085] {strides = array<i32>} : memref<20480xf32, #tpu.memory_space<vmem>>, vector<16xf32>,
              %get3A_2087 = vector.shape_cast %get3A_2086 : vector<16xf32> to vector<16xf32>
              %mul3A_2088 = arith.mulf %get3A_2087, %broadcast_in_dim3A_2031 : vector<16xf32>
              %mul3A_2089 = arith.mulf %get3A_1430, %broadcast_in_dim3A_2034 : vector<16xf32>
              %add3A_2090 = arith.addf %mul3A_2088, %mul3A_2089 : vector<16xf32>
              %swap3A_2091 = arith.index_cast %add3A_2084 : i32 to index
              %swap3A_2092 = tpu.vector_load %arg11[%swap3A_2091] {strides = array<i32>} : memref<20480xf32, #tpu.memory_space<vmem>>, vector<16xf32>,
              %swap3A_2093 = vector.shape_cast %swap3A_2092 : vector<16xf32> to vector<16xf32>
              %swap3A_2094 = vector.shape_cast %add3A_2090 : vector<16xf32> to vector<16xf32>
              tpu.vector_store %arg11[%swap3A_2091], %swap3A_2094 {strides = array<i32>} : memref<20480xf32, #tpu.memory_space<vmem>>, vector<16xf32>,
              %add3A_2095 = arith.constant 464 : i32
              %add3A_2096 = arith.addi %mul3A_133, %add3A_2095 : i32
              %get3A_2097 = arith.index_cast %add3A_2096 : i32 to index
              %get3A_2098 = tpu.vector_load %arg11[%get3A_2097] {strides = array<i32>} : memref<20480xf32, #tpu.memory_space<vmem>>, vector<16xf32>,
              %get3A_2099 = vector.shape_cast %get3A_2098 : vector<16xf32> to vector<16xf32>
              %mul3A_2100 = arith.mulf %get3A_2099, %broadcast_in_dim3A_2031 : vector<16xf32>
              %mul3A_2101 = arith.mulf %get3A_1460, %broadcast_in_dim3A_2034 : vector<16xf32>
              %add3A_2102 = arith.addf %mul3A_2100, %mul3A_2101 : vector<16xf32>
              %swap3A_2103 = arith.index_cast %add3A_2096 : i32 to index
              %swap3A_2104 = tpu.vector_load %arg11[%swap3A_2103] {strides = array<i32>} : memref<20480xf32, #tpu.memory_space<vmem>>, vector<16xf32>,
              %swap3A_2105 = vector.shape_cast %swap3A_2104 : vector<16xf32> to vector<16xf32>
              %swap3A_2106 = vector.shape_cast %add3A_2102 : vector<16xf32> to vector<16xf32>
              tpu.vector_store %arg11[%swap3A_2103], %swap3A_2106 {strides = array<i32>} : memref<20480xf32, #tpu.memory_space<vmem>>, vector<16xf32>,
              %add3A_2107 = arith.constant 480 : i32
              %add3A_2108 = arith.addi %mul3A_133, %add3A_2107 : i32
              %get3A_2109 = arith.index_cast %add3A_2108 : i32 to index
              %get3A_2110 = tpu.vector_load %arg11[%get3A_2109] {strides = array<i32>} : memref<20480xf32, #tpu.memory_space<vmem>>, vector<16xf32>,
              %get3A_2111 = vector.shape_cast %get3A_2110 : vector<16xf32> to vector<16xf32>
              %mul3A_2112 = arith.mulf %get3A_2111, %broadcast_in_dim3A_2031 : vector<16xf32>
              %mul3A_2113 = arith.mulf %get3A_1490, %broadcast_in_dim3A_2034 : vector<16xf32>
              %add3A_2114 = arith.addf %mul3A_2112, %mul3A_2113 : vector<16xf32>
              %swap3A_2115 = arith.index_cast %add3A_2108 : i32 to index
              %swap3A_2116 = tpu.vector_load %arg11[%swap3A_2115] {strides = array<i32>} : memref<20480xf32, #tpu.memory_space<vmem>>, vector<16xf32>,
              %swap3A_2117 = vector.shape_cast %swap3A_2116 : vector<16xf32> to vector<16xf32>
              %swap3A_2118 = vector.shape_cast %add3A_2114 : vector<16xf32> to vector<16xf32>
              tpu.vector_store %arg11[%swap3A_2115], %swap3A_2118 {strides = array<i32>} : memref<20480xf32, #tpu.memory_space<vmem>>, vector<16xf32>,
              %add3A_2119 = arith.constant 496 : i32
              %add3A_2120 = arith.addi %mul3A_133, %add3A_2119 : i32
              %get3A_2121 = arith.index_cast %add3A_2120 : i32 to index
              %get3A_2122 = tpu.vector_load %arg11[%get3A_2121] {strides = array<i32>} : memref<20480xf32, #tpu.memory_space<vmem>>, vector<16xf32>,
              %get3A_2123 = vector.shape_cast %get3A_2122 : vector<16xf32> to vector<16xf32>
              %mul3A_2124 = arith.mulf %get3A_2123, %broadcast_in_dim3A_2031 : vector<16xf32>
              %mul3A_2125 = arith.mulf %get3A_1520, %broadcast_in_dim3A_2034 : vector<16xf32>
              %add3A_2126 = arith.addf %mul3A_2124, %mul3A_2125 : vector<16xf32>
              %swap3A_2127 = arith.index_cast %add3A_2120 : i32 to index
              %swap3A_2128 = tpu.vector_load %arg11[%swap3A_2127] {strides = array<i32>} : memref<20480xf32, #tpu.memory_space<vmem>>, vector<16xf32>,
              %swap3A_2129 = vector.shape_cast %swap3A_2128 : vector<16xf32> to vector<16xf32>
              %swap3A_2130 = vector.shape_cast %add3A_2126 : vector<16xf32> to vector<16xf32>
              tpu.vector_store %arg11[%swap3A_2127], %swap3A_2130 {strides = array<i32>} : memref<20480xf32, #tpu.memory_space<vmem>>, vector<16xf32>,
            } else {
            }
          }
          %scan3A_117 = arith.constant 64 : i32
        }
        %while3A_70 = arith.constant 1 : i32
        scf.for %while3A_80 = %while3A_68 to %while3A_64 step %while3A_70  : i32 {
          %add3A_81 = arith.addi %min3A, %while3A_80 : i32
          %mul3A_82 = arith.constant 64 : i32
          %mul3A_83 = arith.muli %add3A_81, %mul3A_82 : i32
          %multiple_of3A_84 = tpu.assume_multiple %mul3A_83, 8 : i32
          %dma_start3A = tpu.memref_slice %arg5[%multiple_of3A_84] : memref<160000xi32, #tpu.memory_space<hbm>> -> memref<64xi32, #tpu.memory_space<hbm>>
          %dma_start3A_85 = tpu.memref_slice %arg5[%multiple_of3A_84] : memref<160000xi32, #tpu.memory_space<hbm>> -> memref<64xi32, #tpu.memory_space<hbm>>
          tpu.enqueue_dma source(%dma_start3A_85 : memref<64xi32, #tpu.memory_space<hbm>>) target(%arg17 : memref<64xi32, #tpu.memory_space<vmem>>) target_semaphore(%arg22 : memref<!tpu.dma_semaphore, #tpu.memory_space<semaphore_mem>>)
          %dma_start3A_86 = arith.constant 0 : i32
          %dma_start3A_87 = tpu.memref_slice %arg18[%dma_start3A_86] : memref<80xi32, #tpu.memory_space<vmem>> -> memref<64xi32, #tpu.memory_space<vmem>>
          %dma_start3A_88 = tpu.memref_slice %arg6[%multiple_of3A_84] : memref<160000xi32, #tpu.memory_space<hbm>> -> memref<64xi32, #tpu.memory_space<hbm>>
          %dma_start3A_89 = arith.constant 0 : i32
          %dma_start3A_90 = tpu.memref_slice %arg18[%dma_start3A_89] : memref<80xi32, #tpu.memory_space<vmem>> -> memref<64xi32, #tpu.memory_space<vmem>>
          %dma_start3A_91 = tpu.memref_slice %arg6[%multiple_of3A_84] : memref<160000xi32, #tpu.memory_space<hbm>> -> memref<64xi32, #tpu.memory_space<hbm>>
          tpu.enqueue_dma source(%dma_start3A_91 : memref<64xi32, #tpu.memory_space<hbm>>) target(%dma_start3A_90 : memref<64xi32, #tpu.memory_space<vmem>>) target_semaphore(%arg22 : memref<!tpu.dma_semaphore, #tpu.memory_space<semaphore_mem>>)
          %mul3A_92 = arith.constant 512 : i32
          %mul3A_93 = arith.muli %multiple_of3A_84, %mul3A_92 : i32
          %multiple_of3A_94 = tpu.assume_multiple %mul3A_93, 8 : i32
          %dma_start3A_95 = tpu.memref_slice %arg4[%multiple_of3A_94] : memref<81920000xf32, #tpu.memory_space<hbm>> -> memref<32768xf32, #tpu.memory_space<hbm>>
          %dma_start3A_96 = tpu.memref_slice %arg4[%multiple_of3A_94] : memref<81920000xf32, #tpu.memory_space<hbm>> -> memref<32768xf32, #tpu.memory_space<hbm>>
          tpu.enqueue_dma source(%dma_start3A_96 : memref<32768xf32, #tpu.memory_space<hbm>>) target(%arg14 : memref<32768xf32, #tpu.memory_space<vmem>>) target_semaphore(%arg23 : memref<!tpu.dma_semaphore, #tpu.memory_space<semaphore_mem>>)
          %dma_wait3A = tpu.memref_slice %arg5[%multiple_of3A_84] : memref<160000xi32, #tpu.memory_space<hbm>> -> memref<64xi32, #tpu.memory_space<hbm>>
          %dma_wait3A_97 = tpu.memref_slice %arg5[%multiple_of3A_84] : memref<160000xi32, #tpu.memory_space<hbm>> -> memref<64xi32, #tpu.memory_space<hbm>>
          tpu.wait_dma2 semaphore(%arg22 : memref<!tpu.dma_semaphore, #tpu.memory_space<semaphore_mem>>) src(%dma_wait3A_97 : memref<64xi32, #tpu.memory_space<hbm>>) dst(%arg17 : memref<64xi32, #tpu.memory_space<vmem>>)
          %dma_start3A_98 = arith.constant 0 : i32
          %dma_start3A_99 = arith.constant 0 : i32
          %dma_start3A_100 = tpu.memref_slice %arg2[%dma_start3A_98, %dma_start3A_99] : memref<10000x512xf32, #tpu.memory_space<hbm>> -> memref<10000x512xf32, #tpu.memory_space<hbm>>
          tpu.enqueue_indirect_dma source(%dma_start3A_100 : memref<10000x512xf32, #tpu.memory_space<hbm>>) target(%arg13 : memref<64x512xf32, #tpu.memory_space<vmem>>) offsets(%arg17 : memref<64xi32, #tpu.memory_space<vmem>>) semaphore(%arg24 : memref<!tpu.dma_semaphore, #tpu.memory_space<semaphore_mem>>)
          %dma_wait3A_101 = arith.constant 0 : i32
          %dma_wait3A_102 = tpu.memref_slice %arg18[%dma_wait3A_101] : memref<80xi32, #tpu.memory_space<vmem>> -> memref<64xi32, #tpu.memory_space<vmem>>
          %dma_wait3A_103 = tpu.memref_slice %arg6[%multiple_of3A_84] : memref<160000xi32, #tpu.memory_space<hbm>> -> memref<64xi32, #tpu.memory_space<hbm>>
          %dma_wait3A_104 = arith.constant 0 : i32
          %dma_wait3A_105 = tpu.memref_slice %arg18[%dma_wait3A_104] : memref<80xi32, #tpu.memory_space<vmem>> -> memref<64xi32, #tpu.memory_space<vmem>>
          %dma_wait3A_106 = tpu.memref_slice %arg6[%multiple_of3A_84] : memref<160000xi32, #tpu.memory_space<hbm>> -> memref<64xi32, #tpu.memory_space<hbm>>
          tpu.wait_dma2 semaphore(%arg22 : memref<!tpu.dma_semaphore, #tpu.memory_space<semaphore_mem>>) src(%dma_wait3A_106 : memref<64xi32, #tpu.memory_space<hbm>>) dst(%dma_wait3A_105 : memref<64xi32, #tpu.memory_space<vmem>>)
          %dma_wait3A_107 = tpu.memref_slice %arg4[%multiple_of3A_94] : memref<81920000xf32, #tpu.memory_space<hbm>> -> memref<32768xf32, #tpu.memory_space<hbm>>
          %dma_wait3A_108 = tpu.memref_slice %arg4[%multiple_of3A_94] : memref<81920000xf32, #tpu.memory_space<hbm>> -> memref<32768xf32, #tpu.memory_space<hbm>>
          tpu.wait_dma2 semaphore(%arg23 : memref<!tpu.dma_semaphore, #tpu.memory_space<semaphore_mem>>) src(%dma_wait3A_108 : memref<32768xf32, #tpu.memory_space<hbm>>) dst(%arg14 : memref<32768xf32, #tpu.memory_space<vmem>>)
          %dma_wait3A_109 = arith.constant 0 : i32
          %dma_wait3A_110 = arith.constant 0 : i32
          %dma_wait3A_111 = tpu.memref_slice %arg2[%dma_wait3A_109, %dma_wait3A_110] : memref<10000x512xf32, #tpu.memory_space<hbm>> -> memref<10000x512xf32, #tpu.memory_space<hbm>>
          tpu.wait_indirect_dma semaphore(%arg24 : memref<!tpu.dma_semaphore, #tpu.memory_space<semaphore_mem>>) src(%dma_wait3A_111 : memref<10000x512xf32, #tpu.memory_space<hbm>>) dst(%arg13 : memref<64x512xf32, #tpu.memory_space<vmem>>)
          %scan3A_112 = arith.constant 0 : i32
          %scan3A_113 = arith.constant 0 : i32
          %scan3A_114 = arith.constant 64 : i32
          %scan3A_115 = arith.addi %scan3A_113, %scan3A_114 : i32
          %scan3A_116 = arith.constant 1 : i32
          scf.for %scan3A_118 = %scan3A_113 to %scan3A_115 step %scan3A_116  : i32 {
            %get3A_119 = arith.index_cast %scan3A_118 : i32 to index
            %get3A_120 = tpu.vector_load %arg18[%get3A_119] {strides = array<i32>} : memref<80xi32, #tpu.memory_space<vmem>>, vector<16xi32>,
            %get3A_121 = vector.shape_cast %get3A_120 : vector<16xi32> to vector<16xi32>
            %slice3A_122 = vector.extract_strided_slice %get3A_121 {offsets = [0], sizes = [1], strides = [1]} : vector<16xi32> to vector<1xi32>
            %squeeze3A_123 = vector.extract %slice3A_122[0] : i32 from vector<1xi32>
            %sub3A_124 = arith.subi %squeeze3A_123, %mul3A_13 : i32
            %iota3A = tpu.iota {dimensions = array<i32: 0>} : vector<16xi32>
            %ge3A = arith.constant 0 : i32
            %ge3A_125 = arith.cmpi sge, %sub3A_124, %ge3A : i32
            %lt3A_126 = arith.constant 40 : i32
            %lt3A_127 = arith.cmpi slt, %sub3A_124, %lt3A_126 : i32
            %and3A_128 = arith.andi %ge3A_125, %lt3A_127 : i1
            %convert_element_type3A_129 = arith.extui %and3A_128 : i1 to i32
            %cond3A_130 = arith.constant 0 : i32
            %cond3A_131 = arith.cmpi ne, %convert_element_type3A_129, %cond3A_130 : i32
            scf.if %cond3A_131 {
              %mul3A_132 = arith.constant 512 : i32
              %mul3A_133 = arith.muli %sub3A_124, %mul3A_132 : i32
              %broadcast_in_dim3A = arith.constant -1.000000e+30 : f32
              %broadcast_in_dim3A_134 = vector.broadcast %broadcast_in_dim3A : f32 to vector<16xf32>
              %broadcast_in_dim3A_135 = arith.constant 0.000000e+00 : f32
              %broadcast_in_dim3A_136 = vector.broadcast %broadcast_in_dim3A_135 : f32 to vector<16xf32>
              %get3A_137 = arith.index_cast %scan3A_118 : i32 to index
              %get3A_138 = arith.constant 0 : index
              %get3A_139 = tpu.vector_load %arg13[%get3A_137, %get3A_138] {strides = array<i32>} : memref<64x512xf32, #tpu.memory_space<vmem>>, vector<1x16xf32>,
              %get3A_140 = vector.shape_cast %get3A_139 : vector<1x16xf32> to vector<16xf32>
              %add3A_141 = arith.constant 0 : i32
              %add3A_142 = arith.addi %mul3A_133, %add3A_141 : i32
              %get3A_143 = arith.index_cast %add3A_142 : i32 to index
              %get3A_144 = tpu.vector_load %arg12[%get3A_143] {strides = array<i32>} : memref<20480xf32, #tpu.memory_space<vmem>>, vector<16xf32>,
              %get3A_145 = vector.shape_cast %get3A_144 : vector<16xf32> to vector<16xf32>
              %add3A_146 = arith.addf %get3A_140, %get3A_145 : vector<16xf32>
              %mul3A_147 = arith.constant 512 : i32
              %mul3A_148 = arith.muli %scan3A_118, %mul3A_147 : i32
              %add3A_149 = arith.constant 0 : i32
              %add3A_150 = arith.addi %mul3A_148, %add3A_149 : i32
              %get3A_151 = arith.index_cast %add3A_150 : i32 to index
              %get3A_152 = tpu.vector_load %arg14[%get3A_151] {strides = array<i32>} : memref<32768xf32, #tpu.memory_space<vmem>>, vector<16xf32>,
              %get3A_153 = vector.shape_cast %get3A_152 : vector<16xf32> to vector<16xf32>
              %add3A_154 = arith.addf %add3A_146, %get3A_153 : vector<16xf32>
              %gt3A = arith.constant 0.000000e+00 : f32
              %gt3A_155 = vector.broadcast %gt3A : f32 to vector<16xf32>
              %gt3A_156 = arith.cmpf ogt, %add3A_154, %gt3A_155 : vector<16xf32>
              %mul3A_157 = arith.constant 2.000000e-01 : f32
              %mul3A_158 = vector.broadcast %mul3A_157 : f32 to vector<16xf32>
              %mul3A_159 = arith.mulf %add3A_154, %mul3A_158 : vector<16xf32>
              %select_n3A_160 = arith.select %gt3A_156, %add3A_154, %mul3A_159 : vector<16xi1>, vector<16xf32>
              %get3A_161 = arith.constant 0 : index
              %get3A_162 = tpu.vector_load %arg19[%get3A_161] {strides = array<i32>} : memref<512xf32, #tpu.memory_space<vmem>>, vector<16xf32>,
              %get3A_163 = vector.shape_cast %get3A_162 : vector<16xf32> to vector<16xf32>
              %mul3A_164 = arith.mulf %select_n3A_160, %get3A_163 : vector<16xf32>
              %add3A_165 = arith.addf %broadcast_in_dim3A_136, %mul3A_164 : vector<16xf32>
              %get3A_166 = arith.index_cast %scan3A_118 : i32 to index
              %get3A_167 = arith.constant 16 : index
              %get3A_168 = tpu.vector_load %arg13[%get3A_166, %get3A_167] {strides = array<i32>} : memref<64x512xf32, #tpu.memory_space<vmem>>, vector<1x16xf32>,
              %get3A_169 = vector.shape_cast %get3A_168 : vector<1x16xf32> to vector<16xf32>
              %add3A_170 = arith.constant 16 : i32
              %add3A_171 = arith.addi %mul3A_133, %add3A_170 : i32
              %get3A_172 = arith.index_cast %add3A_171 : i32 to index
              %get3A_173 = tpu.vector_load %arg12[%get3A_172] {strides = array<i32>} : memref<20480xf32, #tpu.memory_space<vmem>>, vector<16xf32>,
              %get3A_174 = vector.shape_cast %get3A_173 : vector<16xf32> to vector<16xf32>
              %add3A_175 = arith.addf %get3A_169, %get3A_174 : vector<16xf32>
              %mul3A_176 = arith.constant 512 : i32
              %mul3A_177 = arith.muli %scan3A_118, %mul3A_176 : i32
              %add3A_178 = arith.constant 16 : i32
              %add3A_179 = arith.addi %mul3A_177, %add3A_178 : i32
              %get3A_180 = arith.index_cast %add3A_179 : i32 to index
              %get3A_181 = tpu.vector_load %arg14[%get3A_180] {strides = array<i32>} : memref<32768xf32, #tpu.memory_space<vmem>>, vector<16xf32>,
              %get3A_182 = vector.shape_cast %get3A_181 : vector<16xf32> to vector<16xf32>
              %add3A_183 = arith.addf %add3A_175, %get3A_182 : vector<16xf32>
              %gt3A_184 = arith.constant 0.000000e+00 : f32
              %gt3A_185 = vector.broadcast %gt3A_184 : f32 to vector<16xf32>
              %gt3A_186 = arith.cmpf ogt, %add3A_183, %gt3A_185 : vector<16xf32>
              %mul3A_187 = arith.constant 2.000000e-01 : f32
              %mul3A_188 = vector.broadcast %mul3A_187 : f32 to vector<16xf32>
              %mul3A_189 = arith.mulf %add3A_183, %mul3A_188 : vector<16xf32>
              %select_n3A_190 = arith.select %gt3A_186, %add3A_183, %mul3A_189 : vector<16xi1>, vector<16xf32>
              %get3A_191 = arith.constant 16 : index
              %get3A_192 = tpu.vector_load %arg19[%get3A_191] {strides = array<i32>} : memref<512xf32, #tpu.memory_space<vmem>>, vector<16xf32>,
              %get3A_193 = vector.shape_cast %get3A_192 : vector<16xf32> to vector<16xf32>
              %mul3A_194 = arith.mulf %select_n3A_190, %get3A_193 : vector<16xf32>
              %add3A_195 = arith.addf %add3A_165, %mul3A_194 : vector<16xf32>
              %get3A_196 = arith.index_cast %scan3A_118 : i32 to index
              %get3A_197 = arith.constant 32 : index
              %get3A_198 = tpu.vector_load %arg13[%get3A_196, %get3A_197] {strides = array<i32>} : memref<64x512xf32, #tpu.memory_space<vmem>>, vector<1x16xf32>,
              %get3A_199 = vector.shape_cast %get3A_198 : vector<1x16xf32> to vector<16xf32>
              %add3A_200 = arith.constant 32 : i32
              %add3A_201 = arith.addi %mul3A_133, %add3A_200 : i32
              %get3A_202 = arith.index_cast %add3A_201 : i32 to index
              %get3A_203 = tpu.vector_load %arg12[%get3A_202] {strides = array<i32>} : memref<20480xf32, #tpu.memory_space<vmem>>, vector<16xf32>,
              %get3A_204 = vector.shape_cast %get3A_203 : vector<16xf32> to vector<16xf32>
              %add3A_205 = arith.addf %get3A_199, %get3A_204 : vector<16xf32>
              %mul3A_206 = arith.constant 512 : i32
              %mul3A_207 = arith.muli %scan3A_118, %mul3A_206 : i32
              %add3A_208 = arith.constant 32 : i32
              %add3A_209 = arith.addi %mul3A_207, %add3A_208 : i32
              %get3A_210 = arith.index_cast %add3A_209 : i32 to index
              %get3A_211 = tpu.vector_load %arg14[%get3A_210] {strides = array<i32>} : memref<32768xf32, #tpu.memory_space<vmem>>, vector<16xf32>,
              %get3A_212 = vector.shape_cast %get3A_211 : vector<16xf32> to vector<16xf32>
              %add3A_213 = arith.addf %add3A_205, %get3A_212 : vector<16xf32>
              %gt3A_214 = arith.constant 0.000000e+00 : f32
              %gt3A_215 = vector.broadcast %gt3A_214 : f32 to vector<16xf32>
              %gt3A_216 = arith.cmpf ogt, %add3A_213, %gt3A_215 : vector<16xf32>
              %mul3A_217 = arith.constant 2.000000e-01 : f32
              %mul3A_218 = vector.broadcast %mul3A_217 : f32 to vector<16xf32>
              %mul3A_219 = arith.mulf %add3A_213, %mul3A_218 : vector<16xf32>
              %select_n3A_220 = arith.select %gt3A_216, %add3A_213, %mul3A_219 : vector<16xi1>, vector<16xf32>
              %get3A_221 = arith.constant 32 : index
              %get3A_222 = tpu.vector_load %arg19[%get3A_221] {strides = array<i32>} : memref<512xf32, #tpu.memory_space<vmem>>, vector<16xf32>,
              %get3A_223 = vector.shape_cast %get3A_222 : vector<16xf32> to vector<16xf32>
              %mul3A_224 = arith.mulf %select_n3A_220, %get3A_223 : vector<16xf32>
              %add3A_225 = arith.addf %add3A_195, %mul3A_224 : vector<16xf32>
              %get3A_226 = arith.index_cast %scan3A_118 : i32 to index
              %get3A_227 = arith.constant 48 : index
              %get3A_228 = tpu.vector_load %arg13[%get3A_226, %get3A_227] {strides = array<i32>} : memref<64x512xf32, #tpu.memory_space<vmem>>, vector<1x16xf32>,
              %get3A_229 = vector.shape_cast %get3A_228 : vector<1x16xf32> to vector<16xf32>
              %add3A_230 = arith.constant 48 : i32
              %add3A_231 = arith.addi %mul3A_133, %add3A_230 : i32
              %get3A_232 = arith.index_cast %add3A_231 : i32 to index
              %get3A_233 = tpu.vector_load %arg12[%get3A_232] {strides = array<i32>} : memref<20480xf32, #tpu.memory_space<vmem>>, vector<16xf32>,
              %get3A_234 = vector.shape_cast %get3A_233 : vector<16xf32> to vector<16xf32>
              %add3A_235 = arith.addf %get3A_229, %get3A_234 : vector<16xf32>
              %mul3A_236 = arith.constant 512 : i32
              %mul3A_237 = arith.muli %scan3A_118, %mul3A_236 : i32
              %add3A_238 = arith.constant 48 : i32
              %add3A_239 = arith.addi %mul3A_237, %add3A_238 : i32
              %get3A_240 = arith.index_cast %add3A_239 : i32 to index
              %get3A_241 = tpu.vector_load %arg14[%get3A_240] {strides = array<i32>} : memref<32768xf32, #tpu.memory_space<vmem>>, vector<16xf32>,
              %get3A_242 = vector.shape_cast %get3A_241 : vector<16xf32> to vector<16xf32>
              %add3A_243 = arith.addf %add3A_235, %get3A_242 : vector<16xf32>
              %gt3A_244 = arith.constant 0.000000e+00 : f32
              %gt3A_245 = vector.broadcast %gt3A_244 : f32 to vector<16xf32>
              %gt3A_246 = arith.cmpf ogt, %add3A_243, %gt3A_245 : vector<16xf32>
              %mul3A_247 = arith.constant 2.000000e-01 : f32
              %mul3A_248 = vector.broadcast %mul3A_247 : f32 to vector<16xf32>
              %mul3A_249 = arith.mulf %add3A_243, %mul3A_248 : vector<16xf32>
              %select_n3A_250 = arith.select %gt3A_246, %add3A_243, %mul3A_249 : vector<16xi1>, vector<16xf32>
              %get3A_251 = arith.constant 48 : index
              %get3A_252 = tpu.vector_load %arg19[%get3A_251] {strides = array<i32>} : memref<512xf32, #tpu.memory_space<vmem>>, vector<16xf32>,
              %get3A_253 = vector.shape_cast %get3A_252 : vector<16xf32> to vector<16xf32>
              %mul3A_254 = arith.mulf %select_n3A_250, %get3A_253 : vector<16xf32>
              %add3A_255 = arith.addf %add3A_225, %mul3A_254 : vector<16xf32>
              %get3A_256 = arith.index_cast %scan3A_118 : i32 to index
              %get3A_257 = arith.constant 64 : index
              %get3A_258 = tpu.vector_load %arg13[%get3A_256, %get3A_257] {strides = array<i32>} : memref<64x512xf32, #tpu.memory_space<vmem>>, vector<1x16xf32>,
              %get3A_259 = vector.shape_cast %get3A_258 : vector<1x16xf32> to vector<16xf32>
              %add3A_260 = arith.constant 64 : i32
              %add3A_261 = arith.addi %mul3A_133, %add3A_260 : i32
              %get3A_262 = arith.index_cast %add3A_261 : i32 to index
              %get3A_263 = tpu.vector_load %arg12[%get3A_262] {strides = array<i32>} : memref<20480xf32, #tpu.memory_space<vmem>>, vector<16xf32>,
              %get3A_264 = vector.shape_cast %get3A_263 : vector<16xf32> to vector<16xf32>
              %add3A_265 = arith.addf %get3A_259, %get3A_264 : vector<16xf32>
              %mul3A_266 = arith.constant 512 : i32
              %mul3A_267 = arith.muli %scan3A_118, %mul3A_266 : i32
              %add3A_268 = arith.constant 64 : i32
              %add3A_269 = arith.addi %mul3A_267, %add3A_268 : i32
              %get3A_270 = arith.index_cast %add3A_269 : i32 to index
              %get3A_271 = tpu.vector_load %arg14[%get3A_270] {strides = array<i32>} : memref<32768xf32, #tpu.memory_space<vmem>>, vector<16xf32>,
              %get3A_272 = vector.shape_cast %get3A_271 : vector<16xf32> to vector<16xf32>
              %add3A_273 = arith.addf %add3A_265, %get3A_272 : vector<16xf32>
              %gt3A_274 = arith.constant 0.000000e+00 : f32
              %gt3A_275 = vector.broadcast %gt3A_274 : f32 to vector<16xf32>
              %gt3A_276 = arith.cmpf ogt, %add3A_273, %gt3A_275 : vector<16xf32>
              %mul3A_277 = arith.constant 2.000000e-01 : f32
              %mul3A_278 = vector.broadcast %mul3A_277 : f32 to vector<16xf32>
              %mul3A_279 = arith.mulf %add3A_273, %mul3A_278 : vector<16xf32>
              %select_n3A_280 = arith.select %gt3A_276, %add3A_273, %mul3A_279 : vector<16xi1>, vector<16xf32>
              %get3A_281 = arith.constant 64 : index
              %get3A_282 = tpu.vector_load %arg19[%get3A_281] {strides = array<i32>} : memref<512xf32, #tpu.memory_space<vmem>>, vector<16xf32>,
              %get3A_283 = vector.shape_cast %get3A_282 : vector<16xf32> to vector<16xf32>
              %mul3A_284 = arith.mulf %select_n3A_280, %get3A_283 : vector<16xf32>
              %add3A_285 = arith.addf %add3A_255, %mul3A_284 : vector<16xf32>
              %get3A_286 = arith.index_cast %scan3A_118 : i32 to index
              %get3A_287 = arith.constant 80 : index
              %get3A_288 = tpu.vector_load %arg13[%get3A_286, %get3A_287] {strides = array<i32>} : memref<64x512xf32, #tpu.memory_space<vmem>>, vector<1x16xf32>,
              %get3A_289 = vector.shape_cast %get3A_288 : vector<1x16xf32> to vector<16xf32>
              %add3A_290 = arith.constant 80 : i32
              %add3A_291 = arith.addi %mul3A_133, %add3A_290 : i32
              %get3A_292 = arith.index_cast %add3A_291 : i32 to index
              %get3A_293 = tpu.vector_load %arg12[%get3A_292] {strides = array<i32>} : memref<20480xf32, #tpu.memory_space<vmem>>, vector<16xf32>,
              %get3A_294 = vector.shape_cast %get3A_293 : vector<16xf32> to vector<16xf32>
              %add3A_295 = arith.addf %get3A_289, %get3A_294 : vector<16xf32>
              %mul3A_296 = arith.constant 512 : i32
              %mul3A_297 = arith.muli %scan3A_118, %mul3A_296 : i32
              %add3A_298 = arith.constant 80 : i32
              %add3A_299 = arith.addi %mul3A_297, %add3A_298 : i32
              %get3A_300 = arith.index_cast %add3A_299 : i32 to index
              %get3A_301 = tpu.vector_load %arg14[%get3A_300] {strides = array<i32>} : memref<32768xf32, #tpu.memory_space<vmem>>, vector<16xf32>,
              %get3A_302 = vector.shape_cast %get3A_301 : vector<16xf32> to vector<16xf32>
              %add3A_303 = arith.addf %add3A_295, %get3A_302 : vector<16xf32>
              %gt3A_304 = arith.constant 0.000000e+00 : f32
              %gt3A_305 = vector.broadcast %gt3A_304 : f32 to vector<16xf32>
              %gt3A_306 = arith.cmpf ogt, %add3A_303, %gt3A_305 : vector<16xf32>
              %mul3A_307 = arith.constant 2.000000e-01 : f32
              %mul3A_308 = vector.broadcast %mul3A_307 : f32 to vector<16xf32>
              %mul3A_309 = arith.mulf %add3A_303, %mul3A_308 : vector<16xf32>
              %select_n3A_310 = arith.select %gt3A_306, %add3A_303, %mul3A_309 : vector<16xi1>, vector<16xf32>
              %get3A_311 = arith.constant 80 : index
              %get3A_312 = tpu.vector_load %arg19[%get3A_311] {strides = array<i32>} : memref<512xf32, #tpu.memory_space<vmem>>, vector<16xf32>,
              %get3A_313 = vector.shape_cast %get3A_312 : vector<16xf32> to vector<16xf32>
              %mul3A_314 = arith.mulf %select_n3A_310, %get3A_313 : vector<16xf32>
              %add3A_315 = arith.addf %add3A_285, %mul3A_314 : vector<16xf32>
              %get3A_316 = arith.index_cast %scan3A_118 : i32 to index
              %get3A_317 = arith.constant 96 : index
              %get3A_318 = tpu.vector_load %arg13[%get3A_316, %get3A_317] {strides = array<i32>} : memref<64x512xf32, #tpu.memory_space<vmem>>, vector<1x16xf32>,
              %get3A_319 = vector.shape_cast %get3A_318 : vector<1x16xf32> to vector<16xf32>
              %add3A_320 = arith.constant 96 : i32
              %add3A_321 = arith.addi %mul3A_133, %add3A_320 : i32
              %get3A_322 = arith.index_cast %add3A_321 : i32 to index
              %get3A_323 = tpu.vector_load %arg12[%get3A_322] {strides = array<i32>} : memref<20480xf32, #tpu.memory_space<vmem>>, vector<16xf32>,
              %get3A_324 = vector.shape_cast %get3A_323 : vector<16xf32> to vector<16xf32>
              %add3A_325 = arith.addf %get3A_319, %get3A_324 : vector<16xf32>
              %mul3A_326 = arith.constant 512 : i32
              %mul3A_327 = arith.muli %scan3A_118, %mul3A_326 : i32
              %add3A_328 = arith.constant 96 : i32
              %add3A_329 = arith.addi %mul3A_327, %add3A_328 : i32
              %get3A_330 = arith.index_cast %add3A_329 : i32 to index
              %get3A_331 = tpu.vector_load %arg14[%get3A_330] {strides = array<i32>} : memref<32768xf32, #tpu.memory_space<vmem>>, vector<16xf32>,
              %get3A_332 = vector.shape_cast %get3A_331 : vector<16xf32> to vector<16xf32>
              %add3A_333 = arith.addf %add3A_325, %get3A_332 : vector<16xf32>
              %gt3A_334 = arith.constant 0.000000e+00 : f32
              %gt3A_335 = vector.broadcast %gt3A_334 : f32 to vector<16xf32>
              %gt3A_336 = arith.cmpf ogt, %add3A_333, %gt3A_335 : vector<16xf32>
              %mul3A_337 = arith.constant 2.000000e-01 : f32
              %mul3A_338 = vector.broadcast %mul3A_337 : f32 to vector<16xf32>
              %mul3A_339 = arith.mulf %add3A_333, %mul3A_338 : vector<16xf32>
              %select_n3A_340 = arith.select %gt3A_336, %add3A_333, %mul3A_339 : vector<16xi1>, vector<16xf32>
              %get3A_341 = arith.constant 96 : index
              %get3A_342 = tpu.vector_load %arg19[%get3A_341] {strides = array<i32>} : memref<512xf32, #tpu.memory_space<vmem>>, vector<16xf32>,
              %get3A_343 = vector.shape_cast %get3A_342 : vector<16xf32> to vector<16xf32>
              %mul3A_344 = arith.mulf %select_n3A_340, %get3A_343 : vector<16xf32>
              %add3A_345 = arith.addf %add3A_315, %mul3A_344 : vector<16xf32>
              %get3A_346 = arith.index_cast %scan3A_118 : i32 to index
              %get3A_347 = arith.constant 112 : index
              %get3A_348 = tpu.vector_load %arg13[%get3A_346, %get3A_347] {strides = array<i32>} : memref<64x512xf32, #tpu.memory_space<vmem>>, vector<1x16xf32>,
              %get3A_349 = vector.shape_cast %get3A_348 : vector<1x16xf32> to vector<16xf32>
              %add3A_350 = arith.constant 112 : i32
              %add3A_351 = arith.addi %mul3A_133, %add3A_350 : i32
              %get3A_352 = arith.index_cast %add3A_351 : i32 to index
              %get3A_353 = tpu.vector_load %arg12[%get3A_352] {strides = array<i32>} : memref<20480xf32, #tpu.memory_space<vmem>>, vector<16xf32>,
              %get3A_354 = vector.shape_cast %get3A_353 : vector<16xf32> to vector<16xf32>
              %add3A_355 = arith.addf %get3A_349, %get3A_354 : vector<16xf32>
              %mul3A_356 = arith.constant 512 : i32
              %mul3A_357 = arith.muli %scan3A_118, %mul3A_356 : i32
              %add3A_358 = arith.constant 112 : i32
              %add3A_359 = arith.addi %mul3A_357, %add3A_358 : i32
              %get3A_360 = arith.index_cast %add3A_359 : i32 to index
              %get3A_361 = tpu.vector_load %arg14[%get3A_360] {strides = array<i32>} : memref<32768xf32, #tpu.memory_space<vmem>>, vector<16xf32>,
              %get3A_362 = vector.shape_cast %get3A_361 : vector<16xf32> to vector<16xf32>
              %add3A_363 = arith.addf %add3A_355, %get3A_362 : vector<16xf32>
              %gt3A_364 = arith.constant 0.000000e+00 : f32
              %gt3A_365 = vector.broadcast %gt3A_364 : f32 to vector<16xf32>
              %gt3A_366 = arith.cmpf ogt, %add3A_363, %gt3A_365 : vector<16xf32>
              %mul3A_367 = arith.constant 2.000000e-01 : f32
              %mul3A_368 = vector.broadcast %mul3A_367 : f32 to vector<16xf32>
              %mul3A_369 = arith.mulf %add3A_363, %mul3A_368 : vector<16xf32>
              %select_n3A_370 = arith.select %gt3A_366, %add3A_363, %mul3A_369 : vector<16xi1>, vector<16xf32>
              %get3A_371 = arith.constant 112 : index
              %get3A_372 = tpu.vector_load %arg19[%get3A_371] {strides = array<i32>} : memref<512xf32, #tpu.memory_space<vmem>>, vector<16xf32>,
              %get3A_373 = vector.shape_cast %get3A_372 : vector<16xf32> to vector<16xf32>
              %mul3A_374 = arith.mulf %select_n3A_370, %get3A_373 : vector<16xf32>
              %add3A_375 = arith.addf %add3A_345, %mul3A_374 : vector<16xf32>
              %iota3A_376 = tpu.iota {dimensions = array<i32: 0>} : vector<16xi32>
              %add3A_377 = arith.constant 8 : i32
              %add3A_378 = vector.broadcast %add3A_377 : i32 to vector<16xi32>
              %add3A_379 = arith.addi %iota3A_376, %add3A_378 : vector<16xi32>
              %jit3A_380 = arith.constant 16 : i32
              %eq3A = arith.constant 0 : i32
              %eq3A_381 = arith.cmpi eq, %jit3A_380, %eq3A : i32
              %jit3A_382 = arith.constant 1 : i32
              %select_n3A_383 = arith.select %eq3A_381, %jit3A_382, %jit3A_380 : i32
              %rem3A_384 = vector.broadcast %select_n3A_383 : i32 to vector<16xi32>
              %rem3A_385 = arith.remsi %add3A_379, %rem3A_384 : vector<16xi32>
              %ne3A_386 = arith.constant 0 : i32
              %ne3A_387 = vector.broadcast %ne3A_386 : i32 to vector<16xi32>
              %ne3A_388 = arith.cmpi ne, %rem3A_385, %ne3A_387 : vector<16xi32>
              %lt3A_389 = arith.constant 0 : i32
              %lt3A_390 = vector.broadcast %lt3A_389 : i32 to vector<16xi32>
              %lt3A_391 = arith.cmpi slt, %rem3A_385, %lt3A_390 : vector<16xi32>
              %lt3A_392 = arith.constant 0 : i32
              %lt3A_393 = arith.cmpi slt, %select_n3A_383, %lt3A_392 : i32
              %ne3A_394 = vector.broadcast %lt3A_393 : i1 to vector<16xi1>
              %ne3A_395 = vector.broadcast %ne3A_394 : vector<16xi1> to vector<16xi1>
              %ne3A_396 = arith.xori %lt3A_391, %ne3A_395 : vector<16xi1>
              %and3A_397 = arith.andi %ne3A_396, %ne3A_388 : vector<16xi1>
              %add3A_398 = vector.broadcast %select_n3A_383 : i32 to vector<16xi32>
              %add3A_399 = arith.addi %rem3A_385, %add3A_398 : vector<16xi32>
              %select_n3A_400 = arith.select %and3A_397, %add3A_399, %rem3A_385 : vector<16xi1>, vector<16xi32>
              %lt3A_401 = arith.constant 0 : i32
              %lt3A_402 = vector.broadcast %lt3A_401 : i32 to vector<16xi32>
              %lt3A_403 = arith.cmpi slt, %select_n3A_400, %lt3A_402 : vector<16xi32>
              %add3A_404 = arith.constant 16 : i32
              %add3A_405 = vector.broadcast %add3A_404 : i32 to vector<16xi32>
              %add3A_406 = arith.addi %select_n3A_400, %add3A_405 : vector<16xi32>
              %select_n3A_407 = arith.select %lt3A_403, %add3A_406, %select_n3A_400 : vector<16xi1>, vector<16xi32>
              %broadcast_in_dim3A_408 = vector.shape_cast %select_n3A_407 : vector<16xi32> to vector<16x1xi32>
              %gather3A = vector.shape_cast %broadcast_in_dim3A_408 : vector<16x1xi32> to vector<16xi32>
              %gather3A_409 = tpu.dynamic_gather %add3A_375[%gather3A] in [0] : vector<16xf32>, vector<16xi32> -> vector<16xf32>
              %add3A_410 = arith.addf %add3A_375, %gather3A_409 : vector<16xf32>
              %add3A_411 = arith.constant 4 : i32
              %add3A_412 = vector.broadcast %add3A_411 : i32 to vector<16xi32>
              %add3A_413 = arith.addi %iota3A_376, %add3A_412 : vector<16xi32>
              %jit3A_414 = arith.constant 16 : i32
              %eq3A_415 = arith.constant 0 : i32
              %eq3A_416 = arith.cmpi eq, %jit3A_414, %eq3A_415 : i32
              %jit3A_417 = arith.constant 1 : i32
              %select_n3A_418 = arith.select %eq3A_416, %jit3A_417, %jit3A_414 : i32
              %rem3A_419 = vector.broadcast %select_n3A_418 : i32 to vector<16xi32>
              %rem3A_420 = arith.remsi %add3A_413, %rem3A_419 : vector<16xi32>
              %ne3A_421 = arith.constant 0 : i32
              %ne3A_422 = vector.broadcast %ne3A_421 : i32 to vector<16xi32>
              %ne3A_423 = arith.cmpi ne, %rem3A_420, %ne3A_422 : vector<16xi32>
              %lt3A_424 = arith.constant 0 : i32
              %lt3A_425 = vector.broadcast %lt3A_424 : i32 to vector<16xi32>
              %lt3A_426 = arith.cmpi slt, %rem3A_420, %lt3A_425 : vector<16xi32>
              %lt3A_427 = arith.constant 0 : i32
              %lt3A_428 = arith.cmpi slt, %select_n3A_418, %lt3A_427 : i32
              %ne3A_429 = vector.broadcast %lt3A_428 : i1 to vector<16xi1>
              %ne3A_430 = vector.broadcast %ne3A_429 : vector<16xi1> to vector<16xi1>
              %ne3A_431 = arith.xori %lt3A_426, %ne3A_430 : vector<16xi1>
              %and3A_432 = arith.andi %ne3A_431, %ne3A_423 : vector<16xi1>
              %add3A_433 = vector.broadcast %select_n3A_418 : i32 to vector<16xi32>
              %add3A_434 = arith.addi %rem3A_420, %add3A_433 : vector<16xi32>
              %select_n3A_435 = arith.select %and3A_432, %add3A_434, %rem3A_420 : vector<16xi1>, vector<16xi32>
              %lt3A_436 = arith.constant 0 : i32
              %lt3A_437 = vector.broadcast %lt3A_436 : i32 to vector<16xi32>
              %lt3A_438 = arith.cmpi slt, %select_n3A_435, %lt3A_437 : vector<16xi32>
              %add3A_439 = arith.constant 16 : i32
              %add3A_440 = vector.broadcast %add3A_439 : i32 to vector<16xi32>
              %add3A_441 = arith.addi %select_n3A_435, %add3A_440 : vector<16xi32>
              %select_n3A_442 = arith.select %lt3A_438, %add3A_441, %select_n3A_435 : vector<16xi1>, vector<16xi32>
              %broadcast_in_dim3A_443 = vector.shape_cast %select_n3A_442 : vector<16xi32> to vector<16x1xi32>
              %gather3A_444 = vector.shape_cast %broadcast_in_dim3A_443 : vector<16x1xi32> to vector<16xi32>
              %gather3A_445 = tpu.dynamic_gather %add3A_410[%gather3A_444] in [0] : vector<16xf32>, vector<16xi32> -> vector<16xf32>
              %add3A_446 = arith.addf %add3A_410, %gather3A_445 : vector<16xf32>
              %add3A_447 = arith.constant 2 : i32
              %add3A_448 = vector.broadcast %add3A_447 : i32 to vector<16xi32>
              %add3A_449 = arith.addi %iota3A_376, %add3A_448 : vector<16xi32>
              %jit3A_450 = arith.constant 16 : i32
              %eq3A_451 = arith.constant 0 : i32
              %eq3A_452 = arith.cmpi eq, %jit3A_450, %eq3A_451 : i32
              %jit3A_453 = arith.constant 1 : i32
              %select_n3A_454 = arith.select %eq3A_452, %jit3A_453, %jit3A_450 : i32
              %rem3A_455 = vector.broadcast %select_n3A_454 : i32 to vector<16xi32>
              %rem3A_456 = arith.remsi %add3A_449, %rem3A_455 : vector<16xi32>
              %ne3A_457 = arith.constant 0 : i32
              %ne3A_458 = vector.broadcast %ne3A_457 : i32 to vector<16xi32>
              %ne3A_459 = arith.cmpi ne, %rem3A_456, %ne3A_458 : vector<16xi32>
              %lt3A_460 = arith.constant 0 : i32
              %lt3A_461 = vector.broadcast %lt3A_460 : i32 to vector<16xi32>
              %lt3A_462 = arith.cmpi slt, %rem3A_456, %lt3A_461 : vector<16xi32>
              %lt3A_463 = arith.constant 0 : i32
              %lt3A_464 = arith.cmpi slt, %select_n3A_454, %lt3A_463 : i32
              %ne3A_465 = vector.broadcast %lt3A_464 : i1 to vector<16xi1>
              %ne3A_466 = vector.broadcast %ne3A_465 : vector<16xi1> to vector<16xi1>
              %ne3A_467 = arith.xori %lt3A_462, %ne3A_466 : vector<16xi1>
              %and3A_468 = arith.andi %ne3A_467, %ne3A_459 : vector<16xi1>
              %add3A_469 = vector.broadcast %select_n3A_454 : i32 to vector<16xi32>
              %add3A_470 = arith.addi %rem3A_456, %add3A_469 : vector<16xi32>
              %select_n3A_471 = arith.select %and3A_468, %add3A_470, %rem3A_456 : vector<16xi1>, vector<16xi32>
              %lt3A_472 = arith.constant 0 : i32
              %lt3A_473 = vector.broadcast %lt3A_472 : i32 to vector<16xi32>
              %lt3A_474 = arith.cmpi slt, %select_n3A_471, %lt3A_473 : vector<16xi32>
              %add3A_475 = arith.constant 16 : i32
              %add3A_476 = vector.broadcast %add3A_475 : i32 to vector<16xi32>
              %add3A_477 = arith.addi %select_n3A_471, %add3A_476 : vector<16xi32>
              %select_n3A_478 = arith.select %lt3A_474, %add3A_477, %select_n3A_471 : vector<16xi1>, vector<16xi32>
              %broadcast_in_dim3A_479 = vector.shape_cast %select_n3A_478 : vector<16xi32> to vector<16x1xi32>
              %gather3A_480 = vector.shape_cast %broadcast_in_dim3A_479 : vector<16x1xi32> to vector<16xi32>
              %gather3A_481 = tpu.dynamic_gather %add3A_446[%gather3A_480] in [0] : vector<16xf32>, vector<16xi32> -> vector<16xf32>
              %add3A_482 = arith.addf %add3A_446, %gather3A_481 : vector<16xf32>
              %add3A_483 = arith.constant 1 : i32
              %add3A_484 = vector.broadcast %add3A_483 : i32 to vector<16xi32>
              %add3A_485 = arith.addi %iota3A_376, %add3A_484 : vector<16xi32>
              %jit3A_486 = arith.constant 16 : i32
              %eq3A_487 = arith.constant 0 : i32
              %eq3A_488 = arith.cmpi eq, %jit3A_486, %eq3A_487 : i32
              %jit3A_489 = arith.constant 1 : i32
              %select_n3A_490 = arith.select %eq3A_488, %jit3A_489, %jit3A_486 : i32
              %rem3A_491 = vector.broadcast %select_n3A_490 : i32 to vector<16xi32>
              %rem3A_492 = arith.remsi %add3A_485, %rem3A_491 : vector<16xi32>
              %ne3A_493 = arith.constant 0 : i32
              %ne3A_494 = vector.broadcast %ne3A_493 : i32 to vector<16xi32>
              %ne3A_495 = arith.cmpi ne, %rem3A_492, %ne3A_494 : vector<16xi32>
              %lt3A_496 = arith.constant 0 : i32
              %lt3A_497 = vector.broadcast %lt3A_496 : i32 to vector<16xi32>
              %lt3A_498 = arith.cmpi slt, %rem3A_492, %lt3A_497 : vector<16xi32>
              %lt3A_499 = arith.constant 0 : i32
              %lt3A_500 = arith.cmpi slt, %select_n3A_490, %lt3A_499 : i32
              %ne3A_501 = vector.broadcast %lt3A_500 : i1 to vector<16xi1>
              %ne3A_502 = vector.broadcast %ne3A_501 : vector<16xi1> to vector<16xi1>
              %ne3A_503 = arith.xori %lt3A_498, %ne3A_502 : vector<16xi1>
              %and3A_504 = arith.andi %ne3A_503, %ne3A_495 : vector<16xi1>
              %add3A_505 = vector.broadcast %select_n3A_490 : i32 to vector<16xi32>
              %add3A_506 = arith.addi %rem3A_492, %add3A_505 : vector<16xi32>
              %select_n3A_507 = arith.select %and3A_504, %add3A_506, %rem3A_492 : vector<16xi1>, vector<16xi32>
              %lt3A_508 = arith.constant 0 : i32
              %lt3A_509 = vector.broadcast %lt3A_508 : i32 to vector<16xi32>
              %lt3A_510 = arith.cmpi slt, %select_n3A_507, %lt3A_509 : vector<16xi32>
              %add3A_511 = arith.constant 16 : i32
              %add3A_512 = vector.broadcast %add3A_511 : i32 to vector<16xi32>
              %add3A_513 = arith.addi %select_n3A_507, %add3A_512 : vector<16xi32>
              %select_n3A_514 = arith.select %lt3A_510, %add3A_513, %select_n3A_507 : vector<16xi1>, vector<16xi32>
              %broadcast_in_dim3A_515 = vector.shape_cast %select_n3A_514 : vector<16xi32> to vector<16x1xi32>
              %gather3A_516 = vector.shape_cast %broadcast_in_dim3A_515 : vector<16x1xi32> to vector<16xi32>
              %gather3A_517 = tpu.dynamic_gather %add3A_482[%gather3A_516] in [0] : vector<16xf32>, vector<16xi32> -> vector<16xf32>
              %add3A_518 = arith.addf %add3A_482, %gather3A_517 : vector<16xf32>
              %eq3A_519 = arith.constant 0 : i32
              %eq3A_520 = vector.broadcast %eq3A_519 : i32 to vector<16xi32>
              %eq3A_521 = arith.cmpi eq, %iota3A, %eq3A_520 : vector<16xi32>
              %select_n3A_522 = arith.select %eq3A_521, %add3A_518, %broadcast_in_dim3A_134 : vector<16xi1>, vector<16xf32>
              %broadcast_in_dim3A_523 = arith.constant 0.000000e+00 : f32
              %broadcast_in_dim3A_524 = vector.broadcast %broadcast_in_dim3A_523 : f32 to vector<16xf32>
              %get3A_525 = arith.index_cast %scan3A_118 : i32 to index
              %get3A_526 = arith.constant 128 : index
              %get3A_527 = tpu.vector_load %arg13[%get3A_525, %get3A_526] {strides = array<i32>} : memref<64x512xf32, #tpu.memory_space<vmem>>, vector<1x16xf32>,
              %get3A_528 = vector.shape_cast %get3A_527 : vector<1x16xf32> to vector<16xf32>
              %add3A_529 = arith.constant 128 : i32
              %add3A_530 = arith.addi %mul3A_133, %add3A_529 : i32
              %get3A_531 = arith.index_cast %add3A_530 : i32 to index
              %get3A_532 = tpu.vector_load %arg12[%get3A_531] {strides = array<i32>} : memref<20480xf32, #tpu.memory_space<vmem>>, vector<16xf32>,
              %get3A_533 = vector.shape_cast %get3A_532 : vector<16xf32> to vector<16xf32>
              %add3A_534 = arith.addf %get3A_528, %get3A_533 : vector<16xf32>
              %mul3A_535 = arith.constant 512 : i32
              %mul3A_536 = arith.muli %scan3A_118, %mul3A_535 : i32
              %add3A_537 = arith.constant 128 : i32
              %add3A_538 = arith.addi %mul3A_536, %add3A_537 : i32
              %get3A_539 = arith.index_cast %add3A_538 : i32 to index
              %get3A_540 = tpu.vector_load %arg14[%get3A_539] {strides = array<i32>} : memref<32768xf32, #tpu.memory_space<vmem>>, vector<16xf32>,
              %get3A_541 = vector.shape_cast %get3A_540 : vector<16xf32> to vector<16xf32>
              %add3A_542 = arith.addf %add3A_534, %get3A_541 : vector<16xf32>
              %gt3A_543 = arith.constant 0.000000e+00 : f32
              %gt3A_544 = vector.broadcast %gt3A_543 : f32 to vector<16xf32>
              %gt3A_545 = arith.cmpf ogt, %add3A_542, %gt3A_544 : vector<16xf32>
              %mul3A_546 = arith.constant 2.000000e-01 : f32
              %mul3A_547 = vector.broadcast %mul3A_546 : f32 to vector<16xf32>
              %mul3A_548 = arith.mulf %add3A_542, %mul3A_547 : vector<16xf32>
              %select_n3A_549 = arith.select %gt3A_545, %add3A_542, %mul3A_548 : vector<16xi1>, vector<16xf32>
              %get3A_550 = arith.constant 128 : index
              %get3A_551 = tpu.vector_load %arg19[%get3A_550] {strides = array<i32>} : memref<512xf32, #tpu.memory_space<vmem>>, vector<16xf32>,
              %get3A_552 = vector.shape_cast %get3A_551 : vector<16xf32> to vector<16xf32>
              %mul3A_553 = arith.mulf %select_n3A_549, %get3A_552 : vector<16xf32>
              %add3A_554 = arith.addf %broadcast_in_dim3A_524, %mul3A_553 : vector<16xf32>
              %get3A_555 = arith.index_cast %scan3A_118 : i32 to index
              %get3A_556 = arith.constant 144 : index
              %get3A_557 = tpu.vector_load %arg13[%get3A_555, %get3A_556] {strides = array<i32>} : memref<64x512xf32, #tpu.memory_space<vmem>>, vector<1x16xf32>,
              %get3A_558 = vector.shape_cast %get3A_557 : vector<1x16xf32> to vector<16xf32>
              %add3A_559 = arith.constant 144 : i32
              %add3A_560 = arith.addi %mul3A_133, %add3A_559 : i32
              %get3A_561 = arith.index_cast %add3A_560 : i32 to index
              %get3A_562 = tpu.vector_load %arg12[%get3A_561] {strides = array<i32>} : memref<20480xf32, #tpu.memory_space<vmem>>, vector<16xf32>,
              %get3A_563 = vector.shape_cast %get3A_562 : vector<16xf32> to vector<16xf32>
              %add3A_564 = arith.addf %get3A_558, %get3A_563 : vector<16xf32>
              %mul3A_565 = arith.constant 512 : i32
              %mul3A_566 = arith.muli %scan3A_118, %mul3A_565 : i32
              %add3A_567 = arith.constant 144 : i32
              %add3A_568 = arith.addi %mul3A_566, %add3A_567 : i32
              %get3A_569 = arith.index_cast %add3A_568 : i32 to index
              %get3A_570 = tpu.vector_load %arg14[%get3A_569] {strides = array<i32>} : memref<32768xf32, #tpu.memory_space<vmem>>, vector<16xf32>,
              %get3A_571 = vector.shape_cast %get3A_570 : vector<16xf32> to vector<16xf32>
              %add3A_572 = arith.addf %add3A_564, %get3A_571 : vector<16xf32>
              %gt3A_573 = arith.constant 0.000000e+00 : f32
              %gt3A_574 = vector.broadcast %gt3A_573 : f32 to vector<16xf32>
              %gt3A_575 = arith.cmpf ogt, %add3A_572, %gt3A_574 : vector<16xf32>
              %mul3A_576 = arith.constant 2.000000e-01 : f32
              %mul3A_577 = vector.broadcast %mul3A_576 : f32 to vector<16xf32>
              %mul3A_578 = arith.mulf %add3A_572, %mul3A_577 : vector<16xf32>
              %select_n3A_579 = arith.select %gt3A_575, %add3A_572, %mul3A_578 : vector<16xi1>, vector<16xf32>
              %get3A_580 = arith.constant 144 : index
              %get3A_581 = tpu.vector_load %arg19[%get3A_580] {strides = array<i32>} : memref<512xf32, #tpu.memory_space<vmem>>, vector<16xf32>,
              %get3A_582 = vector.shape_cast %get3A_581 : vector<16xf32> to vector<16xf32>
              %mul3A_583 = arith.mulf %select_n3A_579, %get3A_582 : vector<16xf32>
              %add3A_584 = arith.addf %add3A_554, %mul3A_583 : vector<16xf32>
              %get3A_585 = arith.index_cast %scan3A_118 : i32 to index
              %get3A_586 = arith.constant 160 : index
              %get3A_587 = tpu.vector_load %arg13[%get3A_585, %get3A_586] {strides = array<i32>} : memref<64x512xf32, #tpu.memory_space<vmem>>, vector<1x16xf32>,
              %get3A_588 = vector.shape_cast %get3A_587 : vector<1x16xf32> to vector<16xf32>
              %add3A_589 = arith.constant 160 : i32
              %add3A_590 = arith.addi %mul3A_133, %add3A_589 : i32
              %get3A_591 = arith.index_cast %add3A_590 : i32 to index
              %get3A_592 = tpu.vector_load %arg12[%get3A_591] {strides = array<i32>} : memref<20480xf32, #tpu.memory_space<vmem>>, vector<16xf32>,
              %get3A_593 = vector.shape_cast %get3A_592 : vector<16xf32> to vector<16xf32>
              %add3A_594 = arith.addf %get3A_588, %get3A_593 : vector<16xf32>
              %mul3A_595 = arith.constant 512 : i32
              %mul3A_596 = arith.muli %scan3A_118, %mul3A_595 : i32
              %add3A_597 = arith.constant 160 : i32
              %add3A_598 = arith.addi %mul3A_596, %add3A_597 : i32
              %get3A_599 = arith.index_cast %add3A_598 : i32 to index
              %get3A_600 = tpu.vector_load %arg14[%get3A_599] {strides = array<i32>} : memref<32768xf32, #tpu.memory_space<vmem>>, vector<16xf32>,
              %get3A_601 = vector.shape_cast %get3A_600 : vector<16xf32> to vector<16xf32>
              %add3A_602 = arith.addf %add3A_594, %get3A_601 : vector<16xf32>
              %gt3A_603 = arith.constant 0.000000e+00 : f32
              %gt3A_604 = vector.broadcast %gt3A_603 : f32 to vector<16xf32>
              %gt3A_605 = arith.cmpf ogt, %add3A_602, %gt3A_604 : vector<16xf32>
              %mul3A_606 = arith.constant 2.000000e-01 : f32
              %mul3A_607 = vector.broadcast %mul3A_606 : f32 to vector<16xf32>
              %mul3A_608 = arith.mulf %add3A_602, %mul3A_607 : vector<16xf32>
              %select_n3A_609 = arith.select %gt3A_605, %add3A_602, %mul3A_608 : vector<16xi1>, vector<16xf32>
              %get3A_610 = arith.constant 160 : index
              %get3A_611 = tpu.vector_load %arg19[%get3A_610] {strides = array<i32>} : memref<512xf32, #tpu.memory_space<vmem>>, vector<16xf32>,
              %get3A_612 = vector.shape_cast %get3A_611 : vector<16xf32> to vector<16xf32>
              %mul3A_613 = arith.mulf %select_n3A_609, %get3A_612 : vector<16xf32>
              %add3A_614 = arith.addf %add3A_584, %mul3A_613 : vector<16xf32>
              %get3A_615 = arith.index_cast %scan3A_118 : i32 to index
              %get3A_616 = arith.constant 176 : index
              %get3A_617 = tpu.vector_load %arg13[%get3A_615, %get3A_616] {strides = array<i32>} : memref<64x512xf32, #tpu.memory_space<vmem>>, vector<1x16xf32>,
              %get3A_618 = vector.shape_cast %get3A_617 : vector<1x16xf32> to vector<16xf32>
              %add3A_619 = arith.constant 176 : i32
              %add3A_620 = arith.addi %mul3A_133, %add3A_619 : i32
              %get3A_621 = arith.index_cast %add3A_620 : i32 to index
              %get3A_622 = tpu.vector_load %arg12[%get3A_621] {strides = array<i32>} : memref<20480xf32, #tpu.memory_space<vmem>>, vector<16xf32>,
              %get3A_623 = vector.shape_cast %get3A_622 : vector<16xf32> to vector<16xf32>
              %add3A_624 = arith.addf %get3A_618, %get3A_623 : vector<16xf32>
              %mul3A_625 = arith.constant 512 : i32
              %mul3A_626 = arith.muli %scan3A_118, %mul3A_625 : i32
              %add3A_627 = arith.constant 176 : i32
              %add3A_628 = arith.addi %mul3A_626, %add3A_627 : i32
              %get3A_629 = arith.index_cast %add3A_628 : i32 to index
              %get3A_630 = tpu.vector_load %arg14[%get3A_629] {strides = array<i32>} : memref<32768xf32, #tpu.memory_space<vmem>>, vector<16xf32>,
              %get3A_631 = vector.shape_cast %get3A_630 : vector<16xf32> to vector<16xf32>
              %add3A_632 = arith.addf %add3A_624, %get3A_631 : vector<16xf32>
              %gt3A_633 = arith.constant 0.000000e+00 : f32
              %gt3A_634 = vector.broadcast %gt3A_633 : f32 to vector<16xf32>
              %gt3A_635 = arith.cmpf ogt, %add3A_632, %gt3A_634 : vector<16xf32>
              %mul3A_636 = arith.constant 2.000000e-01 : f32
              %mul3A_637 = vector.broadcast %mul3A_636 : f32 to vector<16xf32>
              %mul3A_638 = arith.mulf %add3A_632, %mul3A_637 : vector<16xf32>
              %select_n3A_639 = arith.select %gt3A_635, %add3A_632, %mul3A_638 : vector<16xi1>, vector<16xf32>
              %get3A_640 = arith.constant 176 : index
              %get3A_641 = tpu.vector_load %arg19[%get3A_640] {strides = array<i32>} : memref<512xf32, #tpu.memory_space<vmem>>, vector<16xf32>,
              %get3A_642 = vector.shape_cast %get3A_641 : vector<16xf32> to vector<16xf32>
              %mul3A_643 = arith.mulf %select_n3A_639, %get3A_642 : vector<16xf32>
              %add3A_644 = arith.addf %add3A_614, %mul3A_643 : vector<16xf32>
              %get3A_645 = arith.index_cast %scan3A_118 : i32 to index
              %get3A_646 = arith.constant 192 : index
              %get3A_647 = tpu.vector_load %arg13[%get3A_645, %get3A_646] {strides = array<i32>} : memref<64x512xf32, #tpu.memory_space<vmem>>, vector<1x16xf32>,
              %get3A_648 = vector.shape_cast %get3A_647 : vector<1x16xf32> to vector<16xf32>
              %add3A_649 = arith.constant 192 : i32
              %add3A_650 = arith.addi %mul3A_133, %add3A_649 : i32
              %get3A_651 = arith.index_cast %add3A_650 : i32 to index
              %get3A_652 = tpu.vector_load %arg12[%get3A_651] {strides = array<i32>} : memref<20480xf32, #tpu.memory_space<vmem>>, vector<16xf32>,
              %get3A_653 = vector.shape_cast %get3A_652 : vector<16xf32> to vector<16xf32>
              %add3A_654 = arith.addf %get3A_648, %get3A_653 : vector<16xf32>
              %mul3A_655 = arith.constant 512 : i32
              %mul3A_656 = arith.muli %scan3A_118, %mul3A_655 : i32
              %add3A_657 = arith.constant 192 : i32
              %add3A_658 = arith.addi %mul3A_656, %add3A_657 : i32
              %get3A_659 = arith.index_cast %add3A_658 : i32 to index
              %get3A_660 = tpu.vector_load %arg14[%get3A_659] {strides = array<i32>} : memref<32768xf32, #tpu.memory_space<vmem>>, vector<16xf32>,
              %get3A_661 = vector.shape_cast %get3A_660 : vector<16xf32> to vector<16xf32>
              %add3A_662 = arith.addf %add3A_654, %get3A_661 : vector<16xf32>
              %gt3A_663 = arith.constant 0.000000e+00 : f32
              %gt3A_664 = vector.broadcast %gt3A_663 : f32 to vector<16xf32>
              %gt3A_665 = arith.cmpf ogt, %add3A_662, %gt3A_664 : vector<16xf32>
              %mul3A_666 = arith.constant 2.000000e-01 : f32
              %mul3A_667 = vector.broadcast %mul3A_666 : f32 to vector<16xf32>
              %mul3A_668 = arith.mulf %add3A_662, %mul3A_667 : vector<16xf32>
              %select_n3A_669 = arith.select %gt3A_665, %add3A_662, %mul3A_668 : vector<16xi1>, vector<16xf32>
              %get3A_670 = arith.constant 192 : index
              %get3A_671 = tpu.vector_load %arg19[%get3A_670] {strides = array<i32>} : memref<512xf32, #tpu.memory_space<vmem>>, vector<16xf32>,
              %get3A_672 = vector.shape_cast %get3A_671 : vector<16xf32> to vector<16xf32>
              %mul3A_673 = arith.mulf %select_n3A_669, %get3A_672 : vector<16xf32>
              %add3A_674 = arith.addf %add3A_644, %mul3A_673 : vector<16xf32>
              %get3A_675 = arith.index_cast %scan3A_118 : i32 to index
              %get3A_676 = arith.constant 208 : index
              %get3A_677 = tpu.vector_load %arg13[%get3A_675, %get3A_676] {strides = array<i32>} : memref<64x512xf32, #tpu.memory_space<vmem>>, vector<1x16xf32>,
              %get3A_678 = vector.shape_cast %get3A_677 : vector<1x16xf32> to vector<16xf32>
              %add3A_679 = arith.constant 208 : i32
              %add3A_680 = arith.addi %mul3A_133, %add3A_679 : i32
              %get3A_681 = arith.index_cast %add3A_680 : i32 to index
              %get3A_682 = tpu.vector_load %arg12[%get3A_681] {strides = array<i32>} : memref<20480xf32, #tpu.memory_space<vmem>>, vector<16xf32>,
              %get3A_683 = vector.shape_cast %get3A_682 : vector<16xf32> to vector<16xf32>
              %add3A_684 = arith.addf %get3A_678, %get3A_683 : vector<16xf32>
              %mul3A_685 = arith.constant 512 : i32
              %mul3A_686 = arith.muli %scan3A_118, %mul3A_685 : i32
              %add3A_687 = arith.constant 208 : i32
              %add3A_688 = arith.addi %mul3A_686, %add3A_687 : i32
              %get3A_689 = arith.index_cast %add3A_688 : i32 to index
              %get3A_690 = tpu.vector_load %arg14[%get3A_689] {strides = array<i32>} : memref<32768xf32, #tpu.memory_space<vmem>>, vector<16xf32>,
              %get3A_691 = vector.shape_cast %get3A_690 : vector<16xf32> to vector<16xf32>
              %add3A_692 = arith.addf %add3A_684, %get3A_691 : vector<16xf32>
              %gt3A_693 = arith.constant 0.000000e+00 : f32
              %gt3A_694 = vector.broadcast %gt3A_693 : f32 to vector<16xf32>
              %gt3A_695 = arith.cmpf ogt, %add3A_692, %gt3A_694 : vector<16xf32>
              %mul3A_696 = arith.constant 2.000000e-01 : f32
              %mul3A_697 = vector.broadcast %mul3A_696 : f32 to vector<16xf32>
              %mul3A_698 = arith.mulf %add3A_692, %mul3A_697 : vector<16xf32>
              %select_n3A_699 = arith.select %gt3A_695, %add3A_692, %mul3A_698 : vector<16xi1>, vector<16xf32>
              %get3A_700 = arith.constant 208 : index
              %get3A_701 = tpu.vector_load %arg19[%get3A_700] {strides = array<i32>} : memref<512xf32, #tpu.memory_space<vmem>>, vector<16xf32>,
              %get3A_702 = vector.shape_cast %get3A_701 : vector<16xf32> to vector<16xf32>
              %mul3A_703 = arith.mulf %select_n3A_699, %get3A_702 : vector<16xf32>
              %add3A_704 = arith.addf %add3A_674, %mul3A_703 : vector<16xf32>
              %get3A_705 = arith.index_cast %scan3A_118 : i32 to index
              %get3A_706 = arith.constant 224 : index
              %get3A_707 = tpu.vector_load %arg13[%get3A_705, %get3A_706] {strides = array<i32>} : memref<64x512xf32, #tpu.memory_space<vmem>>, vector<1x16xf32>,
              %get3A_708 = vector.shape_cast %get3A_707 : vector<1x16xf32> to vector<16xf32>
              %add3A_709 = arith.constant 224 : i32
              %add3A_710 = arith.addi %mul3A_133, %add3A_709 : i32
              %get3A_711 = arith.index_cast %add3A_710 : i32 to index
              %get3A_712 = tpu.vector_load %arg12[%get3A_711] {strides = array<i32>} : memref<20480xf32, #tpu.memory_space<vmem>>, vector<16xf32>,
              %get3A_713 = vector.shape_cast %get3A_712 : vector<16xf32> to vector<16xf32>
              %add3A_714 = arith.addf %get3A_708, %get3A_713 : vector<16xf32>
              %mul3A_715 = arith.constant 512 : i32
              %mul3A_716 = arith.muli %scan3A_118, %mul3A_715 : i32
              %add3A_717 = arith.constant 224 : i32
              %add3A_718 = arith.addi %mul3A_716, %add3A_717 : i32
              %get3A_719 = arith.index_cast %add3A_718 : i32 to index
              %get3A_720 = tpu.vector_load %arg14[%get3A_719] {strides = array<i32>} : memref<32768xf32, #tpu.memory_space<vmem>>, vector<16xf32>,
              %get3A_721 = vector.shape_cast %get3A_720 : vector<16xf32> to vector<16xf32>
              %add3A_722 = arith.addf %add3A_714, %get3A_721 : vector<16xf32>
              %gt3A_723 = arith.constant 0.000000e+00 : f32
              %gt3A_724 = vector.broadcast %gt3A_723 : f32 to vector<16xf32>
              %gt3A_725 = arith.cmpf ogt, %add3A_722, %gt3A_724 : vector<16xf32>
              %mul3A_726 = arith.constant 2.000000e-01 : f32
              %mul3A_727 = vector.broadcast %mul3A_726 : f32 to vector<16xf32>
              %mul3A_728 = arith.mulf %add3A_722, %mul3A_727 : vector<16xf32>
              %select_n3A_729 = arith.select %gt3A_725, %add3A_722, %mul3A_728 : vector<16xi1>, vector<16xf32>
              %get3A_730 = arith.constant 224 : index
              %get3A_731 = tpu.vector_load %arg19[%get3A_730] {strides = array<i32>} : memref<512xf32, #tpu.memory_space<vmem>>, vector<16xf32>,
              %get3A_732 = vector.shape_cast %get3A_731 : vector<16xf32> to vector<16xf32>
              %mul3A_733 = arith.mulf %select_n3A_729, %get3A_732 : vector<16xf32>
              %add3A_734 = arith.addf %add3A_704, %mul3A_733 : vector<16xf32>
              %get3A_735 = arith.index_cast %scan3A_118 : i32 to index
              %get3A_736 = arith.constant 240 : index
              %get3A_737 = tpu.vector_load %arg13[%get3A_735, %get3A_736] {strides = array<i32>} : memref<64x512xf32, #tpu.memory_space<vmem>>, vector<1x16xf32>,
              %get3A_738 = vector.shape_cast %get3A_737 : vector<1x16xf32> to vector<16xf32>
              %add3A_739 = arith.constant 240 : i32
              %add3A_740 = arith.addi %mul3A_133, %add3A_739 : i32
              %get3A_741 = arith.index_cast %add3A_740 : i32 to index
              %get3A_742 = tpu.vector_load %arg12[%get3A_741] {strides = array<i32>} : memref<20480xf32, #tpu.memory_space<vmem>>, vector<16xf32>,
              %get3A_743 = vector.shape_cast %get3A_742 : vector<16xf32> to vector<16xf32>
              %add3A_744 = arith.addf %get3A_738, %get3A_743 : vector<16xf32>
              %mul3A_745 = arith.constant 512 : i32
              %mul3A_746 = arith.muli %scan3A_118, %mul3A_745 : i32
              %add3A_747 = arith.constant 240 : i32
              %add3A_748 = arith.addi %mul3A_746, %add3A_747 : i32
              %get3A_749 = arith.index_cast %add3A_748 : i32 to index
              %get3A_750 = tpu.vector_load %arg14[%get3A_749] {strides = array<i32>} : memref<32768xf32, #tpu.memory_space<vmem>>, vector<16xf32>,
              %get3A_751 = vector.shape_cast %get3A_750 : vector<16xf32> to vector<16xf32>
              %add3A_752 = arith.addf %add3A_744, %get3A_751 : vector<16xf32>
              %gt3A_753 = arith.constant 0.000000e+00 : f32
              %gt3A_754 = vector.broadcast %gt3A_753 : f32 to vector<16xf32>
              %gt3A_755 = arith.cmpf ogt, %add3A_752, %gt3A_754 : vector<16xf32>
              %mul3A_756 = arith.constant 2.000000e-01 : f32
              %mul3A_757 = vector.broadcast %mul3A_756 : f32 to vector<16xf32>
              %mul3A_758 = arith.mulf %add3A_752, %mul3A_757 : vector<16xf32>
              %select_n3A_759 = arith.select %gt3A_755, %add3A_752, %mul3A_758 : vector<16xi1>, vector<16xf32>
              %get3A_760 = arith.constant 240 : index
              %get3A_761 = tpu.vector_load %arg19[%get3A_760] {strides = array<i32>} : memref<512xf32, #tpu.memory_space<vmem>>, vector<16xf32>,
              %get3A_762 = vector.shape_cast %get3A_761 : vector<16xf32> to vector<16xf32>
              %mul3A_763 = arith.mulf %select_n3A_759, %get3A_762 : vector<16xf32>
              %add3A_764 = arith.addf %add3A_734, %mul3A_763 : vector<16xf32>
              %iota3A_765 = tpu.iota {dimensions = array<i32: 0>} : vector<16xi32>
              %add3A_766 = arith.constant 8 : i32
              %add3A_767 = vector.broadcast %add3A_766 : i32 to vector<16xi32>
              %add3A_768 = arith.addi %iota3A_765, %add3A_767 : vector<16xi32>
              %jit3A_769 = arith.constant 16 : i32
              %eq3A_770 = arith.constant 0 : i32
              %eq3A_771 = arith.cmpi eq, %jit3A_769, %eq3A_770 : i32
              %jit3A_772 = arith.constant 1 : i32
              %select_n3A_773 = arith.select %eq3A_771, %jit3A_772, %jit3A_769 : i32
              %rem3A_774 = vector.broadcast %select_n3A_773 : i32 to vector<16xi32>
              %rem3A_775 = arith.remsi %add3A_768, %rem3A_774 : vector<16xi32>
              %ne3A_776 = arith.constant 0 : i32
              %ne3A_777 = vector.broadcast %ne3A_776 : i32 to vector<16xi32>
              %ne3A_778 = arith.cmpi ne, %rem3A_775, %ne3A_777 : vector<16xi32>
              %lt3A_779 = arith.constant 0 : i32
              %lt3A_780 = vector.broadcast %lt3A_779 : i32 to vector<16xi32>
              %lt3A_781 = arith.cmpi slt, %rem3A_775, %lt3A_780 : vector<16xi32>
              %lt3A_782 = arith.constant 0 : i32
              %lt3A_783 = arith.cmpi slt, %select_n3A_773, %lt3A_782 : i32
              %ne3A_784 = vector.broadcast %lt3A_783 : i1 to vector<16xi1>
              %ne3A_785 = vector.broadcast %ne3A_784 : vector<16xi1> to vector<16xi1>
              %ne3A_786 = arith.xori %lt3A_781, %ne3A_785 : vector<16xi1>
              %and3A_787 = arith.andi %ne3A_786, %ne3A_778 : vector<16xi1>
              %add3A_788 = vector.broadcast %select_n3A_773 : i32 to vector<16xi32>
              %add3A_789 = arith.addi %rem3A_775, %add3A_788 : vector<16xi32>
              %select_n3A_790 = arith.select %and3A_787, %add3A_789, %rem3A_775 : vector<16xi1>, vector<16xi32>
              %lt3A_791 = arith.constant 0 : i32
              %lt3A_792 = vector.broadcast %lt3A_791 : i32 to vector<16xi32>
              %lt3A_793 = arith.cmpi slt, %select_n3A_790, %lt3A_792 : vector<16xi32>
              %add3A_794 = arith.constant 16 : i32
              %add3A_795 = vector.broadcast %add3A_794 : i32 to vector<16xi32>
              %add3A_796 = arith.addi %select_n3A_790, %add3A_795 : vector<16xi32>
              %select_n3A_797 = arith.select %lt3A_793, %add3A_796, %select_n3A_790 : vector<16xi1>, vector<16xi32>
              %broadcast_in_dim3A_798 = vector.shape_cast %select_n3A_797 : vector<16xi32> to vector<16x1xi32>
              %gather3A_799 = vector.shape_cast %broadcast_in_dim3A_798 : vector<16x1xi32> to vector<16xi32>
              %gather3A_800 = tpu.dynamic_gather %add3A_764[%gather3A_799] in [0] : vector<16xf32>, vector<16xi32> -> vector<16xf32>
              %add3A_801 = arith.addf %add3A_764, %gather3A_800 : vector<16xf32>
              %add3A_802 = arith.constant 4 : i32
              %add3A_803 = vector.broadcast %add3A_802 : i32 to vector<16xi32>
              %add3A_804 = arith.addi %iota3A_765, %add3A_803 : vector<16xi32>
              %jit3A_805 = arith.constant 16 : i32
              %eq3A_806 = arith.constant 0 : i32
              %eq3A_807 = arith.cmpi eq, %jit3A_805, %eq3A_806 : i32
              %jit3A_808 = arith.constant 1 : i32
              %select_n3A_809 = arith.select %eq3A_807, %jit3A_808, %jit3A_805 : i32
              %rem3A_810 = vector.broadcast %select_n3A_809 : i32 to vector<16xi32>
              %rem3A_811 = arith.remsi %add3A_804, %rem3A_810 : vector<16xi32>
              %ne3A_812 = arith.constant 0 : i32
              %ne3A_813 = vector.broadcast %ne3A_812 : i32 to vector<16xi32>
              %ne3A_814 = arith.cmpi ne, %rem3A_811, %ne3A_813 : vector<16xi32>
              %lt3A_815 = arith.constant 0 : i32
              %lt3A_816 = vector.broadcast %lt3A_815 : i32 to vector<16xi32>
              %lt3A_817 = arith.cmpi slt, %rem3A_811, %lt3A_816 : vector<16xi32>
              %lt3A_818 = arith.constant 0 : i32
              %lt3A_819 = arith.cmpi slt, %select_n3A_809, %lt3A_818 : i32
              %ne3A_820 = vector.broadcast %lt3A_819 : i1 to vector<16xi1>
              %ne3A_821 = vector.broadcast %ne3A_820 : vector<16xi1> to vector<16xi1>
              %ne3A_822 = arith.xori %lt3A_817, %ne3A_821 : vector<16xi1>
              %and3A_823 = arith.andi %ne3A_822, %ne3A_814 : vector<16xi1>
              %add3A_824 = vector.broadcast %select_n3A_809 : i32 to vector<16xi32>
              %add3A_825 = arith.addi %rem3A_811, %add3A_824 : vector<16xi32>
              %select_n3A_826 = arith.select %and3A_823, %add3A_825, %rem3A_811 : vector<16xi1>, vector<16xi32>
              %lt3A_827 = arith.constant 0 : i32
              %lt3A_828 = vector.broadcast %lt3A_827 : i32 to vector<16xi32>
              %lt3A_829 = arith.cmpi slt, %select_n3A_826, %lt3A_828 : vector<16xi32>
              %add3A_830 = arith.constant 16 : i32
              %add3A_831 = vector.broadcast %add3A_830 : i32 to vector<16xi32>
              %add3A_832 = arith.addi %select_n3A_826, %add3A_831 : vector<16xi32>
              %select_n3A_833 = arith.select %lt3A_829, %add3A_832, %select_n3A_826 : vector<16xi1>, vector<16xi32>
              %broadcast_in_dim3A_834 = vector.shape_cast %select_n3A_833 : vector<16xi32> to vector<16x1xi32>
              %gather3A_835 = vector.shape_cast %broadcast_in_dim3A_834 : vector<16x1xi32> to vector<16xi32>
              %gather3A_836 = tpu.dynamic_gather %add3A_801[%gather3A_835] in [0] : vector<16xf32>, vector<16xi32> -> vector<16xf32>
              %add3A_837 = arith.addf %add3A_801, %gather3A_836 : vector<16xf32>
              %add3A_838 = arith.constant 2 : i32
              %add3A_839 = vector.broadcast %add3A_838 : i32 to vector<16xi32>
              %add3A_840 = arith.addi %iota3A_765, %add3A_839 : vector<16xi32>
              %jit3A_841 = arith.constant 16 : i32
              %eq3A_842 = arith.constant 0 : i32
              %eq3A_843 = arith.cmpi eq, %jit3A_841, %eq3A_842 : i32
              %jit3A_844 = arith.constant 1 : i32
              %select_n3A_845 = arith.select %eq3A_843, %jit3A_844, %jit3A_841 : i32
              %rem3A_846 = vector.broadcast %select_n3A_845 : i32 to vector<16xi32>
              %rem3A_847 = arith.remsi %add3A_840, %rem3A_846 : vector<16xi32>
              %ne3A_848 = arith.constant 0 : i32
              %ne3A_849 = vector.broadcast %ne3A_848 : i32 to vector<16xi32>
              %ne3A_850 = arith.cmpi ne, %rem3A_847, %ne3A_849 : vector<16xi32>
              %lt3A_851 = arith.constant 0 : i32
              %lt3A_852 = vector.broadcast %lt3A_851 : i32 to vector<16xi32>
              %lt3A_853 = arith.cmpi slt, %rem3A_847, %lt3A_852 : vector<16xi32>
              %lt3A_854 = arith.constant 0 : i32
              %lt3A_855 = arith.cmpi slt, %select_n3A_845, %lt3A_854 : i32
              %ne3A_856 = vector.broadcast %lt3A_855 : i1 to vector<16xi1>
              %ne3A_857 = vector.broadcast %ne3A_856 : vector<16xi1> to vector<16xi1>
              %ne3A_858 = arith.xori %lt3A_853, %ne3A_857 : vector<16xi1>
              %and3A_859 = arith.andi %ne3A_858, %ne3A_850 : vector<16xi1>
              %add3A_860 = vector.broadcast %select_n3A_845 : i32 to vector<16xi32>
              %add3A_861 = arith.addi %rem3A_847, %add3A_860 : vector<16xi32>
              %select_n3A_862 = arith.select %and3A_859, %add3A_861, %rem3A_847 : vector<16xi1>, vector<16xi32>
              %lt3A_863 = arith.constant 0 : i32
              %lt3A_864 = vector.broadcast %lt3A_863 : i32 to vector<16xi32>
              %lt3A_865 = arith.cmpi slt, %select_n3A_862, %lt3A_864 : vector<16xi32>
              %add3A_866 = arith.constant 16 : i32
              %add3A_867 = vector.broadcast %add3A_866 : i32 to vector<16xi32>
              %add3A_868 = arith.addi %select_n3A_862, %add3A_867 : vector<16xi32>
              %select_n3A_869 = arith.select %lt3A_865, %add3A_868, %select_n3A_862 : vector<16xi1>, vector<16xi32>
              %broadcast_in_dim3A_870 = vector.shape_cast %select_n3A_869 : vector<16xi32> to vector<16x1xi32>
              %gather3A_871 = vector.shape_cast %broadcast_in_dim3A_870 : vector<16x1xi32> to vector<16xi32>
              %gather3A_872 = tpu.dynamic_gather %add3A_837[%gather3A_871] in [0] : vector<16xf32>, vector<16xi32> -> vector<16xf32>
              %add3A_873 = arith.addf %add3A_837, %gather3A_872 : vector<16xf32>
              %add3A_874 = arith.constant 1 : i32
              %add3A_875 = vector.broadcast %add3A_874 : i32 to vector<16xi32>
              %add3A_876 = arith.addi %iota3A_765, %add3A_875 : vector<16xi32>
              %jit3A_877 = arith.constant 16 : i32
              %eq3A_878 = arith.constant 0 : i32
              %eq3A_879 = arith.cmpi eq, %jit3A_877, %eq3A_878 : i32
              %jit3A_880 = arith.constant 1 : i32
              %select_n3A_881 = arith.select %eq3A_879, %jit3A_880, %jit3A_877 : i32
              %rem3A_882 = vector.broadcast %select_n3A_881 : i32 to vector<16xi32>
              %rem3A_883 = arith.remsi %add3A_876, %rem3A_882 : vector<16xi32>
              %ne3A_884 = arith.constant 0 : i32
              %ne3A_885 = vector.broadcast %ne3A_884 : i32 to vector<16xi32>
              %ne3A_886 = arith.cmpi ne, %rem3A_883, %ne3A_885 : vector<16xi32>
              %lt3A_887 = arith.constant 0 : i32
              %lt3A_888 = vector.broadcast %lt3A_887 : i32 to vector<16xi32>
              %lt3A_889 = arith.cmpi slt, %rem3A_883, %lt3A_888 : vector<16xi32>
              %lt3A_890 = arith.constant 0 : i32
              %lt3A_891 = arith.cmpi slt, %select_n3A_881, %lt3A_890 : i32
              %ne3A_892 = vector.broadcast %lt3A_891 : i1 to vector<16xi1>
              %ne3A_893 = vector.broadcast %ne3A_892 : vector<16xi1> to vector<16xi1>
              %ne3A_894 = arith.xori %lt3A_889, %ne3A_893 : vector<16xi1>
              %and3A_895 = arith.andi %ne3A_894, %ne3A_886 : vector<16xi1>
              %add3A_896 = vector.broadcast %select_n3A_881 : i32 to vector<16xi32>
              %add3A_897 = arith.addi %rem3A_883, %add3A_896 : vector<16xi32>
              %select_n3A_898 = arith.select %and3A_895, %add3A_897, %rem3A_883 : vector<16xi1>, vector<16xi32>
              %lt3A_899 = arith.constant 0 : i32
              %lt3A_900 = vector.broadcast %lt3A_899 : i32 to vector<16xi32>
              %lt3A_901 = arith.cmpi slt, %select_n3A_898, %lt3A_900 : vector<16xi32>
              %add3A_902 = arith.constant 16 : i32
              %add3A_903 = vector.broadcast %add3A_902 : i32 to vector<16xi32>
              %add3A_904 = arith.addi %select_n3A_898, %add3A_903 : vector<16xi32>
              %select_n3A_905 = arith.select %lt3A_901, %add3A_904, %select_n3A_898 : vector<16xi1>, vector<16xi32>
              %broadcast_in_dim3A_906 = vector.shape_cast %select_n3A_905 : vector<16xi32> to vector<16x1xi32>
              %gather3A_907 = vector.shape_cast %broadcast_in_dim3A_906 : vector<16x1xi32> to vector<16xi32>
              %gather3A_908 = tpu.dynamic_gather %add3A_873[%gather3A_907] in [0] : vector<16xf32>, vector<16xi32> -> vector<16xf32>
              %add3A_909 = arith.addf %add3A_873, %gather3A_908 : vector<16xf32>
              %eq3A_910 = arith.constant 1 : i32
              %eq3A_911 = vector.broadcast %eq3A_910 : i32 to vector<16xi32>
              %eq3A_912 = arith.cmpi eq, %iota3A, %eq3A_911 : vector<16xi32>
              %select_n3A_913 = arith.select %eq3A_912, %add3A_909, %select_n3A_522 : vector<16xi1>, vector<16xf32>
              %broadcast_in_dim3A_914 = arith.constant 0.000000e+00 : f32
              %broadcast_in_dim3A_915 = vector.broadcast %broadcast_in_dim3A_914 : f32 to vector<16xf32>
              %get3A_916 = arith.index_cast %scan3A_118 : i32 to index
              %get3A_917 = arith.constant 256 : index
              %get3A_918 = tpu.vector_load %arg13[%get3A_916, %get3A_917] {strides = array<i32>} : memref<64x512xf32, #tpu.memory_space<vmem>>, vector<1x16xf32>,
              %get3A_919 = vector.shape_cast %get3A_918 : vector<1x16xf32> to vector<16xf32>
              %add3A_920 = arith.constant 256 : i32
              %add3A_921 = arith.addi %mul3A_133, %add3A_920 : i32
              %get3A_922 = arith.index_cast %add3A_921 : i32 to index
              %get3A_923 = tpu.vector_load %arg12[%get3A_922] {strides = array<i32>} : memref<20480xf32, #tpu.memory_space<vmem>>, vector<16xf32>,
              %get3A_924 = vector.shape_cast %get3A_923 : vector<16xf32> to vector<16xf32>
              %add3A_925 = arith.addf %get3A_919, %get3A_924 : vector<16xf32>
              %mul3A_926 = arith.constant 512 : i32
              %mul3A_927 = arith.muli %scan3A_118, %mul3A_926 : i32
              %add3A_928 = arith.constant 256 : i32
              %add3A_929 = arith.addi %mul3A_927, %add3A_928 : i32
              %get3A_930 = arith.index_cast %add3A_929 : i32 to index
              %get3A_931 = tpu.vector_load %arg14[%get3A_930] {strides = array<i32>} : memref<32768xf32, #tpu.memory_space<vmem>>, vector<16xf32>,
              %get3A_932 = vector.shape_cast %get3A_931 : vector<16xf32> to vector<16xf32>
              %add3A_933 = arith.addf %add3A_925, %get3A_932 : vector<16xf32>
              %gt3A_934 = arith.constant 0.000000e+00 : f32
              %gt3A_935 = vector.broadcast %gt3A_934 : f32 to vector<16xf32>
              %gt3A_936 = arith.cmpf ogt, %add3A_933, %gt3A_935 : vector<16xf32>
              %mul3A_937 = arith.constant 2.000000e-01 : f32
              %mul3A_938 = vector.broadcast %mul3A_937 : f32 to vector<16xf32>
              %mul3A_939 = arith.mulf %add3A_933, %mul3A_938 : vector<16xf32>
              %select_n3A_940 = arith.select %gt3A_936, %add3A_933, %mul3A_939 : vector<16xi1>, vector<16xf32>
              %get3A_941 = arith.constant 256 : index
              %get3A_942 = tpu.vector_load %arg19[%get3A_941] {strides = array<i32>} : memref<512xf32, #tpu.memory_space<vmem>>, vector<16xf32>,
              %get3A_943 = vector.shape_cast %get3A_942 : vector<16xf32> to vector<16xf32>
              %mul3A_944 = arith.mulf %select_n3A_940, %get3A_943 : vector<16xf32>
              %add3A_945 = arith.addf %broadcast_in_dim3A_915, %mul3A_944 : vector<16xf32>
              %get3A_946 = arith.index_cast %scan3A_118 : i32 to index
              %get3A_947 = arith.constant 272 : index
              %get3A_948 = tpu.vector_load %arg13[%get3A_946, %get3A_947] {strides = array<i32>} : memref<64x512xf32, #tpu.memory_space<vmem>>, vector<1x16xf32>,
              %get3A_949 = vector.shape_cast %get3A_948 : vector<1x16xf32> to vector<16xf32>
              %add3A_950 = arith.constant 272 : i32
              %add3A_951 = arith.addi %mul3A_133, %add3A_950 : i32
              %get3A_952 = arith.index_cast %add3A_951 : i32 to index
              %get3A_953 = tpu.vector_load %arg12[%get3A_952] {strides = array<i32>} : memref<20480xf32, #tpu.memory_space<vmem>>, vector<16xf32>,
              %get3A_954 = vector.shape_cast %get3A_953 : vector<16xf32> to vector<16xf32>
              %add3A_955 = arith.addf %get3A_949, %get3A_954 : vector<16xf32>
              %mul3A_956 = arith.constant 512 : i32
              %mul3A_957 = arith.muli %scan3A_118, %mul3A_956 : i32
              %add3A_958 = arith.constant 272 : i32
              %add3A_959 = arith.addi %mul3A_957, %add3A_958 : i32
              %get3A_960 = arith.index_cast %add3A_959 : i32 to index
              %get3A_961 = tpu.vector_load %arg14[%get3A_960] {strides = array<i32>} : memref<32768xf32, #tpu.memory_space<vmem>>, vector<16xf32>,
              %get3A_962 = vector.shape_cast %get3A_961 : vector<16xf32> to vector<16xf32>
              %add3A_963 = arith.addf %add3A_955, %get3A_962 : vector<16xf32>
              %gt3A_964 = arith.constant 0.000000e+00 : f32
              %gt3A_965 = vector.broadcast %gt3A_964 : f32 to vector<16xf32>
              %gt3A_966 = arith.cmpf ogt, %add3A_963, %gt3A_965 : vector<16xf32>
              %mul3A_967 = arith.constant 2.000000e-01 : f32
              %mul3A_968 = vector.broadcast %mul3A_967 : f32 to vector<16xf32>
              %mul3A_969 = arith.mulf %add3A_963, %mul3A_968 : vector<16xf32>
              %select_n3A_970 = arith.select %gt3A_966, %add3A_963, %mul3A_969 : vector<16xi1>, vector<16xf32>
              %get3A_971 = arith.constant 272 : index
              %get3A_972 = tpu.vector_load %arg19[%get3A_971] {strides = array<i32>} : memref<512xf32, #tpu.memory_space<vmem>>, vector<16xf32>,
              %get3A_973 = vector.shape_cast %get3A_972 : vector<16xf32> to vector<16xf32>
              %mul3A_974 = arith.mulf %select_n3A_970, %get3A_973 : vector<16xf32>
              %add3A_975 = arith.addf %add3A_945, %mul3A_974 : vector<16xf32>
              %get3A_976 = arith.index_cast %scan3A_118 : i32 to index
              %get3A_977 = arith.constant 288 : index
              %get3A_978 = tpu.vector_load %arg13[%get3A_976, %get3A_977] {strides = array<i32>} : memref<64x512xf32, #tpu.memory_space<vmem>>, vector<1x16xf32>,
              %get3A_979 = vector.shape_cast %get3A_978 : vector<1x16xf32> to vector<16xf32>
              %add3A_980 = arith.constant 288 : i32
              %add3A_981 = arith.addi %mul3A_133, %add3A_980 : i32
              %get3A_982 = arith.index_cast %add3A_981 : i32 to index
              %get3A_983 = tpu.vector_load %arg12[%get3A_982] {strides = array<i32>} : memref<20480xf32, #tpu.memory_space<vmem>>, vector<16xf32>,
              %get3A_984 = vector.shape_cast %get3A_983 : vector<16xf32> to vector<16xf32>
              %add3A_985 = arith.addf %get3A_979, %get3A_984 : vector<16xf32>
              %mul3A_986 = arith.constant 512 : i32
              %mul3A_987 = arith.muli %scan3A_118, %mul3A_986 : i32
              %add3A_988 = arith.constant 288 : i32
              %add3A_989 = arith.addi %mul3A_987, %add3A_988 : i32
              %get3A_990 = arith.index_cast %add3A_989 : i32 to index
              %get3A_991 = tpu.vector_load %arg14[%get3A_990] {strides = array<i32>} : memref<32768xf32, #tpu.memory_space<vmem>>, vector<16xf32>,
              %get3A_992 = vector.shape_cast %get3A_991 : vector<16xf32> to vector<16xf32>
              %add3A_993 = arith.addf %add3A_985, %get3A_992 : vector<16xf32>
              %gt3A_994 = arith.constant 0.000000e+00 : f32
              %gt3A_995 = vector.broadcast %gt3A_994 : f32 to vector<16xf32>
              %gt3A_996 = arith.cmpf ogt, %add3A_993, %gt3A_995 : vector<16xf32>
              %mul3A_997 = arith.constant 2.000000e-01 : f32
              %mul3A_998 = vector.broadcast %mul3A_997 : f32 to vector<16xf32>
              %mul3A_999 = arith.mulf %add3A_993, %mul3A_998 : vector<16xf32>
              %select_n3A_1000 = arith.select %gt3A_996, %add3A_993, %mul3A_999 : vector<16xi1>, vector<16xf32>
              %get3A_1001 = arith.constant 288 : index
              %get3A_1002 = tpu.vector_load %arg19[%get3A_1001] {strides = array<i32>} : memref<512xf32, #tpu.memory_space<vmem>>, vector<16xf32>,
              %get3A_1003 = vector.shape_cast %get3A_1002 : vector<16xf32> to vector<16xf32>
              %mul3A_1004 = arith.mulf %select_n3A_1000, %get3A_1003 : vector<16xf32>
              %add3A_1005 = arith.addf %add3A_975, %mul3A_1004 : vector<16xf32>
              %get3A_1006 = arith.index_cast %scan3A_118 : i32 to index
              %get3A_1007 = arith.constant 304 : index
              %get3A_1008 = tpu.vector_load %arg13[%get3A_1006, %get3A_1007] {strides = array<i32>} : memref<64x512xf32, #tpu.memory_space<vmem>>, vector<1x16xf32>,
              %get3A_1009 = vector.shape_cast %get3A_1008 : vector<1x16xf32> to vector<16xf32>
              %add3A_1010 = arith.constant 304 : i32
              %add3A_1011 = arith.addi %mul3A_133, %add3A_1010 : i32
              %get3A_1012 = arith.index_cast %add3A_1011 : i32 to index
              %get3A_1013 = tpu.vector_load %arg12[%get3A_1012] {strides = array<i32>} : memref<20480xf32, #tpu.memory_space<vmem>>, vector<16xf32>,
              %get3A_1014 = vector.shape_cast %get3A_1013 : vector<16xf32> to vector<16xf32>
              %add3A_1015 = arith.addf %get3A_1009, %get3A_1014 : vector<16xf32>
              %mul3A_1016 = arith.constant 512 : i32
              %mul3A_1017 = arith.muli %scan3A_118, %mul3A_1016 : i32
              %add3A_1018 = arith.constant 304 : i32
              %add3A_1019 = arith.addi %mul3A_1017, %add3A_1018 : i32
              %get3A_1020 = arith.index_cast %add3A_1019 : i32 to index
              %get3A_1021 = tpu.vector_load %arg14[%get3A_1020] {strides = array<i32>} : memref<32768xf32, #tpu.memory_space<vmem>>, vector<16xf32>,
              %get3A_1022 = vector.shape_cast %get3A_1021 : vector<16xf32> to vector<16xf32>
              %add3A_1023 = arith.addf %add3A_1015, %get3A_1022 : vector<16xf32>
              %gt3A_1024 = arith.constant 0.000000e+00 : f32
              %gt3A_1025 = vector.broadcast %gt3A_1024 : f32 to vector<16xf32>
              %gt3A_1026 = arith.cmpf ogt, %add3A_1023, %gt3A_1025 : vector<16xf32>
              %mul3A_1027 = arith.constant 2.000000e-01 : f32
              %mul3A_1028 = vector.broadcast %mul3A_1027 : f32 to vector<16xf32>
              %mul3A_1029 = arith.mulf %add3A_1023, %mul3A_1028 : vector<16xf32>
              %select_n3A_1030 = arith.select %gt3A_1026, %add3A_1023, %mul3A_1029 : vector<16xi1>, vector<16xf32>
              %get3A_1031 = arith.constant 304 : index
              %get3A_1032 = tpu.vector_load %arg19[%get3A_1031] {strides = array<i32>} : memref<512xf32, #tpu.memory_space<vmem>>, vector<16xf32>,
              %get3A_1033 = vector.shape_cast %get3A_1032 : vector<16xf32> to vector<16xf32>
              %mul3A_1034 = arith.mulf %select_n3A_1030, %get3A_1033 : vector<16xf32>
              %add3A_1035 = arith.addf %add3A_1005, %mul3A_1034 : vector<16xf32>
              %get3A_1036 = arith.index_cast %scan3A_118 : i32 to index
              %get3A_1037 = arith.constant 320 : index
              %get3A_1038 = tpu.vector_load %arg13[%get3A_1036, %get3A_1037] {strides = array<i32>} : memref<64x512xf32, #tpu.memory_space<vmem>>, vector<1x16xf32>,
              %get3A_1039 = vector.shape_cast %get3A_1038 : vector<1x16xf32> to vector<16xf32>
              %add3A_1040 = arith.constant 320 : i32
              %add3A_1041 = arith.addi %mul3A_133, %add3A_1040 : i32
              %get3A_1042 = arith.index_cast %add3A_1041 : i32 to index
              %get3A_1043 = tpu.vector_load %arg12[%get3A_1042] {strides = array<i32>} : memref<20480xf32, #tpu.memory_space<vmem>>, vector<16xf32>,
              %get3A_1044 = vector.shape_cast %get3A_1043 : vector<16xf32> to vector<16xf32>
              %add3A_1045 = arith.addf %get3A_1039, %get3A_1044 : vector<16xf32>
              %mul3A_1046 = arith.constant 512 : i32
              %mul3A_1047 = arith.muli %scan3A_118, %mul3A_1046 : i32
              %add3A_1048 = arith.constant 320 : i32
              %add3A_1049 = arith.addi %mul3A_1047, %add3A_1048 : i32
              %get3A_1050 = arith.index_cast %add3A_1049 : i32 to index
              %get3A_1051 = tpu.vector_load %arg14[%get3A_1050] {strides = array<i32>} : memref<32768xf32, #tpu.memory_space<vmem>>, vector<16xf32>,
              %get3A_1052 = vector.shape_cast %get3A_1051 : vector<16xf32> to vector<16xf32>
              %add3A_1053 = arith.addf %add3A_1045, %get3A_1052 : vector<16xf32>
              %gt3A_1054 = arith.constant 0.000000e+00 : f32
              %gt3A_1055 = vector.broadcast %gt3A_1054 : f32 to vector<16xf32>
              %gt3A_1056 = arith.cmpf ogt, %add3A_1053, %gt3A_1055 : vector<16xf32>
              %mul3A_1057 = arith.constant 2.000000e-01 : f32
              %mul3A_1058 = vector.broadcast %mul3A_1057 : f32 to vector<16xf32>
              %mul3A_1059 = arith.mulf %add3A_1053, %mul3A_1058 : vector<16xf32>
              %select_n3A_1060 = arith.select %gt3A_1056, %add3A_1053, %mul3A_1059 : vector<16xi1>, vector<16xf32>
              %get3A_1061 = arith.constant 320 : index
              %get3A_1062 = tpu.vector_load %arg19[%get3A_1061] {strides = array<i32>} : memref<512xf32, #tpu.memory_space<vmem>>, vector<16xf32>,
              %get3A_1063 = vector.shape_cast %get3A_1062 : vector<16xf32> to vector<16xf32>
              %mul3A_1064 = arith.mulf %select_n3A_1060, %get3A_1063 : vector<16xf32>
              %add3A_1065 = arith.addf %add3A_1035, %mul3A_1064 : vector<16xf32>
              %get3A_1066 = arith.index_cast %scan3A_118 : i32 to index
              %get3A_1067 = arith.constant 336 : index
              %get3A_1068 = tpu.vector_load %arg13[%get3A_1066, %get3A_1067] {strides = array<i32>} : memref<64x512xf32, #tpu.memory_space<vmem>>, vector<1x16xf32>,
              %get3A_1069 = vector.shape_cast %get3A_1068 : vector<1x16xf32> to vector<16xf32>
              %add3A_1070 = arith.constant 336 : i32
              %add3A_1071 = arith.addi %mul3A_133, %add3A_1070 : i32
              %get3A_1072 = arith.index_cast %add3A_1071 : i32 to index
              %get3A_1073 = tpu.vector_load %arg12[%get3A_1072] {strides = array<i32>} : memref<20480xf32, #tpu.memory_space<vmem>>, vector<16xf32>,
              %get3A_1074 = vector.shape_cast %get3A_1073 : vector<16xf32> to vector<16xf32>
              %add3A_1075 = arith.addf %get3A_1069, %get3A_1074 : vector<16xf32>
              %mul3A_1076 = arith.constant 512 : i32
              %mul3A_1077 = arith.muli %scan3A_118, %mul3A_1076 : i32
              %add3A_1078 = arith.constant 336 : i32
              %add3A_1079 = arith.addi %mul3A_1077, %add3A_1078 : i32
              %get3A_1080 = arith.index_cast %add3A_1079 : i32 to index
              %get3A_1081 = tpu.vector_load %arg14[%get3A_1080] {strides = array<i32>} : memref<32768xf32, #tpu.memory_space<vmem>>, vector<16xf32>,
              %get3A_1082 = vector.shape_cast %get3A_1081 : vector<16xf32> to vector<16xf32>
              %add3A_1083 = arith.addf %add3A_1075, %get3A_1082 : vector<16xf32>
              %gt3A_1084 = arith.constant 0.000000e+00 : f32
              %gt3A_1085 = vector.broadcast %gt3A_1084 : f32 to vector<16xf32>
              %gt3A_1086 = arith.cmpf ogt, %add3A_1083, %gt3A_1085 : vector<16xf32>
              %mul3A_1087 = arith.constant 2.000000e-01 : f32
              %mul3A_1088 = vector.broadcast %mul3A_1087 : f32 to vector<16xf32>
              %mul3A_1089 = arith.mulf %add3A_1083, %mul3A_1088 : vector<16xf32>
              %select_n3A_1090 = arith.select %gt3A_1086, %add3A_1083, %mul3A_1089 : vector<16xi1>, vector<16xf32>
              %get3A_1091 = arith.constant 336 : index
              %get3A_1092 = tpu.vector_load %arg19[%get3A_1091] {strides = array<i32>} : memref<512xf32, #tpu.memory_space<vmem>>, vector<16xf32>,
              %get3A_1093 = vector.shape_cast %get3A_1092 : vector<16xf32> to vector<16xf32>
              %mul3A_1094 = arith.mulf %select_n3A_1090, %get3A_1093 : vector<16xf32>
              %add3A_1095 = arith.addf %add3A_1065, %mul3A_1094 : vector<16xf32>
              %get3A_1096 = arith.index_cast %scan3A_118 : i32 to index
              %get3A_1097 = arith.constant 352 : index
              %get3A_1098 = tpu.vector_load %arg13[%get3A_1096, %get3A_1097] {strides = array<i32>} : memref<64x512xf32, #tpu.memory_space<vmem>>, vector<1x16xf32>,
              %get3A_1099 = vector.shape_cast %get3A_1098 : vector<1x16xf32> to vector<16xf32>
              %add3A_1100 = arith.constant 352 : i32
              %add3A_1101 = arith.addi %mul3A_133, %add3A_1100 : i32
              %get3A_1102 = arith.index_cast %add3A_1101 : i32 to index
              %get3A_1103 = tpu.vector_load %arg12[%get3A_1102] {strides = array<i32>} : memref<20480xf32, #tpu.memory_space<vmem>>, vector<16xf32>,
              %get3A_1104 = vector.shape_cast %get3A_1103 : vector<16xf32> to vector<16xf32>
              %add3A_1105 = arith.addf %get3A_1099, %get3A_1104 : vector<16xf32>
              %mul3A_1106 = arith.constant 512 : i32
              %mul3A_1107 = arith.muli %scan3A_118, %mul3A_1106 : i32
              %add3A_1108 = arith.constant 352 : i32
              %add3A_1109 = arith.addi %mul3A_1107, %add3A_1108 : i32
              %get3A_1110 = arith.index_cast %add3A_1109 : i32 to index
              %get3A_1111 = tpu.vector_load %arg14[%get3A_1110] {strides = array<i32>} : memref<32768xf32, #tpu.memory_space<vmem>>, vector<16xf32>,
              %get3A_1112 = vector.shape_cast %get3A_1111 : vector<16xf32> to vector<16xf32>
              %add3A_1113 = arith.addf %add3A_1105, %get3A_1112 : vector<16xf32>
              %gt3A_1114 = arith.constant 0.000000e+00 : f32
              %gt3A_1115 = vector.broadcast %gt3A_1114 : f32 to vector<16xf32>
              %gt3A_1116 = arith.cmpf ogt, %add3A_1113, %gt3A_1115 : vector<16xf32>
              %mul3A_1117 = arith.constant 2.000000e-01 : f32
              %mul3A_1118 = vector.broadcast %mul3A_1117 : f32 to vector<16xf32>
              %mul3A_1119 = arith.mulf %add3A_1113, %mul3A_1118 : vector<16xf32>
              %select_n3A_1120 = arith.select %gt3A_1116, %add3A_1113, %mul3A_1119 : vector<16xi1>, vector<16xf32>
              %get3A_1121 = arith.constant 352 : index
              %get3A_1122 = tpu.vector_load %arg19[%get3A_1121] {strides = array<i32>} : memref<512xf32, #tpu.memory_space<vmem>>, vector<16xf32>,
              %get3A_1123 = vector.shape_cast %get3A_1122 : vector<16xf32> to vector<16xf32>
              %mul3A_1124 = arith.mulf %select_n3A_1120, %get3A_1123 : vector<16xf32>
              %add3A_1125 = arith.addf %add3A_1095, %mul3A_1124 : vector<16xf32>
              %get3A_1126 = arith.index_cast %scan3A_118 : i32 to index
              %get3A_1127 = arith.constant 368 : index
              %get3A_1128 = tpu.vector_load %arg13[%get3A_1126, %get3A_1127] {strides = array<i32>} : memref<64x512xf32, #tpu.memory_space<vmem>>, vector<1x16xf32>,
              %get3A_1129 = vector.shape_cast %get3A_1128 : vector<1x16xf32> to vector<16xf32>
              %add3A_1130 = arith.constant 368 : i32
              %add3A_1131 = arith.addi %mul3A_133, %add3A_1130 : i32
              %get3A_1132 = arith.index_cast %add3A_1131 : i32 to index
              %get3A_1133 = tpu.vector_load %arg12[%get3A_1132] {strides = array<i32>} : memref<20480xf32, #tpu.memory_space<vmem>>, vector<16xf32>,
              %get3A_1134 = vector.shape_cast %get3A_1133 : vector<16xf32> to vector<16xf32>
              %add3A_1135 = arith.addf %get3A_1129, %get3A_1134 : vector<16xf32>
              %mul3A_1136 = arith.constant 512 : i32
              %mul3A_1137 = arith.muli %scan3A_118, %mul3A_1136 : i32
              %add3A_1138 = arith.constant 368 : i32
              %add3A_1139 = arith.addi %mul3A_1137, %add3A_1138 : i32
              %get3A_1140 = arith.index_cast %add3A_1139 : i32 to index
              %get3A_1141 = tpu.vector_load %arg14[%get3A_1140] {strides = array<i32>} : memref<32768xf32, #tpu.memory_space<vmem>>, vector<16xf32>,
              %get3A_1142 = vector.shape_cast %get3A_1141 : vector<16xf32> to vector<16xf32>
              %add3A_1143 = arith.addf %add3A_1135, %get3A_1142 : vector<16xf32>
              %gt3A_1144 = arith.constant 0.000000e+00 : f32
              %gt3A_1145 = vector.broadcast %gt3A_1144 : f32 to vector<16xf32>
              %gt3A_1146 = arith.cmpf ogt, %add3A_1143, %gt3A_1145 : vector<16xf32>
              %mul3A_1147 = arith.constant 2.000000e-01 : f32
              %mul3A_1148 = vector.broadcast %mul3A_1147 : f32 to vector<16xf32>
              %mul3A_1149 = arith.mulf %add3A_1143, %mul3A_1148 : vector<16xf32>
              %select_n3A_1150 = arith.select %gt3A_1146, %add3A_1143, %mul3A_1149 : vector<16xi1>, vector<16xf32>
              %get3A_1151 = arith.constant 368 : index
              %get3A_1152 = tpu.vector_load %arg19[%get3A_1151] {strides = array<i32>} : memref<512xf32, #tpu.memory_space<vmem>>, vector<16xf32>,
              %get3A_1153 = vector.shape_cast %get3A_1152 : vector<16xf32> to vector<16xf32>
              %mul3A_1154 = arith.mulf %select_n3A_1150, %get3A_1153 : vector<16xf32>
              %add3A_1155 = arith.addf %add3A_1125, %mul3A_1154 : vector<16xf32>
              %iota3A_1156 = tpu.iota {dimensions = array<i32: 0>} : vector<16xi32>
              %add3A_1157 = arith.constant 8 : i32
              %add3A_1158 = vector.broadcast %add3A_1157 : i32 to vector<16xi32>
              %add3A_1159 = arith.addi %iota3A_1156, %add3A_1158 : vector<16xi32>
              %jit3A_1160 = arith.constant 16 : i32
              %eq3A_1161 = arith.constant 0 : i32
              %eq3A_1162 = arith.cmpi eq, %jit3A_1160, %eq3A_1161 : i32
              %jit3A_1163 = arith.constant 1 : i32
              %select_n3A_1164 = arith.select %eq3A_1162, %jit3A_1163, %jit3A_1160 : i32
              %rem3A_1165 = vector.broadcast %select_n3A_1164 : i32 to vector<16xi32>
              %rem3A_1166 = arith.remsi %add3A_1159, %rem3A_1165 : vector<16xi32>
              %ne3A_1167 = arith.constant 0 : i32
              %ne3A_1168 = vector.broadcast %ne3A_1167 : i32 to vector<16xi32>
              %ne3A_1169 = arith.cmpi ne, %rem3A_1166, %ne3A_1168 : vector<16xi32>
              %lt3A_1170 = arith.constant 0 : i32
              %lt3A_1171 = vector.broadcast %lt3A_1170 : i32 to vector<16xi32>
              %lt3A_1172 = arith.cmpi slt, %rem3A_1166, %lt3A_1171 : vector<16xi32>
              %lt3A_1173 = arith.constant 0 : i32
              %lt3A_1174 = arith.cmpi slt, %select_n3A_1164, %lt3A_1173 : i32
              %ne3A_1175 = vector.broadcast %lt3A_1174 : i1 to vector<16xi1>
              %ne3A_1176 = vector.broadcast %ne3A_1175 : vector<16xi1> to vector<16xi1>
              %ne3A_1177 = arith.xori %lt3A_1172, %ne3A_1176 : vector<16xi1>
              %and3A_1178 = arith.andi %ne3A_1177, %ne3A_1169 : vector<16xi1>
              %add3A_1179 = vector.broadcast %select_n3A_1164 : i32 to vector<16xi32>
              %add3A_1180 = arith.addi %rem3A_1166, %add3A_1179 : vector<16xi32>
              %select_n3A_1181 = arith.select %and3A_1178, %add3A_1180, %rem3A_1166 : vector<16xi1>, vector<16xi32>
              %lt3A_1182 = arith.constant 0 : i32
              %lt3A_1183 = vector.broadcast %lt3A_1182 : i32 to vector<16xi32>
              %lt3A_1184 = arith.cmpi slt, %select_n3A_1181, %lt3A_1183 : vector<16xi32>
              %add3A_1185 = arith.constant 16 : i32
              %add3A_1186 = vector.broadcast %add3A_1185 : i32 to vector<16xi32>
              %add3A_1187 = arith.addi %select_n3A_1181, %add3A_1186 : vector<16xi32>
              %select_n3A_1188 = arith.select %lt3A_1184, %add3A_1187, %select_n3A_1181 : vector<16xi1>, vector<16xi32>
              %broadcast_in_dim3A_1189 = vector.shape_cast %select_n3A_1188 : vector<16xi32> to vector<16x1xi32>
              %gather3A_1190 = vector.shape_cast %broadcast_in_dim3A_1189 : vector<16x1xi32> to vector<16xi32>
              %gather3A_1191 = tpu.dynamic_gather %add3A_1155[%gather3A_1190] in [0] : vector<16xf32>, vector<16xi32> -> vector<16xf32>
              %add3A_1192 = arith.addf %add3A_1155, %gather3A_1191 : vector<16xf32>
              %add3A_1193 = arith.constant 4 : i32
              %add3A_1194 = vector.broadcast %add3A_1193 : i32 to vector<16xi32>
              %add3A_1195 = arith.addi %iota3A_1156, %add3A_1194 : vector<16xi32>
              %jit3A_1196 = arith.constant 16 : i32
              %eq3A_1197 = arith.constant 0 : i32
              %eq3A_1198 = arith.cmpi eq, %jit3A_1196, %eq3A_1197 : i32
              %jit3A_1199 = arith.constant 1 : i32
              %select_n3A_1200 = arith.select %eq3A_1198, %jit3A_1199, %jit3A_1196 : i32
              %rem3A_1201 = vector.broadcast %select_n3A_1200 : i32 to vector<16xi32>
              %rem3A_1202 = arith.remsi %add3A_1195, %rem3A_1201 : vector<16xi32>
              %ne3A_1203 = arith.constant 0 : i32
              %ne3A_1204 = vector.broadcast %ne3A_1203 : i32 to vector<16xi32>
              %ne3A_1205 = arith.cmpi ne, %rem3A_1202, %ne3A_1204 : vector<16xi32>
              %lt3A_1206 = arith.constant 0 : i32
              %lt3A_1207 = vector.broadcast %lt3A_1206 : i32 to vector<16xi32>
              %lt3A_1208 = arith.cmpi slt, %rem3A_1202, %lt3A_1207 : vector<16xi32>
              %lt3A_1209 = arith.constant 0 : i32
              %lt3A_1210 = arith.cmpi slt, %select_n3A_1200, %lt3A_1209 : i32
              %ne3A_1211 = vector.broadcast %lt3A_1210 : i1 to vector<16xi1>
              %ne3A_1212 = vector.broadcast %ne3A_1211 : vector<16xi1> to vector<16xi1>
              %ne3A_1213 = arith.xori %lt3A_1208, %ne3A_1212 : vector<16xi1>
              %and3A_1214 = arith.andi %ne3A_1213, %ne3A_1205 : vector<16xi1>
              %add3A_1215 = vector.broadcast %select_n3A_1200 : i32 to vector<16xi32>
              %add3A_1216 = arith.addi %rem3A_1202, %add3A_1215 : vector<16xi32>
              %select_n3A_1217 = arith.select %and3A_1214, %add3A_1216, %rem3A_1202 : vector<16xi1>, vector<16xi32>
              %lt3A_1218 = arith.constant 0 : i32
              %lt3A_1219 = vector.broadcast %lt3A_1218 : i32 to vector<16xi32>
              %lt3A_1220 = arith.cmpi slt, %select_n3A_1217, %lt3A_1219 : vector<16xi32>
              %add3A_1221 = arith.constant 16 : i32
              %add3A_1222 = vector.broadcast %add3A_1221 : i32 to vector<16xi32>
              %add3A_1223 = arith.addi %select_n3A_1217, %add3A_1222 : vector<16xi32>
              %select_n3A_1224 = arith.select %lt3A_1220, %add3A_1223, %select_n3A_1217 : vector<16xi1>, vector<16xi32>
              %broadcast_in_dim3A_1225 = vector.shape_cast %select_n3A_1224 : vector<16xi32> to vector<16x1xi32>
              %gather3A_1226 = vector.shape_cast %broadcast_in_dim3A_1225 : vector<16x1xi32> to vector<16xi32>
              %gather3A_1227 = tpu.dynamic_gather %add3A_1192[%gather3A_1226] in [0] : vector<16xf32>, vector<16xi32> -> vector<16xf32>
              %add3A_1228 = arith.addf %add3A_1192, %gather3A_1227 : vector<16xf32>
              %add3A_1229 = arith.constant 2 : i32
              %add3A_1230 = vector.broadcast %add3A_1229 : i32 to vector<16xi32>
              %add3A_1231 = arith.addi %iota3A_1156, %add3A_1230 : vector<16xi32>
              %jit3A_1232 = arith.constant 16 : i32
              %eq3A_1233 = arith.constant 0 : i32
              %eq3A_1234 = arith.cmpi eq, %jit3A_1232, %eq3A_1233 : i32
              %jit3A_1235 = arith.constant 1 : i32
              %select_n3A_1236 = arith.select %eq3A_1234, %jit3A_1235, %jit3A_1232 : i32
              %rem3A_1237 = vector.broadcast %select_n3A_1236 : i32 to vector<16xi32>
              %rem3A_1238 = arith.remsi %add3A_1231, %rem3A_1237 : vector<16xi32>
              %ne3A_1239 = arith.constant 0 : i32
              %ne3A_1240 = vector.broadcast %ne3A_1239 : i32 to vector<16xi32>
              %ne3A_1241 = arith.cmpi ne, %rem3A_1238, %ne3A_1240 : vector<16xi32>
              %lt3A_1242 = arith.constant 0 : i32
              %lt3A_1243 = vector.broadcast %lt3A_1242 : i32 to vector<16xi32>
              %lt3A_1244 = arith.cmpi slt, %rem3A_1238, %lt3A_1243 : vector<16xi32>
              %lt3A_1245 = arith.constant 0 : i32
              %lt3A_1246 = arith.cmpi slt, %select_n3A_1236, %lt3A_1245 : i32
              %ne3A_1247 = vector.broadcast %lt3A_1246 : i1 to vector<16xi1>
              %ne3A_1248 = vector.broadcast %ne3A_1247 : vector<16xi1> to vector<16xi1>
              %ne3A_1249 = arith.xori %lt3A_1244, %ne3A_1248 : vector<16xi1>
              %and3A_1250 = arith.andi %ne3A_1249, %ne3A_1241 : vector<16xi1>
              %add3A_1251 = vector.broadcast %select_n3A_1236 : i32 to vector<16xi32>
              %add3A_1252 = arith.addi %rem3A_1238, %add3A_1251 : vector<16xi32>
              %select_n3A_1253 = arith.select %and3A_1250, %add3A_1252, %rem3A_1238 : vector<16xi1>, vector<16xi32>
              %lt3A_1254 = arith.constant 0 : i32
              %lt3A_1255 = vector.broadcast %lt3A_1254 : i32 to vector<16xi32>
              %lt3A_1256 = arith.cmpi slt, %select_n3A_1253, %lt3A_1255 : vector<16xi32>
              %add3A_1257 = arith.constant 16 : i32
              %add3A_1258 = vector.broadcast %add3A_1257 : i32 to vector<16xi32>
              %add3A_1259 = arith.addi %select_n3A_1253, %add3A_1258 : vector<16xi32>
              %select_n3A_1260 = arith.select %lt3A_1256, %add3A_1259, %select_n3A_1253 : vector<16xi1>, vector<16xi32>
              %broadcast_in_dim3A_1261 = vector.shape_cast %select_n3A_1260 : vector<16xi32> to vector<16x1xi32>
              %gather3A_1262 = vector.shape_cast %broadcast_in_dim3A_1261 : vector<16x1xi32> to vector<16xi32>
              %gather3A_1263 = tpu.dynamic_gather %add3A_1228[%gather3A_1262] in [0] : vector<16xf32>, vector<16xi32> -> vector<16xf32>
              %add3A_1264 = arith.addf %add3A_1228, %gather3A_1263 : vector<16xf32>
              %add3A_1265 = arith.constant 1 : i32
              %add3A_1266 = vector.broadcast %add3A_1265 : i32 to vector<16xi32>
              %add3A_1267 = arith.addi %iota3A_1156, %add3A_1266 : vector<16xi32>
              %jit3A_1268 = arith.constant 16 : i32
              %eq3A_1269 = arith.constant 0 : i32
              %eq3A_1270 = arith.cmpi eq, %jit3A_1268, %eq3A_1269 : i32
              %jit3A_1271 = arith.constant 1 : i32
              %select_n3A_1272 = arith.select %eq3A_1270, %jit3A_1271, %jit3A_1268 : i32
              %rem3A_1273 = vector.broadcast %select_n3A_1272 : i32 to vector<16xi32>
              %rem3A_1274 = arith.remsi %add3A_1267, %rem3A_1273 : vector<16xi32>
              %ne3A_1275 = arith.constant 0 : i32
              %ne3A_1276 = vector.broadcast %ne3A_1275 : i32 to vector<16xi32>
              %ne3A_1277 = arith.cmpi ne, %rem3A_1274, %ne3A_1276 : vector<16xi32>
              %lt3A_1278 = arith.constant 0 : i32
              %lt3A_1279 = vector.broadcast %lt3A_1278 : i32 to vector<16xi32>
              %lt3A_1280 = arith.cmpi slt, %rem3A_1274, %lt3A_1279 : vector<16xi32>
              %lt3A_1281 = arith.constant 0 : i32
              %lt3A_1282 = arith.cmpi slt, %select_n3A_1272, %lt3A_1281 : i32
              %ne3A_1283 = vector.broadcast %lt3A_1282 : i1 to vector<16xi1>
              %ne3A_1284 = vector.broadcast %ne3A_1283 : vector<16xi1> to vector<16xi1>
              %ne3A_1285 = arith.xori %lt3A_1280, %ne3A_1284 : vector<16xi1>
              %and3A_1286 = arith.andi %ne3A_1285, %ne3A_1277 : vector<16xi1>
              %add3A_1287 = vector.broadcast %select_n3A_1272 : i32 to vector<16xi32>
              %add3A_1288 = arith.addi %rem3A_1274, %add3A_1287 : vector<16xi32>
              %select_n3A_1289 = arith.select %and3A_1286, %add3A_1288, %rem3A_1274 : vector<16xi1>, vector<16xi32>
              %lt3A_1290 = arith.constant 0 : i32
              %lt3A_1291 = vector.broadcast %lt3A_1290 : i32 to vector<16xi32>
              %lt3A_1292 = arith.cmpi slt, %select_n3A_1289, %lt3A_1291 : vector<16xi32>
              %add3A_1293 = arith.constant 16 : i32
              %add3A_1294 = vector.broadcast %add3A_1293 : i32 to vector<16xi32>
              %add3A_1295 = arith.addi %select_n3A_1289, %add3A_1294 : vector<16xi32>
              %select_n3A_1296 = arith.select %lt3A_1292, %add3A_1295, %select_n3A_1289 : vector<16xi1>, vector<16xi32>
              %broadcast_in_dim3A_1297 = vector.shape_cast %select_n3A_1296 : vector<16xi32> to vector<16x1xi32>
              %gather3A_1298 = vector.shape_cast %broadcast_in_dim3A_1297 : vector<16x1xi32> to vector<16xi32>
              %gather3A_1299 = tpu.dynamic_gather %add3A_1264[%gather3A_1298] in [0] : vector<16xf32>, vector<16xi32> -> vector<16xf32>
              %add3A_1300 = arith.addf %add3A_1264, %gather3A_1299 : vector<16xf32>
              %eq3A_1301 = arith.constant 2 : i32
              %eq3A_1302 = vector.broadcast %eq3A_1301 : i32 to vector<16xi32>
              %eq3A_1303 = arith.cmpi eq, %iota3A, %eq3A_1302 : vector<16xi32>
              %select_n3A_1304 = arith.select %eq3A_1303, %add3A_1300, %select_n3A_913 : vector<16xi1>, vector<16xf32>
              %broadcast_in_dim3A_1305 = arith.constant 0.000000e+00 : f32
              %broadcast_in_dim3A_1306 = vector.broadcast %broadcast_in_dim3A_1305 : f32 to vector<16xf32>
              %get3A_1307 = arith.index_cast %scan3A_118 : i32 to index
              %get3A_1308 = arith.constant 384 : index
              %get3A_1309 = tpu.vector_load %arg13[%get3A_1307, %get3A_1308] {strides = array<i32>} : memref<64x512xf32, #tpu.memory_space<vmem>>, vector<1x16xf32>,
              %get3A_1310 = vector.shape_cast %get3A_1309 : vector<1x16xf32> to vector<16xf32>
              %add3A_1311 = arith.constant 384 : i32
              %add3A_1312 = arith.addi %mul3A_133, %add3A_1311 : i32
              %get3A_1313 = arith.index_cast %add3A_1312 : i32 to index
              %get3A_1314 = tpu.vector_load %arg12[%get3A_1313] {strides = array<i32>} : memref<20480xf32, #tpu.memory_space<vmem>>, vector<16xf32>,
              %get3A_1315 = vector.shape_cast %get3A_1314 : vector<16xf32> to vector<16xf32>
              %add3A_1316 = arith.addf %get3A_1310, %get3A_1315 : vector<16xf32>
              %mul3A_1317 = arith.constant 512 : i32
              %mul3A_1318 = arith.muli %scan3A_118, %mul3A_1317 : i32
              %add3A_1319 = arith.constant 384 : i32
              %add3A_1320 = arith.addi %mul3A_1318, %add3A_1319 : i32
              %get3A_1321 = arith.index_cast %add3A_1320 : i32 to index
              %get3A_1322 = tpu.vector_load %arg14[%get3A_1321] {strides = array<i32>} : memref<32768xf32, #tpu.memory_space<vmem>>, vector<16xf32>,
              %get3A_1323 = vector.shape_cast %get3A_1322 : vector<16xf32> to vector<16xf32>
              %add3A_1324 = arith.addf %add3A_1316, %get3A_1323 : vector<16xf32>
              %gt3A_1325 = arith.constant 0.000000e+00 : f32
              %gt3A_1326 = vector.broadcast %gt3A_1325 : f32 to vector<16xf32>
              %gt3A_1327 = arith.cmpf ogt, %add3A_1324, %gt3A_1326 : vector<16xf32>
              %mul3A_1328 = arith.constant 2.000000e-01 : f32
              %mul3A_1329 = vector.broadcast %mul3A_1328 : f32 to vector<16xf32>
              %mul3A_1330 = arith.mulf %add3A_1324, %mul3A_1329 : vector<16xf32>
              %select_n3A_1331 = arith.select %gt3A_1327, %add3A_1324, %mul3A_1330 : vector<16xi1>, vector<16xf32>
              %get3A_1332 = arith.constant 384 : index
              %get3A_1333 = tpu.vector_load %arg19[%get3A_1332] {strides = array<i32>} : memref<512xf32, #tpu.memory_space<vmem>>, vector<16xf32>,
              %get3A_1334 = vector.shape_cast %get3A_1333 : vector<16xf32> to vector<16xf32>
              %mul3A_1335 = arith.mulf %select_n3A_1331, %get3A_1334 : vector<16xf32>
              %add3A_1336 = arith.addf %broadcast_in_dim3A_1306, %mul3A_1335 : vector<16xf32>
              %get3A_1337 = arith.index_cast %scan3A_118 : i32 to index
              %get3A_1338 = arith.constant 400 : index
              %get3A_1339 = tpu.vector_load %arg13[%get3A_1337, %get3A_1338] {strides = array<i32>} : memref<64x512xf32, #tpu.memory_space<vmem>>, vector<1x16xf32>,
              %get3A_1340 = vector.shape_cast %get3A_1339 : vector<1x16xf32> to vector<16xf32>
              %add3A_1341 = arith.constant 400 : i32
              %add3A_1342 = arith.addi %mul3A_133, %add3A_1341 : i32
              %get3A_1343 = arith.index_cast %add3A_1342 : i32 to index
              %get3A_1344 = tpu.vector_load %arg12[%get3A_1343] {strides = array<i32>} : memref<20480xf32, #tpu.memory_space<vmem>>, vector<16xf32>,
              %get3A_1345 = vector.shape_cast %get3A_1344 : vector<16xf32> to vector<16xf32>
              %add3A_1346 = arith.addf %get3A_1340, %get3A_1345 : vector<16xf32>
              %mul3A_1347 = arith.constant 512 : i32
              %mul3A_1348 = arith.muli %scan3A_118, %mul3A_1347 : i32
              %add3A_1349 = arith.constant 400 : i32
              %add3A_1350 = arith.addi %mul3A_1348, %add3A_1349 : i32
              %get3A_1351 = arith.index_cast %add3A_1350 : i32 to index
              %get3A_1352 = tpu.vector_load %arg14[%get3A_1351] {strides = array<i32>} : memref<32768xf32, #tpu.memory_space<vmem>>, vector<16xf32>,
              %get3A_1353 = vector.shape_cast %get3A_1352 : vector<16xf32> to vector<16xf32>
              %add3A_1354 = arith.addf %add3A_1346, %get3A_1353 : vector<16xf32>
              %gt3A_1355 = arith.constant 0.000000e+00 : f32
              %gt3A_1356 = vector.broadcast %gt3A_1355 : f32 to vector<16xf32>
              %gt3A_1357 = arith.cmpf ogt, %add3A_1354, %gt3A_1356 : vector<16xf32>
              %mul3A_1358 = arith.constant 2.000000e-01 : f32
              %mul3A_1359 = vector.broadcast %mul3A_1358 : f32 to vector<16xf32>
              %mul3A_1360 = arith.mulf %add3A_1354, %mul3A_1359 : vector<16xf32>
              %select_n3A_1361 = arith.select %gt3A_1357, %add3A_1354, %mul3A_1360 : vector<16xi1>, vector<16xf32>
              %get3A_1362 = arith.constant 400 : index
              %get3A_1363 = tpu.vector_load %arg19[%get3A_1362] {strides = array<i32>} : memref<512xf32, #tpu.memory_space<vmem>>, vector<16xf32>,
              %get3A_1364 = vector.shape_cast %get3A_1363 : vector<16xf32> to vector<16xf32>
              %mul3A_1365 = arith.mulf %select_n3A_1361, %get3A_1364 : vector<16xf32>
              %add3A_1366 = arith.addf %add3A_1336, %mul3A_1365 : vector<16xf32>
              %get3A_1367 = arith.index_cast %scan3A_118 : i32 to index
              %get3A_1368 = arith.constant 416 : index
              %get3A_1369 = tpu.vector_load %arg13[%get3A_1367, %get3A_1368] {strides = array<i32>} : memref<64x512xf32, #tpu.memory_space<vmem>>, vector<1x16xf32>,
              %get3A_1370 = vector.shape_cast %get3A_1369 : vector<1x16xf32> to vector<16xf32>
              %add3A_1371 = arith.constant 416 : i32
              %add3A_1372 = arith.addi %mul3A_133, %add3A_1371 : i32
              %get3A_1373 = arith.index_cast %add3A_1372 : i32 to index
              %get3A_1374 = tpu.vector_load %arg12[%get3A_1373] {strides = array<i32>} : memref<20480xf32, #tpu.memory_space<vmem>>, vector<16xf32>,
              %get3A_1375 = vector.shape_cast %get3A_1374 : vector<16xf32> to vector<16xf32>
              %add3A_1376 = arith.addf %get3A_1370, %get3A_1375 : vector<16xf32>
              %mul3A_1377 = arith.constant 512 : i32
              %mul3A_1378 = arith.muli %scan3A_118, %mul3A_1377 : i32
              %add3A_1379 = arith.constant 416 : i32
              %add3A_1380 = arith.addi %mul3A_1378, %add3A_1379 : i32
              %get3A_1381 = arith.index_cast %add3A_1380 : i32 to index
              %get3A_1382 = tpu.vector_load %arg14[%get3A_1381] {strides = array<i32>} : memref<32768xf32, #tpu.memory_space<vmem>>, vector<16xf32>,
              %get3A_1383 = vector.shape_cast %get3A_1382 : vector<16xf32> to vector<16xf32>
              %add3A_1384 = arith.addf %add3A_1376, %get3A_1383 : vector<16xf32>
              %gt3A_1385 = arith.constant 0.000000e+00 : f32
              %gt3A_1386 = vector.broadcast %gt3A_1385 : f32 to vector<16xf32>
              %gt3A_1387 = arith.cmpf ogt, %add3A_1384, %gt3A_1386 : vector<16xf32>
              %mul3A_1388 = arith.constant 2.000000e-01 : f32
              %mul3A_1389 = vector.broadcast %mul3A_1388 : f32 to vector<16xf32>
              %mul3A_1390 = arith.mulf %add3A_1384, %mul3A_1389 : vector<16xf32>
              %select_n3A_1391 = arith.select %gt3A_1387, %add3A_1384, %mul3A_1390 : vector<16xi1>, vector<16xf32>
              %get3A_1392 = arith.constant 416 : index
              %get3A_1393 = tpu.vector_load %arg19[%get3A_1392] {strides = array<i32>} : memref<512xf32, #tpu.memory_space<vmem>>, vector<16xf32>,
              %get3A_1394 = vector.shape_cast %get3A_1393 : vector<16xf32> to vector<16xf32>
              %mul3A_1395 = arith.mulf %select_n3A_1391, %get3A_1394 : vector<16xf32>
              %add3A_1396 = arith.addf %add3A_1366, %mul3A_1395 : vector<16xf32>
              %get3A_1397 = arith.index_cast %scan3A_118 : i32 to index
              %get3A_1398 = arith.constant 432 : index
              %get3A_1399 = tpu.vector_load %arg13[%get3A_1397, %get3A_1398] {strides = array<i32>} : memref<64x512xf32, #tpu.memory_space<vmem>>, vector<1x16xf32>,
              %get3A_1400 = vector.shape_cast %get3A_1399 : vector<1x16xf32> to vector<16xf32>
              %add3A_1401 = arith.constant 432 : i32
              %add3A_1402 = arith.addi %mul3A_133, %add3A_1401 : i32
              %get3A_1403 = arith.index_cast %add3A_1402 : i32 to index
              %get3A_1404 = tpu.vector_load %arg12[%get3A_1403] {strides = array<i32>} : memref<20480xf32, #tpu.memory_space<vmem>>, vector<16xf32>,
              %get3A_1405 = vector.shape_cast %get3A_1404 : vector<16xf32> to vector<16xf32>
              %add3A_1406 = arith.addf %get3A_1400, %get3A_1405 : vector<16xf32>
              %mul3A_1407 = arith.constant 512 : i32
              %mul3A_1408 = arith.muli %scan3A_118, %mul3A_1407 : i32
              %add3A_1409 = arith.constant 432 : i32
              %add3A_1410 = arith.addi %mul3A_1408, %add3A_1409 : i32
              %get3A_1411 = arith.index_cast %add3A_1410 : i32 to index
              %get3A_1412 = tpu.vector_load %arg14[%get3A_1411] {strides = array<i32>} : memref<32768xf32, #tpu.memory_space<vmem>>, vector<16xf32>,
              %get3A_1413 = vector.shape_cast %get3A_1412 : vector<16xf32> to vector<16xf32>
              %add3A_1414 = arith.addf %add3A_1406, %get3A_1413 : vector<16xf32>
              %gt3A_1415 = arith.constant 0.000000e+00 : f32
              %gt3A_1416 = vector.broadcast %gt3A_1415 : f32 to vector<16xf32>
              %gt3A_1417 = arith.cmpf ogt, %add3A_1414, %gt3A_1416 : vector<16xf32>
              %mul3A_1418 = arith.constant 2.000000e-01 : f32
              %mul3A_1419 = vector.broadcast %mul3A_1418 : f32 to vector<16xf32>
              %mul3A_1420 = arith.mulf %add3A_1414, %mul3A_1419 : vector<16xf32>
              %select_n3A_1421 = arith.select %gt3A_1417, %add3A_1414, %mul3A_1420 : vector<16xi1>, vector<16xf32>
              %get3A_1422 = arith.constant 432 : index
              %get3A_1423 = tpu.vector_load %arg19[%get3A_1422] {strides = array<i32>} : memref<512xf32, #tpu.memory_space<vmem>>, vector<16xf32>,
              %get3A_1424 = vector.shape_cast %get3A_1423 : vector<16xf32> to vector<16xf32>
              %mul3A_1425 = arith.mulf %select_n3A_1421, %get3A_1424 : vector<16xf32>
              %add3A_1426 = arith.addf %add3A_1396, %mul3A_1425 : vector<16xf32>
              %get3A_1427 = arith.index_cast %scan3A_118 : i32 to index
              %get3A_1428 = arith.constant 448 : index
              %get3A_1429 = tpu.vector_load %arg13[%get3A_1427, %get3A_1428] {strides = array<i32>} : memref<64x512xf32, #tpu.memory_space<vmem>>, vector<1x16xf32>,
              %get3A_1430 = vector.shape_cast %get3A_1429 : vector<1x16xf32> to vector<16xf32>
              %add3A_1431 = arith.constant 448 : i32
              %add3A_1432 = arith.addi %mul3A_133, %add3A_1431 : i32
              %get3A_1433 = arith.index_cast %add3A_1432 : i32 to index
              %get3A_1434 = tpu.vector_load %arg12[%get3A_1433] {strides = array<i32>} : memref<20480xf32, #tpu.memory_space<vmem>>, vector<16xf32>,
              %get3A_1435 = vector.shape_cast %get3A_1434 : vector<16xf32> to vector<16xf32>
              %add3A_1436 = arith.addf %get3A_1430, %get3A_1435 : vector<16xf32>
              %mul3A_1437 = arith.constant 512 : i32
              %mul3A_1438 = arith.muli %scan3A_118, %mul3A_1437 : i32
              %add3A_1439 = arith.constant 448 : i32
              %add3A_1440 = arith.addi %mul3A_1438, %add3A_1439 : i32
              %get3A_1441 = arith.index_cast %add3A_1440 : i32 to index
              %get3A_1442 = tpu.vector_load %arg14[%get3A_1441] {strides = array<i32>} : memref<32768xf32, #tpu.memory_space<vmem>>, vector<16xf32>,
              %get3A_1443 = vector.shape_cast %get3A_1442 : vector<16xf32> to vector<16xf32>
              %add3A_1444 = arith.addf %add3A_1436, %get3A_1443 : vector<16xf32>
              %gt3A_1445 = arith.constant 0.000000e+00 : f32
              %gt3A_1446 = vector.broadcast %gt3A_1445 : f32 to vector<16xf32>
              %gt3A_1447 = arith.cmpf ogt, %add3A_1444, %gt3A_1446 : vector<16xf32>
              %mul3A_1448 = arith.constant 2.000000e-01 : f32
              %mul3A_1449 = vector.broadcast %mul3A_1448 : f32 to vector<16xf32>
              %mul3A_1450 = arith.mulf %add3A_1444, %mul3A_1449 : vector<16xf32>
              %select_n3A_1451 = arith.select %gt3A_1447, %add3A_1444, %mul3A_1450 : vector<16xi1>, vector<16xf32>
              %get3A_1452 = arith.constant 448 : index
              %get3A_1453 = tpu.vector_load %arg19[%get3A_1452] {strides = array<i32>} : memref<512xf32, #tpu.memory_space<vmem>>, vector<16xf32>,
              %get3A_1454 = vector.shape_cast %get3A_1453 : vector<16xf32> to vector<16xf32>
              %mul3A_1455 = arith.mulf %select_n3A_1451, %get3A_1454 : vector<16xf32>
              %add3A_1456 = arith.addf %add3A_1426, %mul3A_1455 : vector<16xf32>
              %get3A_1457 = arith.index_cast %scan3A_118 : i32 to index
              %get3A_1458 = arith.constant 464 : index
              %get3A_1459 = tpu.vector_load %arg13[%get3A_1457, %get3A_1458] {strides = array<i32>} : memref<64x512xf32, #tpu.memory_space<vmem>>, vector<1x16xf32>,
              %get3A_1460 = vector.shape_cast %get3A_1459 : vector<1x16xf32> to vector<16xf32>
              %add3A_1461 = arith.constant 464 : i32
              %add3A_1462 = arith.addi %mul3A_133, %add3A_1461 : i32
              %get3A_1463 = arith.index_cast %add3A_1462 : i32 to index
              %get3A_1464 = tpu.vector_load %arg12[%get3A_1463] {strides = array<i32>} : memref<20480xf32, #tpu.memory_space<vmem>>, vector<16xf32>,
              %get3A_1465 = vector.shape_cast %get3A_1464 : vector<16xf32> to vector<16xf32>
              %add3A_1466 = arith.addf %get3A_1460, %get3A_1465 : vector<16xf32>
              %mul3A_1467 = arith.constant 512 : i32
              %mul3A_1468 = arith.muli %scan3A_118, %mul3A_1467 : i32
              %add3A_1469 = arith.constant 464 : i32
              %add3A_1470 = arith.addi %mul3A_1468, %add3A_1469 : i32
              %get3A_1471 = arith.index_cast %add3A_1470 : i32 to index
              %get3A_1472 = tpu.vector_load %arg14[%get3A_1471] {strides = array<i32>} : memref<32768xf32, #tpu.memory_space<vmem>>, vector<16xf32>,
              %get3A_1473 = vector.shape_cast %get3A_1472 : vector<16xf32> to vector<16xf32>
              %add3A_1474 = arith.addf %add3A_1466, %get3A_1473 : vector<16xf32>
              %gt3A_1475 = arith.constant 0.000000e+00 : f32
              %gt3A_1476 = vector.broadcast %gt3A_1475 : f32 to vector<16xf32>
              %gt3A_1477 = arith.cmpf ogt, %add3A_1474, %gt3A_1476 : vector<16xf32>
              %mul3A_1478 = arith.constant 2.000000e-01 : f32
              %mul3A_1479 = vector.broadcast %mul3A_1478 : f32 to vector<16xf32>
              %mul3A_1480 = arith.mulf %add3A_1474, %mul3A_1479 : vector<16xf32>
              %select_n3A_1481 = arith.select %gt3A_1477, %add3A_1474, %mul3A_1480 : vector<16xi1>, vector<16xf32>
              %get3A_1482 = arith.constant 464 : index
              %get3A_1483 = tpu.vector_load %arg19[%get3A_1482] {strides = array<i32>} : memref<512xf32, #tpu.memory_space<vmem>>, vector<16xf32>,
              %get3A_1484 = vector.shape_cast %get3A_1483 : vector<16xf32> to vector<16xf32>
              %mul3A_1485 = arith.mulf %select_n3A_1481, %get3A_1484 : vector<16xf32>
              %add3A_1486 = arith.addf %add3A_1456, %mul3A_1485 : vector<16xf32>
              %get3A_1487 = arith.index_cast %scan3A_118 : i32 to index
              %get3A_1488 = arith.constant 480 : index
              %get3A_1489 = tpu.vector_load %arg13[%get3A_1487, %get3A_1488] {strides = array<i32>} : memref<64x512xf32, #tpu.memory_space<vmem>>, vector<1x16xf32>,
              %get3A_1490 = vector.shape_cast %get3A_1489 : vector<1x16xf32> to vector<16xf32>
              %add3A_1491 = arith.constant 480 : i32
              %add3A_1492 = arith.addi %mul3A_133, %add3A_1491 : i32
              %get3A_1493 = arith.index_cast %add3A_1492 : i32 to index
              %get3A_1494 = tpu.vector_load %arg12[%get3A_1493] {strides = array<i32>} : memref<20480xf32, #tpu.memory_space<vmem>>, vector<16xf32>,
              %get3A_1495 = vector.shape_cast %get3A_1494 : vector<16xf32> to vector<16xf32>
              %add3A_1496 = arith.addf %get3A_1490, %get3A_1495 : vector<16xf32>
              %mul3A_1497 = arith.constant 512 : i32
              %mul3A_1498 = arith.muli %scan3A_118, %mul3A_1497 : i32
              %add3A_1499 = arith.constant 480 : i32
              %add3A_1500 = arith.addi %mul3A_1498, %add3A_1499 : i32
              %get3A_1501 = arith.index_cast %add3A_1500 : i32 to index
              %get3A_1502 = tpu.vector_load %arg14[%get3A_1501] {strides = array<i32>} : memref<32768xf32, #tpu.memory_space<vmem>>, vector<16xf32>,
              %get3A_1503 = vector.shape_cast %get3A_1502 : vector<16xf32> to vector<16xf32>
              %add3A_1504 = arith.addf %add3A_1496, %get3A_1503 : vector<16xf32>
              %gt3A_1505 = arith.constant 0.000000e+00 : f32
              %gt3A_1506 = vector.broadcast %gt3A_1505 : f32 to vector<16xf32>
              %gt3A_1507 = arith.cmpf ogt, %add3A_1504, %gt3A_1506 : vector<16xf32>
              %mul3A_1508 = arith.constant 2.000000e-01 : f32
              %mul3A_1509 = vector.broadcast %mul3A_1508 : f32 to vector<16xf32>
              %mul3A_1510 = arith.mulf %add3A_1504, %mul3A_1509 : vector<16xf32>
              %select_n3A_1511 = arith.select %gt3A_1507, %add3A_1504, %mul3A_1510 : vector<16xi1>, vector<16xf32>
              %get3A_1512 = arith.constant 480 : index
              %get3A_1513 = tpu.vector_load %arg19[%get3A_1512] {strides = array<i32>} : memref<512xf32, #tpu.memory_space<vmem>>, vector<16xf32>,
              %get3A_1514 = vector.shape_cast %get3A_1513 : vector<16xf32> to vector<16xf32>
              %mul3A_1515 = arith.mulf %select_n3A_1511, %get3A_1514 : vector<16xf32>
              %add3A_1516 = arith.addf %add3A_1486, %mul3A_1515 : vector<16xf32>
              %get3A_1517 = arith.index_cast %scan3A_118 : i32 to index
              %get3A_1518 = arith.constant 496 : index
              %get3A_1519 = tpu.vector_load %arg13[%get3A_1517, %get3A_1518] {strides = array<i32>} : memref<64x512xf32, #tpu.memory_space<vmem>>, vector<1x16xf32>,
              %get3A_1520 = vector.shape_cast %get3A_1519 : vector<1x16xf32> to vector<16xf32>
              %add3A_1521 = arith.constant 496 : i32
              %add3A_1522 = arith.addi %mul3A_133, %add3A_1521 : i32
              %get3A_1523 = arith.index_cast %add3A_1522 : i32 to index
              %get3A_1524 = tpu.vector_load %arg12[%get3A_1523] {strides = array<i32>} : memref<20480xf32, #tpu.memory_space<vmem>>, vector<16xf32>,
              %get3A_1525 = vector.shape_cast %get3A_1524 : vector<16xf32> to vector<16xf32>
              %add3A_1526 = arith.addf %get3A_1520, %get3A_1525 : vector<16xf32>
              %mul3A_1527 = arith.constant 512 : i32
              %mul3A_1528 = arith.muli %scan3A_118, %mul3A_1527 : i32
              %add3A_1529 = arith.constant 496 : i32
              %add3A_1530 = arith.addi %mul3A_1528, %add3A_1529 : i32
              %get3A_1531 = arith.index_cast %add3A_1530 : i32 to index
              %get3A_1532 = tpu.vector_load %arg14[%get3A_1531] {strides = array<i32>} : memref<32768xf32, #tpu.memory_space<vmem>>, vector<16xf32>,
              %get3A_1533 = vector.shape_cast %get3A_1532 : vector<16xf32> to vector<16xf32>
              %add3A_1534 = arith.addf %add3A_1526, %get3A_1533 : vector<16xf32>
              %gt3A_1535 = arith.constant 0.000000e+00 : f32
              %gt3A_1536 = vector.broadcast %gt3A_1535 : f32 to vector<16xf32>
              %gt3A_1537 = arith.cmpf ogt, %add3A_1534, %gt3A_1536 : vector<16xf32>
              %mul3A_1538 = arith.constant 2.000000e-01 : f32
              %mul3A_1539 = vector.broadcast %mul3A_1538 : f32 to vector<16xf32>
              %mul3A_1540 = arith.mulf %add3A_1534, %mul3A_1539 : vector<16xf32>
              %select_n3A_1541 = arith.select %gt3A_1537, %add3A_1534, %mul3A_1540 : vector<16xi1>, vector<16xf32>
              %get3A_1542 = arith.constant 496 : index
              %get3A_1543 = tpu.vector_load %arg19[%get3A_1542] {strides = array<i32>} : memref<512xf32, #tpu.memory_space<vmem>>, vector<16xf32>,
              %get3A_1544 = vector.shape_cast %get3A_1543 : vector<16xf32> to vector<16xf32>
              %mul3A_1545 = arith.mulf %select_n3A_1541, %get3A_1544 : vector<16xf32>
              %add3A_1546 = arith.addf %add3A_1516, %mul3A_1545 : vector<16xf32>
              %iota3A_1547 = tpu.iota {dimensions = array<i32: 0>} : vector<16xi32>
              %add3A_1548 = arith.constant 8 : i32
              %add3A_1549 = vector.broadcast %add3A_1548 : i32 to vector<16xi32>
              %add3A_1550 = arith.addi %iota3A_1547, %add3A_1549 : vector<16xi32>
              %jit3A_1551 = arith.constant 16 : i32
              %eq3A_1552 = arith.constant 0 : i32
              %eq3A_1553 = arith.cmpi eq, %jit3A_1551, %eq3A_1552 : i32
              %jit3A_1554 = arith.constant 1 : i32
              %select_n3A_1555 = arith.select %eq3A_1553, %jit3A_1554, %jit3A_1551 : i32
              %rem3A_1556 = vector.broadcast %select_n3A_1555 : i32 to vector<16xi32>
              %rem3A_1557 = arith.remsi %add3A_1550, %rem3A_1556 : vector<16xi32>
              %ne3A_1558 = arith.constant 0 : i32
              %ne3A_1559 = vector.broadcast %ne3A_1558 : i32 to vector<16xi32>
              %ne3A_1560 = arith.cmpi ne, %rem3A_1557, %ne3A_1559 : vector<16xi32>
              %lt3A_1561 = arith.constant 0 : i32
              %lt3A_1562 = vector.broadcast %lt3A_1561 : i32 to vector<16xi32>
              %lt3A_1563 = arith.cmpi slt, %rem3A_1557, %lt3A_1562 : vector<16xi32>
              %lt3A_1564 = arith.constant 0 : i32
              %lt3A_1565 = arith.cmpi slt, %select_n3A_1555, %lt3A_1564 : i32
              %ne3A_1566 = vector.broadcast %lt3A_1565 : i1 to vector<16xi1>
              %ne3A_1567 = vector.broadcast %ne3A_1566 : vector<16xi1> to vector<16xi1>
              %ne3A_1568 = arith.xori %lt3A_1563, %ne3A_1567 : vector<16xi1>
              %and3A_1569 = arith.andi %ne3A_1568, %ne3A_1560 : vector<16xi1>
              %add3A_1570 = vector.broadcast %select_n3A_1555 : i32 to vector<16xi32>
              %add3A_1571 = arith.addi %rem3A_1557, %add3A_1570 : vector<16xi32>
              %select_n3A_1572 = arith.select %and3A_1569, %add3A_1571, %rem3A_1557 : vector<16xi1>, vector<16xi32>
              %lt3A_1573 = arith.constant 0 : i32
              %lt3A_1574 = vector.broadcast %lt3A_1573 : i32 to vector<16xi32>
              %lt3A_1575 = arith.cmpi slt, %select_n3A_1572, %lt3A_1574 : vector<16xi32>
              %add3A_1576 = arith.constant 16 : i32
              %add3A_1577 = vector.broadcast %add3A_1576 : i32 to vector<16xi32>
              %add3A_1578 = arith.addi %select_n3A_1572, %add3A_1577 : vector<16xi32>
              %select_n3A_1579 = arith.select %lt3A_1575, %add3A_1578, %select_n3A_1572 : vector<16xi1>, vector<16xi32>
              %broadcast_in_dim3A_1580 = vector.shape_cast %select_n3A_1579 : vector<16xi32> to vector<16x1xi32>
              %gather3A_1581 = vector.shape_cast %broadcast_in_dim3A_1580 : vector<16x1xi32> to vector<16xi32>
              %gather3A_1582 = tpu.dynamic_gather %add3A_1546[%gather3A_1581] in [0] : vector<16xf32>, vector<16xi32> -> vector<16xf32>
              %add3A_1583 = arith.addf %add3A_1546, %gather3A_1582 : vector<16xf32>
              %add3A_1584 = arith.constant 4 : i32
              %add3A_1585 = vector.broadcast %add3A_1584 : i32 to vector<16xi32>
              %add3A_1586 = arith.addi %iota3A_1547, %add3A_1585 : vector<16xi32>
              %jit3A_1587 = arith.constant 16 : i32
              %eq3A_1588 = arith.constant 0 : i32
              %eq3A_1589 = arith.cmpi eq, %jit3A_1587, %eq3A_1588 : i32
              %jit3A_1590 = arith.constant 1 : i32
              %select_n3A_1591 = arith.select %eq3A_1589, %jit3A_1590, %jit3A_1587 : i32
              %rem3A_1592 = vector.broadcast %select_n3A_1591 : i32 to vector<16xi32>
              %rem3A_1593 = arith.remsi %add3A_1586, %rem3A_1592 : vector<16xi32>
              %ne3A_1594 = arith.constant 0 : i32
              %ne3A_1595 = vector.broadcast %ne3A_1594 : i32 to vector<16xi32>
              %ne3A_1596 = arith.cmpi ne, %rem3A_1593, %ne3A_1595 : vector<16xi32>
              %lt3A_1597 = arith.constant 0 : i32
              %lt3A_1598 = vector.broadcast %lt3A_1597 : i32 to vector<16xi32>
              %lt3A_1599 = arith.cmpi slt, %rem3A_1593, %lt3A_1598 : vector<16xi32>
              %lt3A_1600 = arith.constant 0 : i32
              %lt3A_1601 = arith.cmpi slt, %select_n3A_1591, %lt3A_1600 : i32
              %ne3A_1602 = vector.broadcast %lt3A_1601 : i1 to vector<16xi1>
              %ne3A_1603 = vector.broadcast %ne3A_1602 : vector<16xi1> to vector<16xi1>
              %ne3A_1604 = arith.xori %lt3A_1599, %ne3A_1603 : vector<16xi1>
              %and3A_1605 = arith.andi %ne3A_1604, %ne3A_1596 : vector<16xi1>
              %add3A_1606 = vector.broadcast %select_n3A_1591 : i32 to vector<16xi32>
              %add3A_1607 = arith.addi %rem3A_1593, %add3A_1606 : vector<16xi32>
              %select_n3A_1608 = arith.select %and3A_1605, %add3A_1607, %rem3A_1593 : vector<16xi1>, vector<16xi32>
              %lt3A_1609 = arith.constant 0 : i32
              %lt3A_1610 = vector.broadcast %lt3A_1609 : i32 to vector<16xi32>
              %lt3A_1611 = arith.cmpi slt, %select_n3A_1608, %lt3A_1610 : vector<16xi32>
              %add3A_1612 = arith.constant 16 : i32
              %add3A_1613 = vector.broadcast %add3A_1612 : i32 to vector<16xi32>
              %add3A_1614 = arith.addi %select_n3A_1608, %add3A_1613 : vector<16xi32>
              %select_n3A_1615 = arith.select %lt3A_1611, %add3A_1614, %select_n3A_1608 : vector<16xi1>, vector<16xi32>
              %broadcast_in_dim3A_1616 = vector.shape_cast %select_n3A_1615 : vector<16xi32> to vector<16x1xi32>
              %gather3A_1617 = vector.shape_cast %broadcast_in_dim3A_1616 : vector<16x1xi32> to vector<16xi32>
              %gather3A_1618 = tpu.dynamic_gather %add3A_1583[%gather3A_1617] in [0] : vector<16xf32>, vector<16xi32> -> vector<16xf32>
              %add3A_1619 = arith.addf %add3A_1583, %gather3A_1618 : vector<16xf32>
              %add3A_1620 = arith.constant 2 : i32
              %add3A_1621 = vector.broadcast %add3A_1620 : i32 to vector<16xi32>
              %add3A_1622 = arith.addi %iota3A_1547, %add3A_1621 : vector<16xi32>
              %jit3A_1623 = arith.constant 16 : i32
              %eq3A_1624 = arith.constant 0 : i32
              %eq3A_1625 = arith.cmpi eq, %jit3A_1623, %eq3A_1624 : i32
              %jit3A_1626 = arith.constant 1 : i32
              %select_n3A_1627 = arith.select %eq3A_1625, %jit3A_1626, %jit3A_1623 : i32
              %rem3A_1628 = vector.broadcast %select_n3A_1627 : i32 to vector<16xi32>
              %rem3A_1629 = arith.remsi %add3A_1622, %rem3A_1628 : vector<16xi32>
              %ne3A_1630 = arith.constant 0 : i32
              %ne3A_1631 = vector.broadcast %ne3A_1630 : i32 to vector<16xi32>
              %ne3A_1632 = arith.cmpi ne, %rem3A_1629, %ne3A_1631 : vector<16xi32>
              %lt3A_1633 = arith.constant 0 : i32
              %lt3A_1634 = vector.broadcast %lt3A_1633 : i32 to vector<16xi32>
              %lt3A_1635 = arith.cmpi slt, %rem3A_1629, %lt3A_1634 : vector<16xi32>
              %lt3A_1636 = arith.constant 0 : i32
              %lt3A_1637 = arith.cmpi slt, %select_n3A_1627, %lt3A_1636 : i32
              %ne3A_1638 = vector.broadcast %lt3A_1637 : i1 to vector<16xi1>
              %ne3A_1639 = vector.broadcast %ne3A_1638 : vector<16xi1> to vector<16xi1>
              %ne3A_1640 = arith.xori %lt3A_1635, %ne3A_1639 : vector<16xi1>
              %and3A_1641 = arith.andi %ne3A_1640, %ne3A_1632 : vector<16xi1>
              %add3A_1642 = vector.broadcast %select_n3A_1627 : i32 to vector<16xi32>
              %add3A_1643 = arith.addi %rem3A_1629, %add3A_1642 : vector<16xi32>
              %select_n3A_1644 = arith.select %and3A_1641, %add3A_1643, %rem3A_1629 : vector<16xi1>, vector<16xi32>
              %lt3A_1645 = arith.constant 0 : i32
              %lt3A_1646 = vector.broadcast %lt3A_1645 : i32 to vector<16xi32>
              %lt3A_1647 = arith.cmpi slt, %select_n3A_1644, %lt3A_1646 : vector<16xi32>
              %add3A_1648 = arith.constant 16 : i32
              %add3A_1649 = vector.broadcast %add3A_1648 : i32 to vector<16xi32>
              %add3A_1650 = arith.addi %select_n3A_1644, %add3A_1649 : vector<16xi32>
              %select_n3A_1651 = arith.select %lt3A_1647, %add3A_1650, %select_n3A_1644 : vector<16xi1>, vector<16xi32>
              %broadcast_in_dim3A_1652 = vector.shape_cast %select_n3A_1651 : vector<16xi32> to vector<16x1xi32>
              %gather3A_1653 = vector.shape_cast %broadcast_in_dim3A_1652 : vector<16x1xi32> to vector<16xi32>
              %gather3A_1654 = tpu.dynamic_gather %add3A_1619[%gather3A_1653] in [0] : vector<16xf32>, vector<16xi32> -> vector<16xf32>
              %add3A_1655 = arith.addf %add3A_1619, %gather3A_1654 : vector<16xf32>
              %add3A_1656 = arith.constant 1 : i32
              %add3A_1657 = vector.broadcast %add3A_1656 : i32 to vector<16xi32>
              %add3A_1658 = arith.addi %iota3A_1547, %add3A_1657 : vector<16xi32>
              %jit3A_1659 = arith.constant 16 : i32
              %eq3A_1660 = arith.constant 0 : i32
              %eq3A_1661 = arith.cmpi eq, %jit3A_1659, %eq3A_1660 : i32
              %jit3A_1662 = arith.constant 1 : i32
              %select_n3A_1663 = arith.select %eq3A_1661, %jit3A_1662, %jit3A_1659 : i32
              %rem3A_1664 = vector.broadcast %select_n3A_1663 : i32 to vector<16xi32>
              %rem3A_1665 = arith.remsi %add3A_1658, %rem3A_1664 : vector<16xi32>
              %ne3A_1666 = arith.constant 0 : i32
              %ne3A_1667 = vector.broadcast %ne3A_1666 : i32 to vector<16xi32>
              %ne3A_1668 = arith.cmpi ne, %rem3A_1665, %ne3A_1667 : vector<16xi32>
              %lt3A_1669 = arith.constant 0 : i32
              %lt3A_1670 = vector.broadcast %lt3A_1669 : i32 to vector<16xi32>
              %lt3A_1671 = arith.cmpi slt, %rem3A_1665, %lt3A_1670 : vector<16xi32>
              %lt3A_1672 = arith.constant 0 : i32
              %lt3A_1673 = arith.cmpi slt, %select_n3A_1663, %lt3A_1672 : i32
              %ne3A_1674 = vector.broadcast %lt3A_1673 : i1 to vector<16xi1>
              %ne3A_1675 = vector.broadcast %ne3A_1674 : vector<16xi1> to vector<16xi1>
              %ne3A_1676 = arith.xori %lt3A_1671, %ne3A_1675 : vector<16xi1>
              %and3A_1677 = arith.andi %ne3A_1676, %ne3A_1668 : vector<16xi1>
              %add3A_1678 = vector.broadcast %select_n3A_1663 : i32 to vector<16xi32>
              %add3A_1679 = arith.addi %rem3A_1665, %add3A_1678 : vector<16xi32>
              %select_n3A_1680 = arith.select %and3A_1677, %add3A_1679, %rem3A_1665 : vector<16xi1>, vector<16xi32>
              %lt3A_1681 = arith.constant 0 : i32
              %lt3A_1682 = vector.broadcast %lt3A_1681 : i32 to vector<16xi32>
              %lt3A_1683 = arith.cmpi slt, %select_n3A_1680, %lt3A_1682 : vector<16xi32>
              %add3A_1684 = arith.constant 16 : i32
              %add3A_1685 = vector.broadcast %add3A_1684 : i32 to vector<16xi32>
              %add3A_1686 = arith.addi %select_n3A_1680, %add3A_1685 : vector<16xi32>
              %select_n3A_1687 = arith.select %lt3A_1683, %add3A_1686, %select_n3A_1680 : vector<16xi1>, vector<16xi32>
              %broadcast_in_dim3A_1688 = vector.shape_cast %select_n3A_1687 : vector<16xi32> to vector<16x1xi32>
              %gather3A_1689 = vector.shape_cast %broadcast_in_dim3A_1688 : vector<16x1xi32> to vector<16xi32>
              %gather3A_1690 = tpu.dynamic_gather %add3A_1655[%gather3A_1689] in [0] : vector<16xf32>, vector<16xi32> -> vector<16xf32>
              %add3A_1691 = arith.addf %add3A_1655, %gather3A_1690 : vector<16xf32>
              %eq3A_1692 = arith.constant 3 : i32
              %eq3A_1693 = vector.broadcast %eq3A_1692 : i32 to vector<16xi32>
              %eq3A_1694 = arith.cmpi eq, %iota3A, %eq3A_1693 : vector<16xi32>
              %select_n3A_1695 = arith.select %eq3A_1694, %add3A_1691, %select_n3A_1304 : vector<16xi1>, vector<16xf32>
              %mul3A_1696 = arith.constant 16 : i32
              %mul3A_1697 = arith.muli %sub3A_124, %mul3A_1696 : i32
              %get3A_1698 = arith.index_cast %mul3A_1697 : i32 to index
              %get3A_1699 = tpu.vector_load %arg15[%get3A_1698] {strides = array<i32>} : memref<640xf32, #tpu.memory_space<vmem>>, vector<16xf32>,
              %get3A_1700 = vector.shape_cast %get3A_1699 : vector<16xf32> to vector<16xf32>
              %max3A_1701 = arith.maximumf %get3A_1700, %select_n3A_1695 : vector<16xf32>
              %sub3A_1702 = arith.subf %get3A_1700, %max3A_1701 : vector<16xf32>
              %exp3A = math.exp %sub3A_1702 : vector<16xf32>
              %sub3A_1703 = arith.subf %select_n3A_1695, %max3A_1701 : vector<16xf32>
              %exp3A_1704 = math.exp %sub3A_1703 : vector<16xf32>
              %mul3A_1705 = arith.constant 16 : i32
              %mul3A_1706 = arith.muli %sub3A_124, %mul3A_1705 : i32
              %get3A_1707 = arith.index_cast %mul3A_1706 : i32 to index
              %get3A_1708 = tpu.vector_load %arg16[%get3A_1707] {strides = array<i32>} : memref<640xf32, #tpu.memory_space<vmem>>, vector<16xf32>,
              %get3A_1709 = vector.shape_cast %get3A_1708 : vector<16xf32> to vector<16xf32>
              %mul3A_1710 = arith.mulf %get3A_1709, %exp3A : vector<16xf32>
              %add3A_1711 = arith.addf %mul3A_1710, %exp3A_1704 : vector<16xf32>
              %mul3A_1712 = arith.constant 16 : i32
              %mul3A_1713 = arith.muli %sub3A_124, %mul3A_1712 : i32
              %swap3A = arith.index_cast %mul3A_1713 : i32 to index
              %swap3A_1714 = tpu.vector_load %arg16[%swap3A] {strides = array<i32>} : memref<640xf32, #tpu.memory_space<vmem>>, vector<16xf32>,
              %swap3A_1715 = vector.shape_cast %swap3A_1714 : vector<16xf32> to vector<16xf32>
              %swap3A_1716 = vector.shape_cast %add3A_1711 : vector<16xf32> to vector<16xf32>
              tpu.vector_store %arg16[%swap3A], %swap3A_1716 {strides = array<i32>} : memref<640xf32, #tpu.memory_space<vmem>>, vector<16xf32>,
              %mul3A_1717 = arith.constant 16 : i32
              %mul3A_1718 = arith.muli %sub3A_124, %mul3A_1717 : i32
              %swap3A_1719 = arith.index_cast %mul3A_1718 : i32 to index
              %swap3A_1720 = tpu.vector_load %arg15[%swap3A_1719] {strides = array<i32>} : memref<640xf32, #tpu.memory_space<vmem>>, vector<16xf32>,
              %swap3A_1721 = vector.shape_cast %swap3A_1720 : vector<16xf32> to vector<16xf32>
              %swap3A_1722 = vector.shape_cast %max3A_1701 : vector<16xf32> to vector<16xf32>
              tpu.vector_store %arg15[%swap3A_1719], %swap3A_1722 {strides = array<i32>} : memref<640xf32, #tpu.memory_space<vmem>>, vector<16xf32>,
              %slice3A_1723 = vector.extract_strided_slice %exp3A {offsets = [0], sizes = [1], strides = [1]} : vector<16xf32> to vector<1xf32>
              %squeeze3A_1724 = vector.extract %slice3A_1723[0] : f32 from vector<1xf32>
              %broadcast_in_dim3A_1725 = vector.broadcast %squeeze3A_1724 : f32 to vector<16xf32>
              %slice3A_1726 = vector.extract_strided_slice %exp3A_1704 {offsets = [0], sizes = [1], strides = [1]} : vector<16xf32> to vector<1xf32>
              %squeeze3A_1727 = vector.extract %slice3A_1726[0] : f32 from vector<1xf32>
              %broadcast_in_dim3A_1728 = vector.broadcast %squeeze3A_1727 : f32 to vector<16xf32>
              %add3A_1729 = arith.constant 0 : i32
              %add3A_1730 = arith.addi %mul3A_133, %add3A_1729 : i32
              %get3A_1731 = arith.index_cast %add3A_1730 : i32 to index
              %get3A_1732 = tpu.vector_load %arg11[%get3A_1731] {strides = array<i32>} : memref<20480xf32, #tpu.memory_space<vmem>>, vector<16xf32>,
              %get3A_1733 = vector.shape_cast %get3A_1732 : vector<16xf32> to vector<16xf32>
              %mul3A_1734 = arith.mulf %get3A_1733, %broadcast_in_dim3A_1725 : vector<16xf32>
              %mul3A_1735 = arith.mulf %get3A_140, %broadcast_in_dim3A_1728 : vector<16xf32>
              %add3A_1736 = arith.addf %mul3A_1734, %mul3A_1735 : vector<16xf32>
              %swap3A_1737 = arith.index_cast %add3A_1730 : i32 to index
              %swap3A_1738 = tpu.vector_load %arg11[%swap3A_1737] {strides = array<i32>} : memref<20480xf32, #tpu.memory_space<vmem>>, vector<16xf32>,
              %swap3A_1739 = vector.shape_cast %swap3A_1738 : vector<16xf32> to vector<16xf32>
              %swap3A_1740 = vector.shape_cast %add3A_1736 : vector<16xf32> to vector<16xf32>
              tpu.vector_store %arg11[%swap3A_1737], %swap3A_1740 {strides = array<i32>} : memref<20480xf32, #tpu.memory_space<vmem>>, vector<16xf32>,
              %add3A_1741 = arith.constant 16 : i32
              %add3A_1742 = arith.addi %mul3A_133, %add3A_1741 : i32
              %get3A_1743 = arith.index_cast %add3A_1742 : i32 to index
              %get3A_1744 = tpu.vector_load %arg11[%get3A_1743] {strides = array<i32>} : memref<20480xf32, #tpu.memory_space<vmem>>, vector<16xf32>,
              %get3A_1745 = vector.shape_cast %get3A_1744 : vector<16xf32> to vector<16xf32>
              %mul3A_1746 = arith.mulf %get3A_1745, %broadcast_in_dim3A_1725 : vector<16xf32>
              %mul3A_1747 = arith.mulf %get3A_169, %broadcast_in_dim3A_1728 : vector<16xf32>
              %add3A_1748 = arith.addf %mul3A_1746, %mul3A_1747 : vector<16xf32>
              %swap3A_1749 = arith.index_cast %add3A_1742 : i32 to index
              %swap3A_1750 = tpu.vector_load %arg11[%swap3A_1749] {strides = array<i32>} : memref<20480xf32, #tpu.memory_space<vmem>>, vector<16xf32>,
              %swap3A_1751 = vector.shape_cast %swap3A_1750 : vector<16xf32> to vector<16xf32>
              %swap3A_1752 = vector.shape_cast %add3A_1748 : vector<16xf32> to vector<16xf32>
              tpu.vector_store %arg11[%swap3A_1749], %swap3A_1752 {strides = array<i32>} : memref<20480xf32, #tpu.memory_space<vmem>>, vector<16xf32>,
              %add3A_1753 = arith.constant 32 : i32
              %add3A_1754 = arith.addi %mul3A_133, %add3A_1753 : i32
              %get3A_1755 = arith.index_cast %add3A_1754 : i32 to index
              %get3A_1756 = tpu.vector_load %arg11[%get3A_1755] {strides = array<i32>} : memref<20480xf32, #tpu.memory_space<vmem>>, vector<16xf32>,
              %get3A_1757 = vector.shape_cast %get3A_1756 : vector<16xf32> to vector<16xf32>
              %mul3A_1758 = arith.mulf %get3A_1757, %broadcast_in_dim3A_1725 : vector<16xf32>
              %mul3A_1759 = arith.mulf %get3A_199, %broadcast_in_dim3A_1728 : vector<16xf32>
              %add3A_1760 = arith.addf %mul3A_1758, %mul3A_1759 : vector<16xf32>
              %swap3A_1761 = arith.index_cast %add3A_1754 : i32 to index
              %swap3A_1762 = tpu.vector_load %arg11[%swap3A_1761] {strides = array<i32>} : memref<20480xf32, #tpu.memory_space<vmem>>, vector<16xf32>,
              %swap3A_1763 = vector.shape_cast %swap3A_1762 : vector<16xf32> to vector<16xf32>
              %swap3A_1764 = vector.shape_cast %add3A_1760 : vector<16xf32> to vector<16xf32>
              tpu.vector_store %arg11[%swap3A_1761], %swap3A_1764 {strides = array<i32>} : memref<20480xf32, #tpu.memory_space<vmem>>, vector<16xf32>,
              %add3A_1765 = arith.constant 48 : i32
              %add3A_1766 = arith.addi %mul3A_133, %add3A_1765 : i32
              %get3A_1767 = arith.index_cast %add3A_1766 : i32 to index
              %get3A_1768 = tpu.vector_load %arg11[%get3A_1767] {strides = array<i32>} : memref<20480xf32, #tpu.memory_space<vmem>>, vector<16xf32>,
              %get3A_1769 = vector.shape_cast %get3A_1768 : vector<16xf32> to vector<16xf32>
              %mul3A_1770 = arith.mulf %get3A_1769, %broadcast_in_dim3A_1725 : vector<16xf32>
              %mul3A_1771 = arith.mulf %get3A_229, %broadcast_in_dim3A_1728 : vector<16xf32>
              %add3A_1772 = arith.addf %mul3A_1770, %mul3A_1771 : vector<16xf32>
              %swap3A_1773 = arith.index_cast %add3A_1766 : i32 to index
              %swap3A_1774 = tpu.vector_load %arg11[%swap3A_1773] {strides = array<i32>} : memref<20480xf32, #tpu.memory_space<vmem>>, vector<16xf32>,
              %swap3A_1775 = vector.shape_cast %swap3A_1774 : vector<16xf32> to vector<16xf32>
              %swap3A_1776 = vector.shape_cast %add3A_1772 : vector<16xf32> to vector<16xf32>
              tpu.vector_store %arg11[%swap3A_1773], %swap3A_1776 {strides = array<i32>} : memref<20480xf32, #tpu.memory_space<vmem>>, vector<16xf32>,
              %add3A_1777 = arith.constant 64 : i32
              %add3A_1778 = arith.addi %mul3A_133, %add3A_1777 : i32
              %get3A_1779 = arith.index_cast %add3A_1778 : i32 to index
              %get3A_1780 = tpu.vector_load %arg11[%get3A_1779] {strides = array<i32>} : memref<20480xf32, #tpu.memory_space<vmem>>, vector<16xf32>,
              %get3A_1781 = vector.shape_cast %get3A_1780 : vector<16xf32> to vector<16xf32>
              %mul3A_1782 = arith.mulf %get3A_1781, %broadcast_in_dim3A_1725 : vector<16xf32>
              %mul3A_1783 = arith.mulf %get3A_259, %broadcast_in_dim3A_1728 : vector<16xf32>
              %add3A_1784 = arith.addf %mul3A_1782, %mul3A_1783 : vector<16xf32>
              %swap3A_1785 = arith.index_cast %add3A_1778 : i32 to index
              %swap3A_1786 = tpu.vector_load %arg11[%swap3A_1785] {strides = array<i32>} : memref<20480xf32, #tpu.memory_space<vmem>>, vector<16xf32>,
              %swap3A_1787 = vector.shape_cast %swap3A_1786 : vector<16xf32> to vector<16xf32>
              %swap3A_1788 = vector.shape_cast %add3A_1784 : vector<16xf32> to vector<16xf32>
              tpu.vector_store %arg11[%swap3A_1785], %swap3A_1788 {strides = array<i32>} : memref<20480xf32, #tpu.memory_space<vmem>>, vector<16xf32>,
              %add3A_1789 = arith.constant 80 : i32
              %add3A_1790 = arith.addi %mul3A_133, %add3A_1789 : i32
              %get3A_1791 = arith.index_cast %add3A_1790 : i32 to index
              %get3A_1792 = tpu.vector_load %arg11[%get3A_1791] {strides = array<i32>} : memref<20480xf32, #tpu.memory_space<vmem>>, vector<16xf32>,
              %get3A_1793 = vector.shape_cast %get3A_1792 : vector<16xf32> to vector<16xf32>
              %mul3A_1794 = arith.mulf %get3A_1793, %broadcast_in_dim3A_1725 : vector<16xf32>
              %mul3A_1795 = arith.mulf %get3A_289, %broadcast_in_dim3A_1728 : vector<16xf32>
              %add3A_1796 = arith.addf %mul3A_1794, %mul3A_1795 : vector<16xf32>
              %swap3A_1797 = arith.index_cast %add3A_1790 : i32 to index
              %swap3A_1798 = tpu.vector_load %arg11[%swap3A_1797] {strides = array<i32>} : memref<20480xf32, #tpu.memory_space<vmem>>, vector<16xf32>,
              %swap3A_1799 = vector.shape_cast %swap3A_1798 : vector<16xf32> to vector<16xf32>
              %swap3A_1800 = vector.shape_cast %add3A_1796 : vector<16xf32> to vector<16xf32>
              tpu.vector_store %arg11[%swap3A_1797], %swap3A_1800 {strides = array<i32>} : memref<20480xf32, #tpu.memory_space<vmem>>, vector<16xf32>,
              %add3A_1801 = arith.constant 96 : i32
              %add3A_1802 = arith.addi %mul3A_133, %add3A_1801 : i32
              %get3A_1803 = arith.index_cast %add3A_1802 : i32 to index
              %get3A_1804 = tpu.vector_load %arg11[%get3A_1803] {strides = array<i32>} : memref<20480xf32, #tpu.memory_space<vmem>>, vector<16xf32>,
              %get3A_1805 = vector.shape_cast %get3A_1804 : vector<16xf32> to vector<16xf32>
              %mul3A_1806 = arith.mulf %get3A_1805, %broadcast_in_dim3A_1725 : vector<16xf32>
              %mul3A_1807 = arith.mulf %get3A_319, %broadcast_in_dim3A_1728 : vector<16xf32>
              %add3A_1808 = arith.addf %mul3A_1806, %mul3A_1807 : vector<16xf32>
              %swap3A_1809 = arith.index_cast %add3A_1802 : i32 to index
              %swap3A_1810 = tpu.vector_load %arg11[%swap3A_1809] {strides = array<i32>} : memref<20480xf32, #tpu.memory_space<vmem>>, vector<16xf32>,
              %swap3A_1811 = vector.shape_cast %swap3A_1810 : vector<16xf32> to vector<16xf32>
              %swap3A_1812 = vector.shape_cast %add3A_1808 : vector<16xf32> to vector<16xf32>
              tpu.vector_store %arg11[%swap3A_1809], %swap3A_1812 {strides = array<i32>} : memref<20480xf32, #tpu.memory_space<vmem>>, vector<16xf32>,
              %add3A_1813 = arith.constant 112 : i32
              %add3A_1814 = arith.addi %mul3A_133, %add3A_1813 : i32
              %get3A_1815 = arith.index_cast %add3A_1814 : i32 to index
              %get3A_1816 = tpu.vector_load %arg11[%get3A_1815] {strides = array<i32>} : memref<20480xf32, #tpu.memory_space<vmem>>, vector<16xf32>,
              %get3A_1817 = vector.shape_cast %get3A_1816 : vector<16xf32> to vector<16xf32>
              %mul3A_1818 = arith.mulf %get3A_1817, %broadcast_in_dim3A_1725 : vector<16xf32>
              %mul3A_1819 = arith.mulf %get3A_349, %broadcast_in_dim3A_1728 : vector<16xf32>
              %add3A_1820 = arith.addf %mul3A_1818, %mul3A_1819 : vector<16xf32>
              %swap3A_1821 = arith.index_cast %add3A_1814 : i32 to index
              %swap3A_1822 = tpu.vector_load %arg11[%swap3A_1821] {strides = array<i32>} : memref<20480xf32, #tpu.memory_space<vmem>>, vector<16xf32>,
              %swap3A_1823 = vector.shape_cast %swap3A_1822 : vector<16xf32> to vector<16xf32>
              %swap3A_1824 = vector.shape_cast %add3A_1820 : vector<16xf32> to vector<16xf32>
              tpu.vector_store %arg11[%swap3A_1821], %swap3A_1824 {strides = array<i32>} : memref<20480xf32, #tpu.memory_space<vmem>>, vector<16xf32>,
              %slice3A_1825 = vector.extract_strided_slice %exp3A {offsets = [1], sizes = [1], strides = [1]} : vector<16xf32> to vector<1xf32>
              %squeeze3A_1826 = vector.extract %slice3A_1825[0] : f32 from vector<1xf32>
              %broadcast_in_dim3A_1827 = vector.broadcast %squeeze3A_1826 : f32 to vector<16xf32>
              %slice3A_1828 = vector.extract_strided_slice %exp3A_1704 {offsets = [1], sizes = [1], strides = [1]} : vector<16xf32> to vector<1xf32>
              %squeeze3A_1829 = vector.extract %slice3A_1828[0] : f32 from vector<1xf32>
              %broadcast_in_dim3A_1830 = vector.broadcast %squeeze3A_1829 : f32 to vector<16xf32>
              %add3A_1831 = arith.constant 128 : i32
              %add3A_1832 = arith.addi %mul3A_133, %add3A_1831 : i32
              %get3A_1833 = arith.index_cast %add3A_1832 : i32 to index
              %get3A_1834 = tpu.vector_load %arg11[%get3A_1833] {strides = array<i32>} : memref<20480xf32, #tpu.memory_space<vmem>>, vector<16xf32>,
              %get3A_1835 = vector.shape_cast %get3A_1834 : vector<16xf32> to vector<16xf32>
              %mul3A_1836 = arith.mulf %get3A_1835, %broadcast_in_dim3A_1827 : vector<16xf32>
              %mul3A_1837 = arith.mulf %get3A_528, %broadcast_in_dim3A_1830 : vector<16xf32>
              %add3A_1838 = arith.addf %mul3A_1836, %mul3A_1837 : vector<16xf32>
              %swap3A_1839 = arith.index_cast %add3A_1832 : i32 to index
              %swap3A_1840 = tpu.vector_load %arg11[%swap3A_1839] {strides = array<i32>} : memref<20480xf32, #tpu.memory_space<vmem>>, vector<16xf32>,
              %swap3A_1841 = vector.shape_cast %swap3A_1840 : vector<16xf32> to vector<16xf32>
              %swap3A_1842 = vector.shape_cast %add3A_1838 : vector<16xf32> to vector<16xf32>
              tpu.vector_store %arg11[%swap3A_1839], %swap3A_1842 {strides = array<i32>} : memref<20480xf32, #tpu.memory_space<vmem>>, vector<16xf32>,
              %add3A_1843 = arith.constant 144 : i32
              %add3A_1844 = arith.addi %mul3A_133, %add3A_1843 : i32
              %get3A_1845 = arith.index_cast %add3A_1844 : i32 to index
              %get3A_1846 = tpu.vector_load %arg11[%get3A_1845] {strides = array<i32>} : memref<20480xf32, #tpu.memory_space<vmem>>, vector<16xf32>,
              %get3A_1847 = vector.shape_cast %get3A_1846 : vector<16xf32> to vector<16xf32>
              %mul3A_1848 = arith.mulf %get3A_1847, %broadcast_in_dim3A_1827 : vector<16xf32>
              %mul3A_1849 = arith.mulf %get3A_558, %broadcast_in_dim3A_1830 : vector<16xf32>
              %add3A_1850 = arith.addf %mul3A_1848, %mul3A_1849 : vector<16xf32>
              %swap3A_1851 = arith.index_cast %add3A_1844 : i32 to index
              %swap3A_1852 = tpu.vector_load %arg11[%swap3A_1851] {strides = array<i32>} : memref<20480xf32, #tpu.memory_space<vmem>>, vector<16xf32>,
              %swap3A_1853 = vector.shape_cast %swap3A_1852 : vector<16xf32> to vector<16xf32>
              %swap3A_1854 = vector.shape_cast %add3A_1850 : vector<16xf32> to vector<16xf32>
              tpu.vector_store %arg11[%swap3A_1851], %swap3A_1854 {strides = array<i32>} : memref<20480xf32, #tpu.memory_space<vmem>>, vector<16xf32>,
              %add3A_1855 = arith.constant 160 : i32
              %add3A_1856 = arith.addi %mul3A_133, %add3A_1855 : i32
              %get3A_1857 = arith.index_cast %add3A_1856 : i32 to index
              %get3A_1858 = tpu.vector_load %arg11[%get3A_1857] {strides = array<i32>} : memref<20480xf32, #tpu.memory_space<vmem>>, vector<16xf32>,
              %get3A_1859 = vector.shape_cast %get3A_1858 : vector<16xf32> to vector<16xf32>
              %mul3A_1860 = arith.mulf %get3A_1859, %broadcast_in_dim3A_1827 : vector<16xf32>
              %mul3A_1861 = arith.mulf %get3A_588, %broadcast_in_dim3A_1830 : vector<16xf32>
              %add3A_1862 = arith.addf %mul3A_1860, %mul3A_1861 : vector<16xf32>
              %swap3A_1863 = arith.index_cast %add3A_1856 : i32 to index
              %swap3A_1864 = tpu.vector_load %arg11[%swap3A_1863] {strides = array<i32>} : memref<20480xf32, #tpu.memory_space<vmem>>, vector<16xf32>,
              %swap3A_1865 = vector.shape_cast %swap3A_1864 : vector<16xf32> to vector<16xf32>
              %swap3A_1866 = vector.shape_cast %add3A_1862 : vector<16xf32> to vector<16xf32>
              tpu.vector_store %arg11[%swap3A_1863], %swap3A_1866 {strides = array<i32>} : memref<20480xf32, #tpu.memory_space<vmem>>, vector<16xf32>,
              %add3A_1867 = arith.constant 176 : i32
              %add3A_1868 = arith.addi %mul3A_133, %add3A_1867 : i32
              %get3A_1869 = arith.index_cast %add3A_1868 : i32 to index
              %get3A_1870 = tpu.vector_load %arg11[%get3A_1869] {strides = array<i32>} : memref<20480xf32, #tpu.memory_space<vmem>>, vector<16xf32>,
              %get3A_1871 = vector.shape_cast %get3A_1870 : vector<16xf32> to vector<16xf32>
              %mul3A_1872 = arith.mulf %get3A_1871, %broadcast_in_dim3A_1827 : vector<16xf32>
              %mul3A_1873 = arith.mulf %get3A_618, %broadcast_in_dim3A_1830 : vector<16xf32>
              %add3A_1874 = arith.addf %mul3A_1872, %mul3A_1873 : vector<16xf32>
              %swap3A_1875 = arith.index_cast %add3A_1868 : i32 to index
              %swap3A_1876 = tpu.vector_load %arg11[%swap3A_1875] {strides = array<i32>} : memref<20480xf32, #tpu.memory_space<vmem>>, vector<16xf32>,
              %swap3A_1877 = vector.shape_cast %swap3A_1876 : vector<16xf32> to vector<16xf32>
              %swap3A_1878 = vector.shape_cast %add3A_1874 : vector<16xf32> to vector<16xf32>
              tpu.vector_store %arg11[%swap3A_1875], %swap3A_1878 {strides = array<i32>} : memref<20480xf32, #tpu.memory_space<vmem>>, vector<16xf32>,
              %add3A_1879 = arith.constant 192 : i32
              %add3A_1880 = arith.addi %mul3A_133, %add3A_1879 : i32
              %get3A_1881 = arith.index_cast %add3A_1880 : i32 to index
              %get3A_1882 = tpu.vector_load %arg11[%get3A_1881] {strides = array<i32>} : memref<20480xf32, #tpu.memory_space<vmem>>, vector<16xf32>,
              %get3A_1883 = vector.shape_cast %get3A_1882 : vector<16xf32> to vector<16xf32>
              %mul3A_1884 = arith.mulf %get3A_1883, %broadcast_in_dim3A_1827 : vector<16xf32>
              %mul3A_1885 = arith.mulf %get3A_648, %broadcast_in_dim3A_1830 : vector<16xf32>
              %add3A_1886 = arith.addf %mul3A_1884, %mul3A_1885 : vector<16xf32>
              %swap3A_1887 = arith.index_cast %add3A_1880 : i32 to index
              %swap3A_1888 = tpu.vector_load %arg11[%swap3A_1887] {strides = array<i32>} : memref<20480xf32, #tpu.memory_space<vmem>>, vector<16xf32>,
              %swap3A_1889 = vector.shape_cast %swap3A_1888 : vector<16xf32> to vector<16xf32>
              %swap3A_1890 = vector.shape_cast %add3A_1886 : vector<16xf32> to vector<16xf32>
              tpu.vector_store %arg11[%swap3A_1887], %swap3A_1890 {strides = array<i32>} : memref<20480xf32, #tpu.memory_space<vmem>>, vector<16xf32>,
              %add3A_1891 = arith.constant 208 : i32
              %add3A_1892 = arith.addi %mul3A_133, %add3A_1891 : i32
              %get3A_1893 = arith.index_cast %add3A_1892 : i32 to index
              %get3A_1894 = tpu.vector_load %arg11[%get3A_1893] {strides = array<i32>} : memref<20480xf32, #tpu.memory_space<vmem>>, vector<16xf32>,
              %get3A_1895 = vector.shape_cast %get3A_1894 : vector<16xf32> to vector<16xf32>
              %mul3A_1896 = arith.mulf %get3A_1895, %broadcast_in_dim3A_1827 : vector<16xf32>
              %mul3A_1897 = arith.mulf %get3A_678, %broadcast_in_dim3A_1830 : vector<16xf32>
              %add3A_1898 = arith.addf %mul3A_1896, %mul3A_1897 : vector<16xf32>
              %swap3A_1899 = arith.index_cast %add3A_1892 : i32 to index
              %swap3A_1900 = tpu.vector_load %arg11[%swap3A_1899] {strides = array<i32>} : memref<20480xf32, #tpu.memory_space<vmem>>, vector<16xf32>,
              %swap3A_1901 = vector.shape_cast %swap3A_1900 : vector<16xf32> to vector<16xf32>
              %swap3A_1902 = vector.shape_cast %add3A_1898 : vector<16xf32> to vector<16xf32>
              tpu.vector_store %arg11[%swap3A_1899], %swap3A_1902 {strides = array<i32>} : memref<20480xf32, #tpu.memory_space<vmem>>, vector<16xf32>,
              %add3A_1903 = arith.constant 224 : i32
              %add3A_1904 = arith.addi %mul3A_133, %add3A_1903 : i32
              %get3A_1905 = arith.index_cast %add3A_1904 : i32 to index
              %get3A_1906 = tpu.vector_load %arg11[%get3A_1905] {strides = array<i32>} : memref<20480xf32, #tpu.memory_space<vmem>>, vector<16xf32>,
              %get3A_1907 = vector.shape_cast %get3A_1906 : vector<16xf32> to vector<16xf32>
              %mul3A_1908 = arith.mulf %get3A_1907, %broadcast_in_dim3A_1827 : vector<16xf32>
              %mul3A_1909 = arith.mulf %get3A_708, %broadcast_in_dim3A_1830 : vector<16xf32>
              %add3A_1910 = arith.addf %mul3A_1908, %mul3A_1909 : vector<16xf32>
              %swap3A_1911 = arith.index_cast %add3A_1904 : i32 to index
              %swap3A_1912 = tpu.vector_load %arg11[%swap3A_1911] {strides = array<i32>} : memref<20480xf32, #tpu.memory_space<vmem>>, vector<16xf32>,
              %swap3A_1913 = vector.shape_cast %swap3A_1912 : vector<16xf32> to vector<16xf32>
              %swap3A_1914 = vector.shape_cast %add3A_1910 : vector<16xf32> to vector<16xf32>
              tpu.vector_store %arg11[%swap3A_1911], %swap3A_1914 {strides = array<i32>} : memref<20480xf32, #tpu.memory_space<vmem>>, vector<16xf32>,
              %add3A_1915 = arith.constant 240 : i32
              %add3A_1916 = arith.addi %mul3A_133, %add3A_1915 : i32
              %get3A_1917 = arith.index_cast %add3A_1916 : i32 to index
              %get3A_1918 = tpu.vector_load %arg11[%get3A_1917] {strides = array<i32>} : memref<20480xf32, #tpu.memory_space<vmem>>, vector<16xf32>,
              %get3A_1919 = vector.shape_cast %get3A_1918 : vector<16xf32> to vector<16xf32>
              %mul3A_1920 = arith.mulf %get3A_1919, %broadcast_in_dim3A_1827 : vector<16xf32>
              %mul3A_1921 = arith.mulf %get3A_738, %broadcast_in_dim3A_1830 : vector<16xf32>
              %add3A_1922 = arith.addf %mul3A_1920, %mul3A_1921 : vector<16xf32>
              %swap3A_1923 = arith.index_cast %add3A_1916 : i32 to index
              %swap3A_1924 = tpu.vector_load %arg11[%swap3A_1923] {strides = array<i32>} : memref<20480xf32, #tpu.memory_space<vmem>>, vector<16xf32>,
              %swap3A_1925 = vector.shape_cast %swap3A_1924 : vector<16xf32> to vector<16xf32>
              %swap3A_1926 = vector.shape_cast %add3A_1922 : vector<16xf32> to vector<16xf32>
              tpu.vector_store %arg11[%swap3A_1923], %swap3A_1926 {strides = array<i32>} : memref<20480xf32, #tpu.memory_space<vmem>>, vector<16xf32>,
              %slice3A_1927 = vector.extract_strided_slice %exp3A {offsets = [2], sizes = [1], strides = [1]} : vector<16xf32> to vector<1xf32>
              %squeeze3A_1928 = vector.extract %slice3A_1927[0] : f32 from vector<1xf32>
              %broadcast_in_dim3A_1929 = vector.broadcast %squeeze3A_1928 : f32 to vector<16xf32>
              %slice3A_1930 = vector.extract_strided_slice %exp3A_1704 {offsets = [2], sizes = [1], strides = [1]} : vector<16xf32> to vector<1xf32>
              %squeeze3A_1931 = vector.extract %slice3A_1930[0] : f32 from vector<1xf32>
              %broadcast_in_dim3A_1932 = vector.broadcast %squeeze3A_1931 : f32 to vector<16xf32>
              %add3A_1933 = arith.constant 256 : i32
              %add3A_1934 = arith.addi %mul3A_133, %add3A_1933 : i32
              %get3A_1935 = arith.index_cast %add3A_1934 : i32 to index
              %get3A_1936 = tpu.vector_load %arg11[%get3A_1935] {strides = array<i32>} : memref<20480xf32, #tpu.memory_space<vmem>>, vector<16xf32>,
              %get3A_1937 = vector.shape_cast %get3A_1936 : vector<16xf32> to vector<16xf32>
              %mul3A_1938 = arith.mulf %get3A_1937, %broadcast_in_dim3A_1929 : vector<16xf32>
              %mul3A_1939 = arith.mulf %get3A_919, %broadcast_in_dim3A_1932 : vector<16xf32>
              %add3A_1940 = arith.addf %mul3A_1938, %mul3A_1939 : vector<16xf32>
              %swap3A_1941 = arith.index_cast %add3A_1934 : i32 to index
              %swap3A_1942 = tpu.vector_load %arg11[%swap3A_1941] {strides = array<i32>} : memref<20480xf32, #tpu.memory_space<vmem>>, vector<16xf32>,
              %swap3A_1943 = vector.shape_cast %swap3A_1942 : vector<16xf32> to vector<16xf32>
              %swap3A_1944 = vector.shape_cast %add3A_1940 : vector<16xf32> to vector<16xf32>
              tpu.vector_store %arg11[%swap3A_1941], %swap3A_1944 {strides = array<i32>} : memref<20480xf32, #tpu.memory_space<vmem>>, vector<16xf32>,
              %add3A_1945 = arith.constant 272 : i32
              %add3A_1946 = arith.addi %mul3A_133, %add3A_1945 : i32
              %get3A_1947 = arith.index_cast %add3A_1946 : i32 to index
              %get3A_1948 = tpu.vector_load %arg11[%get3A_1947] {strides = array<i32>} : memref<20480xf32, #tpu.memory_space<vmem>>, vector<16xf32>,
              %get3A_1949 = vector.shape_cast %get3A_1948 : vector<16xf32> to vector<16xf32>
              %mul3A_1950 = arith.mulf %get3A_1949, %broadcast_in_dim3A_1929 : vector<16xf32>
              %mul3A_1951 = arith.mulf %get3A_949, %broadcast_in_dim3A_1932 : vector<16xf32>
              %add3A_1952 = arith.addf %mul3A_1950, %mul3A_1951 : vector<16xf32>
              %swap3A_1953 = arith.index_cast %add3A_1946 : i32 to index
              %swap3A_1954 = tpu.vector_load %arg11[%swap3A_1953] {strides = array<i32>} : memref<20480xf32, #tpu.memory_space<vmem>>, vector<16xf32>,
              %swap3A_1955 = vector.shape_cast %swap3A_1954 : vector<16xf32> to vector<16xf32>
              %swap3A_1956 = vector.shape_cast %add3A_1952 : vector<16xf32> to vector<16xf32>
              tpu.vector_store %arg11[%swap3A_1953], %swap3A_1956 {strides = array<i32>} : memref<20480xf32, #tpu.memory_space<vmem>>, vector<16xf32>,
              %add3A_1957 = arith.constant 288 : i32
              %add3A_1958 = arith.addi %mul3A_133, %add3A_1957 : i32
              %get3A_1959 = arith.index_cast %add3A_1958 : i32 to index
              %get3A_1960 = tpu.vector_load %arg11[%get3A_1959] {strides = array<i32>} : memref<20480xf32, #tpu.memory_space<vmem>>, vector<16xf32>,
              %get3A_1961 = vector.shape_cast %get3A_1960 : vector<16xf32> to vector<16xf32>
              %mul3A_1962 = arith.mulf %get3A_1961, %broadcast_in_dim3A_1929 : vector<16xf32>
              %mul3A_1963 = arith.mulf %get3A_979, %broadcast_in_dim3A_1932 : vector<16xf32>
              %add3A_1964 = arith.addf %mul3A_1962, %mul3A_1963 : vector<16xf32>
              %swap3A_1965 = arith.index_cast %add3A_1958 : i32 to index
              %swap3A_1966 = tpu.vector_load %arg11[%swap3A_1965] {strides = array<i32>} : memref<20480xf32, #tpu.memory_space<vmem>>, vector<16xf32>,
              %swap3A_1967 = vector.shape_cast %swap3A_1966 : vector<16xf32> to vector<16xf32>
              %swap3A_1968 = vector.shape_cast %add3A_1964 : vector<16xf32> to vector<16xf32>
              tpu.vector_store %arg11[%swap3A_1965], %swap3A_1968 {strides = array<i32>} : memref<20480xf32, #tpu.memory_space<vmem>>, vector<16xf32>,
              %add3A_1969 = arith.constant 304 : i32
              %add3A_1970 = arith.addi %mul3A_133, %add3A_1969 : i32
              %get3A_1971 = arith.index_cast %add3A_1970 : i32 to index
              %get3A_1972 = tpu.vector_load %arg11[%get3A_1971] {strides = array<i32>} : memref<20480xf32, #tpu.memory_space<vmem>>, vector<16xf32>,
              %get3A_1973 = vector.shape_cast %get3A_1972 : vector<16xf32> to vector<16xf32>
              %mul3A_1974 = arith.mulf %get3A_1973, %broadcast_in_dim3A_1929 : vector<16xf32>
              %mul3A_1975 = arith.mulf %get3A_1009, %broadcast_in_dim3A_1932 : vector<16xf32>
              %add3A_1976 = arith.addf %mul3A_1974, %mul3A_1975 : vector<16xf32>
              %swap3A_1977 = arith.index_cast %add3A_1970 : i32 to index
              %swap3A_1978 = tpu.vector_load %arg11[%swap3A_1977] {strides = array<i32>} : memref<20480xf32, #tpu.memory_space<vmem>>, vector<16xf32>,
              %swap3A_1979 = vector.shape_cast %swap3A_1978 : vector<16xf32> to vector<16xf32>
              %swap3A_1980 = vector.shape_cast %add3A_1976 : vector<16xf32> to vector<16xf32>
              tpu.vector_store %arg11[%swap3A_1977], %swap3A_1980 {strides = array<i32>} : memref<20480xf32, #tpu.memory_space<vmem>>, vector<16xf32>,
              %add3A_1981 = arith.constant 320 : i32
              %add3A_1982 = arith.addi %mul3A_133, %add3A_1981 : i32
              %get3A_1983 = arith.index_cast %add3A_1982 : i32 to index
              %get3A_1984 = tpu.vector_load %arg11[%get3A_1983] {strides = array<i32>} : memref<20480xf32, #tpu.memory_space<vmem>>, vector<16xf32>,
              %get3A_1985 = vector.shape_cast %get3A_1984 : vector<16xf32> to vector<16xf32>
              %mul3A_1986 = arith.mulf %get3A_1985, %broadcast_in_dim3A_1929 : vector<16xf32>
              %mul3A_1987 = arith.mulf %get3A_1039, %broadcast_in_dim3A_1932 : vector<16xf32>
              %add3A_1988 = arith.addf %mul3A_1986, %mul3A_1987 : vector<16xf32>
              %swap3A_1989 = arith.index_cast %add3A_1982 : i32 to index
              %swap3A_1990 = tpu.vector_load %arg11[%swap3A_1989] {strides = array<i32>} : memref<20480xf32, #tpu.memory_space<vmem>>, vector<16xf32>,
              %swap3A_1991 = vector.shape_cast %swap3A_1990 : vector<16xf32> to vector<16xf32>
              %swap3A_1992 = vector.shape_cast %add3A_1988 : vector<16xf32> to vector<16xf32>
              tpu.vector_store %arg11[%swap3A_1989], %swap3A_1992 {strides = array<i32>} : memref<20480xf32, #tpu.memory_space<vmem>>, vector<16xf32>,
              %add3A_1993 = arith.constant 336 : i32
              %add3A_1994 = arith.addi %mul3A_133, %add3A_1993 : i32
              %get3A_1995 = arith.index_cast %add3A_1994 : i32 to index
              %get3A_1996 = tpu.vector_load %arg11[%get3A_1995] {strides = array<i32>} : memref<20480xf32, #tpu.memory_space<vmem>>, vector<16xf32>,
              %get3A_1997 = vector.shape_cast %get3A_1996 : vector<16xf32> to vector<16xf32>
              %mul3A_1998 = arith.mulf %get3A_1997, %broadcast_in_dim3A_1929 : vector<16xf32>
              %mul3A_1999 = arith.mulf %get3A_1069, %broadcast_in_dim3A_1932 : vector<16xf32>
              %add3A_2000 = arith.addf %mul3A_1998, %mul3A_1999 : vector<16xf32>
              %swap3A_2001 = arith.index_cast %add3A_1994 : i32 to index
              %swap3A_2002 = tpu.vector_load %arg11[%swap3A_2001] {strides = array<i32>} : memref<20480xf32, #tpu.memory_space<vmem>>, vector<16xf32>,
              %swap3A_2003 = vector.shape_cast %swap3A_2002 : vector<16xf32> to vector<16xf32>
              %swap3A_2004 = vector.shape_cast %add3A_2000 : vector<16xf32> to vector<16xf32>
              tpu.vector_store %arg11[%swap3A_2001], %swap3A_2004 {strides = array<i32>} : memref<20480xf32, #tpu.memory_space<vmem>>, vector<16xf32>,
              %add3A_2005 = arith.constant 352 : i32
              %add3A_2006 = arith.addi %mul3A_133, %add3A_2005 : i32
              %get3A_2007 = arith.index_cast %add3A_2006 : i32 to index
              %get3A_2008 = tpu.vector_load %arg11[%get3A_2007] {strides = array<i32>} : memref<20480xf32, #tpu.memory_space<vmem>>, vector<16xf32>,
              %get3A_2009 = vector.shape_cast %get3A_2008 : vector<16xf32> to vector<16xf32>
              %mul3A_2010 = arith.mulf %get3A_2009, %broadcast_in_dim3A_1929 : vector<16xf32>
              %mul3A_2011 = arith.mulf %get3A_1099, %broadcast_in_dim3A_1932 : vector<16xf32>
              %add3A_2012 = arith.addf %mul3A_2010, %mul3A_2011 : vector<16xf32>
              %swap3A_2013 = arith.index_cast %add3A_2006 : i32 to index
              %swap3A_2014 = tpu.vector_load %arg11[%swap3A_2013] {strides = array<i32>} : memref<20480xf32, #tpu.memory_space<vmem>>, vector<16xf32>,
              %swap3A_2015 = vector.shape_cast %swap3A_2014 : vector<16xf32> to vector<16xf32>
              %swap3A_2016 = vector.shape_cast %add3A_2012 : vector<16xf32> to vector<16xf32>
              tpu.vector_store %arg11[%swap3A_2013], %swap3A_2016 {strides = array<i32>} : memref<20480xf32, #tpu.memory_space<vmem>>, vector<16xf32>,
              %add3A_2017 = arith.constant 368 : i32
              %add3A_2018 = arith.addi %mul3A_133, %add3A_2017 : i32
              %get3A_2019 = arith.index_cast %add3A_2018 : i32 to index
              %get3A_2020 = tpu.vector_load %arg11[%get3A_2019] {strides = array<i32>} : memref<20480xf32, #tpu.memory_space<vmem>>, vector<16xf32>,
              %get3A_2021 = vector.shape_cast %get3A_2020 : vector<16xf32> to vector<16xf32>
              %mul3A_2022 = arith.mulf %get3A_2021, %broadcast_in_dim3A_1929 : vector<16xf32>
              %mul3A_2023 = arith.mulf %get3A_1129, %broadcast_in_dim3A_1932 : vector<16xf32>
              %add3A_2024 = arith.addf %mul3A_2022, %mul3A_2023 : vector<16xf32>
              %swap3A_2025 = arith.index_cast %add3A_2018 : i32 to index
              %swap3A_2026 = tpu.vector_load %arg11[%swap3A_2025] {strides = array<i32>} : memref<20480xf32, #tpu.memory_space<vmem>>, vector<16xf32>,
              %swap3A_2027 = vector.shape_cast %swap3A_2026 : vector<16xf32> to vector<16xf32>
              %swap3A_2028 = vector.shape_cast %add3A_2024 : vector<16xf32> to vector<16xf32>
              tpu.vector_store %arg11[%swap3A_2025], %swap3A_2028 {strides = array<i32>} : memref<20480xf32, #tpu.memory_space<vmem>>, vector<16xf32>,
              %slice3A_2029 = vector.extract_strided_slice %exp3A {offsets = [3], sizes = [1], strides = [1]} : vector<16xf32> to vector<1xf32>
              %squeeze3A_2030 = vector.extract %slice3A_2029[0] : f32 from vector<1xf32>
              %broadcast_in_dim3A_2031 = vector.broadcast %squeeze3A_2030 : f32 to vector<16xf32>
              %slice3A_2032 = vector.extract_strided_slice %exp3A_1704 {offsets = [3], sizes = [1], strides = [1]} : vector<16xf32> to vector<1xf32>
              %squeeze3A_2033 = vector.extract %slice3A_2032[0] : f32 from vector<1xf32>
              %broadcast_in_dim3A_2034 = vector.broadcast %squeeze3A_2033 : f32 to vector<16xf32>
              %add3A_2035 = arith.constant 384 : i32
              %add3A_2036 = arith.addi %mul3A_133, %add3A_2035 : i32
              %get3A_2037 = arith.index_cast %add3A_2036 : i32 to index
              %get3A_2038 = tpu.vector_load %arg11[%get3A_2037] {strides = array<i32>} : memref<20480xf32, #tpu.memory_space<vmem>>, vector<16xf32>,
              %get3A_2039 = vector.shape_cast %get3A_2038 : vector<16xf32> to vector<16xf32>
              %mul3A_2040 = arith.mulf %get3A_2039, %broadcast_in_dim3A_2031 : vector<16xf32>
              %mul3A_2041 = arith.mulf %get3A_1310, %broadcast_in_dim3A_2034 : vector<16xf32>
              %add3A_2042 = arith.addf %mul3A_2040, %mul3A_2041 : vector<16xf32>
              %swap3A_2043 = arith.index_cast %add3A_2036 : i32 to index
              %swap3A_2044 = tpu.vector_load %arg11[%swap3A_2043] {strides = array<i32>} : memref<20480xf32, #tpu.memory_space<vmem>>, vector<16xf32>,
              %swap3A_2045 = vector.shape_cast %swap3A_2044 : vector<16xf32> to vector<16xf32>
              %swap3A_2046 = vector.shape_cast %add3A_2042 : vector<16xf32> to vector<16xf32>
              tpu.vector_store %arg11[%swap3A_2043], %swap3A_2046 {strides = array<i32>} : memref<20480xf32, #tpu.memory_space<vmem>>, vector<16xf32>,
              %add3A_2047 = arith.constant 400 : i32
              %add3A_2048 = arith.addi %mul3A_133, %add3A_2047 : i32
              %get3A_2049 = arith.index_cast %add3A_2048 : i32 to index
              %get3A_2050 = tpu.vector_load %arg11[%get3A_2049] {strides = array<i32>} : memref<20480xf32, #tpu.memory_space<vmem>>, vector<16xf32>,
              %get3A_2051 = vector.shape_cast %get3A_2050 : vector<16xf32> to vector<16xf32>
              %mul3A_2052 = arith.mulf %get3A_2051, %broadcast_in_dim3A_2031 : vector<16xf32>
              %mul3A_2053 = arith.mulf %get3A_1340, %broadcast_in_dim3A_2034 : vector<16xf32>
              %add3A_2054 = arith.addf %mul3A_2052, %mul3A_2053 : vector<16xf32>
              %swap3A_2055 = arith.index_cast %add3A_2048 : i32 to index
              %swap3A_2056 = tpu.vector_load %arg11[%swap3A_2055] {strides = array<i32>} : memref<20480xf32, #tpu.memory_space<vmem>>, vector<16xf32>,
              %swap3A_2057 = vector.shape_cast %swap3A_2056 : vector<16xf32> to vector<16xf32>
              %swap3A_2058 = vector.shape_cast %add3A_2054 : vector<16xf32> to vector<16xf32>
              tpu.vector_store %arg11[%swap3A_2055], %swap3A_2058 {strides = array<i32>} : memref<20480xf32, #tpu.memory_space<vmem>>, vector<16xf32>,
              %add3A_2059 = arith.constant 416 : i32
              %add3A_2060 = arith.addi %mul3A_133, %add3A_2059 : i32
              %get3A_2061 = arith.index_cast %add3A_2060 : i32 to index
              %get3A_2062 = tpu.vector_load %arg11[%get3A_2061] {strides = array<i32>} : memref<20480xf32, #tpu.memory_space<vmem>>, vector<16xf32>,
              %get3A_2063 = vector.shape_cast %get3A_2062 : vector<16xf32> to vector<16xf32>
              %mul3A_2064 = arith.mulf %get3A_2063, %broadcast_in_dim3A_2031 : vector<16xf32>
              %mul3A_2065 = arith.mulf %get3A_1370, %broadcast_in_dim3A_2034 : vector<16xf32>
              %add3A_2066 = arith.addf %mul3A_2064, %mul3A_2065 : vector<16xf32>
              %swap3A_2067 = arith.index_cast %add3A_2060 : i32 to index
              %swap3A_2068 = tpu.vector_load %arg11[%swap3A_2067] {strides = array<i32>} : memref<20480xf32, #tpu.memory_space<vmem>>, vector<16xf32>,
              %swap3A_2069 = vector.shape_cast %swap3A_2068 : vector<16xf32> to vector<16xf32>
              %swap3A_2070 = vector.shape_cast %add3A_2066 : vector<16xf32> to vector<16xf32>
              tpu.vector_store %arg11[%swap3A_2067], %swap3A_2070 {strides = array<i32>} : memref<20480xf32, #tpu.memory_space<vmem>>, vector<16xf32>,
              %add3A_2071 = arith.constant 432 : i32
              %add3A_2072 = arith.addi %mul3A_133, %add3A_2071 : i32
              %get3A_2073 = arith.index_cast %add3A_2072 : i32 to index
              %get3A_2074 = tpu.vector_load %arg11[%get3A_2073] {strides = array<i32>} : memref<20480xf32, #tpu.memory_space<vmem>>, vector<16xf32>,
              %get3A_2075 = vector.shape_cast %get3A_2074 : vector<16xf32> to vector<16xf32>
              %mul3A_2076 = arith.mulf %get3A_2075, %broadcast_in_dim3A_2031 : vector<16xf32>
              %mul3A_2077 = arith.mulf %get3A_1400, %broadcast_in_dim3A_2034 : vector<16xf32>
              %add3A_2078 = arith.addf %mul3A_2076, %mul3A_2077 : vector<16xf32>
              %swap3A_2079 = arith.index_cast %add3A_2072 : i32 to index
              %swap3A_2080 = tpu.vector_load %arg11[%swap3A_2079] {strides = array<i32>} : memref<20480xf32, #tpu.memory_space<vmem>>, vector<16xf32>,
              %swap3A_2081 = vector.shape_cast %swap3A_2080 : vector<16xf32> to vector<16xf32>
              %swap3A_2082 = vector.shape_cast %add3A_2078 : vector<16xf32> to vector<16xf32>
              tpu.vector_store %arg11[%swap3A_2079], %swap3A_2082 {strides = array<i32>} : memref<20480xf32, #tpu.memory_space<vmem>>, vector<16xf32>,
              %add3A_2083 = arith.constant 448 : i32
              %add3A_2084 = arith.addi %mul3A_133, %add3A_2083 : i32
              %get3A_2085 = arith.index_cast %add3A_2084 : i32 to index
              %get3A_2086 = tpu.vector_load %arg11[%get3A_2085] {strides = array<i32>} : memref<20480xf32, #tpu.memory_space<vmem>>, vector<16xf32>,
              %get3A_2087 = vector.shape_cast %get3A_2086 : vector<16xf32> to vector<16xf32>
              %mul3A_2088 = arith.mulf %get3A_2087, %broadcast_in_dim3A_2031 : vector<16xf32>
              %mul3A_2089 = arith.mulf %get3A_1430, %broadcast_in_dim3A_2034 : vector<16xf32>
              %add3A_2090 = arith.addf %mul3A_2088, %mul3A_2089 : vector<16xf32>
              %swap3A_2091 = arith.index_cast %add3A_2084 : i32 to index
              %swap3A_2092 = tpu.vector_load %arg11[%swap3A_2091] {strides = array<i32>} : memref<20480xf32, #tpu.memory_space<vmem>>, vector<16xf32>,
              %swap3A_2093 = vector.shape_cast %swap3A_2092 : vector<16xf32> to vector<16xf32>
              %swap3A_2094 = vector.shape_cast %add3A_2090 : vector<16xf32> to vector<16xf32>
              tpu.vector_store %arg11[%swap3A_2091], %swap3A_2094 {strides = array<i32>} : memref<20480xf32, #tpu.memory_space<vmem>>, vector<16xf32>,
              %add3A_2095 = arith.constant 464 : i32
              %add3A_2096 = arith.addi %mul3A_133, %add3A_2095 : i32
              %get3A_2097 = arith.index_cast %add3A_2096 : i32 to index
              %get3A_2098 = tpu.vector_load %arg11[%get3A_2097] {strides = array<i32>} : memref<20480xf32, #tpu.memory_space<vmem>>, vector<16xf32>,
              %get3A_2099 = vector.shape_cast %get3A_2098 : vector<16xf32> to vector<16xf32>
              %mul3A_2100 = arith.mulf %get3A_2099, %broadcast_in_dim3A_2031 : vector<16xf32>
              %mul3A_2101 = arith.mulf %get3A_1460, %broadcast_in_dim3A_2034 : vector<16xf32>
              %add3A_2102 = arith.addf %mul3A_2100, %mul3A_2101 : vector<16xf32>
              %swap3A_2103 = arith.index_cast %add3A_2096 : i32 to index
              %swap3A_2104 = tpu.vector_load %arg11[%swap3A_2103] {strides = array<i32>} : memref<20480xf32, #tpu.memory_space<vmem>>, vector<16xf32>,
              %swap3A_2105 = vector.shape_cast %swap3A_2104 : vector<16xf32> to vector<16xf32>
              %swap3A_2106 = vector.shape_cast %add3A_2102 : vector<16xf32> to vector<16xf32>
              tpu.vector_store %arg11[%swap3A_2103], %swap3A_2106 {strides = array<i32>} : memref<20480xf32, #tpu.memory_space<vmem>>, vector<16xf32>,
              %add3A_2107 = arith.constant 480 : i32
              %add3A_2108 = arith.addi %mul3A_133, %add3A_2107 : i32
              %get3A_2109 = arith.index_cast %add3A_2108 : i32 to index
              %get3A_2110 = tpu.vector_load %arg11[%get3A_2109] {strides = array<i32>} : memref<20480xf32, #tpu.memory_space<vmem>>, vector<16xf32>,
              %get3A_2111 = vector.shape_cast %get3A_2110 : vector<16xf32> to vector<16xf32>
              %mul3A_2112 = arith.mulf %get3A_2111, %broadcast_in_dim3A_2031 : vector<16xf32>
              %mul3A_2113 = arith.mulf %get3A_1490, %broadcast_in_dim3A_2034 : vector<16xf32>
              %add3A_2114 = arith.addf %mul3A_2112, %mul3A_2113 : vector<16xf32>
              %swap3A_2115 = arith.index_cast %add3A_2108 : i32 to index
              %swap3A_2116 = tpu.vector_load %arg11[%swap3A_2115] {strides = array<i32>} : memref<20480xf32, #tpu.memory_space<vmem>>, vector<16xf32>,
              %swap3A_2117 = vector.shape_cast %swap3A_2116 : vector<16xf32> to vector<16xf32>
              %swap3A_2118 = vector.shape_cast %add3A_2114 : vector<16xf32> to vector<16xf32>
              tpu.vector_store %arg11[%swap3A_2115], %swap3A_2118 {strides = array<i32>} : memref<20480xf32, #tpu.memory_space<vmem>>, vector<16xf32>,
              %add3A_2119 = arith.constant 496 : i32
              %add3A_2120 = arith.addi %mul3A_133, %add3A_2119 : i32
              %get3A_2121 = arith.index_cast %add3A_2120 : i32 to index
              %get3A_2122 = tpu.vector_load %arg11[%get3A_2121] {strides = array<i32>} : memref<20480xf32, #tpu.memory_space<vmem>>, vector<16xf32>,
              %get3A_2123 = vector.shape_cast %get3A_2122 : vector<16xf32> to vector<16xf32>
              %mul3A_2124 = arith.mulf %get3A_2123, %broadcast_in_dim3A_2031 : vector<16xf32>
              %mul3A_2125 = arith.mulf %get3A_1520, %broadcast_in_dim3A_2034 : vector<16xf32>
              %add3A_2126 = arith.addf %mul3A_2124, %mul3A_2125 : vector<16xf32>
              %swap3A_2127 = arith.index_cast %add3A_2120 : i32 to index
              %swap3A_2128 = tpu.vector_load %arg11[%swap3A_2127] {strides = array<i32>} : memref<20480xf32, #tpu.memory_space<vmem>>, vector<16xf32>,
              %swap3A_2129 = vector.shape_cast %swap3A_2128 : vector<16xf32> to vector<16xf32>
              %swap3A_2130 = vector.shape_cast %add3A_2126 : vector<16xf32> to vector<16xf32>
              tpu.vector_store %arg11[%swap3A_2127], %swap3A_2130 {strides = array<i32>} : memref<20480xf32, #tpu.memory_space<vmem>>, vector<16xf32>,
            } else {
            }
          }
          %scan3A_117 = arith.constant 64 : i32
        }
        %scan3A_71 = arith.constant 0 : i32
        %scan3A_72 = arith.constant 0 : i32
        %scan3A_73 = arith.constant 40 : i32
        %scan3A_74 = arith.addi %scan3A_72, %scan3A_73 : i32
        %scan3A_75 = arith.constant 1 : i32
        scf.for %scan3A_80 = %scan3A_72 to %scan3A_74 step %scan3A_75  : i32 {
          %mul3A_81 = arith.constant 16 : i32
          %mul3A_82 = arith.muli %scan3A_80, %mul3A_81 : i32
          %get3A_83 = arith.index_cast %mul3A_82 : i32 to index
          %get3A_84 = tpu.vector_load %arg16[%get3A_83] {strides = array<i32>} : memref<640xf32, #tpu.memory_space<vmem>>, vector<16xf32>,
          %get3A_85 = vector.shape_cast %get3A_84 : vector<16xf32> to vector<16xf32>
          %add3A_86 = arith.constant 1.000000e-16 : f32
          %add3A_87 = vector.broadcast %add3A_86 : f32 to vector<16xf32>
          %add3A_88 = arith.addf %get3A_85, %add3A_87 : vector<16xf32>
          %div3A_89 = arith.constant 1.000000e+00 : f32
          %div3A_90 = vector.broadcast %div3A_89 : f32 to vector<16xf32>
          %div3A_91 = arith.divf %div3A_90, %add3A_88 : vector<16xf32>
          %slice3A_92 = vector.extract_strided_slice %div3A_91 {offsets = [0], sizes = [1], strides = [1]} : vector<16xf32> to vector<1xf32>
          %squeeze3A_93 = vector.extract %slice3A_92[0] : f32 from vector<1xf32>
          %broadcast_in_dim3A = vector.broadcast %squeeze3A_93 : f32 to vector<16xf32>
          %mul3A_94 = arith.constant 512 : i32
          %mul3A_95 = arith.muli %scan3A_80, %mul3A_94 : i32
          %add3A_96 = arith.constant 0 : i32
          %add3A_97 = arith.addi %mul3A_95, %add3A_96 : i32
          %get3A_98 = arith.index_cast %add3A_97 : i32 to index
          %get3A_99 = tpu.vector_load %arg11[%get3A_98] {strides = array<i32>} : memref<20480xf32, #tpu.memory_space<vmem>>, vector<16xf32>,
          %get3A_100 = vector.shape_cast %get3A_99 : vector<16xf32> to vector<16xf32>
          %mul3A_101 = arith.mulf %get3A_100, %broadcast_in_dim3A : vector<16xf32>
          %swap3A = arith.index_cast %add3A_97 : i32 to index
          %swap3A_102 = tpu.vector_load %arg11[%swap3A] {strides = array<i32>} : memref<20480xf32, #tpu.memory_space<vmem>>, vector<16xf32>,
          %swap3A_103 = vector.shape_cast %swap3A_102 : vector<16xf32> to vector<16xf32>
          %swap3A_104 = vector.shape_cast %mul3A_101 : vector<16xf32> to vector<16xf32>
          tpu.vector_store %arg11[%swap3A], %swap3A_104 {strides = array<i32>} : memref<20480xf32, #tpu.memory_space<vmem>>, vector<16xf32>,
          %mul3A_105 = arith.constant 512 : i32
          %mul3A_106 = arith.muli %scan3A_80, %mul3A_105 : i32
          %add3A_107 = arith.constant 16 : i32
          %add3A_108 = arith.addi %mul3A_106, %add3A_107 : i32
          %get3A_109 = arith.index_cast %add3A_108 : i32 to index
          %get3A_110 = tpu.vector_load %arg11[%get3A_109] {strides = array<i32>} : memref<20480xf32, #tpu.memory_space<vmem>>, vector<16xf32>,
          %get3A_111 = vector.shape_cast %get3A_110 : vector<16xf32> to vector<16xf32>
          %mul3A_112 = arith.mulf %get3A_111, %broadcast_in_dim3A : vector<16xf32>
          %swap3A_113 = arith.index_cast %add3A_108 : i32 to index
          %swap3A_114 = tpu.vector_load %arg11[%swap3A_113] {strides = array<i32>} : memref<20480xf32, #tpu.memory_space<vmem>>, vector<16xf32>,
          %swap3A_115 = vector.shape_cast %swap3A_114 : vector<16xf32> to vector<16xf32>
          %swap3A_116 = vector.shape_cast %mul3A_112 : vector<16xf32> to vector<16xf32>
          tpu.vector_store %arg11[%swap3A_113], %swap3A_116 {strides = array<i32>} : memref<20480xf32, #tpu.memory_space<vmem>>, vector<16xf32>,
          %mul3A_117 = arith.constant 512 : i32
          %mul3A_118 = arith.muli %scan3A_80, %mul3A_117 : i32
          %add3A_119 = arith.constant 32 : i32
          %add3A_120 = arith.addi %mul3A_118, %add3A_119 : i32
          %get3A_121 = arith.index_cast %add3A_120 : i32 to index
          %get3A_122 = tpu.vector_load %arg11[%get3A_121] {strides = array<i32>} : memref<20480xf32, #tpu.memory_space<vmem>>, vector<16xf32>,
          %get3A_123 = vector.shape_cast %get3A_122 : vector<16xf32> to vector<16xf32>
          %mul3A_124 = arith.mulf %get3A_123, %broadcast_in_dim3A : vector<16xf32>
          %swap3A_125 = arith.index_cast %add3A_120 : i32 to index
          %swap3A_126 = tpu.vector_load %arg11[%swap3A_125] {strides = array<i32>} : memref<20480xf32, #tpu.memory_space<vmem>>, vector<16xf32>,
          %swap3A_127 = vector.shape_cast %swap3A_126 : vector<16xf32> to vector<16xf32>
          %swap3A_128 = vector.shape_cast %mul3A_124 : vector<16xf32> to vector<16xf32>
          tpu.vector_store %arg11[%swap3A_125], %swap3A_128 {strides = array<i32>} : memref<20480xf32, #tpu.memory_space<vmem>>, vector<16xf32>,
          %mul3A_129 = arith.constant 512 : i32
          %mul3A_130 = arith.muli %scan3A_80, %mul3A_129 : i32
          %add3A_131 = arith.constant 48 : i32
          %add3A_132 = arith.addi %mul3A_130, %add3A_131 : i32
          %get3A_133 = arith.index_cast %add3A_132 : i32 to index
          %get3A_134 = tpu.vector_load %arg11[%get3A_133] {strides = array<i32>} : memref<20480xf32, #tpu.memory_space<vmem>>, vector<16xf32>,
          %get3A_135 = vector.shape_cast %get3A_134 : vector<16xf32> to vector<16xf32>
          %mul3A_136 = arith.mulf %get3A_135, %broadcast_in_dim3A : vector<16xf32>
          %swap3A_137 = arith.index_cast %add3A_132 : i32 to index
          %swap3A_138 = tpu.vector_load %arg11[%swap3A_137] {strides = array<i32>} : memref<20480xf32, #tpu.memory_space<vmem>>, vector<16xf32>,
          %swap3A_139 = vector.shape_cast %swap3A_138 : vector<16xf32> to vector<16xf32>
          %swap3A_140 = vector.shape_cast %mul3A_136 : vector<16xf32> to vector<16xf32>
          tpu.vector_store %arg11[%swap3A_137], %swap3A_140 {strides = array<i32>} : memref<20480xf32, #tpu.memory_space<vmem>>, vector<16xf32>,
          %mul3A_141 = arith.constant 512 : i32
          %mul3A_142 = arith.muli %scan3A_80, %mul3A_141 : i32
          %add3A_143 = arith.constant 64 : i32
          %add3A_144 = arith.addi %mul3A_142, %add3A_143 : i32
          %get3A_145 = arith.index_cast %add3A_144 : i32 to index
          %get3A_146 = tpu.vector_load %arg11[%get3A_145] {strides = array<i32>} : memref<20480xf32, #tpu.memory_space<vmem>>, vector<16xf32>,
          %get3A_147 = vector.shape_cast %get3A_146 : vector<16xf32> to vector<16xf32>
          %mul3A_148 = arith.mulf %get3A_147, %broadcast_in_dim3A : vector<16xf32>
          %swap3A_149 = arith.index_cast %add3A_144 : i32 to index
          %swap3A_150 = tpu.vector_load %arg11[%swap3A_149] {strides = array<i32>} : memref<20480xf32, #tpu.memory_space<vmem>>, vector<16xf32>,
          %swap3A_151 = vector.shape_cast %swap3A_150 : vector<16xf32> to vector<16xf32>
          %swap3A_152 = vector.shape_cast %mul3A_148 : vector<16xf32> to vector<16xf32>
          tpu.vector_store %arg11[%swap3A_149], %swap3A_152 {strides = array<i32>} : memref<20480xf32, #tpu.memory_space<vmem>>, vector<16xf32>,
          %mul3A_153 = arith.constant 512 : i32
          %mul3A_154 = arith.muli %scan3A_80, %mul3A_153 : i32
          %add3A_155 = arith.constant 80 : i32
          %add3A_156 = arith.addi %mul3A_154, %add3A_155 : i32
          %get3A_157 = arith.index_cast %add3A_156 : i32 to index
          %get3A_158 = tpu.vector_load %arg11[%get3A_157] {strides = array<i32>} : memref<20480xf32, #tpu.memory_space<vmem>>, vector<16xf32>,
          %get3A_159 = vector.shape_cast %get3A_158 : vector<16xf32> to vector<16xf32>
          %mul3A_160 = arith.mulf %get3A_159, %broadcast_in_dim3A : vector<16xf32>
          %swap3A_161 = arith.index_cast %add3A_156 : i32 to index
          %swap3A_162 = tpu.vector_load %arg11[%swap3A_161] {strides = array<i32>} : memref<20480xf32, #tpu.memory_space<vmem>>, vector<16xf32>,
          %swap3A_163 = vector.shape_cast %swap3A_162 : vector<16xf32> to vector<16xf32>
          %swap3A_164 = vector.shape_cast %mul3A_160 : vector<16xf32> to vector<16xf32>
          tpu.vector_store %arg11[%swap3A_161], %swap3A_164 {strides = array<i32>} : memref<20480xf32, #tpu.memory_space<vmem>>, vector<16xf32>,
          %mul3A_165 = arith.constant 512 : i32
          %mul3A_166 = arith.muli %scan3A_80, %mul3A_165 : i32
          %add3A_167 = arith.constant 96 : i32
          %add3A_168 = arith.addi %mul3A_166, %add3A_167 : i32
          %get3A_169 = arith.index_cast %add3A_168 : i32 to index
          %get3A_170 = tpu.vector_load %arg11[%get3A_169] {strides = array<i32>} : memref<20480xf32, #tpu.memory_space<vmem>>, vector<16xf32>,
          %get3A_171 = vector.shape_cast %get3A_170 : vector<16xf32> to vector<16xf32>
          %mul3A_172 = arith.mulf %get3A_171, %broadcast_in_dim3A : vector<16xf32>
          %swap3A_173 = arith.index_cast %add3A_168 : i32 to index
          %swap3A_174 = tpu.vector_load %arg11[%swap3A_173] {strides = array<i32>} : memref<20480xf32, #tpu.memory_space<vmem>>, vector<16xf32>,
          %swap3A_175 = vector.shape_cast %swap3A_174 : vector<16xf32> to vector<16xf32>
          %swap3A_176 = vector.shape_cast %mul3A_172 : vector<16xf32> to vector<16xf32>
          tpu.vector_store %arg11[%swap3A_173], %swap3A_176 {strides = array<i32>} : memref<20480xf32, #tpu.memory_space<vmem>>, vector<16xf32>,
          %mul3A_177 = arith.constant 512 : i32
          %mul3A_178 = arith.muli %scan3A_80, %mul3A_177 : i32
          %add3A_179 = arith.constant 112 : i32
          %add3A_180 = arith.addi %mul3A_178, %add3A_179 : i32
          %get3A_181 = arith.index_cast %add3A_180 : i32 to index
          %get3A_182 = tpu.vector_load %arg11[%get3A_181] {strides = array<i32>} : memref<20480xf32, #tpu.memory_space<vmem>>, vector<16xf32>,
          %get3A_183 = vector.shape_cast %get3A_182 : vector<16xf32> to vector<16xf32>
          %mul3A_184 = arith.mulf %get3A_183, %broadcast_in_dim3A : vector<16xf32>
          %swap3A_185 = arith.index_cast %add3A_180 : i32 to index
          %swap3A_186 = tpu.vector_load %arg11[%swap3A_185] {strides = array<i32>} : memref<20480xf32, #tpu.memory_space<vmem>>, vector<16xf32>,
          %swap3A_187 = vector.shape_cast %swap3A_186 : vector<16xf32> to vector<16xf32>
          %swap3A_188 = vector.shape_cast %mul3A_184 : vector<16xf32> to vector<16xf32>
          tpu.vector_store %arg11[%swap3A_185], %swap3A_188 {strides = array<i32>} : memref<20480xf32, #tpu.memory_space<vmem>>, vector<16xf32>,
          %slice3A_189 = vector.extract_strided_slice %div3A_91 {offsets = [1], sizes = [1], strides = [1]} : vector<16xf32> to vector<1xf32>
          %squeeze3A_190 = vector.extract %slice3A_189[0] : f32 from vector<1xf32>
          %broadcast_in_dim3A_191 = vector.broadcast %squeeze3A_190 : f32 to vector<16xf32>
          %mul3A_192 = arith.constant 512 : i32
          %mul3A_193 = arith.muli %scan3A_80, %mul3A_192 : i32
          %add3A_194 = arith.constant 128 : i32
          %add3A_195 = arith.addi %mul3A_193, %add3A_194 : i32
          %get3A_196 = arith.index_cast %add3A_195 : i32 to index
          %get3A_197 = tpu.vector_load %arg11[%get3A_196] {strides = array<i32>} : memref<20480xf32, #tpu.memory_space<vmem>>, vector<16xf32>,
          %get3A_198 = vector.shape_cast %get3A_197 : vector<16xf32> to vector<16xf32>
          %mul3A_199 = arith.mulf %get3A_198, %broadcast_in_dim3A_191 : vector<16xf32>
          %swap3A_200 = arith.index_cast %add3A_195 : i32 to index
          %swap3A_201 = tpu.vector_load %arg11[%swap3A_200] {strides = array<i32>} : memref<20480xf32, #tpu.memory_space<vmem>>, vector<16xf32>,
          %swap3A_202 = vector.shape_cast %swap3A_201 : vector<16xf32> to vector<16xf32>
          %swap3A_203 = vector.shape_cast %mul3A_199 : vector<16xf32> to vector<16xf32>
          tpu.vector_store %arg11[%swap3A_200], %swap3A_203 {strides = array<i32>} : memref<20480xf32, #tpu.memory_space<vmem>>, vector<16xf32>,
          %mul3A_204 = arith.constant 512 : i32
          %mul3A_205 = arith.muli %scan3A_80, %mul3A_204 : i32
          %add3A_206 = arith.constant 144 : i32
          %add3A_207 = arith.addi %mul3A_205, %add3A_206 : i32
          %get3A_208 = arith.index_cast %add3A_207 : i32 to index
          %get3A_209 = tpu.vector_load %arg11[%get3A_208] {strides = array<i32>} : memref<20480xf32, #tpu.memory_space<vmem>>, vector<16xf32>,
          %get3A_210 = vector.shape_cast %get3A_209 : vector<16xf32> to vector<16xf32>
          %mul3A_211 = arith.mulf %get3A_210, %broadcast_in_dim3A_191 : vector<16xf32>
          %swap3A_212 = arith.index_cast %add3A_207 : i32 to index
          %swap3A_213 = tpu.vector_load %arg11[%swap3A_212] {strides = array<i32>} : memref<20480xf32, #tpu.memory_space<vmem>>, vector<16xf32>,
          %swap3A_214 = vector.shape_cast %swap3A_213 : vector<16xf32> to vector<16xf32>
          %swap3A_215 = vector.shape_cast %mul3A_211 : vector<16xf32> to vector<16xf32>
          tpu.vector_store %arg11[%swap3A_212], %swap3A_215 {strides = array<i32>} : memref<20480xf32, #tpu.memory_space<vmem>>, vector<16xf32>,
          %mul3A_216 = arith.constant 512 : i32
          %mul3A_217 = arith.muli %scan3A_80, %mul3A_216 : i32
          %add3A_218 = arith.constant 160 : i32
          %add3A_219 = arith.addi %mul3A_217, %add3A_218 : i32
          %get3A_220 = arith.index_cast %add3A_219 : i32 to index
          %get3A_221 = tpu.vector_load %arg11[%get3A_220] {strides = array<i32>} : memref<20480xf32, #tpu.memory_space<vmem>>, vector<16xf32>,
          %get3A_222 = vector.shape_cast %get3A_221 : vector<16xf32> to vector<16xf32>
          %mul3A_223 = arith.mulf %get3A_222, %broadcast_in_dim3A_191 : vector<16xf32>
          %swap3A_224 = arith.index_cast %add3A_219 : i32 to index
          %swap3A_225 = tpu.vector_load %arg11[%swap3A_224] {strides = array<i32>} : memref<20480xf32, #tpu.memory_space<vmem>>, vector<16xf32>,
          %swap3A_226 = vector.shape_cast %swap3A_225 : vector<16xf32> to vector<16xf32>
          %swap3A_227 = vector.shape_cast %mul3A_223 : vector<16xf32> to vector<16xf32>
          tpu.vector_store %arg11[%swap3A_224], %swap3A_227 {strides = array<i32>} : memref<20480xf32, #tpu.memory_space<vmem>>, vector<16xf32>,
          %mul3A_228 = arith.constant 512 : i32
          %mul3A_229 = arith.muli %scan3A_80, %mul3A_228 : i32
          %add3A_230 = arith.constant 176 : i32
          %add3A_231 = arith.addi %mul3A_229, %add3A_230 : i32
          %get3A_232 = arith.index_cast %add3A_231 : i32 to index
          %get3A_233 = tpu.vector_load %arg11[%get3A_232] {strides = array<i32>} : memref<20480xf32, #tpu.memory_space<vmem>>, vector<16xf32>,
          %get3A_234 = vector.shape_cast %get3A_233 : vector<16xf32> to vector<16xf32>
          %mul3A_235 = arith.mulf %get3A_234, %broadcast_in_dim3A_191 : vector<16xf32>
          %swap3A_236 = arith.index_cast %add3A_231 : i32 to index
          %swap3A_237 = tpu.vector_load %arg11[%swap3A_236] {strides = array<i32>} : memref<20480xf32, #tpu.memory_space<vmem>>, vector<16xf32>,
          %swap3A_238 = vector.shape_cast %swap3A_237 : vector<16xf32> to vector<16xf32>
          %swap3A_239 = vector.shape_cast %mul3A_235 : vector<16xf32> to vector<16xf32>
          tpu.vector_store %arg11[%swap3A_236], %swap3A_239 {strides = array<i32>} : memref<20480xf32, #tpu.memory_space<vmem>>, vector<16xf32>,
          %mul3A_240 = arith.constant 512 : i32
          %mul3A_241 = arith.muli %scan3A_80, %mul3A_240 : i32
          %add3A_242 = arith.constant 192 : i32
          %add3A_243 = arith.addi %mul3A_241, %add3A_242 : i32
          %get3A_244 = arith.index_cast %add3A_243 : i32 to index
          %get3A_245 = tpu.vector_load %arg11[%get3A_244] {strides = array<i32>} : memref<20480xf32, #tpu.memory_space<vmem>>, vector<16xf32>,
          %get3A_246 = vector.shape_cast %get3A_245 : vector<16xf32> to vector<16xf32>
          %mul3A_247 = arith.mulf %get3A_246, %broadcast_in_dim3A_191 : vector<16xf32>
          %swap3A_248 = arith.index_cast %add3A_243 : i32 to index
          %swap3A_249 = tpu.vector_load %arg11[%swap3A_248] {strides = array<i32>} : memref<20480xf32, #tpu.memory_space<vmem>>, vector<16xf32>,
          %swap3A_250 = vector.shape_cast %swap3A_249 : vector<16xf32> to vector<16xf32>
          %swap3A_251 = vector.shape_cast %mul3A_247 : vector<16xf32> to vector<16xf32>
          tpu.vector_store %arg11[%swap3A_248], %swap3A_251 {strides = array<i32>} : memref<20480xf32, #tpu.memory_space<vmem>>, vector<16xf32>,
          %mul3A_252 = arith.constant 512 : i32
          %mul3A_253 = arith.muli %scan3A_80, %mul3A_252 : i32
          %add3A_254 = arith.constant 208 : i32
          %add3A_255 = arith.addi %mul3A_253, %add3A_254 : i32
          %get3A_256 = arith.index_cast %add3A_255 : i32 to index
          %get3A_257 = tpu.vector_load %arg11[%get3A_256] {strides = array<i32>} : memref<20480xf32, #tpu.memory_space<vmem>>, vector<16xf32>,
          %get3A_258 = vector.shape_cast %get3A_257 : vector<16xf32> to vector<16xf32>
          %mul3A_259 = arith.mulf %get3A_258, %broadcast_in_dim3A_191 : vector<16xf32>
          %swap3A_260 = arith.index_cast %add3A_255 : i32 to index
          %swap3A_261 = tpu.vector_load %arg11[%swap3A_260] {strides = array<i32>} : memref<20480xf32, #tpu.memory_space<vmem>>, vector<16xf32>,
          %swap3A_262 = vector.shape_cast %swap3A_261 : vector<16xf32> to vector<16xf32>
          %swap3A_263 = vector.shape_cast %mul3A_259 : vector<16xf32> to vector<16xf32>
          tpu.vector_store %arg11[%swap3A_260], %swap3A_263 {strides = array<i32>} : memref<20480xf32, #tpu.memory_space<vmem>>, vector<16xf32>,
          %mul3A_264 = arith.constant 512 : i32
          %mul3A_265 = arith.muli %scan3A_80, %mul3A_264 : i32
          %add3A_266 = arith.constant 224 : i32
          %add3A_267 = arith.addi %mul3A_265, %add3A_266 : i32
          %get3A_268 = arith.index_cast %add3A_267 : i32 to index
          %get3A_269 = tpu.vector_load %arg11[%get3A_268] {strides = array<i32>} : memref<20480xf32, #tpu.memory_space<vmem>>, vector<16xf32>,
          %get3A_270 = vector.shape_cast %get3A_269 : vector<16xf32> to vector<16xf32>
          %mul3A_271 = arith.mulf %get3A_270, %broadcast_in_dim3A_191 : vector<16xf32>
          %swap3A_272 = arith.index_cast %add3A_267 : i32 to index
          %swap3A_273 = tpu.vector_load %arg11[%swap3A_272] {strides = array<i32>} : memref<20480xf32, #tpu.memory_space<vmem>>, vector<16xf32>,
          %swap3A_274 = vector.shape_cast %swap3A_273 : vector<16xf32> to vector<16xf32>
          %swap3A_275 = vector.shape_cast %mul3A_271 : vector<16xf32> to vector<16xf32>
          tpu.vector_store %arg11[%swap3A_272], %swap3A_275 {strides = array<i32>} : memref<20480xf32, #tpu.memory_space<vmem>>, vector<16xf32>,
          %mul3A_276 = arith.constant 512 : i32
          %mul3A_277 = arith.muli %scan3A_80, %mul3A_276 : i32
          %add3A_278 = arith.constant 240 : i32
          %add3A_279 = arith.addi %mul3A_277, %add3A_278 : i32
          %get3A_280 = arith.index_cast %add3A_279 : i32 to index
          %get3A_281 = tpu.vector_load %arg11[%get3A_280] {strides = array<i32>} : memref<20480xf32, #tpu.memory_space<vmem>>, vector<16xf32>,
          %get3A_282 = vector.shape_cast %get3A_281 : vector<16xf32> to vector<16xf32>
          %mul3A_283 = arith.mulf %get3A_282, %broadcast_in_dim3A_191 : vector<16xf32>
          %swap3A_284 = arith.index_cast %add3A_279 : i32 to index
          %swap3A_285 = tpu.vector_load %arg11[%swap3A_284] {strides = array<i32>} : memref<20480xf32, #tpu.memory_space<vmem>>, vector<16xf32>,
          %swap3A_286 = vector.shape_cast %swap3A_285 : vector<16xf32> to vector<16xf32>
          %swap3A_287 = vector.shape_cast %mul3A_283 : vector<16xf32> to vector<16xf32>
          tpu.vector_store %arg11[%swap3A_284], %swap3A_287 {strides = array<i32>} : memref<20480xf32, #tpu.memory_space<vmem>>, vector<16xf32>,
          %slice3A_288 = vector.extract_strided_slice %div3A_91 {offsets = [2], sizes = [1], strides = [1]} : vector<16xf32> to vector<1xf32>
          %squeeze3A_289 = vector.extract %slice3A_288[0] : f32 from vector<1xf32>
          %broadcast_in_dim3A_290 = vector.broadcast %squeeze3A_289 : f32 to vector<16xf32>
          %mul3A_291 = arith.constant 512 : i32
          %mul3A_292 = arith.muli %scan3A_80, %mul3A_291 : i32
          %add3A_293 = arith.constant 256 : i32
          %add3A_294 = arith.addi %mul3A_292, %add3A_293 : i32
          %get3A_295 = arith.index_cast %add3A_294 : i32 to index
          %get3A_296 = tpu.vector_load %arg11[%get3A_295] {strides = array<i32>} : memref<20480xf32, #tpu.memory_space<vmem>>, vector<16xf32>,
          %get3A_297 = vector.shape_cast %get3A_296 : vector<16xf32> to vector<16xf32>
          %mul3A_298 = arith.mulf %get3A_297, %broadcast_in_dim3A_290 : vector<16xf32>
          %swap3A_299 = arith.index_cast %add3A_294 : i32 to index
          %swap3A_300 = tpu.vector_load %arg11[%swap3A_299] {strides = array<i32>} : memref<20480xf32, #tpu.memory_space<vmem>>, vector<16xf32>,
          %swap3A_301 = vector.shape_cast %swap3A_300 : vector<16xf32> to vector<16xf32>
          %swap3A_302 = vector.shape_cast %mul3A_298 : vector<16xf32> to vector<16xf32>
          tpu.vector_store %arg11[%swap3A_299], %swap3A_302 {strides = array<i32>} : memref<20480xf32, #tpu.memory_space<vmem>>, vector<16xf32>,
          %mul3A_303 = arith.constant 512 : i32
          %mul3A_304 = arith.muli %scan3A_80, %mul3A_303 : i32
          %add3A_305 = arith.constant 272 : i32
          %add3A_306 = arith.addi %mul3A_304, %add3A_305 : i32
          %get3A_307 = arith.index_cast %add3A_306 : i32 to index
          %get3A_308 = tpu.vector_load %arg11[%get3A_307] {strides = array<i32>} : memref<20480xf32, #tpu.memory_space<vmem>>, vector<16xf32>,
          %get3A_309 = vector.shape_cast %get3A_308 : vector<16xf32> to vector<16xf32>
          %mul3A_310 = arith.mulf %get3A_309, %broadcast_in_dim3A_290 : vector<16xf32>
          %swap3A_311 = arith.index_cast %add3A_306 : i32 to index
          %swap3A_312 = tpu.vector_load %arg11[%swap3A_311] {strides = array<i32>} : memref<20480xf32, #tpu.memory_space<vmem>>, vector<16xf32>,
          %swap3A_313 = vector.shape_cast %swap3A_312 : vector<16xf32> to vector<16xf32>
          %swap3A_314 = vector.shape_cast %mul3A_310 : vector<16xf32> to vector<16xf32>
          tpu.vector_store %arg11[%swap3A_311], %swap3A_314 {strides = array<i32>} : memref<20480xf32, #tpu.memory_space<vmem>>, vector<16xf32>,
          %mul3A_315 = arith.constant 512 : i32
          %mul3A_316 = arith.muli %scan3A_80, %mul3A_315 : i32
          %add3A_317 = arith.constant 288 : i32
          %add3A_318 = arith.addi %mul3A_316, %add3A_317 : i32
          %get3A_319 = arith.index_cast %add3A_318 : i32 to index
          %get3A_320 = tpu.vector_load %arg11[%get3A_319] {strides = array<i32>} : memref<20480xf32, #tpu.memory_space<vmem>>, vector<16xf32>,
          %get3A_321 = vector.shape_cast %get3A_320 : vector<16xf32> to vector<16xf32>
          %mul3A_322 = arith.mulf %get3A_321, %broadcast_in_dim3A_290 : vector<16xf32>
          %swap3A_323 = arith.index_cast %add3A_318 : i32 to index
          %swap3A_324 = tpu.vector_load %arg11[%swap3A_323] {strides = array<i32>} : memref<20480xf32, #tpu.memory_space<vmem>>, vector<16xf32>,
          %swap3A_325 = vector.shape_cast %swap3A_324 : vector<16xf32> to vector<16xf32>
          %swap3A_326 = vector.shape_cast %mul3A_322 : vector<16xf32> to vector<16xf32>
          tpu.vector_store %arg11[%swap3A_323], %swap3A_326 {strides = array<i32>} : memref<20480xf32, #tpu.memory_space<vmem>>, vector<16xf32>,
          %mul3A_327 = arith.constant 512 : i32
          %mul3A_328 = arith.muli %scan3A_80, %mul3A_327 : i32
          %add3A_329 = arith.constant 304 : i32
          %add3A_330 = arith.addi %mul3A_328, %add3A_329 : i32
          %get3A_331 = arith.index_cast %add3A_330 : i32 to index
          %get3A_332 = tpu.vector_load %arg11[%get3A_331] {strides = array<i32>} : memref<20480xf32, #tpu.memory_space<vmem>>, vector<16xf32>,
          %get3A_333 = vector.shape_cast %get3A_332 : vector<16xf32> to vector<16xf32>
          %mul3A_334 = arith.mulf %get3A_333, %broadcast_in_dim3A_290 : vector<16xf32>
          %swap3A_335 = arith.index_cast %add3A_330 : i32 to index
          %swap3A_336 = tpu.vector_load %arg11[%swap3A_335] {strides = array<i32>} : memref<20480xf32, #tpu.memory_space<vmem>>, vector<16xf32>,
          %swap3A_337 = vector.shape_cast %swap3A_336 : vector<16xf32> to vector<16xf32>
          %swap3A_338 = vector.shape_cast %mul3A_334 : vector<16xf32> to vector<16xf32>
          tpu.vector_store %arg11[%swap3A_335], %swap3A_338 {strides = array<i32>} : memref<20480xf32, #tpu.memory_space<vmem>>, vector<16xf32>,
          %mul3A_339 = arith.constant 512 : i32
          %mul3A_340 = arith.muli %scan3A_80, %mul3A_339 : i32
          %add3A_341 = arith.constant 320 : i32
          %add3A_342 = arith.addi %mul3A_340, %add3A_341 : i32
          %get3A_343 = arith.index_cast %add3A_342 : i32 to index
          %get3A_344 = tpu.vector_load %arg11[%get3A_343] {strides = array<i32>} : memref<20480xf32, #tpu.memory_space<vmem>>, vector<16xf32>,
          %get3A_345 = vector.shape_cast %get3A_344 : vector<16xf32> to vector<16xf32>
          %mul3A_346 = arith.mulf %get3A_345, %broadcast_in_dim3A_290 : vector<16xf32>
          %swap3A_347 = arith.index_cast %add3A_342 : i32 to index
          %swap3A_348 = tpu.vector_load %arg11[%swap3A_347] {strides = array<i32>} : memref<20480xf32, #tpu.memory_space<vmem>>, vector<16xf32>,
          %swap3A_349 = vector.shape_cast %swap3A_348 : vector<16xf32> to vector<16xf32>
          %swap3A_350 = vector.shape_cast %mul3A_346 : vector<16xf32> to vector<16xf32>
          tpu.vector_store %arg11[%swap3A_347], %swap3A_350 {strides = array<i32>} : memref<20480xf32, #tpu.memory_space<vmem>>, vector<16xf32>,
          %mul3A_351 = arith.constant 512 : i32
          %mul3A_352 = arith.muli %scan3A_80, %mul3A_351 : i32
          %add3A_353 = arith.constant 336 : i32
          %add3A_354 = arith.addi %mul3A_352, %add3A_353 : i32
          %get3A_355 = arith.index_cast %add3A_354 : i32 to index
          %get3A_356 = tpu.vector_load %arg11[%get3A_355] {strides = array<i32>} : memref<20480xf32, #tpu.memory_space<vmem>>, vector<16xf32>,
          %get3A_357 = vector.shape_cast %get3A_356 : vector<16xf32> to vector<16xf32>
          %mul3A_358 = arith.mulf %get3A_357, %broadcast_in_dim3A_290 : vector<16xf32>
          %swap3A_359 = arith.index_cast %add3A_354 : i32 to index
          %swap3A_360 = tpu.vector_load %arg11[%swap3A_359] {strides = array<i32>} : memref<20480xf32, #tpu.memory_space<vmem>>, vector<16xf32>,
          %swap3A_361 = vector.shape_cast %swap3A_360 : vector<16xf32> to vector<16xf32>
          %swap3A_362 = vector.shape_cast %mul3A_358 : vector<16xf32> to vector<16xf32>
          tpu.vector_store %arg11[%swap3A_359], %swap3A_362 {strides = array<i32>} : memref<20480xf32, #tpu.memory_space<vmem>>, vector<16xf32>,
          %mul3A_363 = arith.constant 512 : i32
          %mul3A_364 = arith.muli %scan3A_80, %mul3A_363 : i32
          %add3A_365 = arith.constant 352 : i32
          %add3A_366 = arith.addi %mul3A_364, %add3A_365 : i32
          %get3A_367 = arith.index_cast %add3A_366 : i32 to index
          %get3A_368 = tpu.vector_load %arg11[%get3A_367] {strides = array<i32>} : memref<20480xf32, #tpu.memory_space<vmem>>, vector<16xf32>,
          %get3A_369 = vector.shape_cast %get3A_368 : vector<16xf32> to vector<16xf32>
          %mul3A_370 = arith.mulf %get3A_369, %broadcast_in_dim3A_290 : vector<16xf32>
          %swap3A_371 = arith.index_cast %add3A_366 : i32 to index
          %swap3A_372 = tpu.vector_load %arg11[%swap3A_371] {strides = array<i32>} : memref<20480xf32, #tpu.memory_space<vmem>>, vector<16xf32>,
          %swap3A_373 = vector.shape_cast %swap3A_372 : vector<16xf32> to vector<16xf32>
          %swap3A_374 = vector.shape_cast %mul3A_370 : vector<16xf32> to vector<16xf32>
          tpu.vector_store %arg11[%swap3A_371], %swap3A_374 {strides = array<i32>} : memref<20480xf32, #tpu.memory_space<vmem>>, vector<16xf32>,
          %mul3A_375 = arith.constant 512 : i32
          %mul3A_376 = arith.muli %scan3A_80, %mul3A_375 : i32
          %add3A_377 = arith.constant 368 : i32
          %add3A_378 = arith.addi %mul3A_376, %add3A_377 : i32
          %get3A_379 = arith.index_cast %add3A_378 : i32 to index
          %get3A_380 = tpu.vector_load %arg11[%get3A_379] {strides = array<i32>} : memref<20480xf32, #tpu.memory_space<vmem>>, vector<16xf32>,
          %get3A_381 = vector.shape_cast %get3A_380 : vector<16xf32> to vector<16xf32>
          %mul3A_382 = arith.mulf %get3A_381, %broadcast_in_dim3A_290 : vector<16xf32>
          %swap3A_383 = arith.index_cast %add3A_378 : i32 to index
          %swap3A_384 = tpu.vector_load %arg11[%swap3A_383] {strides = array<i32>} : memref<20480xf32, #tpu.memory_space<vmem>>, vector<16xf32>,
          %swap3A_385 = vector.shape_cast %swap3A_384 : vector<16xf32> to vector<16xf32>
          %swap3A_386 = vector.shape_cast %mul3A_382 : vector<16xf32> to vector<16xf32>
          tpu.vector_store %arg11[%swap3A_383], %swap3A_386 {strides = array<i32>} : memref<20480xf32, #tpu.memory_space<vmem>>, vector<16xf32>,
          %slice3A_387 = vector.extract_strided_slice %div3A_91 {offsets = [3], sizes = [1], strides = [1]} : vector<16xf32> to vector<1xf32>
          %squeeze3A_388 = vector.extract %slice3A_387[0] : f32 from vector<1xf32>
          %broadcast_in_dim3A_389 = vector.broadcast %squeeze3A_388 : f32 to vector<16xf32>
          %mul3A_390 = arith.constant 512 : i32
          %mul3A_391 = arith.muli %scan3A_80, %mul3A_390 : i32
          %add3A_392 = arith.constant 384 : i32
          %add3A_393 = arith.addi %mul3A_391, %add3A_392 : i32
          %get3A_394 = arith.index_cast %add3A_393 : i32 to index
          %get3A_395 = tpu.vector_load %arg11[%get3A_394] {strides = array<i32>} : memref<20480xf32, #tpu.memory_space<vmem>>, vector<16xf32>,
          %get3A_396 = vector.shape_cast %get3A_395 : vector<16xf32> to vector<16xf32>
          %mul3A_397 = arith.mulf %get3A_396, %broadcast_in_dim3A_389 : vector<16xf32>
          %swap3A_398 = arith.index_cast %add3A_393 : i32 to index
          %swap3A_399 = tpu.vector_load %arg11[%swap3A_398] {strides = array<i32>} : memref<20480xf32, #tpu.memory_space<vmem>>, vector<16xf32>,
          %swap3A_400 = vector.shape_cast %swap3A_399 : vector<16xf32> to vector<16xf32>
          %swap3A_401 = vector.shape_cast %mul3A_397 : vector<16xf32> to vector<16xf32>
          tpu.vector_store %arg11[%swap3A_398], %swap3A_401 {strides = array<i32>} : memref<20480xf32, #tpu.memory_space<vmem>>, vector<16xf32>,
          %mul3A_402 = arith.constant 512 : i32
          %mul3A_403 = arith.muli %scan3A_80, %mul3A_402 : i32
          %add3A_404 = arith.constant 400 : i32
          %add3A_405 = arith.addi %mul3A_403, %add3A_404 : i32
          %get3A_406 = arith.index_cast %add3A_405 : i32 to index
          %get3A_407 = tpu.vector_load %arg11[%get3A_406] {strides = array<i32>} : memref<20480xf32, #tpu.memory_space<vmem>>, vector<16xf32>,
          %get3A_408 = vector.shape_cast %get3A_407 : vector<16xf32> to vector<16xf32>
          %mul3A_409 = arith.mulf %get3A_408, %broadcast_in_dim3A_389 : vector<16xf32>
          %swap3A_410 = arith.index_cast %add3A_405 : i32 to index
          %swap3A_411 = tpu.vector_load %arg11[%swap3A_410] {strides = array<i32>} : memref<20480xf32, #tpu.memory_space<vmem>>, vector<16xf32>,
          %swap3A_412 = vector.shape_cast %swap3A_411 : vector<16xf32> to vector<16xf32>
          %swap3A_413 = vector.shape_cast %mul3A_409 : vector<16xf32> to vector<16xf32>
          tpu.vector_store %arg11[%swap3A_410], %swap3A_413 {strides = array<i32>} : memref<20480xf32, #tpu.memory_space<vmem>>, vector<16xf32>,
          %mul3A_414 = arith.constant 512 : i32
          %mul3A_415 = arith.muli %scan3A_80, %mul3A_414 : i32
          %add3A_416 = arith.constant 416 : i32
          %add3A_417 = arith.addi %mul3A_415, %add3A_416 : i32
          %get3A_418 = arith.index_cast %add3A_417 : i32 to index
          %get3A_419 = tpu.vector_load %arg11[%get3A_418] {strides = array<i32>} : memref<20480xf32, #tpu.memory_space<vmem>>, vector<16xf32>,
          %get3A_420 = vector.shape_cast %get3A_419 : vector<16xf32> to vector<16xf32>
          %mul3A_421 = arith.mulf %get3A_420, %broadcast_in_dim3A_389 : vector<16xf32>
          %swap3A_422 = arith.index_cast %add3A_417 : i32 to index
          %swap3A_423 = tpu.vector_load %arg11[%swap3A_422] {strides = array<i32>} : memref<20480xf32, #tpu.memory_space<vmem>>, vector<16xf32>,
          %swap3A_424 = vector.shape_cast %swap3A_423 : vector<16xf32> to vector<16xf32>
          %swap3A_425 = vector.shape_cast %mul3A_421 : vector<16xf32> to vector<16xf32>
          tpu.vector_store %arg11[%swap3A_422], %swap3A_425 {strides = array<i32>} : memref<20480xf32, #tpu.memory_space<vmem>>, vector<16xf32>,
          %mul3A_426 = arith.constant 512 : i32
          %mul3A_427 = arith.muli %scan3A_80, %mul3A_426 : i32
          %add3A_428 = arith.constant 432 : i32
          %add3A_429 = arith.addi %mul3A_427, %add3A_428 : i32
          %get3A_430 = arith.index_cast %add3A_429 : i32 to index
          %get3A_431 = tpu.vector_load %arg11[%get3A_430] {strides = array<i32>} : memref<20480xf32, #tpu.memory_space<vmem>>, vector<16xf32>,
          %get3A_432 = vector.shape_cast %get3A_431 : vector<16xf32> to vector<16xf32>
          %mul3A_433 = arith.mulf %get3A_432, %broadcast_in_dim3A_389 : vector<16xf32>
          %swap3A_434 = arith.index_cast %add3A_429 : i32 to index
          %swap3A_435 = tpu.vector_load %arg11[%swap3A_434] {strides = array<i32>} : memref<20480xf32, #tpu.memory_space<vmem>>, vector<16xf32>,
          %swap3A_436 = vector.shape_cast %swap3A_435 : vector<16xf32> to vector<16xf32>
          %swap3A_437 = vector.shape_cast %mul3A_433 : vector<16xf32> to vector<16xf32>
          tpu.vector_store %arg11[%swap3A_434], %swap3A_437 {strides = array<i32>} : memref<20480xf32, #tpu.memory_space<vmem>>, vector<16xf32>,
          %mul3A_438 = arith.constant 512 : i32
          %mul3A_439 = arith.muli %scan3A_80, %mul3A_438 : i32
          %add3A_440 = arith.constant 448 : i32
          %add3A_441 = arith.addi %mul3A_439, %add3A_440 : i32
          %get3A_442 = arith.index_cast %add3A_441 : i32 to index
          %get3A_443 = tpu.vector_load %arg11[%get3A_442] {strides = array<i32>} : memref<20480xf32, #tpu.memory_space<vmem>>, vector<16xf32>,
          %get3A_444 = vector.shape_cast %get3A_443 : vector<16xf32> to vector<16xf32>
          %mul3A_445 = arith.mulf %get3A_444, %broadcast_in_dim3A_389 : vector<16xf32>
          %swap3A_446 = arith.index_cast %add3A_441 : i32 to index
          %swap3A_447 = tpu.vector_load %arg11[%swap3A_446] {strides = array<i32>} : memref<20480xf32, #tpu.memory_space<vmem>>, vector<16xf32>,
          %swap3A_448 = vector.shape_cast %swap3A_447 : vector<16xf32> to vector<16xf32>
          %swap3A_449 = vector.shape_cast %mul3A_445 : vector<16xf32> to vector<16xf32>
          tpu.vector_store %arg11[%swap3A_446], %swap3A_449 {strides = array<i32>} : memref<20480xf32, #tpu.memory_space<vmem>>, vector<16xf32>,
          %mul3A_450 = arith.constant 512 : i32
          %mul3A_451 = arith.muli %scan3A_80, %mul3A_450 : i32
          %add3A_452 = arith.constant 464 : i32
          %add3A_453 = arith.addi %mul3A_451, %add3A_452 : i32
          %get3A_454 = arith.index_cast %add3A_453 : i32 to index
          %get3A_455 = tpu.vector_load %arg11[%get3A_454] {strides = array<i32>} : memref<20480xf32, #tpu.memory_space<vmem>>, vector<16xf32>,
          %get3A_456 = vector.shape_cast %get3A_455 : vector<16xf32> to vector<16xf32>
          %mul3A_457 = arith.mulf %get3A_456, %broadcast_in_dim3A_389 : vector<16xf32>
          %swap3A_458 = arith.index_cast %add3A_453 : i32 to index
          %swap3A_459 = tpu.vector_load %arg11[%swap3A_458] {strides = array<i32>} : memref<20480xf32, #tpu.memory_space<vmem>>, vector<16xf32>,
          %swap3A_460 = vector.shape_cast %swap3A_459 : vector<16xf32> to vector<16xf32>
          %swap3A_461 = vector.shape_cast %mul3A_457 : vector<16xf32> to vector<16xf32>
          tpu.vector_store %arg11[%swap3A_458], %swap3A_461 {strides = array<i32>} : memref<20480xf32, #tpu.memory_space<vmem>>, vector<16xf32>,
          %mul3A_462 = arith.constant 512 : i32
          %mul3A_463 = arith.muli %scan3A_80, %mul3A_462 : i32
          %add3A_464 = arith.constant 480 : i32
          %add3A_465 = arith.addi %mul3A_463, %add3A_464 : i32
          %get3A_466 = arith.index_cast %add3A_465 : i32 to index
          %get3A_467 = tpu.vector_load %arg11[%get3A_466] {strides = array<i32>} : memref<20480xf32, #tpu.memory_space<vmem>>, vector<16xf32>,
          %get3A_468 = vector.shape_cast %get3A_467 : vector<16xf32> to vector<16xf32>
          %mul3A_469 = arith.mulf %get3A_468, %broadcast_in_dim3A_389 : vector<16xf32>
          %swap3A_470 = arith.index_cast %add3A_465 : i32 to index
          %swap3A_471 = tpu.vector_load %arg11[%swap3A_470] {strides = array<i32>} : memref<20480xf32, #tpu.memory_space<vmem>>, vector<16xf32>,
          %swap3A_472 = vector.shape_cast %swap3A_471 : vector<16xf32> to vector<16xf32>
          %swap3A_473 = vector.shape_cast %mul3A_469 : vector<16xf32> to vector<16xf32>
          tpu.vector_store %arg11[%swap3A_470], %swap3A_473 {strides = array<i32>} : memref<20480xf32, #tpu.memory_space<vmem>>, vector<16xf32>,
          %mul3A_474 = arith.constant 512 : i32
          %mul3A_475 = arith.muli %scan3A_80, %mul3A_474 : i32
          %add3A_476 = arith.constant 496 : i32
          %add3A_477 = arith.addi %mul3A_475, %add3A_476 : i32
          %get3A_478 = arith.index_cast %add3A_477 : i32 to index
          %get3A_479 = tpu.vector_load %arg11[%get3A_478] {strides = array<i32>} : memref<20480xf32, #tpu.memory_space<vmem>>, vector<16xf32>,
          %get3A_480 = vector.shape_cast %get3A_479 : vector<16xf32> to vector<16xf32>
          %mul3A_481 = arith.mulf %get3A_480, %broadcast_in_dim3A_389 : vector<16xf32>
          %swap3A_482 = arith.index_cast %add3A_477 : i32 to index
          %swap3A_483 = tpu.vector_load %arg11[%swap3A_482] {strides = array<i32>} : memref<20480xf32, #tpu.memory_space<vmem>>, vector<16xf32>,
          %swap3A_484 = vector.shape_cast %swap3A_483 : vector<16xf32> to vector<16xf32>
          %swap3A_485 = vector.shape_cast %mul3A_481 : vector<16xf32> to vector<16xf32>
          tpu.vector_store %arg11[%swap3A_482], %swap3A_485 {strides = array<i32>} : memref<20480xf32, #tpu.memory_space<vmem>>, vector<16xf32>,
        }
        %scan3A_76 = arith.constant 40 : i32
        %mul3A_77 = arith.constant 512 : i32
        %mul3A_78 = arith.muli %mul3A_13, %mul3A_77 : i32
        %multiple_of3A_79 = tpu.assume_multiple %mul3A_78, 8 : i32
        "tpu.region"() ({
          %run_scoped3A = tpu.sem_alloc : memref<!tpu.dma_semaphore, #tpu.memory_space<semaphore_mem>>
          %dma_start3A = tpu.memref_slice %arg10[%multiple_of3A_79] : memref<5120000xf32, #tpu.memory_space<hbm>> -> memref<20480xf32, #tpu.memory_space<hbm>>
          %dma_start3A_80 = tpu.memref_slice %arg10[%multiple_of3A_79] : memref<5120000xf32, #tpu.memory_space<hbm>> -> memref<20480xf32, #tpu.memory_space<hbm>>
          tpu.enqueue_dma source(%arg11 : memref<20480xf32, #tpu.memory_space<vmem>>) target(%dma_start3A_80 : memref<20480xf32, #tpu.memory_space<hbm>>) target_semaphore(%run_scoped3A : memref<!tpu.dma_semaphore, #tpu.memory_space<semaphore_mem>>)
          %dma_wait3A = tpu.memref_slice %arg10[%multiple_of3A_79] : memref<5120000xf32, #tpu.memory_space<hbm>> -> memref<20480xf32, #tpu.memory_space<hbm>>
          %dma_wait3A_81 = tpu.memref_slice %arg10[%multiple_of3A_79] : memref<5120000xf32, #tpu.memory_space<hbm>> -> memref<20480xf32, #tpu.memory_space<hbm>>
          tpu.wait_dma2 semaphore(%run_scoped3A : memref<!tpu.dma_semaphore, #tpu.memory_space<semaphore_mem>>) src(%arg11 : memref<20480xf32, #tpu.memory_space<vmem>>) dst(%dma_wait3A_81 : memref<20480xf32, #tpu.memory_space<hbm>>)
          tpu.yield
        }) : () -> ()
      } else {
      }
    }
    %scan3A_5 = arith.constant 8 : i32
    return
  }
}

</mosaic_0001>

<sc_bundles>
// kernel: _gat_edge_sc.3.cloned.1.call-start
scs
__scs_entry_jumppad:
0x0: {  	(pc) =	sbr.rel $0x88, $3  }
0x1: {  	(tag) =	ssettag $0x0;
	lr =	simm.s32 $0x1  }
0x2: {  	[smem:$0x3F99] =	sst lr;
	_ =	strace $0xD0000000  }
0x3: {  	_ = 	snop  }
0x4: {  	_ = 	snop  }
0x5: {  	_ = 	snop  }
0x6: {  	_ = 	snop  }
0x7: {  	_ = 	snop  }
__scs_overlays_trampoline_lowered:
0x8: {  	[smem:$0x3FA8] =	sst s0  }
0x9: {  	[smem:$0x3FA9] =	sst s1  }
0xa: {  	[smem:$0x3FAA] =	sst s2  }
0xb: {  	[smem:$0x3FAB] =	sst s3  }
0xc: {  	[smem:$0x3FAC] =	sst s4  }
0xd: {  	[smem:$0x3FAD] =	sst s5  }
0xe: {  	[smem:$0x3FAE] =	sst s6  }
0xf: {  	[smem:$0x3FAF] =	sst s7  }
0x10: {  	[smem:$0x3FB0] =	sst s8  }
0x11: {  	[smem:$0x3FB1] =	sst s9;
	s0 =	simm.s32 @!p0 $0x0  }
0x12: {  	s1 =	sld [smem:$0x3F97];
	s0 =	simm.s32 @p0 $0x1  }
0x13: {  	[smem:$0x3FB2] =	sst s0;
	s0 =	simm.s32 @!p1 $0x0  }
0x14: {  	s2 =	sld [smem:$0x3F96];
	s0 =	simm.s32 @p1 $0x1  }
0x15: {  	[smem:$0x3FB3] =	sst s0;
	s0 =	simm.s32 @!p2 $0x0  }
0x16: {  	s3 =	sld [smem:$0x3FDB];
	s0 =	simm.s32 @p2 $0x1  }
0x17: {  	s4 =	simm.s32 $0x1BF5;
	[smem:$0x3FB5] =	sst s0  }
0x18: {  	s0 =	sld [smem:$0x3F98];
	_ =	swait.ge [sflag:s4], $0x0  }
0x19: {  	s7 =	sld [smem:$0x3F99]  }
0x1a: {  	s8 =	sadd.s32 $0xFFFFE003, lr  }
0x1b: {  	s9 =	sadd.s32 $0xFFFFFEF7, lr;
	s5 =	simm.s32 $0xFFFFFFFF;
	p2 =	slt.u32 s8, $0xFFFFF086  }
0x1c: {  	p1 =	slt.u32 s9, $0xF7A;
	s5 =	simm.s32 @!p2 $0x0  }
0x1d: {  	s5 =	simm.s32 @p1 $0x1;
	p0 =	seq.s32 s7, s2  }
0x1e: {  	s7 =	smul.u32 @!p0 $0xF7A, s2;
	p2 =	seq.s32 @!p0 s5, $0x0  }
0x1f: {  	s9 =	smul.u32 $0xF7A, s1;
	s8 =	simm.s32 @!p0 $0x1BF5;
	p2 =	por !p2, p0  }
0x20: {  	[sflag:s8] =	ssyncset.s32 @!p0 $0xFFFFF086;
	s6 =	sadd.s32 @!p0 s3, s7;
	s7 =	simm.s32 @!p0 $0x108  }
0x21: {  	s3 =	sadd.s32 s3, s9;
	s6 =	sadd.s32 @!p0 $0x88, s6;
	s7 =	simm.s32 @p2 $0x1082  }
0x22: {  	[simem:s7], [sflag:s8] =	dma.local @!p0 [hbm:s6], $0xF7A  }
0x23: {  	s9 =	sor.u32 $0xD0000000, s2;
	s6 =	simm.s32 $0x108;
	_ =	swait.ge @!p0 [sflag:s8], $0x0  }
0x24: {  	s3 =	sadd.s32 $0x88, s3;
	s6 =	simm.s32 @!p1 $0x1082;
	[sflag:s4] =	ssyncset.s32 $0xFFFFF086  }
0x25: {  	[simem:s6], [sflag:s4] =	dma.local [hbm:s3], $0xF7A  }
0x26: {  	[smem:$0x3F99] =	sst s1;
	(tag) =	ssettag s2;
	_ =	strace s9  }
0x27: {  	s1 =	sld [smem:$0x3FA9]  }
0x28: {  	s2 =	sld [smem:$0x3FAA]  }
0x29: {  	s4 =	sld [smem:$0x3FAC]  }
0x2a: {  	p0 =	seq.s32 s5, $0x0;
	s5 =	sld [smem:$0x3FAD]  }
0x2b: {  	s6 =	sld [smem:$0x3FAE]  }
0x2c: {  	s7 =	sld [smem:$0x3FAF]  }
0x2d: {  	s3 =	simm.s32 $0x108;
	s8 =	sld [smem:$0x3FB0]  }
0x2e: {  	s3 =	simm.s32 @!p0 $0x1082;
	s9 =	sld [smem:$0x3FB1]  }
0x2f: {  	lr =	sadd.s32 s0, s3;
	s0 =	sld [smem:$0x3FA8]  }
0x30: {  	s3 =	sld [smem:$0x3FAB]  }
0x31: {  	[smem:$0x3FB4] =	sst s10  }
0x32: {  	s10 =	sld [smem:$0x3FB2];
	_ =	sdelay $0x3  }
0x33: {  	p0 =	seq.s32 s10, $0x1;
	s10 =	sld [smem:$0x3FB4];
	_ =	sdelay $0x3  }
0x34: {  	[smem:$0x3FB4] =	sst s10  }
0x35: {  	s10 =	sld [smem:$0x3FB3];
	_ =	sdelay $0x3  }
0x36: {  	p1 =	seq.s32 s10, $0x1;
	s10 =	sld [smem:$0x3FB4];
	_ =	sdelay $0x3  }
0x37: {  	[smem:$0x3FB4] =	sst s10  }
0x38: {  	s10 =	sld [smem:$0x3FB5]  }
0x39: {  	_ = 	snop;
	(pc) =	sbr.ind lr, $3  }
0x3a: {  	_ = 	snop  }
0x3b: {  	_ = 	snop  }
0x3c: {  	p2 =	seq.s32 s10, $0x1;
	s10 =	sld [smem:$0x3FB4]  }
0x3d: {  	_ =	shalt  }
0x3e: {  	_ =	shalt  }
0x3f: {  	_ =	shalt  }
0x40: {  	_ =	shalt  }
0x41: {  	_ =	shalt  }
0x42: {  	_ =	shalt  }
0x43: {  	_ =	shalt  }
0x44: {  	_ =	shalt  }
0x45: {  	_ =	shalt  }
0x46: {  	_ =	shalt  }
0x47: {  	_ =	shalt  }
0x48: {  	_ =	shalt  }
0x49: {  	_ =	shalt  }
0x4a: {  	_ =	shalt  }
0x4b: {  	_ =	shalt  }
0x4c: {  	_ =	shalt  }
0x4d: {  	_ =	shalt  }
0x4e: {  	_ =	shalt  }
0x4f: {  	_ =	shalt  }
0x50: {  	_ =	shalt  }
0x51: {  	_ =	shalt  }
0x52: {  	_ =	shalt  }
0x53: {  	_ =	shalt  }
0x54: {  	_ =	shalt  }
0x55: {  	_ =	shalt  }
0x56: {  	_ =	shalt  }
0x57: {  	_ =	shalt  }
0x58: {  	_ =	shalt  }
0x59: {  	_ =	shalt  }
0x5a: {  	_ =	shalt  }
0x5b: {  	_ =	shalt  }
0x5c: {  	_ =	shalt  }
0x5d: {  	_ =	shalt  }
0x5e: {  	_ =	shalt  }
0x5f: {  	_ =	shalt  }
0x60: {  	_ =	shalt  }
0x61: {  	_ =	shalt  }
0x62: {  	_ =	shalt  }
0x63: {  	_ =	shalt  }
0x64: {  	_ =	shalt  }
0x65: {  	_ =	shalt  }
0x66: {  	_ =	shalt  }
0x67: {  	_ =	shalt  }
0x68: {  	_ =	shalt  }
0x69: {  	_ =	shalt  }
0x6a: {  	_ =	shalt  }
0x6b: {  	_ =	shalt  }
0x6c: {  	_ =	shalt  }
0x6d: {  	_ =	shalt  }
0x6e: {  	_ =	shalt  }
0x6f: {  	_ =	shalt  }
0x70: {  	_ =	shalt  }
0x71: {  	_ =	shalt  }
0x72: {  	_ =	shalt  }
0x73: {  	_ =	shalt  }
0x74: {  	_ =	shalt  }
0x75: {  	_ =	shalt  }
0x76: {  	_ =	shalt  }
0x77: {  	_ =	shalt  }
0x78: {  	_ =	shalt  }
0x79: {  	_ =	shalt  }
0x7a: {  	_ =	shalt  }
0x7b: {  	_ =	shalt  }
0x7c: {  	_ =	shalt  }
0x7d: {  	_ =	shalt  }
0x7e: {  	_ =	shalt  }
0x7f: {  	_ =	shalt  }
0x80: {  	_ =	shalt  }
0x81: {  	_ =	shalt  }
0x82: {  	_ =	shalt  }
0x83: {  	_ =	shalt  }
0x84: {  	_ =	shalt  }
0x85: {  	_ =	shalt  }
0x86: {  	_ =	shalt  }
0x87: {  	_ =	shalt  }
.Lfunc_end0:
.L_simem_size_0:
called_computation_lowered:
.L_overlay_start_0:
0x88: {  	s2 =	sld [smem:$0x3FD9]  }
0x89: {  	s3 =	sld [smem:$0x3FFE];
	_ =	sdelay $0x1  }
0x8a: {  	s1 =	srdreg.scid  }
0x8b: {  	s0 =	sand.u32 $0x1, s1  }
0x8c: {  	s18 =	sshll.u32 s0, $0xA;
	s2 =	sadd.s32 s3, s2  }
0x8d: {  	s2 =	sadd.s32 s2, s18  }
0x8e: {  	[smem:$0x3FC0] =	sst s2  }
0x8f: {  	_ = 	snop  }
0x90: {  	s2 =	sld [smem:$0x3FC9]  }
0x91: {  	s19 =	sld [smem:$0x3FC8]  }
0x92: {  	s4 =	sld [smem:$0x3FC7]  }
0x93: {  	s5 =	sld [smem:$0x3FC6]  }
0x94: {  	s6 =	sld [smem:$0x3FC5]  }
0x95: {  	s7 =	sld [smem:$0x3FC4]  }
0x96: {  	s8 =	sld [smem:$0x3FC3]  }
0x97: {  	s9 =	sld [smem:$0x3FC2]  }
0x98: {  	s10 =	sld [smem:$0x3FD0];
	(tm) =	ssettm $0x1  }
0x99: {  	s11 =	sld [smem:$0x3FFB];
	_ =	sdelay $0x3  }
0x9a: {  	_ =	strace s11  }
0x9b: {  	s11 =	sld [smem:$0x3FFC];
	_ =	sdelay $0x3  }
0x9c: {  	_ =	strace s11  }
0x9d: {  	s11 =	sld [smem:$0x3FFD];
	_ =	sdelay $0x3  }
0x9e: {  	_ =	strace s11  }
0x9f: {  	_ =	strace $0x8FFFFFFF  }
0xa0: {  	s20 =	sld [smem:$0x3FDB];
	_ =	sdelay $0x1  }
0xa1: {  	s12 =	simm.s32 $_scs_section_size  }
0xa2: {  	s13 =	simm.s32 $_size__tile_overlayer_lowered;
	s14 =	simm.s32 $_tile_overlayer_lowered  }
0xa3: {  	s23 =	simm.s32 $0x1BFF;
	s22 =	sshll.u32 s14, $0x1;
	s11 =	sadd.s32 s12, s20  }
0xa4: {  	s15 =	simm.s32 $0x0;
	s21 =	sshll.u32 s13, $0x1;
	s13 =	sadd.s32 s22, s11  }
0xa5: {  	[timem:s15], [sflag:s23] =	dma.local [hbm:s13], s21  }
0xa6: {  	_ =	swait.ge [sflag:s23], s21  }
0xa7: {  	s12 =	ssub.s32 $0x0, s21;
	[sflag:s23] =	ssyncset.done $0x0  }
0xa8: {  	[sflag:s23] =	ssyncadd.s32 s12;
	_ =	sdelay $0x1  }
0xa9: {  	s24 =	simm.s32 $0x1B8B  }
0xaa: {  	_ =	swait.ge [sflag:s24], $0x1  }
0xab: {  	[sflag:s24] =	ssyncset.done $0x0  }
0xac: {  	s25 =	simm.s32 $0x1B8E;
	[sflag:s24] =	ssyncadd.s32 $0xFFFFFFFF  }
0xad: {  	s26 =	simm.s32 $execute0_lowered;
	[smem:$0x3FD2] =	sst s25  }
0xae: {  	s12 =	sshll.u32 s26, $0x1;
	_ =	strace $0x80000046;
	[dreg:$0x1] =	wrdreg $0xFFFFFFFF  }
0xaf: {  	s28 =	simm.s32 $_size_execute0_lowered;
	s11 =	sadd.s32 s11, s12;
	[dreg:$0x0] =	wrdreg $0x0  }
0xb0: {  	s12 =	sshll.u32 s28, $0x1;
	[dreg:$0x2] =	wrdreg s11  }
0xb1: {  	[dreg:$0x3] =	wrdreg s12  }
0xb2: {  	[dreg:$0x4] =	wrdreg $0xC0  }
0xb3: {  	_ =	task [dreg:s15], $0x5FFFF  }
0xb4: {  	[dreg:$0x1] =	wrdreg $0xFFFFFFFF  }
0xb5: {  	[dreg:$0x0] =	wrdreg $0x60  }
0xb6: {  	[dreg:$0x2] =	wrdreg s2  }
0xb7: {  	[dreg:$0x3] =	wrdreg s19  }
0xb8: {  	[dreg:$0x4] =	wrdreg s4  }
0xb9: {  	[dreg:$0x5] =	wrdreg s5  }
0xba: {  	[dreg:$0x6] =	wrdreg s6  }
0xbb: {  	[dreg:$0x7] =	wrdreg s7  }
0xbc: {  	[dreg:$0x8] =	wrdreg s8  }
0xbd: {  	[dreg:$0x9] =	wrdreg s9  }
0xbe: {  	[dreg:$0xa] =	wrdreg s10  }
0xbf: {  	[dreg:$0xb] =	wrdreg $0x9  }
0xc0: {  	_ =	task.clear_ibuf [dreg:s15], $0xCFFFF;
	_ =	strace $0x90000046  }
0xc1: {  	s29 =	simm.s32 $0x9;
	_ =	strace $0x80000048  }
0xc2: {  	_ =	swait.ge [sflag:s29], $0x1  }
0xc3: {  	[sflag:s29] =	ssyncadd.s32 $0xFFFFFFFF  }
0xc4: {  	_ =	strace $0x90000048  }
0xc5: {  	_ =	sfence  }
0xc6: {  	s30 =	sld [smem:$0x0];
	_ =	sdelay $0x2  }
0xc7: {  	s31 =	sshll.u32 s1, $0xD;
	s1 =	sshrl.u32 s1, $0x2  }
0xc8: {  	s3 =	sand.u32 $0x4000, s31;
	s1 =	sadd.s32 s1, s30  }
0xc9: {  	s0 =	sor.u32 s3, s0;
	s1 =	sshll.u32 s1, $0x11  }
0xca: {  	s0 =	sor.u32 s1, s0  }
0xcb: {  	s0 =	sadd.s32 $0x8F2B, s0  }
0xcc: {  	[sflag:s0] =	ssyncadd.remote.s32 $0x1  }
0xcd: {  	_ =	sfence.sel $0xFFFF  }
0xce: {  	[dreg:$0x0] =	wrdreg $0xFFFFFFFF;
	(pc) =	sbr.abs _section_cstart, $3  }
0xcf: {  	[dreg:$0x1] =	wrdreg $0xFFFFFFFF  }
0xd0: {  	_ =	task.clear_ibuf [dreg:s15], $0x2FFFF;
	_ =	strace $0x9FFFFFFF  }
0xd1: {  	(tm) =	ssettm $0x7FFFFFFF  }
tec
execute0_lowered:
.L_overlay_start_1:
0x0: {  	(tag) =	ssettag $0x1  }
0x1: {  	v0 =	vimm.s32 $0x3210FEDC;
	v1 =	vimm.s32 $0xBA987654  }
0x2: {  	v36 =	vimm.f32 $0.0e+00;
	v37 =	vimm.f32 $-1.000000020e+30;
	v4 =	vlaneseq.u32  }
0x3: {  	s0 =	rddreg [dreg:$0x0];
	v5 =	vimm.s32 $0x76543210;
	v6 =	vimm.s32 $0x10FEDCBA;
	v57 =	vimm.s32 $0x98765432  }
0x4: {  	s1 =	srdreg.scid;
	s2 =	simm.s32 $0x0;
	s3 =	stileid.u32;
	v8 =	vimm.s32 $0x87654321;
	v9 =	vimm.s32 $0xFEDCBA98;
	v2 =	vunpack.c.l.s4.s8 v0  }
0x5: {  	s23 =	simm.s32 $0x1;
	s28 =	simm.s32 $0xB800;
	s29 =	simm.s32 $0xC000;
	v3 =	vunpack.c.l.s4.s8 v1;
	v56 =	vunpack.c.l.s4.s8 v6;
	v6 =	vimm.s32 $0xFEDCBA9  }
0x6: {  	s30 =	simm.s32 $0xC800;
	s31 =	simm.s32 $0xD000;
	s5 =	simm.s32 $0xD800;
	v8 =	vunpack.c.l.s4.s8 v8;
	v9 =	vunpack.c.l.s4.s8 v9;
	v5 =	vunpack.c.l.s4.s8 v5  }
0x7: {  	s10 =	simm.s32 $0xE000;
	s8 =	simm.s32 $0xE800;
	s15 =	simm.s32 $0xF000;
	v58 =	vand.u32 $0x7, v4;
	v2 =	vunpack.c.0.s8.s32 v2;
	v3 =	vunpack.c.0.s8.s32 v3  }
0x8: {  	s14 =	simm.s32 $0xF800;
	s6 =	simm.s32 $0x10800;
	s7 =	simm.s32 $0x11000;
	v59 =	vshrl.u32 v4, $0x3;
	v61 =	vor.u32 $0x8, v4;
	v6 =	vunpack.c.l.s4.s8 v6  }
0x9: {  	s9 =	simm.s32 $0x11800;
	s17 =	simm.s32 $0x2;
	s19 =	simm.s32 $0x3;
	v60 =	vmul.u32 $0x8, v59;
	v7 =	vcombine.low v3, v2;
	v3 =	vunpack.c.l.s4.s8 v57  }
0xa: {  	s18 =	simm.s32 $0x0;
	s1 =	sand.u32 $0x1, s1;
	[smem:$0x7FF] =	sst s2;
	v8 =	vunpack.c.0.s8.s32 v8;
	v9 =	vunpack.c.0.s8.s32 v9;
	v6 =	vunpack.c.0.s8.s32 v6  }
.Ltmp0:
0xb: {  	s24 =	ssub.s32 $0x2, s1;
	_ =	strace $0x80000047;
	[tilespmem:$0x1FFB0] =	vst v58;
	v5 =	vunpack.c.0.s8.s32 v5;
	v2 =	vunpack.c.0.s8.s32 v56;
	v3 =	vunpack.c.0.s8.s32 v3;
	(pc) =	sbr.rel .LBB2_1-.Ltmp0, $4  }
0xc: {  	vm0 =	vmmov $0xffff;
	s3 =	sshll.u32 s3, $0x1;
	s13 =	sadd.s32 $0x100, s0;
	[tilespmem:$0x1FFD0] =	vst v61;
	s4 =	sshrl.u32 s24, $0x1;
	v8 =	vcombine.low v8, v6;
	v6 =	vand.u32 $0xF, v9  }
0xd: {  	s11 =	sor.u32 s1, s3;
	s3 =	simm.s32 $0x0;
	s25 =	ssub.s32 s24, s4;
	[tilespmem:$0x1FFC0] =	vst v60;
	v62 =	vcombine.low v6, v5;
	v63 =	vand.u32 $0xF, v7;
	v10 =	vcombine.low v3, v2  }
0xe: {  	vm1 =	vmmov $0x1;
	vm2 =	vcmask $0x310;
	vm3 =	vcmask $0x710;
	s26 =	sand.u32 $0xF, s11;
	[dreg:$0xa] =	wrdreg s11;
	s1 =	smax.u32 s25, $0x1;
	[tilespmem:$0x1FFF0] =	vst v63  }
0xf: {  	vm4 =	vcmask $0xB10;
	p0 =	sne.s32 s26, $0x0;
	[dreg:$0xb] =	wrdreg s1;
	s1 =	simm.s32 $0x10000;
	v8 =	vand.u32 $0xF, v8;
	[tilespmem:$0x1FFE0] =	vst v62;
	v7 =	vand.u32 $0xF, v10  }
.LBB2_18:
0x10: {  	s3 =	rddreg [dreg:$0xc]  }
0x11: {  	s2 =	rddreg [dreg:$0xb];
	s3 =	sadd.s32 $0x1, s3  }
0x12: {  	p1 =	sne.s32 s3, s2  }
.Ltmp1:
0x13: {  	_ = 	snop;
	(pc) =	sbr.rel @!p1 .LBB2_19-.Ltmp1, $1  }
0x14: {  	_ =	sdelay $0x3  }
.LBB2_1:
0x15: {  	[dreg:$0xc] =	wrdreg s3  }
0x16: {  	s2 =	rddreg [dreg:$0x7];
	s25 =	simm.s32 $0x0  }
.Ltmp2:
0x17: {  	s4 =	simm.s32 $0x1A600;
	s26 =	simm.s32 $0x4;
	(pc) =	sbr.rel .LBB2_2-.Ltmp2, $4  }
0x18: {  	[tilespmem:s4], [sflag:$0x4] =	stream.linear.gather [hbm4b:s2+s25], $0x200, $0x38;
	[tilespmem:$0x1A900] =	vst v63  }
0x19: {  	_ =	swait.ge [sflag:s26], $0x200  }
0x1a: {  	[sflag:s26] =	ssyncset.done $0x0  }
0x1b: {  	s20 =	simm.s32 $0x0;
	[sflag:s26] =	ssyncadd.s32 $0xFFFFFE00  }
.LBB2_17:
0x1c: {  	s20 =	sadd.s32 $0x1, s20  }
0x1d: {  	p1 =	sne.s32 s20, $0x8  }
.Ltmp3:
0x1e: {  	_ = 	snop;
	(pc) =	sbr.rel @!p1 .LBB2_18-.Ltmp3, $1  }
0x1f: {  	_ =	sdelay $0x3  }
.LBB2_2:
0x20: {  	s2 =	sshll.u32 s20, $0x5  }
0x21: {  	s2 =	sor.u32 s11, s2  }
0x22: {  	p1 =	sgt.u32 s2, $0xF9  }
.Ltmp4:
0x23: {  	_ = 	snop;
	(pc) =	sbr.rel @p1 .LBB2_17-.Ltmp4, $1  }
0x24: {  	_ =	sdelay $0x3  }
0x25: {  	p1 =	seq.s32 s2, $0x0  }
0x26: {  	p1 =	por !p0, !p1  }
0x27: {  	s3 =	simm.s32 $0xFFFFFFFF;
	p1 =	por !p1, !p1  }
0x28: {  	s3 =	simm.s32 @!p1 $0x0  }
0x29: {  	s3 =	sshll.u32 s3, $0x4  }
0x2a: {  	s3 =	sadd.s32 s2, s3  }
0x2b: {  	s3 =	sand.u32 $0xFFFFFFF0, s3  }
0x2c: {  	s11 =	rddreg [dreg:$0x5];
	s4 =	sshrl.u32 s3, $0x3  }
0x2d: {  	s12 =	simm.s32 $0x0;
	s16 =	simm.s32 $0x1A800;
	s11 =	sadd.s32 s11, s4  }
0x2e: {  	[tilespmem:s16], [sflag:$0x5] =	stream.linear.gather [hbm4b:s11+s12], $0x10, $0x38;
	[tilespmem:$0x1A900] =	vst v63  }
0x2f: {  	s16 =	simm.s32 $0x5  }
0x30: {  	_ =	swait.ge [sflag:s16], $0x10  }
0x31: {  	[sflag:s16] =	ssyncset.done $0x0  }
0x32: {  	[sflag:s16] =	ssyncadd.s32 $0xFFFFFFF0  }
0x33: {  	s21 =	rddreg [dreg:$0x6]  }
0x34: {  	s22 =	simm.s32 $0x1A880;
	s4 =	sadd.s32 s21, s4  }
0x35: {  	[tilespmem:s22], [sflag:$0x5] =	stream.linear.gather [hbm4b:s4+s12], $0x10, $0x38;
	[tilespmem:$0x1A900] =	vst v63  }
0x36: {  	_ =	swait.ge [sflag:s16], $0x10  }
0x37: {  	[sflag:s16] =	ssyncset.done $0x0  }
0x38: {  	s24 =	smul.u32 $0xA00, s2;
	s3 =	ssub.s32 s2, s3;
	[sflag:s16] =	ssyncadd.s32 $0xFFFFFFF0  }
0x39: {  	v9 =	vld [tilespmem:s3+$0x1A800];
	s25 =	rddreg [dreg:$0x1]  }
0x3a: {  	s26 =	simm.s32 $0x5000;
	[dreg:$0xd] =	wrdreg s24;
	v10 =	vld [tilespmem:s3+$0x1A880];
	s3 =	sadd.s32 s25, s24  }
0x3b: {  	[tilespmem:s26], [sflag:$0x5] =	stream.linear.gather [hbm4b:s3+s12], $0x5000, $0x38;
	[tilespmem:$0x1A900] =	vst v63  }
0x3c: {  	_ =	swait.ge [sflag:s16], $0x5000  }
0x3d: {  	[sflag:s16] =	ssyncset.done $0x0  }
0x3e: {  	s4 =	simm.s32 $0x0;
	s3 =	simm.s32 $0x40;
	[sflag:s16] =	ssyncadd.s32 $0xFFFFB000  }
.LBB2_4:
0x3f: {  	p1 =	seq.s32 s3, $0x13FC0;
	[tilespmem:s4+$0x0] =	vst v36;
	s4 =	smov.u32 s3;
	s3 =	sadd.s32 $0x40, s3  }
.Ltmp5:
0x40: {  	(pc) =	sbr.rel @!p1 .LBB2_4-.Ltmp5, $2  }
0x41: {  	_ =	sdelay $0x2  }
0x42: {  	s4 =	sshra.s32 s4, $0x2  }
0x43: {  	[tilespmem:s4+$0x0] =	vst v36;
	s3 =	simm.s32 $0x40;
	s4 =	simm.s32 $0x0  }
.LBB2_6:
0x44: {  	p1 =	seq.s32 s3, $0x9C0;
	[tilespmem:s4+$0x1A000] =	vst v37;
	s11 =	smov.u32 s3;
	s3 =	sadd.s32 $0x40, s3  }
.Ltmp6:
0x45: {  	[tilespmem:s4+$0x1A280] =	vst v36;
	(pc) =	sbr.rel @!p1 .LBB2_6-.Ltmp6, $2  }
0x46: {  	_ =	sdelay $0x2  }
0x47: {  	s4 =	sshra.s32 s11, $0x2  }
0x48: {  	(v2sf) =	vpush v9, $0x0;
	_ =	sdelay $0x1  }
0x49: {  	(v2sf) =	vpush v10, $0x0;
	_ =	sdelay $0xc  }
0x4a: {  	s3 =	spop (v2sf)  }
0x4b: {  	[tilespmem:s4+$0x1A000] =	vst v37;
	p1 =	sgt.s32 s3, $0x0  }
0x4c: {  	[tilespmem:s4+$0x1A280] =	vst v36;
	s4 =	spop (v2sf);
	s3 =	simm.s32 @!p1 $0x0  }
0x4d: {  	p1 =	sgt.s32 s4, $0x0;
	s16 =	smin.u32 s3, $0x9C3  }
0x4e: {  	s4 =	simm.s32 @!p1 $0x0;
	s3 =	ssub.s32 $0x9C4, s16  }
0x4f: {  	s12 =	smin.u32 s3, s4  }
0x50: {  	p1 =	seq.s32 s12, $0x0  }
.Ltmp7:
0x51: {  	_ = 	snop;
	(pc) =	sbr.rel @p1 .LBB2_14-.Ltmp7, $1  }
0x52: {  	_ =	sdelay $0x3  }
.Ltmp8:
0x53: {  	(pc) =	sbr.rel .LBB2_9-.Ltmp8, $2  }
0x54: {  	_ =	sdelay $0x2  }
0x55: {  	s11 =	smul.u32 $0xFFFFFFD8, s2;
	s2 =	simm.s32 $0x0  }
.LBB2_13:
0x56: {  	s2 =	sadd.s32 $0x1, s2  }
0x57: {  	p1 =	sne.s32 s2, s12  }
.Ltmp9:
0x58: {  	_ = 	snop;
	(pc) =	sbr.rel @!p1 .LBB2_14-.Ltmp9, $1  }
0x59: {  	_ =	sdelay $0x3  }
.LBB2_9:
0x5a: {  	s4 =	sadd.s32 s16, s2;
	s21 =	rddreg [dreg:$0x3]  }
0x5b: {  	s25 =	rddreg [dreg:$0x4];
	s3 =	sshll.u32 s4, $0x3  }
0x5c: {  	s22 =	simm.s32 $0x1A500;
	s26 =	rddreg [dreg:$0x2];
	s21 =	sadd.s32 s21, s3  }
0x5d: {  	[tilespmem:s22], [sflag:$0x1] =	stream.linear.gather [hbm4b:s21+s18], $0x40, $0x38;
	[tilespmem:$0x1A900] =	vst v63  }
0x5e: {  	s4 =	sshll.u32 s4, $0xC;
	s21 =	sadd.s32 s25, s3;
	s3 =	simm.s32 $0x1A580  }
0x5f: {  	[tilespmem:s3], [sflag:$0x1] =	stream.linear.gather [hbm4b:s21+s18], $0x40, $0x38;
	[tilespmem:$0x1A900] =	vst v63  }
0x60: {  	s4 =	sadd.s32 s26, s4;
	s22 =	simm.s32 $0x12000  }
0x61: {  	[tilespmem:s22], [sflag:$0x2] =	stream.linear.gather [hbm4b:s4+s18], $0x8000, $0x38;
	[tilespmem:$0x1A900] =	vst v63  }
0x62: {  	_ =	swait.ge [sflag:s23], $0x40  }
0x63: {  	[sflag:s23] =	ssyncset.done $0x0  }
0x64: {  	[sflag:s23] =	ssyncadd.s32 $0xFFFFFFC0  }
0x65: {  	v9 =	vld [tilespmem:$0x1A500];
	_ =	sdelay $0x2  }
0x66: {  	v0 =	vld [tilespmem:$0x1FFB0];
	_ =	sdelay $0x1  }
0x67: {  	v1 =	vld [tilespmem:$0x1FFC0];
	v10 =	vshll.u32 v9, $0x2  }
0x68: {  	v9 =	vand.u32 $0x7, v9;
	v10 =	vand.u32 $0xFFFFFFE0, v10  }
0x69: {  	v2 =	vld [tilespmem:$0x1FFD0];
	v9 =	vor.u32 v9, v10  }
0x6a: {  	v10 =	vperm.xlane v9, v0;
	_ =	sdelay $0x1  }
0x6b: {  	v10 =	vadd.s32 v1, v10;
	_ =	sdelay $0x1  }
0x6c: {  	v9 =	vperm.xlane v9, v2;
	_ =	sdelay $0x1  }
0x6d: {  	s24 =	simm.s32 $0xA000;
	v9 =	vadd.s32 v1, v9  }
0x6e: {  	[tilespmem:s24], [sflag:$0x3] =	stream.indirect_vreg.gather [hbm4b:s0+s18], $0x80, v10, vm0, $0xb8;
	[tilespmem:$0x1A900] =	vst v63  }
0x6f: {  	s25 =	simm.s32 $0xA800  }
0x70: {  	[tilespmem:s25], [sflag:$0x3] =	stream.indirect_vreg.gather [hbm4b:s13+s18], $0x80, v10, vm0, $0xb8;
	[tilespmem:$0x1A900] =	vst v63  }
0x71: {  	s26 =	simm.s32 $0xB000  }
0x72: {  	[tilespmem:s26], [sflag:$0x3] =	stream.indirect_vreg.gather [hbm4b:s0+s18], $0x80, v9, vm0, $0xb8;
	[tilespmem:$0x1A900] =	vst v63  }
0x73: {  	_ = 	snop  }
0x74: {  	[tilespmem:s28], [sflag:$0x3] =	stream.indirect_vreg.gather [hbm4b:s13+s18], $0x80, v9, vm0, $0xb8;
	[tilespmem:$0x1A900] =	vst v63  }
0x75: {  	v9 =	vld [tilespmem:$0x1A510];
	_ =	sdelay $0x4  }
0x76: {  	v10 =	vshll.u32 v9, $0x2  }
0x77: {  	v9 =	vand.u32 $0x7, v9;
	v10 =	vand.u32 $0xFFFFFFE0, v10  }
0x78: {  	v9 =	vor.u32 v9, v10  }
0x79: {  	v10 =	vperm.xlane v9, v0;
	_ =	sdelay $0x1  }
0x7a: {  	v10 =	vadd.s32 v1, v10;
	_ =	sdelay $0x1  }
0x7b: {  	v9 =	vperm.xlane v9, v2;
	_ =	sdelay $0x1  }
0x7c: {  	v9 =	vadd.s32 v1, v9  }
0x7d: {  	[tilespmem:s29], [sflag:$0x3] =	stream.indirect_vreg.gather [hbm4b:s0+s18], $0x80, v10, vm0, $0xb8;
	[tilespmem:$0x1A900] =	vst v63  }
0x7e: {  	_ = 	snop  }
0x7f: {  	[tilespmem:s30], [sflag:$0x3] =	stream.indirect_vreg.gather [hbm4b:s13+s18], $0x80, v10, vm0, $0xb8;
	[tilespmem:$0x1A900] =	vst v63  }
0x80: {  	_ = 	snop  }
0x81: {  	[tilespmem:s31], [sflag:$0x3] =	stream.indirect_vreg.gather [hbm4b:s0+s18], $0x80, v9, vm0, $0xb8;
	[tilespmem:$0x1A900] =	vst v63  }
0x82: {  	_ = 	snop  }
0x83: {  	[tilespmem:s5], [sflag:$0x3] =	stream.indirect_vreg.gather [hbm4b:s13+s18], $0x80, v9, vm0, $0xb8;
	[tilespmem:$0x1A900] =	vst v63  }
0x84: {  	v9 =	vld [tilespmem:$0x1A520];
	_ =	sdelay $0x4  }
0x85: {  	v10 =	vshll.u32 v9, $0x2  }
0x86: {  	v9 =	vand.u32 $0x7, v9;
	v10 =	vand.u32 $0xFFFFFFE0, v10  }
0x87: {  	v9 =	vor.u32 v9, v10  }
0x88: {  	v10 =	vperm.xlane v9, v0;
	_ =	sdelay $0x1  }
0x89: {  	v10 =	vadd.s32 v1, v10;
	_ =	sdelay $0x1  }
0x8a: {  	v9 =	vperm.xlane v9, v2;
	_ =	sdelay $0x1  }
0x8b: {  	v9 =	vadd.s32 v1, v9  }
0x8c: {  	[tilespmem:s10], [sflag:$0x3] =	stream.indirect_vreg.gather [hbm4b:s0+s18], $0x80, v10, vm0, $0xb8;
	[tilespmem:$0x1A900] =	vst v63  }
0x8d: {  	_ = 	snop  }
0x8e: {  	[tilespmem:s8], [sflag:$0x3] =	stream.indirect_vreg.gather [hbm4b:s13+s18], $0x80, v10, vm0, $0xb8;
	[tilespmem:$0x1A900] =	vst v63  }
0x8f: {  	_ = 	snop  }
0x90: {  	[tilespmem:s15], [sflag:$0x3] =	stream.indirect_vreg.gather [hbm4b:s0+s18], $0x80, v9, vm0, $0xb8;
	[tilespmem:$0x1A900] =	vst v63  }
0x91: {  	_ = 	snop  }
0x92: {  	[tilespmem:s14], [sflag:$0x3] =	stream.indirect_vreg.gather [hbm4b:s13+s18], $0x80, v9, vm0, $0xb8;
	[tilespmem:$0x1A900] =	vst v63  }
0x93: {  	v9 =	vld [tilespmem:$0x1A530];
	_ =	sdelay $0x4  }
0x94: {  	v10 =	vshll.u32 v9, $0x2  }
0x95: {  	v9 =	vand.u32 $0x7, v9;
	v10 =	vand.u32 $0xFFFFFFE0, v10  }
0x96: {  	v9 =	vor.u32 v9, v10  }
0x97: {  	v10 =	vperm.xlane v9, v0;
	_ =	sdelay $0x1  }
0x98: {  	v10 =	vadd.s32 v1, v10;
	_ =	sdelay $0x1  }
0x99: {  	v9 =	vperm.xlane v9, v2;
	_ =	sdelay $0x1  }
0x9a: {  	v9 =	vadd.s32 v1, v9  }
0x9b: {  	[tilespmem:s1], [sflag:$0x3] =	stream.indirect_vreg.gather [hbm4b:s0+s18], $0x80, v10, vm0, $0xb8;
	[tilespmem:$0x1A900] =	vst v63  }
0x9c: {  	_ = 	snop  }
0x9d: {  	[tilespmem:s6], [sflag:$0x3] =	stream.indirect_vreg.gather [hbm4b:s13+s18], $0x80, v10, vm0, $0xb8;
	[tilespmem:$0x1A900] =	vst v63  }
0x9e: {  	_ = 	snop  }
0x9f: {  	[tilespmem:s7], [sflag:$0x3] =	stream.indirect_vreg.gather [hbm4b:s0+s18], $0x80, v9, vm0, $0xb8;
	[tilespmem:$0x1A900] =	vst v63  }
0xa0: {  	_ = 	snop  }
0xa1: {  	[tilespmem:s9], [sflag:$0x3] =	stream.indirect_vreg.gather [hbm4b:s13+s18], $0x80, v9, vm0, $0xb8;
	[tilespmem:$0x1A900] =	vst v63  }
0xa2: {  	_ =	swait.ge [sflag:s23], $0x40  }
0xa3: {  	[sflag:s23] =	ssyncset.done $0x0  }
0xa4: {  	[sflag:s23] =	ssyncadd.s32 $0xFFFFFFC0  }
0xa5: {  	_ =	swait.ge [sflag:s17], $0x8000  }
.Ltmp10:
0xa6: {  	[sflag:s17] =	ssyncset.done $0x0;
	(pc) =	sbr.rel .LBB2_10-.Ltmp10, $4  }
0xa7: {  	[sflag:s17] =	ssyncadd.s32 $0xFFFF8000  }
0xa8: {  	_ =	swait.ge [sflag:s19], $0x8000  }
0xa9: {  	s21 =	simm.s32 $0x0;
	[sflag:s19] =	ssyncset.done $0x0  }
0xaa: {  	s4 =	simm.s32 $0x12100;
	s22 =	simm.s32 $0x0;
	[sflag:s19] =	ssyncadd.s32 $0xFFFF8000  }
.LBB2_12:
0xab: {  	s22 =	sadd.s32 $0x200, s22  }
0xac: {  	p1 =	sne.s32 s22, $0x8000  }
.Ltmp11:
0xad: {  	_ = 	snop;
	(pc) =	sbr.rel @!p1 .LBB2_13-.Ltmp11, $2  }
0xae: {  	_ =	sdelay $0x2  }
0xaf: {  	s21 =	sadd.s32 $0x80, s21;
	s3 =	sadd.s32 $0x1, s3;
	s4 =	sadd.s32 $0x200, s4  }
.LBB2_10:
0xb0: {  	v9 =	vld [tilespmem:s3+$0x0];
	_ =	sdelay $0x4  }
0xb1: {  	(v2sf) =	vpush v9, $0x0;
	_ =	sdelay $0xe  }
0xb2: {  	s24 =	spop (v2sf)  }
0xb3: {  	s25 =	sadd.s32 s11, s24  }
0xb4: {  	p1 =	sgt.u32 s25, $0x27  }
.Ltmp12:
0xb5: {  	_ = 	snop;
	(pc) =	sbr.rel @p1 .LBB2_12-.Ltmp12, $1  }
0xb6: {  	_ =	sdelay $0x3  }
0xb7: {  	v15 =	vld [tilespmem:s4+$0xFFFFFF00]  }
0xb8: {  	v25 =	vld [tilespmem:$0x1A600]  }
0xb9: {  	v27 =	vld [tilespmem:s4+$0xFFFFFF10]  }
0xba: {  	v28 =	vld [tilespmem:$0x1A610]  }
0xbb: {  	v30 =	vld [tilespmem:s4+$0xFFFFFF20]  }
0xbc: {  	v31 =	vld [tilespmem:$0x1A620]  }
0xbd: {  	v36 =	vld [tilespmem:s4+$0xFFFFFF30]  }
0xbe: {  	v37 =	vld [tilespmem:$0x1A630]  }
0xbf: {  	v39 =	vld [tilespmem:s4+$0xFFFFFF40]  }
0xc0: {  	v40 =	vld [tilespmem:$0x1A640]  }
0xc1: {  	v42 =	vld [tilespmem:s4+$0xFFFFFF50]  }
0xc2: {  	v43 =	vld [tilespmem:$0x1A650]  }
0xc3: {  	v45 =	vld [tilespmem:s4+$0xFFFFFF60]  }
0xc4: {  	v46 =	vld [tilespmem:$0x1A660]  }
0xc5: {  	v48 =	vld [tilespmem:s4+$0xFFFFFF70]  }
0xc6: {  	v49 =	vld [tilespmem:$0x1A670]  }
0xc7: {  	v51 =	vld [tilespmem:s4+$0xFFFFFF80]  }
0xc8: {  	v52 =	vld [tilespmem:$0x1A680]  }
0xc9: {  	v54 =	vld [tilespmem:s4+$0xFFFFFF90]  }
0xca: {  	v55 =	vld [tilespmem:$0x1A690]  }
0xcb: {  	v57 =	vld [tilespmem:s4+$0xFFFFFFA0]  }
0xcc: {  	v58 =	vld [tilespmem:$0x1A6A0]  }
0xcd: {  	v60 =	vld [tilespmem:s4+$0xFFFFFFB0]  }
0xce: {  	v61 =	vld [tilespmem:$0x1A6B0]  }
0xcf: {  	v63 =	vld [tilespmem:s4+$0xFFFFFFC0]  }
0xd0: {  	v32 =	vld [tilespmem:$0x1A6C0]  }
0xd1: {  	v4 =	vld [tilespmem:s4+$0xFFFFFFD0]  }
0xd2: {  	v34 =	vld [tilespmem:$0x1A6D0]  }
0xd3: {  	v0 =	vld [tilespmem:s4+$0xFFFFFFE0]  }
0xd4: {  	v35 =	vld [tilespmem:$0x1A6E0]  }
0xd5: {  	s24 =	sand.u32 $0x7000, s22;
	s26 =	sand.u32 $0x380, s21;
	v5 =	vld [tilespmem:s4+$0xFFFFFFF0]  }
0xd6: {  	v6 =	vld [tilespmem:$0x1A700];
	s26 =	sor.u32 s26, s24  }
0xd7: {  	s24 =	sshll.u32 s25, $0x9;
	v18 =	vld [tilespmem:s26+$0xA000]  }
0xd8: {  	v14 =	vld [tilespmem:s24+$0x5000]  }
0xd9: {  	v20 =	vld [tilespmem:s26+$0xA010]  }
0xda: {  	v26 =	vld [tilespmem:s24+$0x5010]  }
0xdb: {  	v21 =	vld [tilespmem:s26+$0xA020]  }
0xdc: {  	v29 =	vld [tilespmem:s24+$0x5020]  }
0xdd: {  	v22 =	vld [tilespmem:s26+$0xA030]  }
0xde: {  	v33 =	vld [tilespmem:s24+$0x5030]  }
0xdf: {  	v23 =	vld [tilespmem:s26+$0xA040]  }
0xe0: {  	v38 =	vld [tilespmem:s24+$0x5040]  }
0xe1: {  	v24 =	vld [tilespmem:s26+$0xA050]  }
0xe2: {  	v41 =	vld [tilespmem:s24+$0x5050]  }
0xe3: {  	v11 =	vld [tilespmem:s26+$0xA060]  }
0xe4: {  	v44 =	vld [tilespmem:s24+$0x5060]  }
0xe5: {  	v19 =	vld [tilespmem:s26+$0xA070]  }
0xe6: {  	v47 =	vld [tilespmem:s24+$0x5070]  }
0xe7: {  	v17 =	vld [tilespmem:s26+$0xA400]  }
0xe8: {  	v50 =	vld [tilespmem:s24+$0x5080]  }
0xe9: {  	v16 =	vld [tilespmem:s26+$0xA410]  }
0xea: {  	v53 =	vld [tilespmem:s24+$0x5090]  }
0xeb: {  	v12 =	vld [tilespmem:s26+$0xA420]  }
0xec: {  	v56 =	vld [tilespmem:s24+$0x50A0]  }
0xed: {  	v13 =	vld [tilespmem:s26+$0xA430]  }
0xee: {  	v59 =	vld [tilespmem:s24+$0x50B0];
	v14 =	vadd.f32 v14, v18  }
0xef: {  	v10 =	vld [tilespmem:s26+$0xA440];
	v26 =	vadd.f32 v26, v20  }
0xf0: {  	v62 =	vld [tilespmem:s24+$0x50C0];
	v15 =	vadd.f32 v15, v14  }
0xf1: {  	v3 =	vld [tilespmem:s24+$0x50E0];
	v26 =	vadd.f32 v27, v26;
	v27 =	vadd.f32 v29, v21  }
0xf2: {  	v41 =	vadd.f32 v41, v24;
	v44 =	vadd.f32 v44, v11;
	v14 =	vld [tilespmem:s26+$0xA460];
	v1 =	vmul.f32 $2.000000030e-01, v15  }
0xf3: {  	v9 =	vld [tilespmem:s26+$0xA450];
	vm5 =	vgt.f32 v15, $0.0e+00;
	v29 =	vmul.f32 $2.000000030e-01, v26;
	v27 =	vadd.f32 v30, v27  }
0xf4: {  	v2 =	vld [tilespmem:s24+$0x50D0];
	v30 =	vadd.f32 v33, v22;
	v1 =	vsel vm5, v15, v1;
	vm5 =	vgt.f32 v26, $0.0e+00  }
0xf5: {  	v59 =	vadd.f32 v59, v13;
	v33 =	vld [tilespmem:s24+$0x50F0];
	v1 =	vmul.f32 v1, v25;
	v25 =	vsel vm5, v26, v29  }
0xf6: {  	v15 =	vld [tilespmem:s26+$0xA470];
	v26 =	vmul.f32 $2.000000030e-01, v27;
	v29 =	vadd.f32 v36, v30;
	v30 =	vadd.f32 v38, v23  }
0xf7: {  	v36 =	vld [tilespmem:$0x1A6F0];
	vm5 =	vgt.f32 v27, $0.0e+00;
	v3 =	vadd.f32 v3, v14;
	v28 =	vmul.f32 v25, v28  }
0xf8: {  	v38 =	vld [tilespmem:s24+$0x5100];
	v1 =	vadd.f32 $0.0e+00, v1;
	v26 =	vsel vm5, v27, v26;
	v27 =	vmul.f32 $2.000000030e-01, v29  }
0xf9: {  	v25 =	vld [tilespmem:s26+$0xA800];
	v30 =	vadd.f32 v39, v30;
	vm5 =	vgt.f32 v29, $0.0e+00;
	v0 =	vadd.f32 v0, v3  }
0xfa: {  	v39 =	vld [tilespmem:s4+$0x0];
	v26 =	vmul.f32 v26, v31;
	v31 =	vadd.f32 v50, v17;
	v1 =	vadd.f32 v28, v1  }
0xfb: {  	v3 =	vld [tilespmem:s4+$0x60];
	v27 =	vsel vm5, v29, v27;
	v28 =	vmul.f32 $2.000000030e-01, v30;
	vm5 =	vgt.f32 v30, $0.0e+00  }
0xfc: {  	v29 =	vadd.f32 v42, v41;
	v42 =	vld [tilespmem:$0x1A710];
	v27 =	vmul.f32 v27, v37;
	v1 =	vadd.f32 v26, v1  }
0xfd: {  	v33 =	vadd.f32 v33, v15;
	v37 =	vld [tilespmem:s24+$0x5110];
	v28 =	vsel vm5, v30, v28;
	v30 =	vadd.f32 v45, v44  }
0xfe: {  	v26 =	vld [tilespmem:s26+$0xA810];
	v1 =	vadd.f32 v27, v1;
	v27 =	vmul.f32 v28, v40;
	v28 =	vmul.f32 $2.000000030e-01, v29  }
0xff: {  	v31 =	vadd.f32 v51, v31;
	v51 =	vadd.f32 v53, v16;
	vm5 =	vgt.f32 v29, $0.0e+00;
	v44 =	vld [tilespmem:s24+$0x5120]  }
0x100: {  	v50 =	vadd.f32 v47, v19;
	v45 =	vld [tilespmem:$0x1A720];
	v28 =	vsel vm5, v29, v28;
	v29 =	vmul.f32 $2.000000030e-01, v30  }
0x101: {  	v5 =	vadd.f32 v5, v33;
	v33 =	vld [tilespmem:s26+$0xAC00];
	v41 =	vadd.f32 v54, v51;
	vm5 =	vgt.f32 v30, $0.0e+00  }
0x102: {  	v54 =	vld [tilespmem:s4+$0x40];
	v1 =	vadd.f32 v27, v1;
	v28 =	vmul.f32 v28, v43;
	v29 =	vsel vm5, v30, v29  }
0x103: {  	v40 =	vld [tilespmem:s4+$0x10];
	v30 =	vadd.f32 v48, v50;
	v46 =	vmul.f32 v29, v46;
	v29 =	vmul.f32 $2.000000030e-01, v31  }
0x104: {  	v62 =	vadd.f32 v62, v10;
	v2 =	vadd.f32 v2, v9;
	v27 =	vld [tilespmem:s26+$0xA820];
	vm5 =	vgt.f32 v31, $0.0e+00  }
0x105: {  	v43 =	vld [tilespmem:s4+$0x20];
	v1 =	vadd.f32 v28, v1;
	v53 =	vmul.f32 $2.000000030e-01, v30;
	v29 =	vsel vm5, v31, v29  }
0x106: {  	v48 =	vld [tilespmem:s24+$0x5130];
	vm5 =	vgt.f32 v30, $0.0e+00;
	v31 =	vadd.f32 v56, v12;
	v56 =	vmul.f32 $2.000000030e-01, v41  }
0x107: {  	v28 =	vld [tilespmem:s26+$0xA830];
	v1 =	vadd.f32 v46, v1;
	v30 =	vsel vm5, v30, v53;
	v47 =	vmul.f32 v29, v52  }
0x108: {  	v50 =	vld [tilespmem:s4+$0x30];
	vm5 =	vgt.f32 v41, $0.0e+00;
	v53 =	vadd.f32 v60, v59;
	v31 =	vadd.f32 v57, v31  }
0x109: {  	v52 =	vld [tilespmem:$0x1A730];
	v59 =	vadd.f32 v38, v25;
	v41 =	vsel vm5, v41, v56;
	v49 =	vmul.f32 v30, v49  }
0x10a: {  	v29 =	vld [tilespmem:s26+$0xA840];
	v46 =	vadd.f32 $0.0e+00, v47;
	v41 =	vmul.f32 v41, v55;
	v51 =	vmul.f32 $2.000000030e-01, v31  }
0x10b: {  	v56 =	vld [tilespmem:$0x1A740];
	v60 =	vmul.f32 $2.000000030e-01, v53;
	v55 =	vadd.f32 v63, v62;
	vm5 =	vgt.f32 v31, $0.0e+00  }
0x10c: {  	v30 =	vld [tilespmem:s26+$0xA850];
	v39 =	vadd.f32 v39, v59;
	v59 =	vadd.f32 v48, v28;
	v31 =	vsel vm5, v31, v51  }
0x10d: {  	v57 =	vld [tilespmem:s24+$0x5150];
	v46 =	vadd.f32 v41, v46;
	vm5 =	vgt.f32 v53, $0.0e+00;
	v31 =	vmul.f32 v31, v58  }
0x10e: {  	v47 =	vld [tilespmem:s24+$0x5140];
	v41 =	vadd.f32 v49, v1;
	v63 =	vmul.f32 $2.000000030e-01, v55;
	v62 =	vsel vm5, v53, v60  }
0x10f: {  	v48 =	vld [tilespmem:$0x1A7A0];
	vm5 =	vgt.f32 v55, $0.0e+00;
	v1 =	vmul.f32 v62, v61;
	v46 =	vadd.f32 v31, v46  }
0x110: {  	v2 =	vadd.f32 v4, v2;
	v49 =	vld [tilespmem:s4+$0x50];
	v4 =	vsel vm5, v55, v63  }
0x111: {  	v51 =	vld [tilespmem:s24+$0x5170];
	v4 =	vmul.f32 v4, v32;
	v1 =	vadd.f32 v1, v46  }
0x112: {  	v53 =	vld [tilespmem:$0x1A750];
	v58 =	vmul.f32 $2.000000030e-01, v2;
	v60 =	vmul.f32 $2.000000030e-01, v5  }
0x113: {  	vm5 =	vgt.f32 v2, $0.0e+00;
	v55 =	vld [tilespmem:s4+$0x70];
	v1 =	vadd.f32 v4, v1;
	v4 =	vmul.f32 $2.000000030e-01, v0  }
0x114: {  	v62 =	vadd.f32 v44, v27;
	v44 =	vld [tilespmem:s4+$0x90];
	v2 =	vsel vm5, v2, v58;
	vm5 =	vgt.f32 v0, $0.0e+00  }
0x115: {  	v61 =	vmul.f32 $2.000000030e-01, v39;
	v31 =	vld [tilespmem:s26+$0xA860];
	v0 =	vsel vm5, v0, v4;
	v4 =	vadd.f32 v37, v26  }
0x116: {  	v47 =	vadd.f32 v47, v29;
	v32 =	vld [tilespmem:s26+$0xA870];
	v2 =	vmul.f32 v2, v34;
	v38 =	vadd.f32 v43, v62  }
0x117: {  	v34 =	vld [tilespmem:s26+$0xAC10];
	v43 =	vadd.f32 v50, v59;
	vm5 =	vgt.f32 v5, $0.0e+00;
	v4 =	vadd.f32 v40, v4  }
0x118: {  	v46 =	vld [tilespmem:s24+$0x5160];
	v1 =	vadd.f32 v2, v1;
	v5 =	vsel vm5, v5, v60;
	vm5 =	vgt.f32 v39, $0.0e+00  }
0x119: {  	v37 =	vld [tilespmem:s24+$0x5180];
	v0 =	vmul.f32 v0, v35;
	v63 =	vsel vm5, v39, v61;
	v58 =	vmul.f32 $2.000000030e-01, v4  }
0x11a: {  	v62 =	vmul.f32 $2.000000030e-01, v43;
	v35 =	vld [tilespmem:s26+$0xAC20];
	v60 =	vmul.f32 v63, v6;
	vm5 =	vgt.f32 v4, $0.0e+00  }
0x11b: {  	v40 =	vld [tilespmem:s4+$0x80];
	v0 =	vadd.f32 v0, v1;
	v6 =	vmul.f32 $2.000000030e-01, v38;
	v4 =	vsel vm5, v4, v58  }
0x11c: {  	v39 =	vld [tilespmem:$0x1A780];
	v1 =	vadd.f32 $0.0e+00, v60;
	vm5 =	vgt.f32 v38, $0.0e+00;
	v4 =	vmul.f32 v4, v42  }
0x11d: {  	v46 =	vadd.f32 v46, v31;
	v61 =	vld [tilespmem:s24+$0x5190];
	v5 =	vmul.f32 v5, v36;
	v6 =	vsel vm5, v38, v6  }
0x11e: {  	v36 =	vld [tilespmem:s26+$0xAC30];
	vm5 =	vgt.f32 v43, $0.0e+00;
	v1 =	vadd.f32 v4, v1;
	v4 =	vmul.f32 v6, v45  }
0x11f: {  	v63 =	vadd.f32 v54, v47;
	v54 =	vadd.f32 v57, v30;
	v47 =	vld [tilespmem:s4+$0xA0];
	v38 =	vsel vm5, v43, v62  }
0x120: {  	v3 =	vadd.f32 v3, v46;
	v46 =	vld [tilespmem:$0x1A7B0];
	v1 =	vadd.f32 v4, v1;
	v4 =	vmul.f32 v38, v52  }
0x121: {  	v42 =	vld [tilespmem:$0x1A790];
	v45 =	vadd.f32 v49, v54  }
0x122: {  	v57 =	vmul.f32 $2.000000030e-01, v63;
	v6 =	vld [tilespmem:s24+$0x51A0];
	v1 =	vadd.f32 v4, v1;
	v4 =	vadd.f32 v37, v33  }
0x123: {  	v2 =	vadd.f32 v61, v34;
	v61 =	vmul.f32 $2.000000030e-01, v3;
	vm5 =	vgt.f32 v63, $0.0e+00;
	v43 =	vld [tilespmem:s4+$0xB0]  }
0x124: {  	v49 =	vld [tilespmem:s24+$0x51B0];
	v58 =	vsel vm5, v63, v57;
	v59 =	vmul.f32 $2.000000030e-01, v45;
	v4 =	vadd.f32 v40, v4  }
0x125: {  	v2 =	vadd.f32 v44, v2;
	v63 =	vld [tilespmem:s24+$0x51C0];
	v60 =	vmul.f32 v58, v56;
	vm5 =	vgt.f32 v45, $0.0e+00  }
0x126: {  	v56 =	vld [tilespmem:s24+$0x51D0];
	v45 =	vsel vm5, v45, v59;
	vm5 =	vgt.f32 v3, $0.0e+00;
	v62 =	vmul.f32 $2.000000030e-01, v4  }
0x127: {  	v58 =	vld [tilespmem:s4+$0xD0];
	v3 =	vsel vm5, v3, v61;
	v6 =	vadd.f32 v6, v35;
	vm5 =	vgt.f32 v4, $0.0e+00  }
0x128: {  	v54 =	vmul.f32 $2.000000030e-01, v2;
	v38 =	vld [tilespmem:s26+$0xAC50];
	v4 =	vsel vm5, v4, v62  }
0x129: {  	v37 =	vld [tilespmem:s26+$0xAC40];
	v6 =	vadd.f32 v47, v6;
	vm5 =	vgt.f32 v2, $0.0e+00;
	v4 =	vmul.f32 v4, v39  }
0x12a: {  	v57 =	vadd.f32 v51, v32;
	v52 =	vld [tilespmem:s4+$0xC0];
	v49 =	vadd.f32 v49, v36;
	v2 =	vsel vm5, v2, v54  }
0x12b: {  	v61 =	vld [tilespmem:s24+$0x51E0];
	v59 =	vmul.f32 $2.000000030e-01, v6;
	v2 =	vmul.f32 v2, v42;
	v4 =	vadd.f32 $0.0e+00, v4  }
0x12c: {  	v1 =	vadd.f32 v60, v1;
	v60 =	vadd.f32 v55, v57;
	v40 =	vld [tilespmem:s26+$0xAC70];
	vm5 =	vgt.f32 v6, $0.0e+00  }
0x12d: {  	v43 =	vadd.f32 v43, v49;
	v39 =	vld [tilespmem:s26+$0xAC60];
	v2 =	vadd.f32 v2, v4;
	v4 =	vsel vm5, v6, v59  }
0x12e: {  	v47 =	vadd.f32 v56, v38;
	v56 =	vld [tilespmem:s24+$0x51F0];
	v6 =	vadd.f32 v63, v37;
	v4 =	vmul.f32 v4, v48  }
0x12f: {  	v45 =	vmul.f32 v45, v53;
	v62 =	vld [tilespmem:s4+$0xE0];
	v63 =	vmul.f32 $2.000000030e-01, v60;
	vm5 =	vgt.f32 v60, $0.0e+00  }
0x130: {  	v57 =	vld [tilespmem:$0x1A7C0];
	v6 =	vadd.f32 v52, v6;
	v2 =	vadd.f32 v4, v2;
	v4 =	vmul.f32 $2.000000030e-01, v43  }
0x131: {  	v47 =	vadd.f32 v58, v47;
	v58 =	vld [tilespmem:s4+$0xF0];
	v42 =	vsel vm5, v60, v63;
	vm5 =	vgt.f32 v43, $0.0e+00  }
0x132: {  	v59 =	vld [tilespmem:$0x1A7D0];
	v50 =	vadd.f32 v61, v39;
	v52 =	vmul.f32 $2.000000030e-01, v6;
	v4 =	vsel vm5, v43, v4  }
0x133: {  	v61 =	vmul.f32 $2.000000030e-01, v47;
	vm5 =	vgt.f32 v6, $0.0e+00;
	v4 =	vmul.f32 v4, v46  }
0x134: {  	v48 =	vadd.f32 v56, v40;
	v44 =	vadd.f32 v62, v50;
	v62 =	vld [tilespmem:$0x1A7E0];
	v6 =	vsel vm5, v6, v52  }
0x135: {  	vm5 =	vgt.f32 v47, $0.0e+00;
	v6 =	vmul.f32 v6, v57;
	v2 =	vadd.f32 v4, v2  }
0x136: {  	v53 =	vld [tilespmem:$0x1A7F0];
	v48 =	vadd.f32 v58, v48;
	v52 =	vmul.f32 $2.000000030e-01, v44;
	v4 =	vsel vm5, v47, v61  }
0x137: {  	v60 =	vld [tilespmem:$0x1A760];
	vm5 =	vgt.f32 v44, $0.0e+00;
	v4 =	vmul.f32 v4, v59;
	v2 =	vadd.f32 v6, v2  }
0x138: {  	v54 =	vmul.f32 $2.000000030e-01, v48;
	v6 =	vsel vm5, v44, v52  }
0x139: {  	v63 =	vld [tilespmem:$0x1A770];
	vm5 =	vgt.f32 v48, $0.0e+00;
	v2 =	vadd.f32 v4, v2;
	v4 =	vmul.f32 v6, v62  }
0x13a: {  	v6 =	vsel vm5, v48, v54  }
0x13b: {  	v2 =	vadd.f32 v4, v2;
	v4 =	vmul.f32 v6, v53;
	v6 =	vld [tilespmem:$0x1FFE0]  }
0x13c: {  	v1 =	vadd.f32 v45, v1;
	v3 =	vmul.f32 v3, v60;
	_ =	sdelay $0x1  }
0x13d: {  	v55 =	vmul.f32 v42, v63;
	v1 =	vadd.f32 v3, v1  }
0x13e: {  	v0 =	vadd.f32 v5, v0;
	v58 =	vld [tilespmem:$0x1FFF0]  }
0x13f: {  	v1 =	vadd.f32 v55, v1;
	v5 =	vperm.xlane v41, v6  }
0x140: {  	v2 =	vadd.f32 v4, v2;
	v56 =	vperm.xlane v0, v6  }
0x141: {  	v4 =	vadd.f32 v41, v5;
	v5 =	vperm.xlane v1, v6  }
0x142: {  	v57 =	vperm.xlane v2, v6;
	v0 =	vadd.f32 v0, v56  }
0x143: {  	v6 =	vperm.xlane v4, v58;
	v1 =	vadd.f32 v1, v5  }
0x144: {  	v2 =	vadd.f32 v2, v57;
	v5 =	vperm.xlane v0, v58  }
0x145: {  	v59 =	vadd.f32 v4, v6;
	v4 =	vperm.xlane v1, v58  }
0x146: {  	v0 =	vadd.f32 v0, v5;
	v5 =	vperm.xlane v2, v58  }
0x147: {  	v6 =	vperm.xlane v59, v7;
	v1 =	vadd.f32 v1, v4  }
0x148: {  	v4 =	vperm.xlane v0, v7;
	v2 =	vadd.f32 v2, v5  }
0x149: {  	v3 =	vadd.f32 v59, v6;
	v5 =	vperm.xlane v1, v7  }
0x14a: {  	v0 =	vadd.f32 v0, v4;
	v4 =	vperm.xlane v2, v7  }
0x14b: {  	v6 =	vperm.xlane v3, v8;
	v1 =	vadd.f32 v1, v5  }
0x14c: {  	v5 =	vperm.xlane v0, v8;
	v2 =	vadd.f32 v2, v4  }
0x14d: {  	s26 =	sshll.u32 s25, $0x4;
	v3 =	vadd.f32 v3, v6;
	v4 =	vperm.xlane v1, v8  }
0x14e: {  	v0 =	vadd.f32 v0, v5;
	v5 =	vperm.xlane v2, v8;
	v6 =	vld [tilespmem:s26+$0x1A000]  }
0x14f: {  	v3 =	vnsel vm1, $0xF149F2CA, v3;
	v1 =	vadd.f32 v1, v4  }
0x150: {  	v2 =	vadd.f32 v2, v5;
	v0 =	vsel vm2, v3, v0  }
0x151: {  	v0 =	vsel vm3, v0, v1  }
0x152: {  	v0 =	vsel vm4, v0, v2  }
0x153: {  	v60 =	vmax.f32 v6, v0  }
0x154: {  	v61 =	vsub.f32 v6, v60;
	_ =	sdelay $0x1  }
0x155: {  	v0 =	vsub.f32 v0, v60;
	v2 =	vmul.f32 $1.442695020e+00, v61;
	_ =	sdelay $0x1  }
0x156: {  	v0 =	vmul.f32 $1.442695020e+00, v0;
	(erf) = vpow2.f32 v2;
	_ =	sdelay $0x1  }
0x157: {  	(erf) = vpow2.f32 v0;
	_ =	sdelay $0x2  }
0x158: {  	v62 =	vld [tilespmem:s26+$0x1A280];
	_ =	sdelay $0x3  }
0x159: {  	v2 =	vpop (erf)  }
0x15a: {  	v0 =	vmul.f32 v2, v62  }
0x15b: {  	v3 =	vpop (erf)  }
0x15c: {  	v0 =	vadd.f32 v0, v3  }
0x15d: {  	[tilespmem:s26+$0x1A000] =	vst v60  }
0x15e: {  	[tilespmem:s26+$0x1A280] =	vst v0  }
0x15f: {  	v0 =	vld [tilespmem:s24+$0x0]  }
0x160: {  	v1 =	vld [tilespmem:s24+$0x10]  }
0x161: {  	v4 =	vld [tilespmem:s24+$0x20]  }
0x162: {  	v5 =	vld [tilespmem:s24+$0x30]  }
0x163: {  	v63 =	vbroadcast v3, $0x0;
	v48 =	vld [tilespmem:s24+$0x40]  }
0x164: {  	v6 =	vbroadcast v2, $0x0;
	v49 =	vld [tilespmem:s24+$0x50]  }
0x165: {  	v18 =	vmul.f32 v63, v18;
	v20 =	vmul.f32 v63, v20;
	v50 =	vld [tilespmem:s24+$0x60]  }
0x166: {  	v21 =	vmul.f32 v63, v21;
	v22 =	vmul.f32 v63, v22;
	v51 =	vld [tilespmem:s24+$0x70]  }
0x167: {  	v23 =	vmul.f32 v63, v23;
	v24 =	vmul.f32 v63, v24  }
0x168: {  	v0 =	vmul.f32 v6, v0;
	v1 =	vmul.f32 v6, v1  }
0x169: {  	v52 =	vld [tilespmem:s24+$0x80];
	v4 =	vmul.f32 v6, v4;
	v5 =	vmul.f32 v5, v6  }
0x16a: {  	v54 =	vld [tilespmem:s24+$0x90];
	v42 =	vmul.f32 v48, v6;
	v53 =	vmul.f32 v49, v6  }
0x16b: {  	v56 =	vld [tilespmem:s24+$0xA0];
	v55 =	vmul.f32 v50, v6;
	v6 =	vmul.f32 v51, v6;
	v0 =	vadd.f32 v18, v0  }
0x16c: {  	v58 =	vld [tilespmem:s24+$0xB0];
	v1 =	vadd.f32 v20, v1;
	v57 =	vadd.f32 v21, v4;
	v4 =	vbroadcast v2, $0x1  }
0x16d: {  	v60 =	vld [tilespmem:s24+$0xC0];
	v21 =	vbroadcast v3, $0x1;
	v59 =	vadd.f32 v5, v22;
	v5 =	vmul.f32 v63, v11;
	[tilespmem:s24+$0x0] =	vst v0  }
0x16e: {  	v11 =	vmul.f32 v63, v19;
	v61 =	vadd.f32 v42, v23;
	[tilespmem:s24+$0x10] =	vst v1;
	v62 =	vmul.f32 v52, v4  }
0x16f: {  	v41 =	vadd.f32 v53, v24;
	[tilespmem:s24+$0x20] =	vst v57;
	v17 =	vmul.f32 v21, v17;
	v42 =	vmul.f32 v54, v4  }
0x170: {  	v43 =	vld [tilespmem:s24+$0xE0];
	[tilespmem:s24+$0x30] =	vst v59;
	v16 =	vmul.f32 v21, v16;
	v46 =	vadd.f32 v55, v5;
	v5 =	vmul.f32 v56, v4  }
0x171: {  	v48 =	vld [tilespmem:s24+$0xF0];
	[tilespmem:s24+$0x40] =	vst v61;
	v12 =	vmul.f32 v21, v12;
	v47 =	vadd.f32 v6, v11;
	v6 =	vmul.f32 v58, v4  }
0x172: {  	v63 =	vld [tilespmem:s24+$0xD0];
	[tilespmem:s24+$0x50] =	vst v41;
	v11 =	vmul.f32 v21, v13;
	v50 =	vmul.f32 v60, v4  }
0x173: {  	v51 =	vld [tilespmem:s24+$0x100];
	v10 =	vmul.f32 v21, v10;
	v9 =	vmul.f32 v21, v9;
	[tilespmem:s24+$0x60] =	vst v46;
	v49 =	vadd.f32 v62, v17  }
0x174: {  	v54 =	vld [tilespmem:s24+$0x110];
	v56 =	vmul.f32 v21, v14;
	[tilespmem:s24+$0x70] =	vst v47;
	v52 =	vadd.f32 v42, v16;
	v55 =	vadd.f32 v5, v12  }
0x175: {  	v57 =	vld [tilespmem:s24+$0x120];
	v5 =	vmul.f32 v43, v4;
	v58 =	vadd.f32 v6, v11;
	v6 =	vbroadcast v2, $0x2;
	[tilespmem:s24+$0x80] =	vst v49  }
0x176: {  	v11 =	vbroadcast v3, $0x2;
	v60 =	vadd.f32 v50, v10;
	v10 =	vmul.f32 v21, v15;
	[tilespmem:s24+$0x90] =	vst v52  }
0x177: {  	v59 =	vld [tilespmem:s24+$0x130];
	v2 =	vbroadcast v2, $0x3;
	v53 =	vmul.f32 v63, v4;
	[tilespmem:s24+$0xA0] =	vst v55  }
0x178: {  	v61 =	vld [tilespmem:s24+$0x140];
	v4 =	vmul.f32 v48, v4;
	[tilespmem:s24+$0xB0] =	vst v58;
	v63 =	vmul.f32 v11, v25;
	v22 =	vadd.f32 v5, v56  }
0x179: {  	v21 =	vld [tilespmem:s24+$0x150];
	[tilespmem:s24+$0xC0] =	vst v60;
	v23 =	vmul.f32 v11, v26;
	v62 =	vadd.f32 v53, v9;
	v9 =	vmul.f32 v51, v6  }
0x17a: {  	v24 =	vld [tilespmem:s24+$0x160];
	v5 =	vmul.f32 v54, v6;
	v25 =	vadd.f32 v4, v10;
	v4 =	vmul.f32 v57, v6;
	[tilespmem:s24+$0xE0] =	vst v22  }
0x17b: {  	v10 =	vmul.f32 v11, v27;
	v27 =	vmul.f32 v11, v28;
	v28 =	vld [tilespmem:s24+$0x170];
	[tilespmem:s24+$0xD0] =	vst v62;
	v26 =	vadd.f32 v9, v63  }
0x17c: {  	v43 =	vld [tilespmem:s24+$0x180];
	v3 =	vbroadcast v3, $0x3;
	v9 =	vmul.f32 v59, v6;
	[tilespmem:s24+$0xF0] =	vst v25;
	v41 =	vadd.f32 v5, v23  }
0x17d: {  	v45 =	vld [tilespmem:s24+$0x190];
	v42 =	vmul.f32 v11, v29;
	v5 =	vmul.f32 v61, v6;
	v44 =	vadd.f32 v4, v10;
	[tilespmem:s24+$0x100] =	vst v26  }
0x17e: {  	v48 =	vld [tilespmem:s24+$0x1A0];
	v4 =	vmul.f32 v21, v6;
	v10 =	vmul.f32 v11, v30;
	[tilespmem:s24+$0x110] =	vst v41;
	v46 =	vadd.f32 v9, v27  }
0x17f: {  	v47 =	vmul.f32 v11, v31;
	v9 =	vmul.f32 v24, v6;
	[tilespmem:s24+$0x120] =	vst v44;
	v49 =	vadd.f32 v5, v42;
	v5 =	vld [tilespmem:s24+$0x1B0]  }
0x180: {  	v50 =	vadd.f32 v4, v10;
	v10 =	vld [tilespmem:s24+$0x1C0];
	v4 =	vmul.f32 v28, v6;
	v6 =	vmul.f32 v11, v32;
	[tilespmem:s24+$0x130] =	vst v46  }
0x181: {  	v52 =	vld [tilespmem:s24+$0x1D0];
	v11 =	vmul.f32 v3, v33;
	[tilespmem:s24+$0x140] =	vst v49;
	v51 =	vadd.f32 v9, v47;
	v9 =	vmul.f32 v43, v2  }
0x182: {  	v54 =	vld [tilespmem:s24+$0x1E0];
	[tilespmem:s24+$0x150] =	vst v50;
	v53 =	vadd.f32 v4, v6;
	v4 =	vmul.f32 v45, v2;
	v6 =	vmul.f32 v3, v34  }
0x183: {  	v56 =	vld [tilespmem:s24+$0x1F0];
	[tilespmem:s24+$0x160] =	vst v51;
	v55 =	vadd.f32 v9, v11;
	v9 =	vmul.f32 v48, v2;
	v11 =	vmul.f32 v3, v35  }
0x184: {  	[tilespmem:s24+$0x170] =	vst v53;
	v57 =	vadd.f32 v4, v6;
	v4 =	vmul.f32 v5, v2;
	v5 =	vmul.f32 v3, v36  }
0x185: {  	v6 =	vmul.f32 v10, v2;
	[tilespmem:s24+$0x180] =	vst v55;
	v58 =	vadd.f32 v9, v11;
	v9 =	vmul.f32 v3, v37  }
0x186: {  	[tilespmem:s24+$0x190] =	vst v57;
	v59 =	vadd.f32 v4, v5;
	v4 =	vmul.f32 v52, v2;
	v5 =	vmul.f32 v3, v38  }
0x187: {  	[tilespmem:s24+$0x1A0] =	vst v58;
	v60 =	vadd.f32 v6, v9;
	v6 =	vmul.f32 v54, v2;
	v9 =	vmul.f32 v3, v39  }
.Ltmp13:
0x188: {  	v2 =	vmul.f32 v56, v2;
	v3 =	vmul.f32 v3, v40;
	[tilespmem:s24+$0x1B0] =	vst v59;
	v61 =	vadd.f32 v4, v5;
	(pc) =	sbr.rel .LBB2_12-.Ltmp13, $4  }
0x189: {  	[tilespmem:s24+$0x1C0] =	vst v60;
	v62 =	vadd.f32 v6, v9  }
0x18a: {  	v63 =	vadd.f32 v2, v3;
	[tilespmem:s24+$0x1D0] =	vst v61  }
0x18b: {  	[tilespmem:s24+$0x1E0] =	vst v62  }
0x18c: {  	v36 =	vimm.f32 $0.0e+00;
	v37 =	vimm.f32 $-1.000000020e+30;
	[tilespmem:s24+$0x1F0] =	vst v63  }
.LBB2_14:
0x18d: {  	s2 =	simm.s32 $0x100  }
0x18e: {  	v9 =	vld [tilespmem:s2+$0xFFFFFFF0]  }
0x18f: {  	v10 =	vld [tilespmem:s2+$0x40]  }
0x190: {  	s3 =	simm.s32 $0x0;
	v14 =	vld [tilespmem:s2+$0x90]  }
0x191: {  	v0 =	vld [tilespmem:s3+$0x1A280]  }
0x192: {  	v18 =	vld [tilespmem:s2+$0xD0]  }
0x193: {  	v15 =	vld [tilespmem:s2+$0x10]  }
0x194: {  	v22 =	vld [tilespmem:s2+$0xA0]  }
0x195: {  	v1 =	vld [tilespmem:s2+$0xE0]  }
0x196: {  	v2 =	vld [tilespmem:s2+$0x80];
	v0 =	vadd.f32 $1.000000020e-16, v0  }
0x197: {  	v11 =	vld [tilespmem:s2+$0xB0]  }
0x198: {  	v25 =	vld [tilespmem:s2+$0xF0];
	(erf) = vrcp.f32 v0  }
0x199: {  	v28 =	vld [tilespmem:s2+$0xC0]  }
0x19a: {  	v63 =	vld [tilespmem:s2+$0xFFFFFF80]  }
0x19b: {  	v3 =	vld [tilespmem:s2+$0xFFFFFF00]  }
0x19c: {  	v13 =	vld [tilespmem:s2+$0x30]  }
0x19d: {  	v20 =	vld [tilespmem:s2+$0x0]  }
0x19e: {  	v29 =	vld [tilespmem:s2+$0xFFFFFFA0]  }
0x19f: {  	v16 =	vld [tilespmem:s2+$0x70]  }
0x1a0: {  	v23 =	vld [tilespmem:s2+$0xFFFFFF20]  }
0x1a1: {  	v27 =	vld [tilespmem:s2+$0xFFFFFFD0];
	v4 =	vpop (erf)  }
0x1a2: {  	v30 =	vld [tilespmem:s2+$0xFFFFFF90];
	v12 =	vbroadcast v4, $0x0;
	v19 =	vbroadcast v4, $0x3  }
0x1a3: {  	v26 =	vld [tilespmem:s2+$0x60];
	v21 =	vbroadcast v4, $0x1;
	v17 =	vbroadcast v4, $0x2  }
0x1a4: {  	v24 =	vld [tilespmem:s2+$0x50];
	v35 =	vmul.f32 v12, v3;
	v33 =	vmul.f32 v2, v19  }
0x1a5: {  	s4 =	simm.s32 $0x100;
	s3 =	simm.s32 $0x40;
	v31 =	vld [tilespmem:s2+$0xFFFFFFC0];
	v32 =	vmul.f32 v63, v21;
	v34 =	vmul.f32 v1, v19  }
.LBB2_15:
0x1a6: {  	p1 =	sne.s32 s3, $0x9C0  }
0x1a7: {  	[tilespmem:s2+$0xFFFFFF00] =	vst v35;
	v0 =	vld [tilespmem:s2+$0xFFFFFF40];
	v1 =	vmul.f32 v29, v21;
	v2 =	vmul.f32 v28, v19;
	s4 =	sadd.s32 $0x200, s4;
	s11 =	smov.u32 s3;
	s3 =	sadd.s32 $0x40, s3  }
0x1a8: {  	v5 =	vmul.f32 v25, v19;
	v3 =	vld [tilespmem:s2+$0xFFFFFF10];
	v4 =	vmul.f32 v30, v21;
	[tilespmem:s2+$0x80] =	vst v33  }
0x1a9: {  	v6 =	vmul.f32 v27, v21;
	v25 =	vld [tilespmem:s2+$0xFFFFFFE0];
	v26 =	vmul.f32 v26, v17;
	[tilespmem:s2+$0xE0] =	vst v34  }
0x1aa: {  	v22 =	vmul.f32 v22, v19;
	[tilespmem:s2+$0xFFFFFF80] =	vst v32;
	v27 =	vld [tilespmem:s2+$0xFFFFFFB0];
	v24 =	vmul.f32 v24, v17  }
0x1ab: {  	v23 =	vmul.f32 v23, v12;
	v28 =	vld [tilespmem:s2+$0xFFFFFF30];
	v29 =	vmul.f32 v31, v21;
	[tilespmem:s2+$0xC0] =	vst v2  }
0x1ac: {  	v10 =	vmul.f32 v10, v17;
	v30 =	vmul.f32 v9, v21;
	v2 =	vld [tilespmem:s2+$0xFFFFFF60];
	[tilespmem:s2+$0xF0] =	vst v5  }
0x1ad: {  	v9 =	vmul.f32 v18, v19;
	v3 =	vmul.f32 v12, v3;
	v5 =	vld [tilespmem:s2+$0xFFFFFF50];
	[tilespmem:s2+$0xA0] =	vst v22  }
0x1ae: {  	v14 =	vmul.f32 v14, v19;
	[tilespmem:s2+$0xFFFFFFC0] =	vst v29;
	v18 =	vmul.f32 v25, v21;
	v22 =	vld [tilespmem:s2+$0x20]  }
0x1af: {  	v15 =	vmul.f32 v15, v17;
	v25 =	vld [tilespmem:s2+$0xFFFFFF70];
	v21 =	vmul.f32 v27, v21;
	[tilespmem:s2+$0xD0] =	vst v9  }
0x1b0: {  	v20 =	vmul.f32 v20, v17;
	v16 =	vmul.f32 v16, v17;
	v9 =	vld [tilespmem:s4+$0xFFFFFFF0];
	[tilespmem:s2+$0x90] =	vst v14  }
0x1b1: {  	v0 =	vmul.f32 v0, v12;
	v14 =	vmul.f32 v28, v12;
	[tilespmem:s2+$0xFFFFFFA0] =	vst v1  }
0x1b2: {  	v2 =	vmul.f32 v2, v12;
	v1 =	vmul.f32 v5, v12;
	[tilespmem:s2+$0x10] =	vst v15  }
0x1b3: {  	v13 =	vmul.f32 v13, v17;
	[tilespmem:s2+$0xFFFFFFF0] =	vst v30;
	v5 =	vmul.f32 v22, v17  }
0x1b4: {  	v12 =	vmul.f32 v25, v12;
	[tilespmem:s2+$0xFFFFFF90] =	vst v4;
	v4 =	vmul.f32 v11, v19  }
0x1b5: {  	[tilespmem:s2+$0xFFFFFFD0] =	vst v6  }
0x1b6: {  	[tilespmem:s2+$0x0] =	vst v20  }
0x1b7: {  	[tilespmem:s2+$0xFFFFFF20] =	vst v23  }
0x1b8: {  	[tilespmem:s2+$0xB0] =	vst v4  }
0x1b9: {  	[tilespmem:s2+$0x30] =	vst v13  }
0x1ba: {  	[tilespmem:s2+$0xFFFFFF70] =	vst v12  }
0x1bb: {  	[tilespmem:s2+$0x60] =	vst v26  }
0x1bc: {  	[tilespmem:s2+$0x70] =	vst v16  }
0x1bd: {  	[tilespmem:s2+$0x50] =	vst v24  }
0x1be: {  	[tilespmem:s2+$0x40] =	vst v10  }
0x1bf: {  	v10 =	vld [tilespmem:s4+$0x40];
	[tilespmem:s2+$0x20] =	vst v5  }
0x1c0: {  	[tilespmem:s2+$0xFFFFFF40] =	vst v0  }
0x1c1: {  	[tilespmem:s2+$0xFFFFFFB0] =	vst v21  }
0x1c2: {  	[tilespmem:s2+$0xFFFFFF30] =	vst v14  }
0x1c3: {  	[tilespmem:s2+$0xFFFFFFE0] =	vst v18  }
0x1c4: {  	[tilespmem:s2+$0xFFFFFF10] =	vst v3  }
0x1c5: {  	[tilespmem:s2+$0xFFFFFF60] =	vst v2  }
0x1c6: {  	s11 =	sshra.s32 s11, $0x2;
	v14 =	vld [tilespmem:s4+$0x90];
	[tilespmem:s2+$0xFFFFFF50] =	vst v1;
	s2 =	smov.u32 s4  }
0x1c7: {  	v0 =	vld [tilespmem:s11+$0x1A280]  }
0x1c8: {  	v18 =	vld [tilespmem:s4+$0xD0]  }
0x1c9: {  	v15 =	vld [tilespmem:s4+$0x10]  }
0x1ca: {  	v22 =	vld [tilespmem:s4+$0xA0]  }
0x1cb: {  	v1 =	vld [tilespmem:s4+$0xE0]  }
0x1cc: {  	v0 =	vadd.f32 $1.000000020e-16, v0;
	v2 =	vld [tilespmem:s4+$0x80]  }
0x1cd: {  	v11 =	vld [tilespmem:s4+$0xB0]  }
0x1ce: {  	v25 =	vld [tilespmem:s4+$0xF0];
	(erf) = vrcp.f32 v0  }
0x1cf: {  	v28 =	vld [tilespmem:s4+$0xC0]  }
0x1d0: {  	v0 =	vld [tilespmem:s4+$0xFFFFFF80]  }
0x1d1: {  	v3 =	vld [tilespmem:s4+$0xFFFFFF00]  }
0x1d2: {  	v13 =	vld [tilespmem:s4+$0x30]  }
0x1d3: {  	v20 =	vld [tilespmem:s4+$0x0]  }
0x1d4: {  	v29 =	vld [tilespmem:s4+$0xFFFFFFA0]  }
0x1d5: {  	v16 =	vld [tilespmem:s4+$0x70]  }
0x1d6: {  	v23 =	vld [tilespmem:s4+$0xFFFFFF20]  }
.Ltmp14:
0x1d7: {  	v27 =	vld [tilespmem:s4+$0xFFFFFFD0];
	v4 =	vpop (erf);
	(pc) =	sbr.rel @p1 .LBB2_15-.Ltmp14, $4  }
0x1d8: {  	v12 =	vbroadcast v4, $0x0;
	v30 =	vld [tilespmem:s4+$0xFFFFFF90];
	v19 =	vbroadcast v4, $0x3  }
0x1d9: {  	v21 =	vbroadcast v4, $0x1;
	v17 =	vbroadcast v4, $0x2;
	v26 =	vld [tilespmem:s4+$0x60]  }
0x1da: {  	v35 =	vmul.f32 v12, v3;
	v24 =	vld [tilespmem:s4+$0x50];
	v33 =	vmul.f32 v2, v19  }
0x1db: {  	v32 =	vmul.f32 v0, v21;
	v34 =	vmul.f32 v1, v19;
	v31 =	vld [tilespmem:s4+$0xFFFFFFC0]  }
0x1dc: {  	[tilespmem:s2+$0xFFFFFF00] =	vst v35  }
0x1dd: {  	[tilespmem:s2+$0x80] =	vst v33  }
0x1de: {  	v0 =	vmul.f32 v28, v19;
	[tilespmem:s2+$0xE0] =	vst v34  }
0x1df: {  	v1 =	vmul.f32 v25, v19;
	[tilespmem:s2+$0xFFFFFF80] =	vst v32  }
0x1e0: {  	v2 =	vmul.f32 v22, v19;
	[tilespmem:s2+$0xC0] =	vst v0  }
0x1e1: {  	v51 =	vmul.f32 v18, v19;
	[tilespmem:s2+$0xF0] =	vst v1  }
0x1e2: {  	v52 =	vmul.f32 v14, v19;
	[tilespmem:s2+$0xA0] =	vst v2  }
0x1e3: {  	v4 =	vmul.f32 v29, v21;
	[tilespmem:s2+$0xD0] =	vst v51  }
0x1e4: {  	v5 =	vmul.f32 v15, v17;
	[tilespmem:s2+$0x90] =	vst v52  }
0x1e5: {  	v54 =	vmul.f32 v9, v21;
	[tilespmem:s2+$0xFFFFFFA0] =	vst v4  }
0x1e6: {  	v57 =	vmul.f32 v20, v17;
	[tilespmem:s2+$0x10] =	vst v5  }
0x1e7: {  	v11 =	vmul.f32 v11, v19;
	[tilespmem:s2+$0xFFFFFFF0] =	vst v54  }
0x1e8: {  	v13 =	vmul.f32 v13, v17;
	[tilespmem:s2+$0x0] =	vst v57  }
0x1e9: {  	v9 =	vmul.f32 v30, v21;
	[tilespmem:s2+$0xB0] =	vst v11  }
0x1ea: {  	v53 =	vld [tilespmem:s2+$0xFFFFFF70];
	v5 =	vmul.f32 v27, v21;
	[tilespmem:s2+$0x30] =	vst v13  }
0x1eb: {  	v11 =	vmul.f32 v16, v17;
	[tilespmem:s2+$0xFFFFFF90] =	vst v9  }
0x1ec: {  	v6 =	vld [tilespmem:s2+$0x20];
	v9 =	vmul.f32 v23, v12;
	[tilespmem:s2+$0xFFFFFFD0] =	vst v5  }
0x1ed: {  	v50 =	vld [tilespmem:s2+$0xFFFFFFB0];
	v59 =	vmul.f32 v24, v17;
	[tilespmem:s2+$0x70] =	vst v11  }
0x1ee: {  	v49 =	vld [tilespmem:s2+$0xFFFFFFE0];
	v3 =	vmul.f32 v31, v21;
	[tilespmem:s2+$0xFFFFFF20] =	vst v9  }
0x1ef: {  	v56 =	vld [tilespmem:s2+$0xFFFFFF10];
	v2 =	vmul.f32 v53, v12;
	[tilespmem:s2+$0x50] =	vst v59  }
0x1f0: {  	v55 =	vld [tilespmem:s2+$0xFFFFFF60];
	v9 =	vmul.f32 v26, v17;
	[tilespmem:s2+$0xFFFFFFC0] =	vst v3  }
0x1f1: {  	v6 =	vmul.f32 v6, v17;
	[tilespmem:s2+$0xFFFFFF70] =	vst v2  }
0x1f2: {  	v4 =	vld [tilespmem:s2+$0xFFFFFF40];
	v1 =	vmul.f32 v50, v21;
	[tilespmem:s2+$0x60] =	vst v9  }
0x1f3: {  	v58 =	vld [tilespmem:s2+$0xFFFFFF30];
	v0 =	vmul.f32 v49, v21;
	[tilespmem:s2+$0x20] =	vst v6  }
0x1f4: {  	v5 =	vld [tilespmem:s2+$0xFFFFFF50];
	v61 =	vmul.f32 v12, v56;
	[tilespmem:s2+$0xFFFFFFB0] =	vst v1  }
0x1f5: {  	v62 =	vmul.f32 v55, v12;
	[tilespmem:s2+$0xFFFFFFE0] =	vst v0  }
0x1f6: {  	v9 =	vmul.f32 v10, v17;
	[tilespmem:s2+$0xFFFFFF10] =	vst v61  }
0x1f7: {  	v60 =	vmul.f32 v4, v12;
	[tilespmem:s2+$0xFFFFFF60] =	vst v62  }
0x1f8: {  	v4 =	vmul.f32 v58, v12;
	[tilespmem:s2+$0x40] =	vst v9  }
0x1f9: {  	s24 =	rddreg [dreg:$0x8];
	[tilespmem:s2+$0xFFFFFF40] =	vst v60;
	v63 =	vmul.f32 v5, v12  }
0x1fa: {  	s3 =	rddreg [dreg:$0xd];
	s25 =	simm.s32 $0x0;
	[tilespmem:s2+$0xFFFFFF30] =	vst v4  }
.Ltmp15:
0x1fb: {  	s26 =	simm.s32 $0x4;
	[tilespmem:s2+$0xFFFFFF50] =	vst v63;
	s2 =	sadd.s32 s24, s3;
	(pc) =	sbr.rel .LBB2_17-.Ltmp15, $4  }
0x1fc: {  	[hbm4b:s2+s25] =	stream.linear.scatter [tilespmem:s25], [sflag:$0x4], $0x5000, $0x38;
	[tilespmem:$0x1A900] =	vst v63  }
0x1fd: {  	_ =	swait.ge [sflag:s26], $0x5000  }
0x1fe: {  	[sflag:s26] =	ssyncset.done $0x0  }
0x1ff: {  	s11 =	rddreg [dreg:$0xa];
	[sflag:s26] =	ssyncadd.s32 $0xFFFFB000  }
.LBB2_19:
0x200: {  	_ =	sfence.sel $0x180000  }
0x201: {  	[bflag:$0x0] =	sbarrier.arrive $0xFFFF  }
0x202: {  	_ =	strace $0x90000047  }
0x203: {  	s0 =	stileid.u32;
	[bflag:$0x2] =	sbarrier.arrive $0xFFFF  }
0x204: {  	p0 =	sne.s32 s0, $0x0;
	s0 =	rddreg [dreg:$0x9]  }
0x205: {  	s0 =	sadd.s32 @!p0 $0x100000, s0  }
0x206: {  	[sflag:s0] =	ssyncadd.tile.s32 @!p0 $0x1;
	_ =	shalt  }
.Lfunc_end2:
_tile_overlayer_lowered:
.L_overlay_start_2:
0x207: {  	(tag) =	ssettag $0x2  }
0x208: {  	s0 =	rddreg [dreg:$0x0];
	s2 =	stileid.u32  }
0x209: {  	s1 =	rddreg [dreg:$0x1];
	p0 =	sne.s32 s2, $0x0  }
0x20a: {  	s3 =	rddreg [dreg:$0x2];
	[bflag:$0x3] =	sbarrier.arrive $0xFFFF;
	s2 =	simm.s32 @!p0 $0x1C04  }
0x20b: {  	[timem:s3], [sflag:s2] =	dma.local @!p0 [hbm:s0], s1  }
0x20c: {  	s0 =	simm.s32 @!p0 $0x4  }
0x20d: {  	_ =	swait.ge @!p0 [sflag:s0], s1  }
0x20e: {  	s1 =	ssub.s32 @!p0 $0x0, s1;
	[sflag:s0] =	ssyncset.done @!p0 $0x0  }
0x20f: {  	[sflag:s0] =	ssyncadd.s32 @!p0 s1  }
0x210: {  	[bflag:$0x3] =	sbarrier.arrive $0xFFFF  }
0x211: {  	_ =	shalt  }

</sc_bundles>
